<compile_context>
chip_gen: v7x
topology: tpu7x:2x2x1
jax: 0.10.2.dev20260603
libtpu: 0.0.44.dev20260713+nightly
codegen_flags: <defaults>
</compile_context>

<pallas_src>
import dataclasses
import functools

import jax
import jax.numpy as jnp
from jax import lax
from jax.experimental import pallas as pl
from jax.experimental.pallas import tpu as pltpu
from jax.experimental.pallas import tpu_sc as plsc

NN = 10000
NP = 10240
EE = 320000
EP = 327680
DIN = 128
HH = 64
HP = 128
GG = 16
NC = 2
NS = 16
ROWS_PER_TILE = EP // 128 // (NC * NS)
R0 = 80
CPS = 8
SUP = R0 // CPS
ROWS_PER_SUB = NP // NS
BR = 512
NB = NP // BR

_mesh = plsc.VectorSubcoreMesh(core_axis_name="c", subcore_axis_name="s",
                               num_cores=NC, num_subcores=NS)

_sc_params = pltpu.CompilerParams()
if "needs_layout_passes" in pltpu.CompilerParams.__dataclass_fields__:
    _sc_params = dataclasses.replace(_sc_params, needs_layout_passes=False)



@functools.partial(
    pl.kernel,
    out_type=jax.ShapeDtypeStruct((NC * NS, NP), jnp.float32),
    mesh=_mesh,
    scratch_types=[
        pltpu.VMEM((NP,), jnp.float32),
        pltpu.VMEM((8, 128), jnp.int32),
    ],
    compiler_params=_sc_params,
)
def _sc_deg(dst_hbm, out_hbm, hist, idxs):
    cid = lax.axis_index("c")
    sid = lax.axis_index("s")
    wid = sid * NC + cid

    @pl.loop(0, NP, step=16)
    def _zero(i):
        hist[pl.ds(i, 16)] = jnp.zeros((16,), jnp.float32)

    ones = jnp.ones((16,), jnp.float32)
    base = wid * ROWS_PER_TILE

    @pl.loop(0, ROWS_PER_TILE, step=8)
    def _chunk(r):
        pltpu.sync_copy(dst_hbm.at[pl.ds(base + r, 8)], idxs)
        for j in range(8):
            for k in range(8):
                idxv = idxs[j, pl.ds(k * 16, 16)]
                plsc.addupdate_scatter(hist, [idxv], ones)

    pltpu.sync_copy(hist, out_hbm.at[wid])


@functools.partial(
    pl.kernel,
    out_type=jax.ShapeDtypeStruct((NC, NP, HP), jnp.float32),
    mesh=_mesh,
    scratch_types=[
        pltpu.VMEM_SHARED((NP, HP), jnp.float32),
        pltpu.VMEM((CPS, 128), jnp.int32),
        pltpu.VMEM((CPS, 128), jnp.int32),
        pltpu.VMEM((128, HP), jnp.float32),
        pltpu.VMEM((128, HP), jnp.float32),
        pltpu.SemaphoreType.DMA,
        pltpu.SemaphoreType.DMA,
    ],
    compiler_params=_sc_params,
)
def _sc_agg(src_hbm, dst_hbm, hwp_hbm, out_hbm,
            acc, idx_src, idx_dst, rows_a, rows_b, sem_a, sem_b):
    cid = lax.axis_index("c")
    sid = lax.axis_index("s")
    sl = pl.ds(sid * ROWS_PER_SUB, ROWS_PER_SUB)

    @pl.loop(0, 128)
    def _zr(r):
        @pl.loop(0, HP, step=16)
        def _zc(c):
            rows_a[r, pl.ds(c, 16)] = jnp.zeros((16,), jnp.float32)

    for k in range(ROWS_PER_SUB // 128):
        pltpu.sync_copy(rows_a,
                        acc.at[pl.ds(sid * ROWS_PER_SUB + k * 128, 128)])
    plsc.subcore_barrier()

    base = (cid * NS + sid) * R0
    rows = (rows_a, rows_b)
    sems = (sem_a, sem_b)

    @pl.loop(0, SUP)
    def _sup(s):
        r = base + s * CPS
        pltpu.sync_copy(src_hbm.at[pl.ds(r, CPS)], idx_src)
        pltpu.sync_copy(dst_hbm.at[pl.ds(r, CPS)], idx_dst)
        descs = [None, None]
        for j in range(CPS):
            b = j % 2
            descs[b] = pltpu.async_copy(hwp_hbm.at[idx_src.at[j]],
                                        rows[b], sems[b])
            if j >= 1:
                descs[1 - b].wait()
                pltpu.sync_copy(rows[1 - b], acc.at[idx_dst.at[j - 1]],
                                add=True)
        descs[(CPS - 1) % 2].wait()
        pltpu.sync_copy(rows[(CPS - 1) % 2], acc.at[idx_dst.at[CPS - 1]],
                        add=True)

    plsc.subcore_barrier()
    pltpu.sync_copy(acc.at[sl], out_hbm.at[cid, sl])



def _pad_cols(h):
    return jnp.concatenate([h, jnp.zeros((h.shape[0], HP - HH), jnp.float32)],
                           axis=1)


def _row_mask(i):
    g = i * BR + lax.broadcasted_iota(jnp.int32, (BR, 1), 0)
    return (g < NN).astype(jnp.float32)


def _stage_a_body(x_ref, degp_ref, wn_ref, wg_ref, bn_ref, hwp_ref, dinv_ref):
    deg = jnp.sum(degp_ref[...], axis=0) + 1.0
    dinv = lax.rsqrt(deg)
    d64 = jnp.broadcast_to(dinv[:, None], (BR, HH))
    h0 = jnp.maximum(
        jnp.dot(x_ref[...], wn_ref[...], preferred_element_type=jnp.float32)
        + bn_ref[0][None, :], 0.0)
    hwp_ref[...] = _pad_cols(
        jnp.dot(h0, wg_ref[...], preferred_element_type=jnp.float32) * d64
        * _row_mask(pl.program_id(0)))
    dinv_ref[...] = d64


def _stage_a(xp, degp, wn, wg0, bn8):
    return pl.pallas_call(
        _stage_a_body,
        grid=(NB,),
        in_specs=[
            pl.BlockSpec((BR, DIN), lambda i: (i, 0)),
            pl.BlockSpec((NC * NS, BR), lambda i: (0, i)),
            pl.BlockSpec((DIN, HH), lambda i: (0, 0)),
            pl.BlockSpec((HH, HH), lambda i: (0, 0)),
            pl.BlockSpec((8, HH), lambda i: (0, 0)),
        ],
        out_specs=[
            pl.BlockSpec((BR, HP), lambda i: (i, 0)),
            pl.BlockSpec((BR, HH), lambda i: (i, 0)),
        ],
        out_shape=[
            jax.ShapeDtypeStruct((NP, HP), jnp.float32),
            jax.ShapeDtypeStruct((NP, HH), jnp.float32),
        ],
    )(xp, degp, wn, wg0, bn8)


def _stage_b_body(p_ref, hwp_ref, dinv_ref, w_ref, b_ref, out_ref):
    d = dinv_ref[...]
    agg = p_ref[0, :, :HH] + p_ref[1, :, :HH] + hwp_ref[:, :HH]
    h = jnp.maximum(d * agg + b_ref[0][None, :], 0.0)
    out_ref[...] = _pad_cols(
        jnp.dot(h, w_ref[...], preferred_element_type=jnp.float32) * d
        * _row_mask(pl.program_id(0)))


def _stage_b(p, hwp, dinv64, w_next, b8):
    return pl.pallas_call(
        _stage_b_body,
        grid=(NB,),
        in_specs=[
            pl.BlockSpec((NC, BR, HP), lambda i: (0, i, 0)),
            pl.BlockSpec((BR, HP), lambda i: (i, 0)),
            pl.BlockSpec((BR, HH), lambda i: (i, 0)),
            pl.BlockSpec((HH, HH), lambda i: (0, 0)),
            pl.BlockSpec((8, HH), lambda i: (0, 0)),
        ],
        out_specs=pl.BlockSpec((BR, HP), lambda i: (i, 0)),
        out_shape=jax.ShapeDtypeStruct((NP, HP), jnp.float32),
    )(p, hwp, dinv64, w_next, b8)


def _stage_c_body(p_ref, hwp_ref, dinv_ref, bg_ref, batch_ref,
                  w1_ref, b1_ref, w2_ref, b2_ref, out_ref, pool_acc, cnt_acc):
    i = pl.program_id(0)

    @pl.when(i == 0)
    def _init():
        pool_acc[...] = jnp.zeros((GG, HH), jnp.float32)
        cnt_acc[...] = jnp.zeros((GG, HH), jnp.float32)

    agg = p_ref[0, :, :HH] + p_ref[1, :, :HH] + hwp_ref[:, :HH]
    h3 = dinv_ref[...] * agg + bg_ref[0][None, :]
    b_ids = batch_ref[0, 0, :]
    iota_g = lax.broadcasted_iota(jnp.int32, (BR, GG), 1)
    onehot = (b_ids[:, None] == iota_g).astype(jnp.float32)
    pool_acc[...] += lax.dot_general(onehot, h3, (((0,), (0,)), ((), ())),
                                     preferred_element_type=jnp.float32)
    cnt_acc[...] += jnp.broadcast_to(jnp.sum(onehot, axis=0)[:, None], (GG, HH))

    @pl.when(i == NB - 1)
    def _fin():
        pooled = pool_acc[...] / jnp.maximum(cnt_acc[...], 1.0)
        hh = jnp.maximum(
            jnp.dot(pooled, w1_ref[...], preferred_element_type=jnp.float32)
            + b1_ref[0][None, :], 0.0)
        out_ref[...] = jnp.dot(hh, w2_ref[...],
                               preferred_element_type=jnp.float32) \
            + b2_ref[0][None, :]


def _stage_c(p, hwp, dinv64, bg8, batch3d, w1, b18, w2p, b2p8):
    return pl.pallas_call(
        _stage_c_body,
        grid=(NB,),
        in_specs=[
            pl.BlockSpec((NC, BR, HP), lambda i: (0, i, 0)),
            pl.BlockSpec((BR, HP), lambda i: (i, 0)),
            pl.BlockSpec((BR, HH), lambda i: (i, 0)),
            pl.BlockSpec((8, HH), lambda i: (0, 0)),
            pl.BlockSpec((1, 1, BR), lambda i: (i, 0, 0)),
            pl.BlockSpec((HH, HH), lambda i: (0, 0)),
            pl.BlockSpec((8, HH), lambda i: (0, 0)),
            pl.BlockSpec((HH, 128), lambda i: (0, 0)),
            pl.BlockSpec((8, 128), lambda i: (0, 0)),
        ],
        out_specs=pl.BlockSpec((GG, 128), lambda i: (0, 0)),
        out_shape=jax.ShapeDtypeStruct((GG, 128), jnp.float32),
        scratch_shapes=[
            pltpu.VMEM((GG, HH), jnp.float32),
            pltpu.VMEM((GG, HH), jnp.float32),
        ],
    )(p, hwp, dinv64, bg8, batch3d, w1, b18, w2p, b2p8)



def kernel(x, edge_index, batch, W_node, b_node, Wg0, bg0, Wg1, bg1, Wg2, bg2,
           Wfc1, bfc1, Wfc2, bfc2):
    f32 = jnp.float32
    pad_seq = jnp.arange(EP - EE, dtype=jnp.int32)
    pad_src = NN + pad_seq % (NP - NN)
    pad_dst_agg = pad_seq % NP
    pad_dst_deg = NN + pad_seq % (NP - NN)
    src2d = jnp.concatenate([edge_index[0], pad_src]).reshape(EP // 128, 128)
    dst2d = jnp.concatenate(
        [edge_index[1], pad_dst_agg]).reshape(EP // 128, 128)
    dst2d_deg = jnp.concatenate(
        [edge_index[1], pad_dst_deg]).reshape(EP // 128, 128)
    xp = jnp.concatenate([x, jnp.zeros((NP - NN, DIN), f32)])
    batch3d = jnp.concatenate(
        [batch, jnp.full((NP - NN,), GG, jnp.int32)]).reshape(NB, 1, BR)

    bn8 = jnp.broadcast_to(b_node[None, :], (8, HH))
    bg0_8 = jnp.broadcast_to(bg0[None, :], (8, HH))
    bg1_8 = jnp.broadcast_to(bg1[None, :], (8, HH))
    bg2_8 = jnp.broadcast_to(bg2[None, :], (8, HH))
    bfc1_8 = jnp.broadcast_to(bfc1[None, :], (8, HH))
    w2p = jnp.zeros((HH, 128), f32).at[:, :1].set(Wfc2)
    b2p8 = jnp.broadcast_to(
        jnp.concatenate([bfc2, jnp.zeros((127,), f32)])[None, :], (8, 128))

    degp = _sc_deg(dst2d_deg)
    hwp0, dinv64 = _stage_a(xp, degp, W_node, Wg0, bn8)
    p = _sc_agg(src2d, dst2d, hwp0)
    hwp1 = _stage_b(p, hwp0, dinv64, Wg1, bg0_8)
    p = _sc_agg(src2d, dst2d, hwp1)
    hwp2 = _stage_b(p, hwp1, dinv64, Wg2, bg1_8)
    p = _sc_agg(src2d, dst2d, hwp2)
    outp = _stage_c(p, hwp2, dinv64, bg2_8, batch3d, Wfc1, bfc1_8, w2p, b2p8)
    return outp[:GG, :1]

# --- scband reference (transcript-rebuilt; emitter-appended) ---
"""Pipeline reference for scband-graph-regressor-v2-77378130805145 (READ-ONLY COPY).

The authoritative reference and input builder live on the scoring server;
editing this copy changes nothing except your own understanding.
"""

import jax, jax.numpy as jnp
import numpy as np

N = 10000
E = 320000
DIN = 128
H = 64
OUT = 1
G = 16


def setup_inputs(seed: int = 0) -> dict:
    key = jax.random.key(seed)
    ks = jax.random.split(key, 16)
    x = jax.random.normal(ks[0], (N, DIN), dtype=jnp.float32)
    edge_index = jax.random.randint(ks[1], (2, E), 0, N, dtype=jnp.int32)
    batch = jnp.sort(jax.random.randint(ks[2], (N,), 0, G, dtype=jnp.int32))
    W_node = jax.random.normal(ks[3], (DIN, H), dtype=jnp.float32) * 0.05
    b_node = jnp.zeros((H,), dtype=jnp.float32)
    Wg0 = jax.random.normal(ks[4], (H, H), dtype=jnp.float32) * 0.05
    bg0 = jnp.zeros((H,), dtype=jnp.float32)
    Wg1 = jax.random.normal(ks[5], (H, H), dtype=jnp.float32) * 0.05
    bg1 = jnp.zeros((H,), dtype=jnp.float32)
    Wg2 = jax.random.normal(ks[6], (H, H), dtype=jnp.float32) * 0.05
    bg2 = jnp.zeros((H,), dtype=jnp.float32)
    Wfc1 = jax.random.normal(ks[7], (H, H), dtype=jnp.float32) * 0.05
    bfc1 = jnp.zeros((H,), dtype=jnp.float32)
    Wfc2 = jax.random.normal(ks[8], (H, OUT), dtype=jnp.float32) * 0.05
    bfc2 = jnp.zeros((OUT,), dtype=jnp.float32)
    return {"x": x, "edge_index": edge_index, "batch": batch,
            "W_node": W_node, "b_node": b_node,
            "Wg0": Wg0, "bg0": bg0, "Wg1": Wg1, "bg1": bg1, "Wg2": Wg2, "bg2": bg2,
            "Wfc1": Wfc1, "bfc1": bfc1, "Wfc2": Wfc2, "bfc2": bfc2}


def _gcn_layer(h, W, b, src, dst):
    # GCNConv: linear transform, add self-loops, symmetric normalization, scatter-add aggregate
    h = h @ W
    loop = jnp.arange(N, dtype=src.dtype)
    src_sl = jnp.concatenate([src, loop])
    dst_sl = jnp.concatenate([dst, loop])
    deg = jnp.zeros((N,), dtype=h.dtype).at[dst_sl].add(1.0)
    dinv = jax.lax.rsqrt(deg)
    norm = dinv[src_sl] * dinv[dst_sl]
    msg = h[src_sl] * norm[:, None]
    out = jnp.zeros((N, h.shape[1]), dtype=h.dtype).at[dst_sl].add(msg)
    return out + b


def reference(x, edge_index, batch, W_node, b_node, Wg0, bg0, Wg1, bg1, Wg2, bg2, Wfc1, bfc1, Wfc2, bfc2):
    src = edge_index[0]
    dst = edge_index[1]
    # node_mlp (use_node_coord=False): Linear -> ReLU -> Dropout(eval)
    h = jax.nn.relu(x @ W_node + b_node)
    # GNN layers with activation between (not after last)
    h = _gcn_layer(h, Wg0, bg0, src, dst)
    h = jax.nn.relu(h)
    h = _gcn_layer(h, Wg1, bg1, src, dst)
    h = jax.nn.relu(h)
    h = _gcn_layer(h, Wg2, bg2, src, dst)
    # global mean pool over batch
    counts = jnp.maximum(jnp.zeros((G,), dtype=h.dtype).at[batch].add(1.0), 1.0)
    pooled = jnp.zeros((G, h.shape[1]), dtype=h.dtype).at[batch].add(h) / counts[:, None]
    # fc_out: Linear -> ReLU -> Dropout(eval) -> Linear
    hh = jax.nn.relu(pooled @ Wfc1 + bfc1)
    out = hh @ Wfc2 + bfc2
    return out

if __name__ == "__main__":
    import jax
    _d = setup_inputs()
    print(jax.jit(kernel)(*tuple(_d.values())))

</pallas_src>

<mosaic_0001>
#map = affine_map<(d0, d1) -> (0, 0)>
#map1 = affine_map<(d0, d1) -> (0, 0, 0)>
module attributes {stable_mosaic.version = 14 : i64} {
  func.func @_sc_agg(%arg0: i32, %arg1: i32, %arg2: memref<2560x128xi32, #tpu.memory_space<hbm>>, %arg3: memref<2560x128xi32, #tpu.memory_space<hbm>>, %arg4: memref<10240x128xf32, #tpu.memory_space<hbm>>, %arg5: memref<2x10240x128xf32, #tpu.memory_space<hbm>>, %arg6: memref<10240x128xf32, #tpu.memory_space<vmem_shared>>, %arg7: memref<8x128xi32, #tpu.memory_space<vmem>>, %arg8: memref<8x128xi32, #tpu.memory_space<vmem>>, %arg9: memref<128x128xf32, #tpu.memory_space<vmem>>, %arg10: memref<128x128xf32, #tpu.memory_space<vmem>>, %arg11: memref<!tpu.dma_semaphore, #tpu.memory_space<semaphore_mem>>, %arg12: memref<!tpu.dma_semaphore, #tpu.memory_space<semaphore_mem>>) attributes {dimension_semantics = [#tpu.dimension_semantics<core_parallel>, #tpu.dimension_semantics<subcore_parallel>], iteration_bounds = array<i64: 2, 16>, scalar_prefetch = 0 : i64, scratch_operands = 7 : i64, tpu.core_type = #tpu.core_type<sc_vector_subcore>, window_params = [{transform_indices = #map}, {transform_indices = #map}, {transform_indices = #map}, {transform_indices = #map1}]} {
    %mul3A = arith.constant 640 : i32
    %mul3A_0 = arith.muli %arg1, %mul3A : i32
    %scan3A = arith.constant 0 : i32
    %scan3A_1 = arith.constant 128 : i32
    %scan3A_2 = arith.addi %scan3A, %scan3A_1 : i32
    %scan3A_3 = arith.constant 1 : i32
    scf.for %scan3A_35 = %scan3A to %scan3A_2 step %scan3A_3  : i32 {
      %mul3A_36 = arith.constant 1 : i32
      %mul3A_37 = arith.muli %scan3A_35, %mul3A_36 : i32
      %add3A_38 = arith.constant 0 : i32
      %add3A_39 = arith.addi %add3A_38, %mul3A_37 : i32
      %scan3A_40 = arith.constant 0 : i32
      %scan3A_41 = arith.constant 8 : i32
      %scan3A_42 = arith.addi %scan3A_40, %scan3A_41 : i32
      %scan3A_43 = arith.constant 1 : i32
      scf.for %scan3A_45 = %scan3A_40 to %scan3A_42 step %scan3A_43  : i32 {
        %mul3A_46 = arith.constant 16 : i32
        %mul3A_47 = arith.muli %scan3A_45, %mul3A_46 : i32
        %add3A_48 = arith.constant 0 : i32
        %add3A_49 = arith.addi %add3A_48, %mul3A_47 : i32
        %broadcast_in_dim3A = arith.constant 0.000000e+00 : f32
        %broadcast_in_dim3A_50 = vector.broadcast %broadcast_in_dim3A : f32 to vector<16xf32>
        %swap3A = arith.index_cast %add3A_39 : i32 to index
        %swap3A_51 = arith.index_cast %add3A_49 : i32 to index
        %swap3A_52 = tpu.vector_load %arg9[%swap3A, %swap3A_51] {strides = array<i32>} : memref<128x128xf32, #tpu.memory_space<vmem>>, vector<16xf32>,
        tpu.vector_store %arg9[%swap3A, %swap3A_51], %broadcast_in_dim3A_50 {strides = array<i32>} : memref<128x128xf32, #tpu.memory_space<vmem>>, vector<16xf32>,
      }
      %scan3A_44 = arith.constant 8 : i32
    }
    %scan3A_4 = arith.constant 128 : i32
    %mul3A_5 = arith.constant 640 : i32
    %mul3A_6 = arith.muli %arg1, %mul3A_5 : i32
    %add3A = arith.constant 0 : i32
    %add3A_7 = arith.addi %mul3A_6, %add3A : i32
    "tpu.region"() ({
      %run_scoped3A = tpu.sem_alloc : memref<!tpu.dma_semaphore, #tpu.memory_space<semaphore_mem>>
      %dma_start3A = arith.constant 0 : i32
      %dma_start3A_35 = tpu.memref_slice %arg6[%add3A_7, %dma_start3A] : memref<10240x128xf32, #tpu.memory_space<vmem_shared>> -> memref<128x128xf32, #tpu.memory_space<vmem_shared>>
      %dma_start3A_36 = arith.constant 0 : i32
      %dma_start3A_37 = tpu.memref_slice %arg6[%add3A_7, %dma_start3A_36] : memref<10240x128xf32, #tpu.memory_space<vmem_shared>> -> memref<128x128xf32, #tpu.memory_space<vmem_shared>>
      tpu.enqueue_dma source(%arg9 : memref<128x128xf32, #tpu.memory_space<vmem>>) target(%dma_start3A_37 : memref<128x128xf32, #tpu.memory_space<vmem_shared>>) target_semaphore(%run_scoped3A : memref<!tpu.dma_semaphore, #tpu.memory_space<semaphore_mem>>)
      %dma_wait3A = arith.constant 0 : i32
      %dma_wait3A_38 = tpu.memref_slice %arg6[%add3A_7, %dma_wait3A] : memref<10240x128xf32, #tpu.memory_space<vmem_shared>> -> memref<128x128xf32, #tpu.memory_space<vmem_shared>>
      %dma_wait3A_39 = arith.constant 0 : i32
      %dma_wait3A_40 = tpu.memref_slice %arg6[%add3A_7, %dma_wait3A_39] : memref<10240x128xf32, #tpu.memory_space<vmem_shared>> -> memref<128x128xf32, #tpu.memory_space<vmem_shared>>
      tpu.wait_dma2 semaphore(%run_scoped3A : memref<!tpu.dma_semaphore, #tpu.memory_space<semaphore_mem>>) src(%arg9 : memref<128x128xf32, #tpu.memory_space<vmem>>) dst(%dma_wait3A_40 : memref<128x128xf32, #tpu.memory_space<vmem_shared>>)
      tpu.yield
    }) : () -> ()
    %mul3A_8 = arith.constant 640 : i32
    %mul3A_9 = arith.muli %arg1, %mul3A_8 : i32
    %add3A_10 = arith.constant 128 : i32
    %add3A_11 = arith.addi %mul3A_9, %add3A_10 : i32
    "tpu.region"() ({
      %run_scoped3A = tpu.sem_alloc : memref<!tpu.dma_semaphore, #tpu.memory_space<semaphore_mem>>
      %dma_start3A = arith.constant 0 : i32
      %dma_start3A_35 = tpu.memref_slice %arg6[%add3A_11, %dma_start3A] : memref<10240x128xf32, #tpu.memory_space<vmem_shared>> -> memref<128x128xf32, #tpu.memory_space<vmem_shared>>
      %dma_start3A_36 = arith.constant 0 : i32
      %dma_start3A_37 = tpu.memref_slice %arg6[%add3A_11, %dma_start3A_36] : memref<10240x128xf32, #tpu.memory_space<vmem_shared>> -> memref<128x128xf32, #tpu.memory_space<vmem_shared>>
      tpu.enqueue_dma source(%arg9 : memref<128x128xf32, #tpu.memory_space<vmem>>) target(%dma_start3A_37 : memref<128x128xf32, #tpu.memory_space<vmem_shared>>) target_semaphore(%run_scoped3A : memref<!tpu.dma_semaphore, #tpu.memory_space<semaphore_mem>>)
      %dma_wait3A = arith.constant 0 : i32
      %dma_wait3A_38 = tpu.memref_slice %arg6[%add3A_11, %dma_wait3A] : memref<10240x128xf32, #tpu.memory_space<vmem_shared>> -> memref<128x128xf32, #tpu.memory_space<vmem_shared>>
      %dma_wait3A_39 = arith.constant 0 : i32
      %dma_wait3A_40 = tpu.memref_slice %arg6[%add3A_11, %dma_wait3A_39] : memref<10240x128xf32, #tpu.memory_space<vmem_shared>> -> memref<128x128xf32, #tpu.memory_space<vmem_shared>>
      tpu.wait_dma2 semaphore(%run_scoped3A : memref<!tpu.dma_semaphore, #tpu.memory_space<semaphore_mem>>) src(%arg9 : memref<128x128xf32, #tpu.memory_space<vmem>>) dst(%dma_wait3A_40 : memref<128x128xf32, #tpu.memory_space<vmem_shared>>)
      tpu.yield
    }) : () -> ()
    %mul3A_12 = arith.constant 640 : i32
    %mul3A_13 = arith.muli %arg1, %mul3A_12 : i32
    %add3A_14 = arith.constant 256 : i32
    %add3A_15 = arith.addi %mul3A_13, %add3A_14 : i32
    "tpu.region"() ({
      %run_scoped3A = tpu.sem_alloc : memref<!tpu.dma_semaphore, #tpu.memory_space<semaphore_mem>>
      %dma_start3A = arith.constant 0 : i32
      %dma_start3A_35 = tpu.memref_slice %arg6[%add3A_15, %dma_start3A] : memref<10240x128xf32, #tpu.memory_space<vmem_shared>> -> memref<128x128xf32, #tpu.memory_space<vmem_shared>>
      %dma_start3A_36 = arith.constant 0 : i32
      %dma_start3A_37 = tpu.memref_slice %arg6[%add3A_15, %dma_start3A_36] : memref<10240x128xf32, #tpu.memory_space<vmem_shared>> -> memref<128x128xf32, #tpu.memory_space<vmem_shared>>
      tpu.enqueue_dma source(%arg9 : memref<128x128xf32, #tpu.memory_space<vmem>>) target(%dma_start3A_37 : memref<128x128xf32, #tpu.memory_space<vmem_shared>>) target_semaphore(%run_scoped3A : memref<!tpu.dma_semaphore, #tpu.memory_space<semaphore_mem>>)
      %dma_wait3A = arith.constant 0 : i32
      %dma_wait3A_38 = tpu.memref_slice %arg6[%add3A_15, %dma_wait3A] : memref<10240x128xf32, #tpu.memory_space<vmem_shared>> -> memref<128x128xf32, #tpu.memory_space<vmem_shared>>
      %dma_wait3A_39 = arith.constant 0 : i32
      %dma_wait3A_40 = tpu.memref_slice %arg6[%add3A_15, %dma_wait3A_39] : memref<10240x128xf32, #tpu.memory_space<vmem_shared>> -> memref<128x128xf32, #tpu.memory_space<vmem_shared>>
      tpu.wait_dma2 semaphore(%run_scoped3A : memref<!tpu.dma_semaphore, #tpu.memory_space<semaphore_mem>>) src(%arg9 : memref<128x128xf32, #tpu.memory_space<vmem>>) dst(%dma_wait3A_40 : memref<128x128xf32, #tpu.memory_space<vmem_shared>>)
      tpu.yield
    }) : () -> ()
    %mul3A_16 = arith.constant 640 : i32
    %mul3A_17 = arith.muli %arg1, %mul3A_16 : i32
    %add3A_18 = arith.constant 384 : i32
    %add3A_19 = arith.addi %mul3A_17, %add3A_18 : i32
    "tpu.region"() ({
      %run_scoped3A = tpu.sem_alloc : memref<!tpu.dma_semaphore, #tpu.memory_space<semaphore_mem>>
      %dma_start3A = arith.constant 0 : i32
      %dma_start3A_35 = tpu.memref_slice %arg6[%add3A_19, %dma_start3A] : memref<10240x128xf32, #tpu.memory_space<vmem_shared>> -> memref<128x128xf32, #tpu.memory_space<vmem_shared>>
      %dma_start3A_36 = arith.constant 0 : i32
      %dma_start3A_37 = tpu.memref_slice %arg6[%add3A_19, %dma_start3A_36] : memref<10240x128xf32, #tpu.memory_space<vmem_shared>> -> memref<128x128xf32, #tpu.memory_space<vmem_shared>>
      tpu.enqueue_dma source(%arg9 : memref<128x128xf32, #tpu.memory_space<vmem>>) target(%dma_start3A_37 : memref<128x128xf32, #tpu.memory_space<vmem_shared>>) target_semaphore(%run_scoped3A : memref<!tpu.dma_semaphore, #tpu.memory_space<semaphore_mem>>)
      %dma_wait3A = arith.constant 0 : i32
      %dma_wait3A_38 = tpu.memref_slice %arg6[%add3A_19, %dma_wait3A] : memref<10240x128xf32, #tpu.memory_space<vmem_shared>> -> memref<128x128xf32, #tpu.memory_space<vmem_shared>>
      %dma_wait3A_39 = arith.constant 0 : i32
      %dma_wait3A_40 = tpu.memref_slice %arg6[%add3A_19, %dma_wait3A_39] : memref<10240x128xf32, #tpu.memory_space<vmem_shared>> -> memref<128x128xf32, #tpu.memory_space<vmem_shared>>
      tpu.wait_dma2 semaphore(%run_scoped3A : memref<!tpu.dma_semaphore, #tpu.memory_space<semaphore_mem>>) src(%arg9 : memref<128x128xf32, #tpu.memory_space<vmem>>) dst(%dma_wait3A_40 : memref<128x128xf32, #tpu.memory_space<vmem_shared>>)
      tpu.yield
    }) : () -> ()
    %mul3A_20 = arith.constant 640 : i32
    %mul3A_21 = arith.muli %arg1, %mul3A_20 : i32
    %add3A_22 = arith.constant 512 : i32
    %add3A_23 = arith.addi %mul3A_21, %add3A_22 : i32
    "tpu.region"() ({
      %run_scoped3A = tpu.sem_alloc : memref<!tpu.dma_semaphore, #tpu.memory_space<semaphore_mem>>
      %dma_start3A = arith.constant 0 : i32
      %dma_start3A_35 = tpu.memref_slice %arg6[%add3A_23, %dma_start3A] : memref<10240x128xf32, #tpu.memory_space<vmem_shared>> -> memref<128x128xf32, #tpu.memory_space<vmem_shared>>
      %dma_start3A_36 = arith.constant 0 : i32
      %dma_start3A_37 = tpu.memref_slice %arg6[%add3A_23, %dma_start3A_36] : memref<10240x128xf32, #tpu.memory_space<vmem_shared>> -> memref<128x128xf32, #tpu.memory_space<vmem_shared>>
      tpu.enqueue_dma source(%arg9 : memref<128x128xf32, #tpu.memory_space<vmem>>) target(%dma_start3A_37 : memref<128x128xf32, #tpu.memory_space<vmem_shared>>) target_semaphore(%run_scoped3A : memref<!tpu.dma_semaphore, #tpu.memory_space<semaphore_mem>>)
      %dma_wait3A = arith.constant 0 : i32
      %dma_wait3A_38 = tpu.memref_slice %arg6[%add3A_23, %dma_wait3A] : memref<10240x128xf32, #tpu.memory_space<vmem_shared>> -> memref<128x128xf32, #tpu.memory_space<vmem_shared>>
      %dma_wait3A_39 = arith.constant 0 : i32
      %dma_wait3A_40 = tpu.memref_slice %arg6[%add3A_23, %dma_wait3A_39] : memref<10240x128xf32, #tpu.memory_space<vmem_shared>> -> memref<128x128xf32, #tpu.memory_space<vmem_shared>>
      tpu.wait_dma2 semaphore(%run_scoped3A : memref<!tpu.dma_semaphore, #tpu.memory_space<semaphore_mem>>) src(%arg9 : memref<128x128xf32, #tpu.memory_space<vmem>>) dst(%dma_wait3A_40 : memref<128x128xf32, #tpu.memory_space<vmem_shared>>)
      tpu.yield
    }) : () -> ()
    %barrier3A = arith.constant 0 : index
    tpu.barrier barrier_id(%barrier3A)
    %mul3A_24 = arith.constant 16 : i32
    %mul3A_25 = arith.muli %arg0, %mul3A_24 : i32
    %add3A_26 = arith.addi %mul3A_25, %arg1 : i32
    %mul3A_27 = arith.constant 80 : i32
    %mul3A_28 = arith.muli %add3A_26, %mul3A_27 : i32
    %scan3A_29 = arith.constant 0 : i32
    %scan3A_30 = arith.constant 10 : i32
    %scan3A_31 = arith.addi %scan3A_29, %scan3A_30 : i32
    %scan3A_32 = arith.constant 1 : i32
    scf.for %scan3A_35 = %scan3A_29 to %scan3A_31 step %scan3A_32  : i32 {
      %mul3A_36 = arith.constant 1 : i32
      %mul3A_37 = arith.muli %scan3A_35, %mul3A_36 : i32
      %add3A_38 = arith.constant 0 : i32
      %add3A_39 = arith.addi %add3A_38, %mul3A_37 : i32
      %mul3A_40 = arith.constant 8 : i32
      %mul3A_41 = arith.muli %add3A_39, %mul3A_40 : i32
      %add3A_42 = arith.addi %mul3A_28, %mul3A_41 : i32
      "tpu.region"() ({
        %run_scoped3A_160 = tpu.sem_alloc : memref<!tpu.dma_semaphore, #tpu.memory_space<semaphore_mem>>
        %dma_start3A_161 = arith.constant 0 : i32
        %dma_start3A_162 = tpu.memref_slice %arg2[%add3A_42, %dma_start3A_161] : memref<2560x128xi32, #tpu.memory_space<hbm>> -> memref<8x128xi32, #tpu.memory_space<hbm>>
        %dma_start3A_163 = arith.constant 0 : i32
        %dma_start3A_164 = tpu.memref_slice %arg2[%add3A_42, %dma_start3A_163] : memref<2560x128xi32, #tpu.memory_space<hbm>> -> memref<8x128xi32, #tpu.memory_space<hbm>>
        tpu.enqueue_dma source(%dma_start3A_164 : memref<8x128xi32, #tpu.memory_space<hbm>>) target(%arg7 : memref<8x128xi32, #tpu.memory_space<vmem>>) target_semaphore(%run_scoped3A_160 : memref<!tpu.dma_semaphore, #tpu.memory_space<semaphore_mem>>)
        %dma_wait3A_165 = arith.constant 0 : i32
        %dma_wait3A_166 = tpu.memref_slice %arg2[%add3A_42, %dma_wait3A_165] : memref<2560x128xi32, #tpu.memory_space<hbm>> -> memref<8x128xi32, #tpu.memory_space<hbm>>
        %dma_wait3A_167 = arith.constant 0 : i32
        %dma_wait3A_168 = tpu.memref_slice %arg2[%add3A_42, %dma_wait3A_167] : memref<2560x128xi32, #tpu.memory_space<hbm>> -> memref<8x128xi32, #tpu.memory_space<hbm>>
        tpu.wait_dma2 semaphore(%run_scoped3A_160 : memref<!tpu.dma_semaphore, #tpu.memory_space<semaphore_mem>>) src(%dma_wait3A_168 : memref<8x128xi32, #tpu.memory_space<hbm>>) dst(%arg7 : memref<8x128xi32, #tpu.memory_space<vmem>>)
        tpu.yield
      }) : () -> ()
      "tpu.region"() ({
        %run_scoped3A_160 = tpu.sem_alloc : memref<!tpu.dma_semaphore, #tpu.memory_space<semaphore_mem>>
        %dma_start3A_161 = arith.constant 0 : i32
        %dma_start3A_162 = tpu.memref_slice %arg3[%add3A_42, %dma_start3A_161] : memref<2560x128xi32, #tpu.memory_space<hbm>> -> memref<8x128xi32, #tpu.memory_space<hbm>>
        %dma_start3A_163 = arith.constant 0 : i32
        %dma_start3A_164 = tpu.memref_slice %arg3[%add3A_42, %dma_start3A_163] : memref<2560x128xi32, #tpu.memory_space<hbm>> -> memref<8x128xi32, #tpu.memory_space<hbm>>
        tpu.enqueue_dma source(%dma_start3A_164 : memref<8x128xi32, #tpu.memory_space<hbm>>) target(%arg8 : memref<8x128xi32, #tpu.memory_space<vmem>>) target_semaphore(%run_scoped3A_160 : memref<!tpu.dma_semaphore, #tpu.memory_space<semaphore_mem>>)
        %dma_wait3A_165 = arith.constant 0 : i32
        %dma_wait3A_166 = tpu.memref_slice %arg3[%add3A_42, %dma_wait3A_165] : memref<2560x128xi32, #tpu.memory_space<hbm>> -> memref<8x128xi32, #tpu.memory_space<hbm>>
        %dma_wait3A_167 = arith.constant 0 : i32
        %dma_wait3A_168 = tpu.memref_slice %arg3[%add3A_42, %dma_wait3A_167] : memref<2560x128xi32, #tpu.memory_space<hbm>> -> memref<8x128xi32, #tpu.memory_space<hbm>>
        tpu.wait_dma2 semaphore(%run_scoped3A_160 : memref<!tpu.dma_semaphore, #tpu.memory_space<semaphore_mem>>) src(%dma_wait3A_168 : memref<8x128xi32, #tpu.memory_space<hbm>>) dst(%arg8 : memref<8x128xi32, #tpu.memory_space<vmem>>)
        tpu.yield
      }) : () -> ()
      %dma_start3A = arith.constant 0 : i32
      %dma_start3A_43 = arith.constant 0 : i32
      %dma_start3A_44 = tpu.memref_slice %arg7[%dma_start3A, %dma_start3A_43] : memref<8x128xi32, #tpu.memory_space<vmem>> -> memref<1x128xi32, #tpu.memory_space<vmem>>
      %dma_start3A_45 = tpu.memref_squeeze %dma_start3A_44 : memref<1x128xi32, #tpu.memory_space<vmem>> -> memref<128xi32, #tpu.memory_space<vmem>>
      %dma_start3A_46 = arith.constant 0 : i32
      %dma_start3A_47 = arith.constant 0 : i32
      %dma_start3A_48 = tpu.memref_slice %arg4[%dma_start3A_46, %dma_start3A_47] : memref<10240x128xf32, #tpu.memory_space<hbm>> -> memref<10240x128xf32, #tpu.memory_space<hbm>>
      tpu.enqueue_indirect_dma source(%dma_start3A_48 : memref<10240x128xf32, #tpu.memory_space<hbm>>) target(%arg9 : memref<128x128xf32, #tpu.memory_space<vmem>>) offsets(%dma_start3A_45 : memref<128xi32, #tpu.memory_space<vmem>>) semaphore(%arg11 : memref<!tpu.dma_semaphore, #tpu.memory_space<semaphore_mem>>)
      %dma_start3A_49 = arith.constant 1 : i32
      %dma_start3A_50 = arith.constant 0 : i32
      %dma_start3A_51 = tpu.memref_slice %arg7[%dma_start3A_49, %dma_start3A_50] : memref<8x128xi32, #tpu.memory_space<vmem>> -> memref<1x128xi32, #tpu.memory_space<vmem>>
      %dma_start3A_52 = tpu.memref_squeeze %dma_start3A_51 : memref<1x128xi32, #tpu.memory_space<vmem>> -> memref<128xi32, #tpu.memory_space<vmem>>
      %dma_start3A_53 = arith.constant 0 : i32
      %dma_start3A_54 = arith.constant 0 : i32
      %dma_start3A_55 = tpu.memref_slice %arg4[%dma_start3A_53, %dma_start3A_54] : memref<10240x128xf32, #tpu.memory_space<hbm>> -> memref<10240x128xf32, #tpu.memory_space<hbm>>
      tpu.enqueue_indirect_dma source(%dma_start3A_55 : memref<10240x128xf32, #tpu.memory_space<hbm>>) target(%arg10 : memref<128x128xf32, #tpu.memory_space<vmem>>) offsets(%dma_start3A_52 : memref<128xi32, #tpu.memory_space<vmem>>) semaphore(%arg12 : memref<!tpu.dma_semaphore, #tpu.memory_space<semaphore_mem>>)
      %dma_wait3A = arith.constant 0 : i32
      %dma_wait3A_56 = arith.constant 0 : i32
      %dma_wait3A_57 = tpu.memref_slice %arg7[%dma_wait3A, %dma_wait3A_56] : memref<8x128xi32, #tpu.memory_space<vmem>> -> memref<1x128xi32, #tpu.memory_space<vmem>>
      %dma_wait3A_58 = tpu.memref_squeeze %dma_wait3A_57 : memref<1x128xi32, #tpu.memory_space<vmem>> -> memref<128xi32, #tpu.memory_space<vmem>>
      %dma_wait3A_59 = arith.constant 0 : i32
      %dma_wait3A_60 = arith.constant 0 : i32
      %dma_wait3A_61 = tpu.memref_slice %arg4[%dma_wait3A_59, %dma_wait3A_60] : memref<10240x128xf32, #tpu.memory_space<hbm>> -> memref<10240x128xf32, #tpu.memory_space<hbm>>
      tpu.wait_indirect_dma semaphore(%arg11 : memref<!tpu.dma_semaphore, #tpu.memory_space<semaphore_mem>>) src(%dma_wait3A_61 : memref<10240x128xf32, #tpu.memory_space<hbm>>) dst(%arg9 : memref<128x128xf32, #tpu.memory_space<vmem>>)
      %run_scoped3A = arith.constant 0 : i32
      "tpu.region"() ({
        %run_scoped3A_160 = tpu.sem_alloc : memref<!tpu.dma_semaphore, #tpu.memory_space<semaphore_mem>>
        %dma_start3A_161 = arith.constant 0 : i32
        %dma_start3A_162 = tpu.memref_slice %arg8[%run_scoped3A, %dma_start3A_161] : memref<8x128xi32, #tpu.memory_space<vmem>> -> memref<1x128xi32, #tpu.memory_space<vmem>>
        %dma_start3A_163 = tpu.memref_squeeze %dma_start3A_162 : memref<1x128xi32, #tpu.memory_space<vmem>> -> memref<128xi32, #tpu.memory_space<vmem>>
        %dma_start3A_164 = arith.constant 0 : i32
        %dma_start3A_165 = arith.constant 0 : i32
        %dma_start3A_166 = tpu.memref_slice %arg6[%dma_start3A_164, %dma_start3A_165] : memref<10240x128xf32, #tpu.memory_space<vmem_shared>> -> memref<10240x128xf32, #tpu.memory_space<vmem_shared>>
        tpu.enqueue_indirect_dma source(%arg9 : memref<128x128xf32, #tpu.memory_space<vmem>>) target(%dma_start3A_166 : memref<10240x128xf32, #tpu.memory_space<vmem_shared>>) offsets(%dma_start3A_163 : memref<128xi32, #tpu.memory_space<vmem>>) semaphore(%run_scoped3A_160 : memref<!tpu.dma_semaphore, #tpu.memory_space<semaphore_mem>>) {add = true}
        %dma_wait3A_167 = arith.constant 0 : i32
        %dma_wait3A_168 = tpu.memref_slice %arg8[%run_scoped3A, %dma_wait3A_167] : memref<8x128xi32, #tpu.memory_space<vmem>> -> memref<1x128xi32, #tpu.memory_space<vmem>>
        %dma_wait3A_169 = tpu.memref_squeeze %dma_wait3A_168 : memref<1x128xi32, #tpu.memory_space<vmem>> -> memref<128xi32, #tpu.memory_space<vmem>>
        %dma_wait3A_170 = arith.constant 0 : i32
        %dma_wait3A_171 = arith.constant 0 : i32
        %dma_wait3A_172 = tpu.memref_slice %arg6[%dma_wait3A_170, %dma_wait3A_171] : memref<10240x128xf32, #tpu.memory_space<vmem_shared>> -> memref<10240x128xf32, #tpu.memory_space<vmem_shared>>
        tpu.wait_indirect_dma semaphore(%run_scoped3A_160 : memref<!tpu.dma_semaphore, #tpu.memory_space<semaphore_mem>>) src(%arg9 : memref<128x128xf32, #tpu.memory_space<vmem>>) dst(%dma_wait3A_172 : memref<10240x128xf32, #tpu.memory_space<vmem_shared>>)
        tpu.yield
      }) : () -> ()
      %dma_start3A_62 = arith.constant 2 : i32
      %dma_start3A_63 = arith.constant 0 : i32
      %dma_start3A_64 = tpu.memref_slice %arg7[%dma_start3A_62, %dma_start3A_63] : memref<8x128xi32, #tpu.memory_space<vmem>> -> memref<1x128xi32, #tpu.memory_space<vmem>>
      %dma_start3A_65 = tpu.memref_squeeze %dma_start3A_64 : memref<1x128xi32, #tpu.memory_space<vmem>> -> memref<128xi32, #tpu.memory_space<vmem>>
      %dma_start3A_66 = arith.constant 0 : i32
      %dma_start3A_67 = arith.constant 0 : i32
      %dma_start3A_68 = tpu.memref_slice %arg4[%dma_start3A_66, %dma_start3A_67] : memref<10240x128xf32, #tpu.memory_space<hbm>> -> memref<10240x128xf32, #tpu.memory_space<hbm>>
      tpu.enqueue_indirect_dma source(%dma_start3A_68 : memref<10240x128xf32, #tpu.memory_space<hbm>>) target(%arg9 : memref<128x128xf32, #tpu.memory_space<vmem>>) offsets(%dma_start3A_65 : memref<128xi32, #tpu.memory_space<vmem>>) semaphore(%arg11 : memref<!tpu.dma_semaphore, #tpu.memory_space<semaphore_mem>>)
      %dma_wait3A_69 = arith.constant 1 : i32
      %dma_wait3A_70 = arith.constant 0 : i32
      %dma_wait3A_71 = tpu.memref_slice %arg7[%dma_wait3A_69, %dma_wait3A_70] : memref<8x128xi32, #tpu.memory_space<vmem>> -> memref<1x128xi32, #tpu.memory_space<vmem>>
      %dma_wait3A_72 = tpu.memref_squeeze %dma_wait3A_71 : memref<1x128xi32, #tpu.memory_space<vmem>> -> memref<128xi32, #tpu.memory_space<vmem>>
      %dma_wait3A_73 = arith.constant 0 : i32
      %dma_wait3A_74 = arith.constant 0 : i32
      %dma_wait3A_75 = tpu.memref_slice %arg4[%dma_wait3A_73, %dma_wait3A_74] : memref<10240x128xf32, #tpu.memory_space<hbm>> -> memref<10240x128xf32, #tpu.memory_space<hbm>>
      tpu.wait_indirect_dma semaphore(%arg12 : memref<!tpu.dma_semaphore, #tpu.memory_space<semaphore_mem>>) src(%dma_wait3A_75 : memref<10240x128xf32, #tpu.memory_space<hbm>>) dst(%arg10 : memref<128x128xf32, #tpu.memory_space<vmem>>)
      %run_scoped3A_76 = arith.constant 1 : i32
      "tpu.region"() ({
        %run_scoped3A_160 = tpu.sem_alloc : memref<!tpu.dma_semaphore, #tpu.memory_space<semaphore_mem>>
        %dma_start3A_161 = arith.constant 0 : i32
        %dma_start3A_162 = tpu.memref_slice %arg8[%run_scoped3A_76, %dma_start3A_161] : memref<8x128xi32, #tpu.memory_space<vmem>> -> memref<1x128xi32, #tpu.memory_space<vmem>>
        %dma_start3A_163 = tpu.memref_squeeze %dma_start3A_162 : memref<1x128xi32, #tpu.memory_space<vmem>> -> memref<128xi32, #tpu.memory_space<vmem>>
        %dma_start3A_164 = arith.constant 0 : i32
        %dma_start3A_165 = arith.constant 0 : i32
        %dma_start3A_166 = tpu.memref_slice %arg6[%dma_start3A_164, %dma_start3A_165] : memref<10240x128xf32, #tpu.memory_space<vmem_shared>> -> memref<10240x128xf32, #tpu.memory_space<vmem_shared>>
        tpu.enqueue_indirect_dma source(%arg10 : memref<128x128xf32, #tpu.memory_space<vmem>>) target(%dma_start3A_166 : memref<10240x128xf32, #tpu.memory_space<vmem_shared>>) offsets(%dma_start3A_163 : memref<128xi32, #tpu.memory_space<vmem>>) semaphore(%run_scoped3A_160 : memref<!tpu.dma_semaphore, #tpu.memory_space<semaphore_mem>>) {add = true}
        %dma_wait3A_167 = arith.constant 0 : i32
        %dma_wait3A_168 = tpu.memref_slice %arg8[%run_scoped3A_76, %dma_wait3A_167] : memref<8x128xi32, #tpu.memory_space<vmem>> -> memref<1x128xi32, #tpu.memory_space<vmem>>
        %dma_wait3A_169 = tpu.memref_squeeze %dma_wait3A_168 : memref<1x128xi32, #tpu.memory_space<vmem>> -> memref<128xi32, #tpu.memory_space<vmem>>
        %dma_wait3A_170 = arith.constant 0 : i32
        %dma_wait3A_171 = arith.constant 0 : i32
        %dma_wait3A_172 = tpu.memref_slice %arg6[%dma_wait3A_170, %dma_wait3A_171] : memref<10240x128xf32, #tpu.memory_space<vmem_shared>> -> memref<10240x128xf32, #tpu.memory_space<vmem_shared>>
        tpu.wait_indirect_dma semaphore(%run_scoped3A_160 : memref<!tpu.dma_semaphore, #tpu.memory_space<semaphore_mem>>) src(%arg10 : memref<128x128xf32, #tpu.memory_space<vmem>>) dst(%dma_wait3A_172 : memref<10240x128xf32, #tpu.memory_space<vmem_shared>>)
        tpu.yield
      }) : () -> ()
      %dma_start3A_77 = arith.constant 3 : i32
      %dma_start3A_78 = arith.constant 0 : i32
      %dma_start3A_79 = tpu.memref_slice %arg7[%dma_start3A_77, %dma_start3A_78] : memref<8x128xi32, #tpu.memory_space<vmem>> -> memref<1x128xi32, #tpu.memory_space<vmem>>
      %dma_start3A_80 = tpu.memref_squeeze %dma_start3A_79 : memref<1x128xi32, #tpu.memory_space<vmem>> -> memref<128xi32, #tpu.memory_space<vmem>>
      %dma_start3A_81 = arith.constant 0 : i32
      %dma_start3A_82 = arith.constant 0 : i32
      %dma_start3A_83 = tpu.memref_slice %arg4[%dma_start3A_81, %dma_start3A_82] : memref<10240x128xf32, #tpu.memory_space<hbm>> -> memref<10240x128xf32, #tpu.memory_space<hbm>>
      tpu.enqueue_indirect_dma source(%dma_start3A_83 : memref<10240x128xf32, #tpu.memory_space<hbm>>) target(%arg10 : memref<128x128xf32, #tpu.memory_space<vmem>>) offsets(%dma_start3A_80 : memref<128xi32, #tpu.memory_space<vmem>>) semaphore(%arg12 : memref<!tpu.dma_semaphore, #tpu.memory_space<semaphore_mem>>)
      %dma_wait3A_84 = arith.constant 2 : i32
      %dma_wait3A_85 = arith.constant 0 : i32
      %dma_wait3A_86 = tpu.memref_slice %arg7[%dma_wait3A_84, %dma_wait3A_85] : memref<8x128xi32, #tpu.memory_space<vmem>> -> memref<1x128xi32, #tpu.memory_space<vmem>>
      %dma_wait3A_87 = tpu.memref_squeeze %dma_wait3A_86 : memref<1x128xi32, #tpu.memory_space<vmem>> -> memref<128xi32, #tpu.memory_space<vmem>>
      %dma_wait3A_88 = arith.constant 0 : i32
      %dma_wait3A_89 = arith.constant 0 : i32
      %dma_wait3A_90 = tpu.memref_slice %arg4[%dma_wait3A_88, %dma_wait3A_89] : memref<10240x128xf32, #tpu.memory_space<hbm>> -> memref<10240x128xf32, #tpu.memory_space<hbm>>
      tpu.wait_indirect_dma semaphore(%arg11 : memref<!tpu.dma_semaphore, #tpu.memory_space<semaphore_mem>>) src(%dma_wait3A_90 : memref<10240x128xf32, #tpu.memory_space<hbm>>) dst(%arg9 : memref<128x128xf32, #tpu.memory_space<vmem>>)
      %run_scoped3A_91 = arith.constant 2 : i32
      "tpu.region"() ({
        %run_scoped3A_160 = tpu.sem_alloc : memref<!tpu.dma_semaphore, #tpu.memory_space<semaphore_mem>>
        %dma_start3A_161 = arith.constant 0 : i32
        %dma_start3A_162 = tpu.memref_slice %arg8[%run_scoped3A_91, %dma_start3A_161] : memref<8x128xi32, #tpu.memory_space<vmem>> -> memref<1x128xi32, #tpu.memory_space<vmem>>
        %dma_start3A_163 = tpu.memref_squeeze %dma_start3A_162 : memref<1x128xi32, #tpu.memory_space<vmem>> -> memref<128xi32, #tpu.memory_space<vmem>>
        %dma_start3A_164 = arith.constant 0 : i32
        %dma_start3A_165 = arith.constant 0 : i32
        %dma_start3A_166 = tpu.memref_slice %arg6[%dma_start3A_164, %dma_start3A_165] : memref<10240x128xf32, #tpu.memory_space<vmem_shared>> -> memref<10240x128xf32, #tpu.memory_space<vmem_shared>>
        tpu.enqueue_indirect_dma source(%arg9 : memref<128x128xf32, #tpu.memory_space<vmem>>) target(%dma_start3A_166 : memref<10240x128xf32, #tpu.memory_space<vmem_shared>>) offsets(%dma_start3A_163 : memref<128xi32, #tpu.memory_space<vmem>>) semaphore(%run_scoped3A_160 : memref<!tpu.dma_semaphore, #tpu.memory_space<semaphore_mem>>) {add = true}
        %dma_wait3A_167 = arith.constant 0 : i32
        %dma_wait3A_168 = tpu.memref_slice %arg8[%run_scoped3A_91, %dma_wait3A_167] : memref<8x128xi32, #tpu.memory_space<vmem>> -> memref<1x128xi32, #tpu.memory_space<vmem>>
        %dma_wait3A_169 = tpu.memref_squeeze %dma_wait3A_168 : memref<1x128xi32, #tpu.memory_space<vmem>> -> memref<128xi32, #tpu.memory_space<vmem>>
        %dma_wait3A_170 = arith.constant 0 : i32
        %dma_wait3A_171 = arith.constant 0 : i32
        %dma_wait3A_172 = tpu.memref_slice %arg6[%dma_wait3A_170, %dma_wait3A_171] : memref<10240x128xf32, #tpu.memory_space<vmem_shared>> -> memref<10240x128xf32, #tpu.memory_space<vmem_shared>>
        tpu.wait_indirect_dma semaphore(%run_scoped3A_160 : memref<!tpu.dma_semaphore, #tpu.memory_space<semaphore_mem>>) src(%arg9 : memref<128x128xf32, #tpu.memory_space<vmem>>) dst(%dma_wait3A_172 : memref<10240x128xf32, #tpu.memory_space<vmem_shared>>)
        tpu.yield
      }) : () -> ()
      %dma_start3A_92 = arith.constant 4 : i32
      %dma_start3A_93 = arith.constant 0 : i32
      %dma_start3A_94 = tpu.memref_slice %arg7[%dma_start3A_92, %dma_start3A_93] : memref<8x128xi32, #tpu.memory_space<vmem>> -> memref<1x128xi32, #tpu.memory_space<vmem>>
      %dma_start3A_95 = tpu.memref_squeeze %dma_start3A_94 : memref<1x128xi32, #tpu.memory_space<vmem>> -> memref<128xi32, #tpu.memory_space<vmem>>
      %dma_start3A_96 = arith.constant 0 : i32
      %dma_start3A_97 = arith.constant 0 : i32
      %dma_start3A_98 = tpu.memref_slice %arg4[%dma_start3A_96, %dma_start3A_97] : memref<10240x128xf32, #tpu.memory_space<hbm>> -> memref<10240x128xf32, #tpu.memory_space<hbm>>
      tpu.enqueue_indirect_dma source(%dma_start3A_98 : memref<10240x128xf32, #tpu.memory_space<hbm>>) target(%arg9 : memref<128x128xf32, #tpu.memory_space<vmem>>) offsets(%dma_start3A_95 : memref<128xi32, #tpu.memory_space<vmem>>) semaphore(%arg11 : memref<!tpu.dma_semaphore, #tpu.memory_space<semaphore_mem>>)
      %dma_wait3A_99 = arith.constant 3 : i32
      %dma_wait3A_100 = arith.constant 0 : i32
      %dma_wait3A_101 = tpu.memref_slice %arg7[%dma_wait3A_99, %dma_wait3A_100] : memref<8x128xi32, #tpu.memory_space<vmem>> -> memref<1x128xi32, #tpu.memory_space<vmem>>
      %dma_wait3A_102 = tpu.memref_squeeze %dma_wait3A_101 : memref<1x128xi32, #tpu.memory_space<vmem>> -> memref<128xi32, #tpu.memory_space<vmem>>
      %dma_wait3A_103 = arith.constant 0 : i32
      %dma_wait3A_104 = arith.constant 0 : i32
      %dma_wait3A_105 = tpu.memref_slice %arg4[%dma_wait3A_103, %dma_wait3A_104] : memref<10240x128xf32, #tpu.memory_space<hbm>> -> memref<10240x128xf32, #tpu.memory_space<hbm>>
      tpu.wait_indirect_dma semaphore(%arg12 : memref<!tpu.dma_semaphore, #tpu.memory_space<semaphore_mem>>) src(%dma_wait3A_105 : memref<10240x128xf32, #tpu.memory_space<hbm>>) dst(%arg10 : memref<128x128xf32, #tpu.memory_space<vmem>>)
      %run_scoped3A_106 = arith.constant 3 : i32
      "tpu.region"() ({
        %run_scoped3A_160 = tpu.sem_alloc : memref<!tpu.dma_semaphore, #tpu.memory_space<semaphore_mem>>
        %dma_start3A_161 = arith.constant 0 : i32
        %dma_start3A_162 = tpu.memref_slice %arg8[%run_scoped3A_106, %dma_start3A_161] : memref<8x128xi32, #tpu.memory_space<vmem>> -> memref<1x128xi32, #tpu.memory_space<vmem>>
        %dma_start3A_163 = tpu.memref_squeeze %dma_start3A_162 : memref<1x128xi32, #tpu.memory_space<vmem>> -> memref<128xi32, #tpu.memory_space<vmem>>
        %dma_start3A_164 = arith.constant 0 : i32
        %dma_start3A_165 = arith.constant 0 : i32
        %dma_start3A_166 = tpu.memref_slice %arg6[%dma_start3A_164, %dma_start3A_165] : memref<10240x128xf32, #tpu.memory_space<vmem_shared>> -> memref<10240x128xf32, #tpu.memory_space<vmem_shared>>
        tpu.enqueue_indirect_dma source(%arg10 : memref<128x128xf32, #tpu.memory_space<vmem>>) target(%dma_start3A_166 : memref<10240x128xf32, #tpu.memory_space<vmem_shared>>) offsets(%dma_start3A_163 : memref<128xi32, #tpu.memory_space<vmem>>) semaphore(%run_scoped3A_160 : memref<!tpu.dma_semaphore, #tpu.memory_space<semaphore_mem>>) {add = true}
        %dma_wait3A_167 = arith.constant 0 : i32
        %dma_wait3A_168 = tpu.memref_slice %arg8[%run_scoped3A_106, %dma_wait3A_167] : memref<8x128xi32, #tpu.memory_space<vmem>> -> memref<1x128xi32, #tpu.memory_space<vmem>>
        %dma_wait3A_169 = tpu.memref_squeeze %dma_wait3A_168 : memref<1x128xi32, #tpu.memory_space<vmem>> -> memref<128xi32, #tpu.memory_space<vmem>>
        %dma_wait3A_170 = arith.constant 0 : i32
        %dma_wait3A_171 = arith.constant 0 : i32
        %dma_wait3A_172 = tpu.memref_slice %arg6[%dma_wait3A_170, %dma_wait3A_171] : memref<10240x128xf32, #tpu.memory_space<vmem_shared>> -> memref<10240x128xf32, #tpu.memory_space<vmem_shared>>
        tpu.wait_indirect_dma semaphore(%run_scoped3A_160 : memref<!tpu.dma_semaphore, #tpu.memory_space<semaphore_mem>>) src(%arg10 : memref<128x128xf32, #tpu.memory_space<vmem>>) dst(%dma_wait3A_172 : memref<10240x128xf32, #tpu.memory_space<vmem_shared>>)
        tpu.yield
      }) : () -> ()
      %dma_start3A_107 = arith.constant 5 : i32
      %dma_start3A_108 = arith.constant 0 : i32
      %dma_start3A_109 = tpu.memref_slice %arg7[%dma_start3A_107, %dma_start3A_108] : memref<8x128xi32, #tpu.memory_space<vmem>> -> memref<1x128xi32, #tpu.memory_space<vmem>>
      %dma_start3A_110 = tpu.memref_squeeze %dma_start3A_109 : memref<1x128xi32, #tpu.memory_space<vmem>> -> memref<128xi32, #tpu.memory_space<vmem>>
      %dma_start3A_111 = arith.constant 0 : i32
      %dma_start3A_112 = arith.constant 0 : i32
      %dma_start3A_113 = tpu.memref_slice %arg4[%dma_start3A_111, %dma_start3A_112] : memref<10240x128xf32, #tpu.memory_space<hbm>> -> memref<10240x128xf32, #tpu.memory_space<hbm>>
      tpu.enqueue_indirect_dma source(%dma_start3A_113 : memref<10240x128xf32, #tpu.memory_space<hbm>>) target(%arg10 : memref<128x128xf32, #tpu.memory_space<vmem>>) offsets(%dma_start3A_110 : memref<128xi32, #tpu.memory_space<vmem>>) semaphore(%arg12 : memref<!tpu.dma_semaphore, #tpu.memory_space<semaphore_mem>>)
      %dma_wait3A_114 = arith.constant 4 : i32
      %dma_wait3A_115 = arith.constant 0 : i32
      %dma_wait3A_116 = tpu.memref_slice %arg7[%dma_wait3A_114, %dma_wait3A_115] : memref<8x128xi32, #tpu.memory_space<vmem>> -> memref<1x128xi32, #tpu.memory_space<vmem>>
      %dma_wait3A_117 = tpu.memref_squeeze %dma_wait3A_116 : memref<1x128xi32, #tpu.memory_space<vmem>> -> memref<128xi32, #tpu.memory_space<vmem>>
      %dma_wait3A_118 = arith.constant 0 : i32
      %dma_wait3A_119 = arith.constant 0 : i32
      %dma_wait3A_120 = tpu.memref_slice %arg4[%dma_wait3A_118, %dma_wait3A_119] : memref<10240x128xf32, #tpu.memory_space<hbm>> -> memref<10240x128xf32, #tpu.memory_space<hbm>>
      tpu.wait_indirect_dma semaphore(%arg11 : memref<!tpu.dma_semaphore, #tpu.memory_space<semaphore_mem>>) src(%dma_wait3A_120 : memref<10240x128xf32, #tpu.memory_space<hbm>>) dst(%arg9 : memref<128x128xf32, #tpu.memory_space<vmem>>)
      %run_scoped3A_121 = arith.constant 4 : i32
      "tpu.region"() ({
        %run_scoped3A_160 = tpu.sem_alloc : memref<!tpu.dma_semaphore, #tpu.memory_space<semaphore_mem>>
        %dma_start3A_161 = arith.constant 0 : i32
        %dma_start3A_162 = tpu.memref_slice %arg8[%run_scoped3A_121, %dma_start3A_161] : memref<8x128xi32, #tpu.memory_space<vmem>> -> memref<1x128xi32, #tpu.memory_space<vmem>>
        %dma_start3A_163 = tpu.memref_squeeze %dma_start3A_162 : memref<1x128xi32, #tpu.memory_space<vmem>> -> memref<128xi32, #tpu.memory_space<vmem>>
        %dma_start3A_164 = arith.constant 0 : i32
        %dma_start3A_165 = arith.constant 0 : i32
        %dma_start3A_166 = tpu.memref_slice %arg6[%dma_start3A_164, %dma_start3A_165] : memref<10240x128xf32, #tpu.memory_space<vmem_shared>> -> memref<10240x128xf32, #tpu.memory_space<vmem_shared>>
        tpu.enqueue_indirect_dma source(%arg9 : memref<128x128xf32, #tpu.memory_space<vmem>>) target(%dma_start3A_166 : memref<10240x128xf32, #tpu.memory_space<vmem_shared>>) offsets(%dma_start3A_163 : memref<128xi32, #tpu.memory_space<vmem>>) semaphore(%run_scoped3A_160 : memref<!tpu.dma_semaphore, #tpu.memory_space<semaphore_mem>>) {add = true}
        %dma_wait3A_167 = arith.constant 0 : i32
        %dma_wait3A_168 = tpu.memref_slice %arg8[%run_scoped3A_121, %dma_wait3A_167] : memref<8x128xi32, #tpu.memory_space<vmem>> -> memref<1x128xi32, #tpu.memory_space<vmem>>
        %dma_wait3A_169 = tpu.memref_squeeze %dma_wait3A_168 : memref<1x128xi32, #tpu.memory_space<vmem>> -> memref<128xi32, #tpu.memory_space<vmem>>
        %dma_wait3A_170 = arith.constant 0 : i32
        %dma_wait3A_171 = arith.constant 0 : i32
        %dma_wait3A_172 = tpu.memref_slice %arg6[%dma_wait3A_170, %dma_wait3A_171] : memref<10240x128xf32, #tpu.memory_space<vmem_shared>> -> memref<10240x128xf32, #tpu.memory_space<vmem_shared>>
        tpu.wait_indirect_dma semaphore(%run_scoped3A_160 : memref<!tpu.dma_semaphore, #tpu.memory_space<semaphore_mem>>) src(%arg9 : memref<128x128xf32, #tpu.memory_space<vmem>>) dst(%dma_wait3A_172 : memref<10240x128xf32, #tpu.memory_space<vmem_shared>>)
        tpu.yield
      }) : () -> ()
      %dma_start3A_122 = arith.constant 6 : i32
      %dma_start3A_123 = arith.constant 0 : i32
      %dma_start3A_124 = tpu.memref_slice %arg7[%dma_start3A_122, %dma_start3A_123] : memref<8x128xi32, #tpu.memory_space<vmem>> -> memref<1x128xi32, #tpu.memory_space<vmem>>
      %dma_start3A_125 = tpu.memref_squeeze %dma_start3A_124 : memref<1x128xi32, #tpu.memory_space<vmem>> -> memref<128xi32, #tpu.memory_space<vmem>>
      %dma_start3A_126 = arith.constant 0 : i32
      %dma_start3A_127 = arith.constant 0 : i32
      %dma_start3A_128 = tpu.memref_slice %arg4[%dma_start3A_126, %dma_start3A_127] : memref<10240x128xf32, #tpu.memory_space<hbm>> -> memref<10240x128xf32, #tpu.memory_space<hbm>>
      tpu.enqueue_indirect_dma source(%dma_start3A_128 : memref<10240x128xf32, #tpu.memory_space<hbm>>) target(%arg9 : memref<128x128xf32, #tpu.memory_space<vmem>>) offsets(%dma_start3A_125 : memref<128xi32, #tpu.memory_space<vmem>>) semaphore(%arg11 : memref<!tpu.dma_semaphore, #tpu.memory_space<semaphore_mem>>)
      %dma_wait3A_129 = arith.constant 5 : i32
      %dma_wait3A_130 = arith.constant 0 : i32
      %dma_wait3A_131 = tpu.memref_slice %arg7[%dma_wait3A_129, %dma_wait3A_130] : memref<8x128xi32, #tpu.memory_space<vmem>> -> memref<1x128xi32, #tpu.memory_space<vmem>>
      %dma_wait3A_132 = tpu.memref_squeeze %dma_wait3A_131 : memref<1x128xi32, #tpu.memory_space<vmem>> -> memref<128xi32, #tpu.memory_space<vmem>>
      %dma_wait3A_133 = arith.constant 0 : i32
      %dma_wait3A_134 = arith.constant 0 : i32
      %dma_wait3A_135 = tpu.memref_slice %arg4[%dma_wait3A_133, %dma_wait3A_134] : memref<10240x128xf32, #tpu.memory_space<hbm>> -> memref<10240x128xf32, #tpu.memory_space<hbm>>
      tpu.wait_indirect_dma semaphore(%arg12 : memref<!tpu.dma_semaphore, #tpu.memory_space<semaphore_mem>>) src(%dma_wait3A_135 : memref<10240x128xf32, #tpu.memory_space<hbm>>) dst(%arg10 : memref<128x128xf32, #tpu.memory_space<vmem>>)
      %run_scoped3A_136 = arith.constant 5 : i32
      "tpu.region"() ({
        %run_scoped3A_160 = tpu.sem_alloc : memref<!tpu.dma_semaphore, #tpu.memory_space<semaphore_mem>>
        %dma_start3A_161 = arith.constant 0 : i32
        %dma_start3A_162 = tpu.memref_slice %arg8[%run_scoped3A_136, %dma_start3A_161] : memref<8x128xi32, #tpu.memory_space<vmem>> -> memref<1x128xi32, #tpu.memory_space<vmem>>
        %dma_start3A_163 = tpu.memref_squeeze %dma_start3A_162 : memref<1x128xi32, #tpu.memory_space<vmem>> -> memref<128xi32, #tpu.memory_space<vmem>>
        %dma_start3A_164 = arith.constant 0 : i32
        %dma_start3A_165 = arith.constant 0 : i32
        %dma_start3A_166 = tpu.memref_slice %arg6[%dma_start3A_164, %dma_start3A_165] : memref<10240x128xf32, #tpu.memory_space<vmem_shared>> -> memref<10240x128xf32, #tpu.memory_space<vmem_shared>>
        tpu.enqueue_indirect_dma source(%arg10 : memref<128x128xf32, #tpu.memory_space<vmem>>) target(%dma_start3A_166 : memref<10240x128xf32, #tpu.memory_space<vmem_shared>>) offsets(%dma_start3A_163 : memref<128xi32, #tpu.memory_space<vmem>>) semaphore(%run_scoped3A_160 : memref<!tpu.dma_semaphore, #tpu.memory_space<semaphore_mem>>) {add = true}
        %dma_wait3A_167 = arith.constant 0 : i32
        %dma_wait3A_168 = tpu.memref_slice %arg8[%run_scoped3A_136, %dma_wait3A_167] : memref<8x128xi32, #tpu.memory_space<vmem>> -> memref<1x128xi32, #tpu.memory_space<vmem>>
        %dma_wait3A_169 = tpu.memref_squeeze %dma_wait3A_168 : memref<1x128xi32, #tpu.memory_space<vmem>> -> memref<128xi32, #tpu.memory_space<vmem>>
        %dma_wait3A_170 = arith.constant 0 : i32
        %dma_wait3A_171 = arith.constant 0 : i32
        %dma_wait3A_172 = tpu.memref_slice %arg6[%dma_wait3A_170, %dma_wait3A_171] : memref<10240x128xf32, #tpu.memory_space<vmem_shared>> -> memref<10240x128xf32, #tpu.memory_space<vmem_shared>>
        tpu.wait_indirect_dma semaphore(%run_scoped3A_160 : memref<!tpu.dma_semaphore, #tpu.memory_space<semaphore_mem>>) src(%arg10 : memref<128x128xf32, #tpu.memory_space<vmem>>) dst(%dma_wait3A_172 : memref<10240x128xf32, #tpu.memory_space<vmem_shared>>)
        tpu.yield
      }) : () -> ()
      %dma_start3A_137 = arith.constant 7 : i32
      %dma_start3A_138 = arith.constant 0 : i32
      %dma_start3A_139 = tpu.memref_slice %arg7[%dma_start3A_137, %dma_start3A_138] : memref<8x128xi32, #tpu.memory_space<vmem>> -> memref<1x128xi32, #tpu.memory_space<vmem>>
      %dma_start3A_140 = tpu.memref_squeeze %dma_start3A_139 : memref<1x128xi32, #tpu.memory_space<vmem>> -> memref<128xi32, #tpu.memory_space<vmem>>
      %dma_start3A_141 = arith.constant 0 : i32
      %dma_start3A_142 = arith.constant 0 : i32
      %dma_start3A_143 = tpu.memref_slice %arg4[%dma_start3A_141, %dma_start3A_142] : memref<10240x128xf32, #tpu.memory_space<hbm>> -> memref<10240x128xf32, #tpu.memory_space<hbm>>
      tpu.enqueue_indirect_dma source(%dma_start3A_143 : memref<10240x128xf32, #tpu.memory_space<hbm>>) target(%arg10 : memref<128x128xf32, #tpu.memory_space<vmem>>) offsets(%dma_start3A_140 : memref<128xi32, #tpu.memory_space<vmem>>) semaphore(%arg12 : memref<!tpu.dma_semaphore, #tpu.memory_space<semaphore_mem>>)
      %dma_wait3A_144 = arith.constant 6 : i32
      %dma_wait3A_145 = arith.constant 0 : i32
      %dma_wait3A_146 = tpu.memref_slice %arg7[%dma_wait3A_144, %dma_wait3A_145] : memref<8x128xi32, #tpu.memory_space<vmem>> -> memref<1x128xi32, #tpu.memory_space<vmem>>
      %dma_wait3A_147 = tpu.memref_squeeze %dma_wait3A_146 : memref<1x128xi32, #tpu.memory_space<vmem>> -> memref<128xi32, #tpu.memory_space<vmem>>
      %dma_wait3A_148 = arith.constant 0 : i32
      %dma_wait3A_149 = arith.constant 0 : i32
      %dma_wait3A_150 = tpu.memref_slice %arg4[%dma_wait3A_148, %dma_wait3A_149] : memref<10240x128xf32, #tpu.memory_space<hbm>> -> memref<10240x128xf32, #tpu.memory_space<hbm>>
      tpu.wait_indirect_dma semaphore(%arg11 : memref<!tpu.dma_semaphore, #tpu.memory_space<semaphore_mem>>) src(%dma_wait3A_150 : memref<10240x128xf32, #tpu.memory_space<hbm>>) dst(%arg9 : memref<128x128xf32, #tpu.memory_space<vmem>>)
      %run_scoped3A_151 = arith.constant 6 : i32
      "tpu.region"() ({
        %run_scoped3A_160 = tpu.sem_alloc : memref<!tpu.dma_semaphore, #tpu.memory_space<semaphore_mem>>
        %dma_start3A_161 = arith.constant 0 : i32
        %dma_start3A_162 = tpu.memref_slice %arg8[%run_scoped3A_151, %dma_start3A_161] : memref<8x128xi32, #tpu.memory_space<vmem>> -> memref<1x128xi32, #tpu.memory_space<vmem>>
        %dma_start3A_163 = tpu.memref_squeeze %dma_start3A_162 : memref<1x128xi32, #tpu.memory_space<vmem>> -> memref<128xi32, #tpu.memory_space<vmem>>
        %dma_start3A_164 = arith.constant 0 : i32
        %dma_start3A_165 = arith.constant 0 : i32
        %dma_start3A_166 = tpu.memref_slice %arg6[%dma_start3A_164, %dma_start3A_165] : memref<10240x128xf32, #tpu.memory_space<vmem_shared>> -> memref<10240x128xf32, #tpu.memory_space<vmem_shared>>
        tpu.enqueue_indirect_dma source(%arg9 : memref<128x128xf32, #tpu.memory_space<vmem>>) target(%dma_start3A_166 : memref<10240x128xf32, #tpu.memory_space<vmem_shared>>) offsets(%dma_start3A_163 : memref<128xi32, #tpu.memory_space<vmem>>) semaphore(%run_scoped3A_160 : memref<!tpu.dma_semaphore, #tpu.memory_space<semaphore_mem>>) {add = true}
        %dma_wait3A_167 = arith.constant 0 : i32
        %dma_wait3A_168 = tpu.memref_slice %arg8[%run_scoped3A_151, %dma_wait3A_167] : memref<8x128xi32, #tpu.memory_space<vmem>> -> memref<1x128xi32, #tpu.memory_space<vmem>>
        %dma_wait3A_169 = tpu.memref_squeeze %dma_wait3A_168 : memref<1x128xi32, #tpu.memory_space<vmem>> -> memref<128xi32, #tpu.memory_space<vmem>>
        %dma_wait3A_170 = arith.constant 0 : i32
        %dma_wait3A_171 = arith.constant 0 : i32
        %dma_wait3A_172 = tpu.memref_slice %arg6[%dma_wait3A_170, %dma_wait3A_171] : memref<10240x128xf32, #tpu.memory_space<vmem_shared>> -> memref<10240x128xf32, #tpu.memory_space<vmem_shared>>
        tpu.wait_indirect_dma semaphore(%run_scoped3A_160 : memref<!tpu.dma_semaphore, #tpu.memory_space<semaphore_mem>>) src(%arg9 : memref<128x128xf32, #tpu.memory_space<vmem>>) dst(%dma_wait3A_172 : memref<10240x128xf32, #tpu.memory_space<vmem_shared>>)
        tpu.yield
      }) : () -> ()
      %dma_wait3A_152 = arith.constant 7 : i32
      %dma_wait3A_153 = arith.constant 0 : i32
      %dma_wait3A_154 = tpu.memref_slice %arg7[%dma_wait3A_152, %dma_wait3A_153] : memref<8x128xi32, #tpu.memory_space<vmem>> -> memref<1x128xi32, #tpu.memory_space<vmem>>
      %dma_wait3A_155 = tpu.memref_squeeze %dma_wait3A_154 : memref<1x128xi32, #tpu.memory_space<vmem>> -> memref<128xi32, #tpu.memory_space<vmem>>
      %dma_wait3A_156 = arith.constant 0 : i32
      %dma_wait3A_157 = arith.constant 0 : i32
      %dma_wait3A_158 = tpu.memref_slice %arg4[%dma_wait3A_156, %dma_wait3A_157] : memref<10240x128xf32, #tpu.memory_space<hbm>> -> memref<10240x128xf32, #tpu.memory_space<hbm>>
      tpu.wait_indirect_dma semaphore(%arg12 : memref<!tpu.dma_semaphore, #tpu.memory_space<semaphore_mem>>) src(%dma_wait3A_158 : memref<10240x128xf32, #tpu.memory_space<hbm>>) dst(%arg10 : memref<128x128xf32, #tpu.memory_space<vmem>>)
      %run_scoped3A_159 = arith.constant 7 : i32
      "tpu.region"() ({
        %run_scoped3A_160 = tpu.sem_alloc : memref<!tpu.dma_semaphore, #tpu.memory_space<semaphore_mem>>
        %dma_start3A_161 = arith.constant 0 : i32
        %dma_start3A_162 = tpu.memref_slice %arg8[%run_scoped3A_159, %dma_start3A_161] : memref<8x128xi32, #tpu.memory_space<vmem>> -> memref<1x128xi32, #tpu.memory_space<vmem>>
        %dma_start3A_163 = tpu.memref_squeeze %dma_start3A_162 : memref<1x128xi32, #tpu.memory_space<vmem>> -> memref<128xi32, #tpu.memory_space<vmem>>
        %dma_start3A_164 = arith.constant 0 : i32
        %dma_start3A_165 = arith.constant 0 : i32
        %dma_start3A_166 = tpu.memref_slice %arg6[%dma_start3A_164, %dma_start3A_165] : memref<10240x128xf32, #tpu.memory_space<vmem_shared>> -> memref<10240x128xf32, #tpu.memory_space<vmem_shared>>
        tpu.enqueue_indirect_dma source(%arg10 : memref<128x128xf32, #tpu.memory_space<vmem>>) target(%dma_start3A_166 : memref<10240x128xf32, #tpu.memory_space<vmem_shared>>) offsets(%dma_start3A_163 : memref<128xi32, #tpu.memory_space<vmem>>) semaphore(%run_scoped3A_160 : memref<!tpu.dma_semaphore, #tpu.memory_space<semaphore_mem>>) {add = true}
        %dma_wait3A_167 = arith.constant 0 : i32
        %dma_wait3A_168 = tpu.memref_slice %arg8[%run_scoped3A_159, %dma_wait3A_167] : memref<8x128xi32, #tpu.memory_space<vmem>> -> memref<1x128xi32, #tpu.memory_space<vmem>>
        %dma_wait3A_169 = tpu.memref_squeeze %dma_wait3A_168 : memref<1x128xi32, #tpu.memory_space<vmem>> -> memref<128xi32, #tpu.memory_space<vmem>>
        %dma_wait3A_170 = arith.constant 0 : i32
        %dma_wait3A_171 = arith.constant 0 : i32
        %dma_wait3A_172 = tpu.memref_slice %arg6[%dma_wait3A_170, %dma_wait3A_171] : memref<10240x128xf32, #tpu.memory_space<vmem_shared>> -> memref<10240x128xf32, #tpu.memory_space<vmem_shared>>
        tpu.wait_indirect_dma semaphore(%run_scoped3A_160 : memref<!tpu.dma_semaphore, #tpu.memory_space<semaphore_mem>>) src(%arg10 : memref<128x128xf32, #tpu.memory_space<vmem>>) dst(%dma_wait3A_172 : memref<10240x128xf32, #tpu.memory_space<vmem_shared>>)
        tpu.yield
      }) : () -> ()
    }
    %scan3A_33 = arith.constant 10 : i32
    %barrier3A_34 = arith.constant 0 : index
    tpu.barrier barrier_id(%barrier3A_34)
    "tpu.region"() ({
      %run_scoped3A = tpu.sem_alloc : memref<!tpu.dma_semaphore, #tpu.memory_space<semaphore_mem>>
      %dma_start3A = arith.constant 0 : i32
      %dma_start3A_35 = tpu.memref_slice %arg5[%arg0, %mul3A_0, %dma_start3A] : memref<2x10240x128xf32, #tpu.memory_space<hbm>> -> memref<1x640x128xf32, #tpu.memory_space<hbm>>
      %dma_start3A_36 = tpu.memref_squeeze %dma_start3A_35 : memref<1x640x128xf32, #tpu.memory_space<hbm>> -> memref<640x128xf32, #tpu.memory_space<hbm>>
      %dma_start3A_37 = arith.constant 0 : i32
      %dma_start3A_38 = tpu.memref_slice %arg6[%mul3A_0, %dma_start3A_37] : memref<10240x128xf32, #tpu.memory_space<vmem_shared>> -> memref<640x128xf32, #tpu.memory_space<vmem_shared>>
      tpu.enqueue_dma source(%dma_start3A_38 : memref<640x128xf32, #tpu.memory_space<vmem_shared>>) target(%dma_start3A_36 : memref<640x128xf32, #tpu.memory_space<hbm>>) target_semaphore(%run_scoped3A : memref<!tpu.dma_semaphore, #tpu.memory_space<semaphore_mem>>)
      %dma_wait3A = arith.constant 0 : i32
      %dma_wait3A_39 = tpu.memref_slice %arg5[%arg0, %mul3A_0, %dma_wait3A] : memref<2x10240x128xf32, #tpu.memory_space<hbm>> -> memref<1x640x128xf32, #tpu.memory_space<hbm>>
      %dma_wait3A_40 = tpu.memref_squeeze %dma_wait3A_39 : memref<1x640x128xf32, #tpu.memory_space<hbm>> -> memref<640x128xf32, #tpu.memory_space<hbm>>
      %dma_wait3A_41 = arith.constant 0 : i32
      %dma_wait3A_42 = tpu.memref_slice %arg6[%mul3A_0, %dma_wait3A_41] : memref<10240x128xf32, #tpu.memory_space<vmem_shared>> -> memref<640x128xf32, #tpu.memory_space<vmem_shared>>
      tpu.wait_dma2 semaphore(%run_scoped3A : memref<!tpu.dma_semaphore, #tpu.memory_space<semaphore_mem>>) src(%dma_wait3A_42 : memref<640x128xf32, #tpu.memory_space<vmem_shared>>) dst(%dma_wait3A_40 : memref<640x128xf32, #tpu.memory_space<hbm>>)
      tpu.yield
    }) : () -> ()
    return
  }
}

#map = affine_map<(d0, d1) -> (0, 0)>
module attributes {stable_mosaic.version = 14 : i64} {
  func.func @_sc_deg(%arg0: i32, %arg1: i32, %arg2: memref<2560x128xi32, #tpu.memory_space<hbm>>, %arg3: memref<32x10240xf32, #tpu.memory_space<hbm>>, %arg4: memref<10240xf32, #tpu.memory_space<vmem>>, %arg5: memref<8x128xi32, #tpu.memory_space<vmem>>) attributes {dimension_semantics = [#tpu.dimension_semantics<core_parallel>, #tpu.dimension_semantics<subcore_parallel>], iteration_bounds = array<i64: 2, 16>, scalar_prefetch = 0 : i64, scratch_operands = 2 : i64, tpu.core_type = #tpu.core_type<sc_vector_subcore>, window_params = [{transform_indices = #map}, {transform_indices = #map}]} {
    %mul3A = arith.constant 2 : i32
    %mul3A_0 = arith.muli %arg1, %mul3A : i32
    %add3A = arith.addi %mul3A_0, %arg0 : i32
    %scan3A = arith.constant 0 : i32
    %scan3A_1 = arith.constant 640 : i32
    %scan3A_2 = arith.addi %scan3A, %scan3A_1 : i32
    %scan3A_3 = arith.constant 1 : i32
    scf.for %scan3A_13 = %scan3A to %scan3A_2 step %scan3A_3  : i32 {
      %mul3A_14 = arith.constant 16 : i32
      %mul3A_15 = arith.muli %scan3A_13, %mul3A_14 : i32
      %add3A_16 = arith.constant 0 : i32
      %add3A_17 = arith.addi %add3A_16, %mul3A_15 : i32
      %broadcast_in_dim3A_18 = arith.constant 0.000000e+00 : f32
      %broadcast_in_dim3A_19 = vector.broadcast %broadcast_in_dim3A_18 : f32 to vector<16xf32>
      %swap3A = arith.index_cast %add3A_17 : i32 to index
      %swap3A_20 = tpu.vector_load %arg4[%swap3A] {strides = array<i32>} : memref<10240xf32, #tpu.memory_space<vmem>>, vector<16xf32>,
      tpu.vector_store %arg4[%swap3A], %broadcast_in_dim3A_19 {strides = array<i32>} : memref<10240xf32, #tpu.memory_space<vmem>>, vector<16xf32>,
    }
    %scan3A_4 = arith.constant 640 : i32
    %broadcast_in_dim3A = arith.constant 1.000000e+00 : f32
    %broadcast_in_dim3A_5 = vector.broadcast %broadcast_in_dim3A : f32 to vector<16xf32>
    %mul3A_6 = arith.constant 80 : i32
    %mul3A_7 = arith.muli %add3A, %mul3A_6 : i32
    %scan3A_8 = arith.constant 0 : i32
    %scan3A_9 = arith.constant 10 : i32
    %scan3A_10 = arith.addi %scan3A_8, %scan3A_9 : i32
    %scan3A_11 = arith.constant 1 : i32
    scf.for %scan3A_13 = %scan3A_8 to %scan3A_10 step %scan3A_11  : i32 {
      %mul3A_14 = arith.constant 8 : i32
      %mul3A_15 = arith.muli %scan3A_13, %mul3A_14 : i32
      %add3A_16 = arith.constant 0 : i32
      %add3A_17 = arith.addi %add3A_16, %mul3A_15 : i32
      %add3A_18 = arith.addi %mul3A_7, %add3A_17 : i32
      "tpu.region"() ({
        %run_scoped3A = tpu.sem_alloc : memref<!tpu.dma_semaphore, #tpu.memory_space<semaphore_mem>>
        %dma_start3A = arith.constant 0 : i32
        %dma_start3A_274 = tpu.memref_slice %arg2[%add3A_18, %dma_start3A] : memref<2560x128xi32, #tpu.memory_space<hbm>> -> memref<8x128xi32, #tpu.memory_space<hbm>>
        %dma_start3A_275 = arith.constant 0 : i32
        %dma_start3A_276 = tpu.memref_slice %arg2[%add3A_18, %dma_start3A_275] : memref<2560x128xi32, #tpu.memory_space<hbm>> -> memref<8x128xi32, #tpu.memory_space<hbm>>
        tpu.enqueue_dma source(%dma_start3A_276 : memref<8x128xi32, #tpu.memory_space<hbm>>) target(%arg5 : memref<8x128xi32, #tpu.memory_space<vmem>>) target_semaphore(%run_scoped3A : memref<!tpu.dma_semaphore, #tpu.memory_space<semaphore_mem>>)
        %dma_wait3A = arith.constant 0 : i32
        %dma_wait3A_277 = tpu.memref_slice %arg2[%add3A_18, %dma_wait3A] : memref<2560x128xi32, #tpu.memory_space<hbm>> -> memref<8x128xi32, #tpu.memory_space<hbm>>
        %dma_wait3A_278 = arith.constant 0 : i32
        %dma_wait3A_279 = tpu.memref_slice %arg2[%add3A_18, %dma_wait3A_278] : memref<2560x128xi32, #tpu.memory_space<hbm>> -> memref<8x128xi32, #tpu.memory_space<hbm>>
        tpu.wait_dma2 semaphore(%run_scoped3A : memref<!tpu.dma_semaphore, #tpu.memory_space<semaphore_mem>>) src(%dma_wait3A_279 : memref<8x128xi32, #tpu.memory_space<hbm>>) dst(%arg5 : memref<8x128xi32, #tpu.memory_space<vmem>>)
        tpu.yield
      }) : () -> ()
      %get3A = arith.constant 0 : i32
      %get3A_19 = arith.index_cast %get3A : i32 to index
      %get3A_20 = arith.constant 0 : index
      %get3A_21 = tpu.vector_load %arg5[%get3A_19, %get3A_20] {strides = array<i32>} : memref<8x128xi32, #tpu.memory_space<vmem>>, vector<16xi32>,
      tpu.vector_store_idx %arg4[%get3A_21], %broadcast_in_dim3A_5 {add = true} : memref<10240xf32, #tpu.memory_space<vmem>>[vector<16xi32>], vector<16xf32>,
      %get3A_22 = arith.constant 0 : i32
      %get3A_23 = arith.index_cast %get3A_22 : i32 to index
      %get3A_24 = arith.constant 16 : index
      %get3A_25 = tpu.vector_load %arg5[%get3A_23, %get3A_24] {strides = array<i32>} : memref<8x128xi32, #tpu.memory_space<vmem>>, vector<16xi32>,
      tpu.vector_store_idx %arg4[%get3A_25], %broadcast_in_dim3A_5 {add = true} : memref<10240xf32, #tpu.memory_space<vmem>>[vector<16xi32>], vector<16xf32>,
      %get3A_26 = arith.constant 0 : i32
      %get3A_27 = arith.index_cast %get3A_26 : i32 to index
      %get3A_28 = arith.constant 32 : index
      %get3A_29 = tpu.vector_load %arg5[%get3A_27, %get3A_28] {strides = array<i32>} : memref<8x128xi32, #tpu.memory_space<vmem>>, vector<16xi32>,
      tpu.vector_store_idx %arg4[%get3A_29], %broadcast_in_dim3A_5 {add = true} : memref<10240xf32, #tpu.memory_space<vmem>>[vector<16xi32>], vector<16xf32>,
      %get3A_30 = arith.constant 0 : i32
      %get3A_31 = arith.index_cast %get3A_30 : i32 to index
      %get3A_32 = arith.constant 48 : index
      %get3A_33 = tpu.vector_load %arg5[%get3A_31, %get3A_32] {strides = array<i32>} : memref<8x128xi32, #tpu.memory_space<vmem>>, vector<16xi32>,
      tpu.vector_store_idx %arg4[%get3A_33], %broadcast_in_dim3A_5 {add = true} : memref<10240xf32, #tpu.memory_space<vmem>>[vector<16xi32>], vector<16xf32>,
      %get3A_34 = arith.constant 0 : i32
      %get3A_35 = arith.index_cast %get3A_34 : i32 to index
      %get3A_36 = arith.constant 64 : index
      %get3A_37 = tpu.vector_load %arg5[%get3A_35, %get3A_36] {strides = array<i32>} : memref<8x128xi32, #tpu.memory_space<vmem>>, vector<16xi32>,
      tpu.vector_store_idx %arg4[%get3A_37], %broadcast_in_dim3A_5 {add = true} : memref<10240xf32, #tpu.memory_space<vmem>>[vector<16xi32>], vector<16xf32>,
      %get3A_38 = arith.constant 0 : i32
      %get3A_39 = arith.index_cast %get3A_38 : i32 to index
      %get3A_40 = arith.constant 80 : index
      %get3A_41 = tpu.vector_load %arg5[%get3A_39, %get3A_40] {strides = array<i32>} : memref<8x128xi32, #tpu.memory_space<vmem>>, vector<16xi32>,
      tpu.vector_store_idx %arg4[%get3A_41], %broadcast_in_dim3A_5 {add = true} : memref<10240xf32, #tpu.memory_space<vmem>>[vector<16xi32>], vector<16xf32>,
      %get3A_42 = arith.constant 0 : i32
      %get3A_43 = arith.index_cast %get3A_42 : i32 to index
      %get3A_44 = arith.constant 96 : index
      %get3A_45 = tpu.vector_load %arg5[%get3A_43, %get3A_44] {strides = array<i32>} : memref<8x128xi32, #tpu.memory_space<vmem>>, vector<16xi32>,
      tpu.vector_store_idx %arg4[%get3A_45], %broadcast_in_dim3A_5 {add = true} : memref<10240xf32, #tpu.memory_space<vmem>>[vector<16xi32>], vector<16xf32>,
      %get3A_46 = arith.constant 0 : i32
      %get3A_47 = arith.index_cast %get3A_46 : i32 to index
      %get3A_48 = arith.constant 112 : index
      %get3A_49 = tpu.vector_load %arg5[%get3A_47, %get3A_48] {strides = array<i32>} : memref<8x128xi32, #tpu.memory_space<vmem>>, vector<16xi32>,
      tpu.vector_store_idx %arg4[%get3A_49], %broadcast_in_dim3A_5 {add = true} : memref<10240xf32, #tpu.memory_space<vmem>>[vector<16xi32>], vector<16xf32>,
      %get3A_50 = arith.constant 1 : i32
      %get3A_51 = arith.index_cast %get3A_50 : i32 to index
      %get3A_52 = arith.constant 0 : index
      %get3A_53 = tpu.vector_load %arg5[%get3A_51, %get3A_52] {strides = array<i32>} : memref<8x128xi32, #tpu.memory_space<vmem>>, vector<16xi32>,
      tpu.vector_store_idx %arg4[%get3A_53], %broadcast_in_dim3A_5 {add = true} : memref<10240xf32, #tpu.memory_space<vmem>>[vector<16xi32>], vector<16xf32>,
      %get3A_54 = arith.constant 1 : i32
      %get3A_55 = arith.index_cast %get3A_54 : i32 to index
      %get3A_56 = arith.constant 16 : index
      %get3A_57 = tpu.vector_load %arg5[%get3A_55, %get3A_56] {strides = array<i32>} : memref<8x128xi32, #tpu.memory_space<vmem>>, vector<16xi32>,
      tpu.vector_store_idx %arg4[%get3A_57], %broadcast_in_dim3A_5 {add = true} : memref<10240xf32, #tpu.memory_space<vmem>>[vector<16xi32>], vector<16xf32>,
      %get3A_58 = arith.constant 1 : i32
      %get3A_59 = arith.index_cast %get3A_58 : i32 to index
      %get3A_60 = arith.constant 32 : index
      %get3A_61 = tpu.vector_load %arg5[%get3A_59, %get3A_60] {strides = array<i32>} : memref<8x128xi32, #tpu.memory_space<vmem>>, vector<16xi32>,
      tpu.vector_store_idx %arg4[%get3A_61], %broadcast_in_dim3A_5 {add = true} : memref<10240xf32, #tpu.memory_space<vmem>>[vector<16xi32>], vector<16xf32>,
      %get3A_62 = arith.constant 1 : i32
      %get3A_63 = arith.index_cast %get3A_62 : i32 to index
      %get3A_64 = arith.constant 48 : index
      %get3A_65 = tpu.vector_load %arg5[%get3A_63, %get3A_64] {strides = array<i32>} : memref<8x128xi32, #tpu.memory_space<vmem>>, vector<16xi32>,
      tpu.vector_store_idx %arg4[%get3A_65], %broadcast_in_dim3A_5 {add = true} : memref<10240xf32, #tpu.memory_space<vmem>>[vector<16xi32>], vector<16xf32>,
      %get3A_66 = arith.constant 1 : i32
      %get3A_67 = arith.index_cast %get3A_66 : i32 to index
      %get3A_68 = arith.constant 64 : index
      %get3A_69 = tpu.vector_load %arg5[%get3A_67, %get3A_68] {strides = array<i32>} : memref<8x128xi32, #tpu.memory_space<vmem>>, vector<16xi32>,
      tpu.vector_store_idx %arg4[%get3A_69], %broadcast_in_dim3A_5 {add = true} : memref<10240xf32, #tpu.memory_space<vmem>>[vector<16xi32>], vector<16xf32>,
      %get3A_70 = arith.constant 1 : i32
      %get3A_71 = arith.index_cast %get3A_70 : i32 to index
      %get3A_72 = arith.constant 80 : index
      %get3A_73 = tpu.vector_load %arg5[%get3A_71, %get3A_72] {strides = array<i32>} : memref<8x128xi32, #tpu.memory_space<vmem>>, vector<16xi32>,
      tpu.vector_store_idx %arg4[%get3A_73], %broadcast_in_dim3A_5 {add = true} : memref<10240xf32, #tpu.memory_space<vmem>>[vector<16xi32>], vector<16xf32>,
      %get3A_74 = arith.constant 1 : i32
      %get3A_75 = arith.index_cast %get3A_74 : i32 to index
      %get3A_76 = arith.constant 96 : index
      %get3A_77 = tpu.vector_load %arg5[%get3A_75, %get3A_76] {strides = array<i32>} : memref<8x128xi32, #tpu.memory_space<vmem>>, vector<16xi32>,
      tpu.vector_store_idx %arg4[%get3A_77], %broadcast_in_dim3A_5 {add = true} : memref<10240xf32, #tpu.memory_space<vmem>>[vector<16xi32>], vector<16xf32>,
      %get3A_78 = arith.constant 1 : i32
      %get3A_79 = arith.index_cast %get3A_78 : i32 to index
      %get3A_80 = arith.constant 112 : index
      %get3A_81 = tpu.vector_load %arg5[%get3A_79, %get3A_80] {strides = array<i32>} : memref<8x128xi32, #tpu.memory_space<vmem>>, vector<16xi32>,
      tpu.vector_store_idx %arg4[%get3A_81], %broadcast_in_dim3A_5 {add = true} : memref<10240xf32, #tpu.memory_space<vmem>>[vector<16xi32>], vector<16xf32>,
      %get3A_82 = arith.constant 2 : i32
      %get3A_83 = arith.index_cast %get3A_82 : i32 to index
      %get3A_84 = arith.constant 0 : index
      %get3A_85 = tpu.vector_load %arg5[%get3A_83, %get3A_84] {strides = array<i32>} : memref<8x128xi32, #tpu.memory_space<vmem>>, vector<16xi32>,
      tpu.vector_store_idx %arg4[%get3A_85], %broadcast_in_dim3A_5 {add = true} : memref<10240xf32, #tpu.memory_space<vmem>>[vector<16xi32>], vector<16xf32>,
      %get3A_86 = arith.constant 2 : i32
      %get3A_87 = arith.index_cast %get3A_86 : i32 to index
      %get3A_88 = arith.constant 16 : index
      %get3A_89 = tpu.vector_load %arg5[%get3A_87, %get3A_88] {strides = array<i32>} : memref<8x128xi32, #tpu.memory_space<vmem>>, vector<16xi32>,
      tpu.vector_store_idx %arg4[%get3A_89], %broadcast_in_dim3A_5 {add = true} : memref<10240xf32, #tpu.memory_space<vmem>>[vector<16xi32>], vector<16xf32>,
      %get3A_90 = arith.constant 2 : i32
      %get3A_91 = arith.index_cast %get3A_90 : i32 to index
      %get3A_92 = arith.constant 32 : index
      %get3A_93 = tpu.vector_load %arg5[%get3A_91, %get3A_92] {strides = array<i32>} : memref<8x128xi32, #tpu.memory_space<vmem>>, vector<16xi32>,
      tpu.vector_store_idx %arg4[%get3A_93], %broadcast_in_dim3A_5 {add = true} : memref<10240xf32, #tpu.memory_space<vmem>>[vector<16xi32>], vector<16xf32>,
      %get3A_94 = arith.constant 2 : i32
      %get3A_95 = arith.index_cast %get3A_94 : i32 to index
      %get3A_96 = arith.constant 48 : index
      %get3A_97 = tpu.vector_load %arg5[%get3A_95, %get3A_96] {strides = array<i32>} : memref<8x128xi32, #tpu.memory_space<vmem>>, vector<16xi32>,
      tpu.vector_store_idx %arg4[%get3A_97], %broadcast_in_dim3A_5 {add = true} : memref<10240xf32, #tpu.memory_space<vmem>>[vector<16xi32>], vector<16xf32>,
      %get3A_98 = arith.constant 2 : i32
      %get3A_99 = arith.index_cast %get3A_98 : i32 to index
      %get3A_100 = arith.constant 64 : index
      %get3A_101 = tpu.vector_load %arg5[%get3A_99, %get3A_100] {strides = array<i32>} : memref<8x128xi32, #tpu.memory_space<vmem>>, vector<16xi32>,
      tpu.vector_store_idx %arg4[%get3A_101], %broadcast_in_dim3A_5 {add = true} : memref<10240xf32, #tpu.memory_space<vmem>>[vector<16xi32>], vector<16xf32>,
      %get3A_102 = arith.constant 2 : i32
      %get3A_103 = arith.index_cast %get3A_102 : i32 to index
      %get3A_104 = arith.constant 80 : index
      %get3A_105 = tpu.vector_load %arg5[%get3A_103, %get3A_104] {strides = array<i32>} : memref<8x128xi32, #tpu.memory_space<vmem>>, vector<16xi32>,
      tpu.vector_store_idx %arg4[%get3A_105], %broadcast_in_dim3A_5 {add = true} : memref<10240xf32, #tpu.memory_space<vmem>>[vector<16xi32>], vector<16xf32>,
      %get3A_106 = arith.constant 2 : i32
      %get3A_107 = arith.index_cast %get3A_106 : i32 to index
      %get3A_108 = arith.constant 96 : index
      %get3A_109 = tpu.vector_load %arg5[%get3A_107, %get3A_108] {strides = array<i32>} : memref<8x128xi32, #tpu.memory_space<vmem>>, vector<16xi32>,
      tpu.vector_store_idx %arg4[%get3A_109], %broadcast_in_dim3A_5 {add = true} : memref<10240xf32, #tpu.memory_space<vmem>>[vector<16xi32>], vector<16xf32>,
      %get3A_110 = arith.constant 2 : i32
      %get3A_111 = arith.index_cast %get3A_110 : i32 to index
      %get3A_112 = arith.constant 112 : index
      %get3A_113 = tpu.vector_load %arg5[%get3A_111, %get3A_112] {strides = array<i32>} : memref<8x128xi32, #tpu.memory_space<vmem>>, vector<16xi32>,
      tpu.vector_store_idx %arg4[%get3A_113], %broadcast_in_dim3A_5 {add = true} : memref<10240xf32, #tpu.memory_space<vmem>>[vector<16xi32>], vector<16xf32>,
      %get3A_114 = arith.constant 3 : i32
      %get3A_115 = arith.index_cast %get3A_114 : i32 to index
      %get3A_116 = arith.constant 0 : index
      %get3A_117 = tpu.vector_load %arg5[%get3A_115, %get3A_116] {strides = array<i32>} : memref<8x128xi32, #tpu.memory_space<vmem>>, vector<16xi32>,
      tpu.vector_store_idx %arg4[%get3A_117], %broadcast_in_dim3A_5 {add = true} : memref<10240xf32, #tpu.memory_space<vmem>>[vector<16xi32>], vector<16xf32>,
      %get3A_118 = arith.constant 3 : i32
      %get3A_119 = arith.index_cast %get3A_118 : i32 to index
      %get3A_120 = arith.constant 16 : index
      %get3A_121 = tpu.vector_load %arg5[%get3A_119, %get3A_120] {strides = array<i32>} : memref<8x128xi32, #tpu.memory_space<vmem>>, vector<16xi32>,
      tpu.vector_store_idx %arg4[%get3A_121], %broadcast_in_dim3A_5 {add = true} : memref<10240xf32, #tpu.memory_space<vmem>>[vector<16xi32>], vector<16xf32>,
      %get3A_122 = arith.constant 3 : i32
      %get3A_123 = arith.index_cast %get3A_122 : i32 to index
      %get3A_124 = arith.constant 32 : index
      %get3A_125 = tpu.vector_load %arg5[%get3A_123, %get3A_124] {strides = array<i32>} : memref<8x128xi32, #tpu.memory_space<vmem>>, vector<16xi32>,
      tpu.vector_store_idx %arg4[%get3A_125], %broadcast_in_dim3A_5 {add = true} : memref<10240xf32, #tpu.memory_space<vmem>>[vector<16xi32>], vector<16xf32>,
      %get3A_126 = arith.constant 3 : i32
      %get3A_127 = arith.index_cast %get3A_126 : i32 to index
      %get3A_128 = arith.constant 48 : index
      %get3A_129 = tpu.vector_load %arg5[%get3A_127, %get3A_128] {strides = array<i32>} : memref<8x128xi32, #tpu.memory_space<vmem>>, vector<16xi32>,
      tpu.vector_store_idx %arg4[%get3A_129], %broadcast_in_dim3A_5 {add = true} : memref<10240xf32, #tpu.memory_space<vmem>>[vector<16xi32>], vector<16xf32>,
      %get3A_130 = arith.constant 3 : i32
      %get3A_131 = arith.index_cast %get3A_130 : i32 to index
      %get3A_132 = arith.constant 64 : index
      %get3A_133 = tpu.vector_load %arg5[%get3A_131, %get3A_132] {strides = array<i32>} : memref<8x128xi32, #tpu.memory_space<vmem>>, vector<16xi32>,
      tpu.vector_store_idx %arg4[%get3A_133], %broadcast_in_dim3A_5 {add = true} : memref<10240xf32, #tpu.memory_space<vmem>>[vector<16xi32>], vector<16xf32>,
      %get3A_134 = arith.constant 3 : i32
      %get3A_135 = arith.index_cast %get3A_134 : i32 to index
      %get3A_136 = arith.constant 80 : index
      %get3A_137 = tpu.vector_load %arg5[%get3A_135, %get3A_136] {strides = array<i32>} : memref<8x128xi32, #tpu.memory_space<vmem>>, vector<16xi32>,
      tpu.vector_store_idx %arg4[%get3A_137], %broadcast_in_dim3A_5 {add = true} : memref<10240xf32, #tpu.memory_space<vmem>>[vector<16xi32>], vector<16xf32>,
      %get3A_138 = arith.constant 3 : i32
      %get3A_139 = arith.index_cast %get3A_138 : i32 to index
      %get3A_140 = arith.constant 96 : index
      %get3A_141 = tpu.vector_load %arg5[%get3A_139, %get3A_140] {strides = array<i32>} : memref<8x128xi32, #tpu.memory_space<vmem>>, vector<16xi32>,
      tpu.vector_store_idx %arg4[%get3A_141], %broadcast_in_dim3A_5 {add = true} : memref<10240xf32, #tpu.memory_space<vmem>>[vector<16xi32>], vector<16xf32>,
      %get3A_142 = arith.constant 3 : i32
      %get3A_143 = arith.index_cast %get3A_142 : i32 to index
      %get3A_144 = arith.constant 112 : index
      %get3A_145 = tpu.vector_load %arg5[%get3A_143, %get3A_144] {strides = array<i32>} : memref<8x128xi32, #tpu.memory_space<vmem>>, vector<16xi32>,
      tpu.vector_store_idx %arg4[%get3A_145], %broadcast_in_dim3A_5 {add = true} : memref<10240xf32, #tpu.memory_space<vmem>>[vector<16xi32>], vector<16xf32>,
      %get3A_146 = arith.constant 4 : i32
      %get3A_147 = arith.index_cast %get3A_146 : i32 to index
      %get3A_148 = arith.constant 0 : index
      %get3A_149 = tpu.vector_load %arg5[%get3A_147, %get3A_148] {strides = array<i32>} : memref<8x128xi32, #tpu.memory_space<vmem>>, vector<16xi32>,
      tpu.vector_store_idx %arg4[%get3A_149], %broadcast_in_dim3A_5 {add = true} : memref<10240xf32, #tpu.memory_space<vmem>>[vector<16xi32>], vector<16xf32>,
      %get3A_150 = arith.constant 4 : i32
      %get3A_151 = arith.index_cast %get3A_150 : i32 to index
      %get3A_152 = arith.constant 16 : index
      %get3A_153 = tpu.vector_load %arg5[%get3A_151, %get3A_152] {strides = array<i32>} : memref<8x128xi32, #tpu.memory_space<vmem>>, vector<16xi32>,
      tpu.vector_store_idx %arg4[%get3A_153], %broadcast_in_dim3A_5 {add = true} : memref<10240xf32, #tpu.memory_space<vmem>>[vector<16xi32>], vector<16xf32>,
      %get3A_154 = arith.constant 4 : i32
      %get3A_155 = arith.index_cast %get3A_154 : i32 to index
      %get3A_156 = arith.constant 32 : index
      %get3A_157 = tpu.vector_load %arg5[%get3A_155, %get3A_156] {strides = array<i32>} : memref<8x128xi32, #tpu.memory_space<vmem>>, vector<16xi32>,
      tpu.vector_store_idx %arg4[%get3A_157], %broadcast_in_dim3A_5 {add = true} : memref<10240xf32, #tpu.memory_space<vmem>>[vector<16xi32>], vector<16xf32>,
      %get3A_158 = arith.constant 4 : i32
      %get3A_159 = arith.index_cast %get3A_158 : i32 to index
      %get3A_160 = arith.constant 48 : index
      %get3A_161 = tpu.vector_load %arg5[%get3A_159, %get3A_160] {strides = array<i32>} : memref<8x128xi32, #tpu.memory_space<vmem>>, vector<16xi32>,
      tpu.vector_store_idx %arg4[%get3A_161], %broadcast_in_dim3A_5 {add = true} : memref<10240xf32, #tpu.memory_space<vmem>>[vector<16xi32>], vector<16xf32>,
      %get3A_162 = arith.constant 4 : i32
      %get3A_163 = arith.index_cast %get3A_162 : i32 to index
      %get3A_164 = arith.constant 64 : index
      %get3A_165 = tpu.vector_load %arg5[%get3A_163, %get3A_164] {strides = array<i32>} : memref<8x128xi32, #tpu.memory_space<vmem>>, vector<16xi32>,
      tpu.vector_store_idx %arg4[%get3A_165], %broadcast_in_dim3A_5 {add = true} : memref<10240xf32, #tpu.memory_space<vmem>>[vector<16xi32>], vector<16xf32>,
      %get3A_166 = arith.constant 4 : i32
      %get3A_167 = arith.index_cast %get3A_166 : i32 to index
      %get3A_168 = arith.constant 80 : index
      %get3A_169 = tpu.vector_load %arg5[%get3A_167, %get3A_168] {strides = array<i32>} : memref<8x128xi32, #tpu.memory_space<vmem>>, vector<16xi32>,
      tpu.vector_store_idx %arg4[%get3A_169], %broadcast_in_dim3A_5 {add = true} : memref<10240xf32, #tpu.memory_space<vmem>>[vector<16xi32>], vector<16xf32>,
      %get3A_170 = arith.constant 4 : i32
      %get3A_171 = arith.index_cast %get3A_170 : i32 to index
      %get3A_172 = arith.constant 96 : index
      %get3A_173 = tpu.vector_load %arg5[%get3A_171, %get3A_172] {strides = array<i32>} : memref<8x128xi32, #tpu.memory_space<vmem>>, vector<16xi32>,
      tpu.vector_store_idx %arg4[%get3A_173], %broadcast_in_dim3A_5 {add = true} : memref<10240xf32, #tpu.memory_space<vmem>>[vector<16xi32>], vector<16xf32>,
      %get3A_174 = arith.constant 4 : i32
      %get3A_175 = arith.index_cast %get3A_174 : i32 to index
      %get3A_176 = arith.constant 112 : index
      %get3A_177 = tpu.vector_load %arg5[%get3A_175, %get3A_176] {strides = array<i32>} : memref<8x128xi32, #tpu.memory_space<vmem>>, vector<16xi32>,
      tpu.vector_store_idx %arg4[%get3A_177], %broadcast_in_dim3A_5 {add = true} : memref<10240xf32, #tpu.memory_space<vmem>>[vector<16xi32>], vector<16xf32>,
      %get3A_178 = arith.constant 5 : i32
      %get3A_179 = arith.index_cast %get3A_178 : i32 to index
      %get3A_180 = arith.constant 0 : index
      %get3A_181 = tpu.vector_load %arg5[%get3A_179, %get3A_180] {strides = array<i32>} : memref<8x128xi32, #tpu.memory_space<vmem>>, vector<16xi32>,
      tpu.vector_store_idx %arg4[%get3A_181], %broadcast_in_dim3A_5 {add = true} : memref<10240xf32, #tpu.memory_space<vmem>>[vector<16xi32>], vector<16xf32>,
      %get3A_182 = arith.constant 5 : i32
      %get3A_183 = arith.index_cast %get3A_182 : i32 to index
      %get3A_184 = arith.constant 16 : index
      %get3A_185 = tpu.vector_load %arg5[%get3A_183, %get3A_184] {strides = array<i32>} : memref<8x128xi32, #tpu.memory_space<vmem>>, vector<16xi32>,
      tpu.vector_store_idx %arg4[%get3A_185], %broadcast_in_dim3A_5 {add = true} : memref<10240xf32, #tpu.memory_space<vmem>>[vector<16xi32>], vector<16xf32>,
      %get3A_186 = arith.constant 5 : i32
      %get3A_187 = arith.index_cast %get3A_186 : i32 to index
      %get3A_188 = arith.constant 32 : index
      %get3A_189 = tpu.vector_load %arg5[%get3A_187, %get3A_188] {strides = array<i32>} : memref<8x128xi32, #tpu.memory_space<vmem>>, vector<16xi32>,
      tpu.vector_store_idx %arg4[%get3A_189], %broadcast_in_dim3A_5 {add = true} : memref<10240xf32, #tpu.memory_space<vmem>>[vector<16xi32>], vector<16xf32>,
      %get3A_190 = arith.constant 5 : i32
      %get3A_191 = arith.index_cast %get3A_190 : i32 to index
      %get3A_192 = arith.constant 48 : index
      %get3A_193 = tpu.vector_load %arg5[%get3A_191, %get3A_192] {strides = array<i32>} : memref<8x128xi32, #tpu.memory_space<vmem>>, vector<16xi32>,
      tpu.vector_store_idx %arg4[%get3A_193], %broadcast_in_dim3A_5 {add = true} : memref<10240xf32, #tpu.memory_space<vmem>>[vector<16xi32>], vector<16xf32>,
      %get3A_194 = arith.constant 5 : i32
      %get3A_195 = arith.index_cast %get3A_194 : i32 to index
      %get3A_196 = arith.constant 64 : index
      %get3A_197 = tpu.vector_load %arg5[%get3A_195, %get3A_196] {strides = array<i32>} : memref<8x128xi32, #tpu.memory_space<vmem>>, vector<16xi32>,
      tpu.vector_store_idx %arg4[%get3A_197], %broadcast_in_dim3A_5 {add = true} : memref<10240xf32, #tpu.memory_space<vmem>>[vector<16xi32>], vector<16xf32>,
      %get3A_198 = arith.constant 5 : i32
      %get3A_199 = arith.index_cast %get3A_198 : i32 to index
      %get3A_200 = arith.constant 80 : index
      %get3A_201 = tpu.vector_load %arg5[%get3A_199, %get3A_200] {strides = array<i32>} : memref<8x128xi32, #tpu.memory_space<vmem>>, vector<16xi32>,
      tpu.vector_store_idx %arg4[%get3A_201], %broadcast_in_dim3A_5 {add = true} : memref<10240xf32, #tpu.memory_space<vmem>>[vector<16xi32>], vector<16xf32>,
      %get3A_202 = arith.constant 5 : i32
      %get3A_203 = arith.index_cast %get3A_202 : i32 to index
      %get3A_204 = arith.constant 96 : index
      %get3A_205 = tpu.vector_load %arg5[%get3A_203, %get3A_204] {strides = array<i32>} : memref<8x128xi32, #tpu.memory_space<vmem>>, vector<16xi32>,
      tpu.vector_store_idx %arg4[%get3A_205], %broadcast_in_dim3A_5 {add = true} : memref<10240xf32, #tpu.memory_space<vmem>>[vector<16xi32>], vector<16xf32>,
      %get3A_206 = arith.constant 5 : i32
      %get3A_207 = arith.index_cast %get3A_206 : i32 to index
      %get3A_208 = arith.constant 112 : index
      %get3A_209 = tpu.vector_load %arg5[%get3A_207, %get3A_208] {strides = array<i32>} : memref<8x128xi32, #tpu.memory_space<vmem>>, vector<16xi32>,
      tpu.vector_store_idx %arg4[%get3A_209], %broadcast_in_dim3A_5 {add = true} : memref<10240xf32, #tpu.memory_space<vmem>>[vector<16xi32>], vector<16xf32>,
      %get3A_210 = arith.constant 6 : i32
      %get3A_211 = arith.index_cast %get3A_210 : i32 to index
      %get3A_212 = arith.constant 0 : index
      %get3A_213 = tpu.vector_load %arg5[%get3A_211, %get3A_212] {strides = array<i32>} : memref<8x128xi32, #tpu.memory_space<vmem>>, vector<16xi32>,
      tpu.vector_store_idx %arg4[%get3A_213], %broadcast_in_dim3A_5 {add = true} : memref<10240xf32, #tpu.memory_space<vmem>>[vector<16xi32>], vector<16xf32>,
      %get3A_214 = arith.constant 6 : i32
      %get3A_215 = arith.index_cast %get3A_214 : i32 to index
      %get3A_216 = arith.constant 16 : index
      %get3A_217 = tpu.vector_load %arg5[%get3A_215, %get3A_216] {strides = array<i32>} : memref<8x128xi32, #tpu.memory_space<vmem>>, vector<16xi32>,
      tpu.vector_store_idx %arg4[%get3A_217], %broadcast_in_dim3A_5 {add = true} : memref<10240xf32, #tpu.memory_space<vmem>>[vector<16xi32>], vector<16xf32>,
      %get3A_218 = arith.constant 6 : i32
      %get3A_219 = arith.index_cast %get3A_218 : i32 to index
      %get3A_220 = arith.constant 32 : index
      %get3A_221 = tpu.vector_load %arg5[%get3A_219, %get3A_220] {strides = array<i32>} : memref<8x128xi32, #tpu.memory_space<vmem>>, vector<16xi32>,
      tpu.vector_store_idx %arg4[%get3A_221], %broadcast_in_dim3A_5 {add = true} : memref<10240xf32, #tpu.memory_space<vmem>>[vector<16xi32>], vector<16xf32>,
      %get3A_222 = arith.constant 6 : i32
      %get3A_223 = arith.index_cast %get3A_222 : i32 to index
      %get3A_224 = arith.constant 48 : index
      %get3A_225 = tpu.vector_load %arg5[%get3A_223, %get3A_224] {strides = array<i32>} : memref<8x128xi32, #tpu.memory_space<vmem>>, vector<16xi32>,
      tpu.vector_store_idx %arg4[%get3A_225], %broadcast_in_dim3A_5 {add = true} : memref<10240xf32, #tpu.memory_space<vmem>>[vector<16xi32>], vector<16xf32>,
      %get3A_226 = arith.constant 6 : i32
      %get3A_227 = arith.index_cast %get3A_226 : i32 to index
      %get3A_228 = arith.constant 64 : index
      %get3A_229 = tpu.vector_load %arg5[%get3A_227, %get3A_228] {strides = array<i32>} : memref<8x128xi32, #tpu.memory_space<vmem>>, vector<16xi32>,
      tpu.vector_store_idx %arg4[%get3A_229], %broadcast_in_dim3A_5 {add = true} : memref<10240xf32, #tpu.memory_space<vmem>>[vector<16xi32>], vector<16xf32>,
      %get3A_230 = arith.constant 6 : i32
      %get3A_231 = arith.index_cast %get3A_230 : i32 to index
      %get3A_232 = arith.constant 80 : index
      %get3A_233 = tpu.vector_load %arg5[%get3A_231, %get3A_232] {strides = array<i32>} : memref<8x128xi32, #tpu.memory_space<vmem>>, vector<16xi32>,
      tpu.vector_store_idx %arg4[%get3A_233], %broadcast_in_dim3A_5 {add = true} : memref<10240xf32, #tpu.memory_space<vmem>>[vector<16xi32>], vector<16xf32>,
      %get3A_234 = arith.constant 6 : i32
      %get3A_235 = arith.index_cast %get3A_234 : i32 to index
      %get3A_236 = arith.constant 96 : index
      %get3A_237 = tpu.vector_load %arg5[%get3A_235, %get3A_236] {strides = array<i32>} : memref<8x128xi32, #tpu.memory_space<vmem>>, vector<16xi32>,
      tpu.vector_store_idx %arg4[%get3A_237], %broadcast_in_dim3A_5 {add = true} : memref<10240xf32, #tpu.memory_space<vmem>>[vector<16xi32>], vector<16xf32>,
      %get3A_238 = arith.constant 6 : i32
      %get3A_239 = arith.index_cast %get3A_238 : i32 to index
      %get3A_240 = arith.constant 112 : index
      %get3A_241 = tpu.vector_load %arg5[%get3A_239, %get3A_240] {strides = array<i32>} : memref<8x128xi32, #tpu.memory_space<vmem>>, vector<16xi32>,
      tpu.vector_store_idx %arg4[%get3A_241], %broadcast_in_dim3A_5 {add = true} : memref<10240xf32, #tpu.memory_space<vmem>>[vector<16xi32>], vector<16xf32>,
      %get3A_242 = arith.constant 7 : i32
      %get3A_243 = arith.index_cast %get3A_242 : i32 to index
      %get3A_244 = arith.constant 0 : index
      %get3A_245 = tpu.vector_load %arg5[%get3A_243, %get3A_244] {strides = array<i32>} : memref<8x128xi32, #tpu.memory_space<vmem>>, vector<16xi32>,
      tpu.vector_store_idx %arg4[%get3A_245], %broadcast_in_dim3A_5 {add = true} : memref<10240xf32, #tpu.memory_space<vmem>>[vector<16xi32>], vector<16xf32>,
      %get3A_246 = arith.constant 7 : i32
      %get3A_247 = arith.index_cast %get3A_246 : i32 to index
      %get3A_248 = arith.constant 16 : index
      %get3A_249 = tpu.vector_load %arg5[%get3A_247, %get3A_248] {strides = array<i32>} : memref<8x128xi32, #tpu.memory_space<vmem>>, vector<16xi32>,
      tpu.vector_store_idx %arg4[%get3A_249], %broadcast_in_dim3A_5 {add = true} : memref<10240xf32, #tpu.memory_space<vmem>>[vector<16xi32>], vector<16xf32>,
      %get3A_250 = arith.constant 7 : i32
      %get3A_251 = arith.index_cast %get3A_250 : i32 to index
      %get3A_252 = arith.constant 32 : index
      %get3A_253 = tpu.vector_load %arg5[%get3A_251, %get3A_252] {strides = array<i32>} : memref<8x128xi32, #tpu.memory_space<vmem>>, vector<16xi32>,
      tpu.vector_store_idx %arg4[%get3A_253], %broadcast_in_dim3A_5 {add = true} : memref<10240xf32, #tpu.memory_space<vmem>>[vector<16xi32>], vector<16xf32>,
      %get3A_254 = arith.constant 7 : i32
      %get3A_255 = arith.index_cast %get3A_254 : i32 to index
      %get3A_256 = arith.constant 48 : index
      %get3A_257 = tpu.vector_load %arg5[%get3A_255, %get3A_256] {strides = array<i32>} : memref<8x128xi32, #tpu.memory_space<vmem>>, vector<16xi32>,
      tpu.vector_store_idx %arg4[%get3A_257], %broadcast_in_dim3A_5 {add = true} : memref<10240xf32, #tpu.memory_space<vmem>>[vector<16xi32>], vector<16xf32>,
      %get3A_258 = arith.constant 7 : i32
      %get3A_259 = arith.index_cast %get3A_258 : i32 to index
      %get3A_260 = arith.constant 64 : index
      %get3A_261 = tpu.vector_load %arg5[%get3A_259, %get3A_260] {strides = array<i32>} : memref<8x128xi32, #tpu.memory_space<vmem>>, vector<16xi32>,
      tpu.vector_store_idx %arg4[%get3A_261], %broadcast_in_dim3A_5 {add = true} : memref<10240xf32, #tpu.memory_space<vmem>>[vector<16xi32>], vector<16xf32>,
      %get3A_262 = arith.constant 7 : i32
      %get3A_263 = arith.index_cast %get3A_262 : i32 to index
      %get3A_264 = arith.constant 80 : index
      %get3A_265 = tpu.vector_load %arg5[%get3A_263, %get3A_264] {strides = array<i32>} : memref<8x128xi32, #tpu.memory_space<vmem>>, vector<16xi32>,
      tpu.vector_store_idx %arg4[%get3A_265], %broadcast_in_dim3A_5 {add = true} : memref<10240xf32, #tpu.memory_space<vmem>>[vector<16xi32>], vector<16xf32>,
      %get3A_266 = arith.constant 7 : i32
      %get3A_267 = arith.index_cast %get3A_266 : i32 to index
      %get3A_268 = arith.constant 96 : index
      %get3A_269 = tpu.vector_load %arg5[%get3A_267, %get3A_268] {strides = array<i32>} : memref<8x128xi32, #tpu.memory_space<vmem>>, vector<16xi32>,
      tpu.vector_store_idx %arg4[%get3A_269], %broadcast_in_dim3A_5 {add = true} : memref<10240xf32, #tpu.memory_space<vmem>>[vector<16xi32>], vector<16xf32>,
      %get3A_270 = arith.constant 7 : i32
      %get3A_271 = arith.index_cast %get3A_270 : i32 to index
      %get3A_272 = arith.constant 112 : index
      %get3A_273 = tpu.vector_load %arg5[%get3A_271, %get3A_272] {strides = array<i32>} : memref<8x128xi32, #tpu.memory_space<vmem>>, vector<16xi32>,
      tpu.vector_store_idx %arg4[%get3A_273], %broadcast_in_dim3A_5 {add = true} : memref<10240xf32, #tpu.memory_space<vmem>>[vector<16xi32>], vector<16xf32>,
    }
    %scan3A_12 = arith.constant 10 : i32
    "tpu.region"() ({
      %run_scoped3A = tpu.sem_alloc : memref<!tpu.dma_semaphore, #tpu.memory_space<semaphore_mem>>
      %dma_start3A = arith.constant 0 : i32
      %dma_start3A_13 = tpu.memref_slice %arg3[%add3A, %dma_start3A] : memref<32x10240xf32, #tpu.memory_space<hbm>> -> memref<1x10240xf32, #tpu.memory_space<hbm>>
      %dma_start3A_14 = tpu.memref_squeeze %dma_start3A_13 : memref<1x10240xf32, #tpu.memory_space<hbm>> -> memref<10240xf32, #tpu.memory_space<hbm>>
      %dma_start3A_15 = arith.constant 0 : i32
      %dma_start3A_16 = tpu.memref_slice %arg3[%add3A, %dma_start3A_15] : memref<32x10240xf32, #tpu.memory_space<hbm>> -> memref<1x10240xf32, #tpu.memory_space<hbm>>
      %dma_start3A_17 = tpu.memref_squeeze %dma_start3A_16 : memref<1x10240xf32, #tpu.memory_space<hbm>> -> memref<10240xf32, #tpu.memory_space<hbm>>
      tpu.enqueue_dma source(%arg4 : memref<10240xf32, #tpu.memory_space<vmem>>) target(%dma_start3A_17 : memref<10240xf32, #tpu.memory_space<hbm>>) target_semaphore(%run_scoped3A : memref<!tpu.dma_semaphore, #tpu.memory_space<semaphore_mem>>)
      %dma_wait3A = arith.constant 0 : i32
      %dma_wait3A_18 = tpu.memref_slice %arg3[%add3A, %dma_wait3A] : memref<32x10240xf32, #tpu.memory_space<hbm>> -> memref<1x10240xf32, #tpu.memory_space<hbm>>
      %dma_wait3A_19 = tpu.memref_squeeze %dma_wait3A_18 : memref<1x10240xf32, #tpu.memory_space<hbm>> -> memref<10240xf32, #tpu.memory_space<hbm>>
      %dma_wait3A_20 = arith.constant 0 : i32
      %dma_wait3A_21 = tpu.memref_slice %arg3[%add3A, %dma_wait3A_20] : memref<32x10240xf32, #tpu.memory_space<hbm>> -> memref<1x10240xf32, #tpu.memory_space<hbm>>
      %dma_wait3A_22 = tpu.memref_squeeze %dma_wait3A_21 : memref<1x10240xf32, #tpu.memory_space<hbm>> -> memref<10240xf32, #tpu.memory_space<hbm>>
      tpu.wait_dma2 semaphore(%run_scoped3A : memref<!tpu.dma_semaphore, #tpu.memory_space<semaphore_mem>>) src(%arg4 : memref<10240xf32, #tpu.memory_space<vmem>>) dst(%dma_wait3A_22 : memref<10240xf32, #tpu.memory_space<hbm>>)
      tpu.yield
    }) : () -> ()
    return
  }
}

#map = affine_map<(d0, d1) -> (0, 0)>
#map1 = affine_map<(d0, d1) -> (0, 0, 0)>
module attributes {stable_mosaic.version = 14 : i64} {
  func.func @_sc_agg(%arg0: i32, %arg1: i32, %arg2: memref<2560x128xi32, #tpu.memory_space<hbm>>, %arg3: memref<2560x128xi32, #tpu.memory_space<hbm>>, %arg4: memref<10240x128xf32, #tpu.memory_space<hbm>>, %arg5: memref<2x10240x128xf32, #tpu.memory_space<hbm>>, %arg6: memref<10240x128xf32, #tpu.memory_space<vmem_shared>>, %arg7: memref<8x128xi32, #tpu.memory_space<vmem>>, %arg8: memref<8x128xi32, #tpu.memory_space<vmem>>, %arg9: memref<128x128xf32, #tpu.memory_space<vmem>>, %arg10: memref<128x128xf32, #tpu.memory_space<vmem>>, %arg11: memref<!tpu.dma_semaphore, #tpu.memory_space<semaphore_mem>>, %arg12: memref<!tpu.dma_semaphore, #tpu.memory_space<semaphore_mem>>) attributes {dimension_semantics = [#tpu.dimension_semantics<core_parallel>, #tpu.dimension_semantics<subcore_parallel>], iteration_bounds = array<i64: 2, 16>, scalar_prefetch = 0 : i64, scratch_operands = 7 : i64, tpu.core_type = #tpu.core_type<sc_vector_subcore>, window_params = [{transform_indices = #map}, {transform_indices = #map}, {transform_indices = #map}, {transform_indices = #map1}]} {
    %mul3A = arith.constant 640 : i32
    %mul3A_0 = arith.muli %arg1, %mul3A : i32
    %scan3A = arith.constant 0 : i32
    %scan3A_1 = arith.constant 128 : i32
    %scan3A_2 = arith.addi %scan3A, %scan3A_1 : i32
    %scan3A_3 = arith.constant 1 : i32
    scf.for %scan3A_35 = %scan3A to %scan3A_2 step %scan3A_3  : i32 {
      %mul3A_36 = arith.constant 1 : i32
      %mul3A_37 = arith.muli %scan3A_35, %mul3A_36 : i32
      %add3A_38 = arith.constant 0 : i32
      %add3A_39 = arith.addi %add3A_38, %mul3A_37 : i32
      %scan3A_40 = arith.constant 0 : i32
      %scan3A_41 = arith.constant 8 : i32
      %scan3A_42 = arith.addi %scan3A_40, %scan3A_41 : i32
      %scan3A_43 = arith.constant 1 : i32
      scf.for %scan3A_45 = %scan3A_40 to %scan3A_42 step %scan3A_43  : i32 {
        %mul3A_46 = arith.constant 16 : i32
        %mul3A_47 = arith.muli %scan3A_45, %mul3A_46 : i32
        %add3A_48 = arith.constant 0 : i32
        %add3A_49 = arith.addi %add3A_48, %mul3A_47 : i32
        %broadcast_in_dim3A = arith.constant 0.000000e+00 : f32
        %broadcast_in_dim3A_50 = vector.broadcast %broadcast_in_dim3A : f32 to vector<16xf32>
        %swap3A = arith.index_cast %add3A_39 : i32 to index
        %swap3A_51 = arith.index_cast %add3A_49 : i32 to index
        %swap3A_52 = tpu.vector_load %arg9[%swap3A, %swap3A_51] {strides = array<i32>} : memref<128x128xf32, #tpu.memory_space<vmem>>, vector<16xf32>,
        tpu.vector_store %arg9[%swap3A, %swap3A_51], %broadcast_in_dim3A_50 {strides = array<i32>} : memref<128x128xf32, #tpu.memory_space<vmem>>, vector<16xf32>,
      }
      %scan3A_44 = arith.constant 8 : i32
    }
    %scan3A_4 = arith.constant 128 : i32
    %mul3A_5 = arith.constant 640 : i32
    %mul3A_6 = arith.muli %arg1, %mul3A_5 : i32
    %add3A = arith.constant 0 : i32
    %add3A_7 = arith.addi %mul3A_6, %add3A : i32
    "tpu.region"() ({
      %run_scoped3A = tpu.sem_alloc : memref<!tpu.dma_semaphore, #tpu.memory_space<semaphore_mem>>
      %dma_start3A = arith.constant 0 : i32
      %dma_start3A_35 = tpu.memref_slice %arg6[%add3A_7, %dma_start3A] : memref<10240x128xf32, #tpu.memory_space<vmem_shared>> -> memref<128x128xf32, #tpu.memory_space<vmem_shared>>
      %dma_start3A_36 = arith.constant 0 : i32
      %dma_start3A_37 = tpu.memref_slice %arg6[%add3A_7, %dma_start3A_36] : memref<10240x128xf32, #tpu.memory_space<vmem_shared>> -> memref<128x128xf32, #tpu.memory_space<vmem_shared>>
      tpu.enqueue_dma source(%arg9 : memref<128x128xf32, #tpu.memory_space<vmem>>) target(%dma_start3A_37 : memref<128x128xf32, #tpu.memory_space<vmem_shared>>) target_semaphore(%run_scoped3A : memref<!tpu.dma_semaphore, #tpu.memory_space<semaphore_mem>>)
      %dma_wait3A = arith.constant 0 : i32
      %dma_wait3A_38 = tpu.memref_slice %arg6[%add3A_7, %dma_wait3A] : memref<10240x128xf32, #tpu.memory_space<vmem_shared>> -> memref<128x128xf32, #tpu.memory_space<vmem_shared>>
      %dma_wait3A_39 = arith.constant 0 : i32
      %dma_wait3A_40 = tpu.memref_slice %arg6[%add3A_7, %dma_wait3A_39] : memref<10240x128xf32, #tpu.memory_space<vmem_shared>> -> memref<128x128xf32, #tpu.memory_space<vmem_shared>>
      tpu.wait_dma2 semaphore(%run_scoped3A : memref<!tpu.dma_semaphore, #tpu.memory_space<semaphore_mem>>) src(%arg9 : memref<128x128xf32, #tpu.memory_space<vmem>>) dst(%dma_wait3A_40 : memref<128x128xf32, #tpu.memory_space<vmem_shared>>)
      tpu.yield
    }) : () -> ()
    %mul3A_8 = arith.constant 640 : i32
    %mul3A_9 = arith.muli %arg1, %mul3A_8 : i32
    %add3A_10 = arith.constant 128 : i32
    %add3A_11 = arith.addi %mul3A_9, %add3A_10 : i32
    "tpu.region"() ({
      %run_scoped3A = tpu.sem_alloc : memref<!tpu.dma_semaphore, #tpu.memory_space<semaphore_mem>>
      %dma_start3A = arith.constant 0 : i32
      %dma_start3A_35 = tpu.memref_slice %arg6[%add3A_11, %dma_start3A] : memref<10240x128xf32, #tpu.memory_space<vmem_shared>> -> memref<128x128xf32, #tpu.memory_space<vmem_shared>>
      %dma_start3A_36 = arith.constant 0 : i32
      %dma_start3A_37 = tpu.memref_slice %arg6[%add3A_11, %dma_start3A_36] : memref<10240x128xf32, #tpu.memory_space<vmem_shared>> -> memref<128x128xf32, #tpu.memory_space<vmem_shared>>
      tpu.enqueue_dma source(%arg9 : memref<128x128xf32, #tpu.memory_space<vmem>>) target(%dma_start3A_37 : memref<128x128xf32, #tpu.memory_space<vmem_shared>>) target_semaphore(%run_scoped3A : memref<!tpu.dma_semaphore, #tpu.memory_space<semaphore_mem>>)
      %dma_wait3A = arith.constant 0 : i32
      %dma_wait3A_38 = tpu.memref_slice %arg6[%add3A_11, %dma_wait3A] : memref<10240x128xf32, #tpu.memory_space<vmem_shared>> -> memref<128x128xf32, #tpu.memory_space<vmem_shared>>
      %dma_wait3A_39 = arith.constant 0 : i32
      %dma_wait3A_40 = tpu.memref_slice %arg6[%add3A_11, %dma_wait3A_39] : memref<10240x128xf32, #tpu.memory_space<vmem_shared>> -> memref<128x128xf32, #tpu.memory_space<vmem_shared>>
      tpu.wait_dma2 semaphore(%run_scoped3A : memref<!tpu.dma_semaphore, #tpu.memory_space<semaphore_mem>>) src(%arg9 : memref<128x128xf32, #tpu.memory_space<vmem>>) dst(%dma_wait3A_40 : memref<128x128xf32, #tpu.memory_space<vmem_shared>>)
      tpu.yield
    }) : () -> ()
    %mul3A_12 = arith.constant 640 : i32
    %mul3A_13 = arith.muli %arg1, %mul3A_12 : i32
    %add3A_14 = arith.constant 256 : i32
    %add3A_15 = arith.addi %mul3A_13, %add3A_14 : i32
    "tpu.region"() ({
      %run_scoped3A = tpu.sem_alloc : memref<!tpu.dma_semaphore, #tpu.memory_space<semaphore_mem>>
      %dma_start3A = arith.constant 0 : i32
      %dma_start3A_35 = tpu.memref_slice %arg6[%add3A_15, %dma_start3A] : memref<10240x128xf32, #tpu.memory_space<vmem_shared>> -> memref<128x128xf32, #tpu.memory_space<vmem_shared>>
      %dma_start3A_36 = arith.constant 0 : i32
      %dma_start3A_37 = tpu.memref_slice %arg6[%add3A_15, %dma_start3A_36] : memref<10240x128xf32, #tpu.memory_space<vmem_shared>> -> memref<128x128xf32, #tpu.memory_space<vmem_shared>>
      tpu.enqueue_dma source(%arg9 : memref<128x128xf32, #tpu.memory_space<vmem>>) target(%dma_start3A_37 : memref<128x128xf32, #tpu.memory_space<vmem_shared>>) target_semaphore(%run_scoped3A : memref<!tpu.dma_semaphore, #tpu.memory_space<semaphore_mem>>)
      %dma_wait3A = arith.constant 0 : i32
      %dma_wait3A_38 = tpu.memref_slice %arg6[%add3A_15, %dma_wait3A] : memref<10240x128xf32, #tpu.memory_space<vmem_shared>> -> memref<128x128xf32, #tpu.memory_space<vmem_shared>>
      %dma_wait3A_39 = arith.constant 0 : i32
      %dma_wait3A_40 = tpu.memref_slice %arg6[%add3A_15, %dma_wait3A_39] : memref<10240x128xf32, #tpu.memory_space<vmem_shared>> -> memref<128x128xf32, #tpu.memory_space<vmem_shared>>
      tpu.wait_dma2 semaphore(%run_scoped3A : memref<!tpu.dma_semaphore, #tpu.memory_space<semaphore_mem>>) src(%arg9 : memref<128x128xf32, #tpu.memory_space<vmem>>) dst(%dma_wait3A_40 : memref<128x128xf32, #tpu.memory_space<vmem_shared>>)
      tpu.yield
    }) : () -> ()
    %mul3A_16 = arith.constant 640 : i32
    %mul3A_17 = arith.muli %arg1, %mul3A_16 : i32
    %add3A_18 = arith.constant 384 : i32
    %add3A_19 = arith.addi %mul3A_17, %add3A_18 : i32
    "tpu.region"() ({
      %run_scoped3A = tpu.sem_alloc : memref<!tpu.dma_semaphore, #tpu.memory_space<semaphore_mem>>
      %dma_start3A = arith.constant 0 : i32
      %dma_start3A_35 = tpu.memref_slice %arg6[%add3A_19, %dma_start3A] : memref<10240x128xf32, #tpu.memory_space<vmem_shared>> -> memref<128x128xf32, #tpu.memory_space<vmem_shared>>
      %dma_start3A_36 = arith.constant 0 : i32
      %dma_start3A_37 = tpu.memref_slice %arg6[%add3A_19, %dma_start3A_36] : memref<10240x128xf32, #tpu.memory_space<vmem_shared>> -> memref<128x128xf32, #tpu.memory_space<vmem_shared>>
      tpu.enqueue_dma source(%arg9 : memref<128x128xf32, #tpu.memory_space<vmem>>) target(%dma_start3A_37 : memref<128x128xf32, #tpu.memory_space<vmem_shared>>) target_semaphore(%run_scoped3A : memref<!tpu.dma_semaphore, #tpu.memory_space<semaphore_mem>>)
      %dma_wait3A = arith.constant 0 : i32
      %dma_wait3A_38 = tpu.memref_slice %arg6[%add3A_19, %dma_wait3A] : memref<10240x128xf32, #tpu.memory_space<vmem_shared>> -> memref<128x128xf32, #tpu.memory_space<vmem_shared>>
      %dma_wait3A_39 = arith.constant 0 : i32
      %dma_wait3A_40 = tpu.memref_slice %arg6[%add3A_19, %dma_wait3A_39] : memref<10240x128xf32, #tpu.memory_space<vmem_shared>> -> memref<128x128xf32, #tpu.memory_space<vmem_shared>>
      tpu.wait_dma2 semaphore(%run_scoped3A : memref<!tpu.dma_semaphore, #tpu.memory_space<semaphore_mem>>) src(%arg9 : memref<128x128xf32, #tpu.memory_space<vmem>>) dst(%dma_wait3A_40 : memref<128x128xf32, #tpu.memory_space<vmem_shared>>)
      tpu.yield
    }) : () -> ()
    %mul3A_20 = arith.constant 640 : i32
    %mul3A_21 = arith.muli %arg1, %mul3A_20 : i32
    %add3A_22 = arith.constant 512 : i32
    %add3A_23 = arith.addi %mul3A_21, %add3A_22 : i32
    "tpu.region"() ({
      %run_scoped3A = tpu.sem_alloc : memref<!tpu.dma_semaphore, #tpu.memory_space<semaphore_mem>>
      %dma_start3A = arith.constant 0 : i32
      %dma_start3A_35 = tpu.memref_slice %arg6[%add3A_23, %dma_start3A] : memref<10240x128xf32, #tpu.memory_space<vmem_shared>> -> memref<128x128xf32, #tpu.memory_space<vmem_shared>>
      %dma_start3A_36 = arith.constant 0 : i32
      %dma_start3A_37 = tpu.memref_slice %arg6[%add3A_23, %dma_start3A_36] : memref<10240x128xf32, #tpu.memory_space<vmem_shared>> -> memref<128x128xf32, #tpu.memory_space<vmem_shared>>
      tpu.enqueue_dma source(%arg9 : memref<128x128xf32, #tpu.memory_space<vmem>>) target(%dma_start3A_37 : memref<128x128xf32, #tpu.memory_space<vmem_shared>>) target_semaphore(%run_scoped3A : memref<!tpu.dma_semaphore, #tpu.memory_space<semaphore_mem>>)
      %dma_wait3A = arith.constant 0 : i32
      %dma_wait3A_38 = tpu.memref_slice %arg6[%add3A_23, %dma_wait3A] : memref<10240x128xf32, #tpu.memory_space<vmem_shared>> -> memref<128x128xf32, #tpu.memory_space<vmem_shared>>
      %dma_wait3A_39 = arith.constant 0 : i32
      %dma_wait3A_40 = tpu.memref_slice %arg6[%add3A_23, %dma_wait3A_39] : memref<10240x128xf32, #tpu.memory_space<vmem_shared>> -> memref<128x128xf32, #tpu.memory_space<vmem_shared>>
      tpu.wait_dma2 semaphore(%run_scoped3A : memref<!tpu.dma_semaphore, #tpu.memory_space<semaphore_mem>>) src(%arg9 : memref<128x128xf32, #tpu.memory_space<vmem>>) dst(%dma_wait3A_40 : memref<128x128xf32, #tpu.memory_space<vmem_shared>>)
      tpu.yield
    }) : () -> ()
    %barrier3A = arith.constant 0 : index
    tpu.barrier barrier_id(%barrier3A)
    %mul3A_24 = arith.constant 16 : i32
    %mul3A_25 = arith.muli %arg0, %mul3A_24 : i32
    %add3A_26 = arith.addi %mul3A_25, %arg1 : i32
    %mul3A_27 = arith.constant 80 : i32
    %mul3A_28 = arith.muli %add3A_26, %mul3A_27 : i32
    %scan3A_29 = arith.constant 0 : i32
    %scan3A_30 = arith.constant 10 : i32
    %scan3A_31 = arith.addi %scan3A_29, %scan3A_30 : i32
    %scan3A_32 = arith.constant 1 : i32
    scf.for %scan3A_35 = %scan3A_29 to %scan3A_31 step %scan3A_32  : i32 {
      %mul3A_36 = arith.constant 1 : i32
      %mul3A_37 = arith.muli %scan3A_35, %mul3A_36 : i32
      %add3A_38 = arith.constant 0 : i32
      %add3A_39 = arith.addi %add3A_38, %mul3A_37 : i32
      %mul3A_40 = arith.constant 8 : i32
      %mul3A_41 = arith.muli %add3A_39, %mul3A_40 : i32
      %add3A_42 = arith.addi %mul3A_28, %mul3A_41 : i32
      "tpu.region"() ({
        %run_scoped3A_160 = tpu.sem_alloc : memref<!tpu.dma_semaphore, #tpu.memory_space<semaphore_mem>>
        %dma_start3A_161 = arith.constant 0 : i32
        %dma_start3A_162 = tpu.memref_slice %arg2[%add3A_42, %dma_start3A_161] : memref<2560x128xi32, #tpu.memory_space<hbm>> -> memref<8x128xi32, #tpu.memory_space<hbm>>
        %dma_start3A_163 = arith.constant 0 : i32
        %dma_start3A_164 = tpu.memref_slice %arg2[%add3A_42, %dma_start3A_163] : memref<2560x128xi32, #tpu.memory_space<hbm>> -> memref<8x128xi32, #tpu.memory_space<hbm>>
        tpu.enqueue_dma source(%dma_start3A_164 : memref<8x128xi32, #tpu.memory_space<hbm>>) target(%arg7 : memref<8x128xi32, #tpu.memory_space<vmem>>) target_semaphore(%run_scoped3A_160 : memref<!tpu.dma_semaphore, #tpu.memory_space<semaphore_mem>>)
        %dma_wait3A_165 = arith.constant 0 : i32
        %dma_wait3A_166 = tpu.memref_slice %arg2[%add3A_42, %dma_wait3A_165] : memref<2560x128xi32, #tpu.memory_space<hbm>> -> memref<8x128xi32, #tpu.memory_space<hbm>>
        %dma_wait3A_167 = arith.constant 0 : i32
        %dma_wait3A_168 = tpu.memref_slice %arg2[%add3A_42, %dma_wait3A_167] : memref<2560x128xi32, #tpu.memory_space<hbm>> -> memref<8x128xi32, #tpu.memory_space<hbm>>
        tpu.wait_dma2 semaphore(%run_scoped3A_160 : memref<!tpu.dma_semaphore, #tpu.memory_space<semaphore_mem>>) src(%dma_wait3A_168 : memref<8x128xi32, #tpu.memory_space<hbm>>) dst(%arg7 : memref<8x128xi32, #tpu.memory_space<vmem>>)
        tpu.yield
      }) : () -> ()
      "tpu.region"() ({
        %run_scoped3A_160 = tpu.sem_alloc : memref<!tpu.dma_semaphore, #tpu.memory_space<semaphore_mem>>
        %dma_start3A_161 = arith.constant 0 : i32
        %dma_start3A_162 = tpu.memref_slice %arg3[%add3A_42, %dma_start3A_161] : memref<2560x128xi32, #tpu.memory_space<hbm>> -> memref<8x128xi32, #tpu.memory_space<hbm>>
        %dma_start3A_163 = arith.constant 0 : i32
        %dma_start3A_164 = tpu.memref_slice %arg3[%add3A_42, %dma_start3A_163] : memref<2560x128xi32, #tpu.memory_space<hbm>> -> memref<8x128xi32, #tpu.memory_space<hbm>>
        tpu.enqueue_dma source(%dma_start3A_164 : memref<8x128xi32, #tpu.memory_space<hbm>>) target(%arg8 : memref<8x128xi32, #tpu.memory_space<vmem>>) target_semaphore(%run_scoped3A_160 : memref<!tpu.dma_semaphore, #tpu.memory_space<semaphore_mem>>)
        %dma_wait3A_165 = arith.constant 0 : i32
        %dma_wait3A_166 = tpu.memref_slice %arg3[%add3A_42, %dma_wait3A_165] : memref<2560x128xi32, #tpu.memory_space<hbm>> -> memref<8x128xi32, #tpu.memory_space<hbm>>
        %dma_wait3A_167 = arith.constant 0 : i32
        %dma_wait3A_168 = tpu.memref_slice %arg3[%add3A_42, %dma_wait3A_167] : memref<2560x128xi32, #tpu.memory_space<hbm>> -> memref<8x128xi32, #tpu.memory_space<hbm>>
        tpu.wait_dma2 semaphore(%run_scoped3A_160 : memref<!tpu.dma_semaphore, #tpu.memory_space<semaphore_mem>>) src(%dma_wait3A_168 : memref<8x128xi32, #tpu.memory_space<hbm>>) dst(%arg8 : memref<8x128xi32, #tpu.memory_space<vmem>>)
        tpu.yield
      }) : () -> ()
      %dma_start3A = arith.constant 0 : i32
      %dma_start3A_43 = arith.constant 0 : i32
      %dma_start3A_44 = tpu.memref_slice %arg7[%dma_start3A, %dma_start3A_43] : memref<8x128xi32, #tpu.memory_space<vmem>> -> memref<1x128xi32, #tpu.memory_space<vmem>>
      %dma_start3A_45 = tpu.memref_squeeze %dma_start3A_44 : memref<1x128xi32, #tpu.memory_space<vmem>> -> memref<128xi32, #tpu.memory_space<vmem>>
      %dma_start3A_46 = arith.constant 0 : i32
      %dma_start3A_47 = arith.constant 0 : i32
      %dma_start3A_48 = tpu.memref_slice %arg4[%dma_start3A_46, %dma_start3A_47] : memref<10240x128xf32, #tpu.memory_space<hbm>> -> memref<10240x128xf32, #tpu.memory_space<hbm>>
      tpu.enqueue_indirect_dma source(%dma_start3A_48 : memref<10240x128xf32, #tpu.memory_space<hbm>>) target(%arg9 : memref<128x128xf32, #tpu.memory_space<vmem>>) offsets(%dma_start3A_45 : memref<128xi32, #tpu.memory_space<vmem>>) semaphore(%arg11 : memref<!tpu.dma_semaphore, #tpu.memory_space<semaphore_mem>>)
      %dma_start3A_49 = arith.constant 1 : i32
      %dma_start3A_50 = arith.constant 0 : i32
      %dma_start3A_51 = tpu.memref_slice %arg7[%dma_start3A_49, %dma_start3A_50] : memref<8x128xi32, #tpu.memory_space<vmem>> -> memref<1x128xi32, #tpu.memory_space<vmem>>
      %dma_start3A_52 = tpu.memref_squeeze %dma_start3A_51 : memref<1x128xi32, #tpu.memory_space<vmem>> -> memref<128xi32, #tpu.memory_space<vmem>>
      %dma_start3A_53 = arith.constant 0 : i32
      %dma_start3A_54 = arith.constant 0 : i32
      %dma_start3A_55 = tpu.memref_slice %arg4[%dma_start3A_53, %dma_start3A_54] : memref<10240x128xf32, #tpu.memory_space<hbm>> -> memref<10240x128xf32, #tpu.memory_space<hbm>>
      tpu.enqueue_indirect_dma source(%dma_start3A_55 : memref<10240x128xf32, #tpu.memory_space<hbm>>) target(%arg10 : memref<128x128xf32, #tpu.memory_space<vmem>>) offsets(%dma_start3A_52 : memref<128xi32, #tpu.memory_space<vmem>>) semaphore(%arg12 : memref<!tpu.dma_semaphore, #tpu.memory_space<semaphore_mem>>)
      %dma_wait3A = arith.constant 0 : i32
      %dma_wait3A_56 = arith.constant 0 : i32
      %dma_wait3A_57 = tpu.memref_slice %arg7[%dma_wait3A, %dma_wait3A_56] : memref<8x128xi32, #tpu.memory_space<vmem>> -> memref<1x128xi32, #tpu.memory_space<vmem>>
      %dma_wait3A_58 = tpu.memref_squeeze %dma_wait3A_57 : memref<1x128xi32, #tpu.memory_space<vmem>> -> memref<128xi32, #tpu.memory_space<vmem>>
      %dma_wait3A_59 = arith.constant 0 : i32
      %dma_wait3A_60 = arith.constant 0 : i32
      %dma_wait3A_61 = tpu.memref_slice %arg4[%dma_wait3A_59, %dma_wait3A_60] : memref<10240x128xf32, #tpu.memory_space<hbm>> -> memref<10240x128xf32, #tpu.memory_space<hbm>>
      tpu.wait_indirect_dma semaphore(%arg11 : memref<!tpu.dma_semaphore, #tpu.memory_space<semaphore_mem>>) src(%dma_wait3A_61 : memref<10240x128xf32, #tpu.memory_space<hbm>>) dst(%arg9 : memref<128x128xf32, #tpu.memory_space<vmem>>)
      %run_scoped3A = arith.constant 0 : i32
      "tpu.region"() ({
        %run_scoped3A_160 = tpu.sem_alloc : memref<!tpu.dma_semaphore, #tpu.memory_space<semaphore_mem>>
        %dma_start3A_161 = arith.constant 0 : i32
        %dma_start3A_162 = tpu.memref_slice %arg8[%run_scoped3A, %dma_start3A_161] : memref<8x128xi32, #tpu.memory_space<vmem>> -> memref<1x128xi32, #tpu.memory_space<vmem>>
        %dma_start3A_163 = tpu.memref_squeeze %dma_start3A_162 : memref<1x128xi32, #tpu.memory_space<vmem>> -> memref<128xi32, #tpu.memory_space<vmem>>
        %dma_start3A_164 = arith.constant 0 : i32
        %dma_start3A_165 = arith.constant 0 : i32
        %dma_start3A_166 = tpu.memref_slice %arg6[%dma_start3A_164, %dma_start3A_165] : memref<10240x128xf32, #tpu.memory_space<vmem_shared>> -> memref<10240x128xf32, #tpu.memory_space<vmem_shared>>
        tpu.enqueue_indirect_dma source(%arg9 : memref<128x128xf32, #tpu.memory_space<vmem>>) target(%dma_start3A_166 : memref<10240x128xf32, #tpu.memory_space<vmem_shared>>) offsets(%dma_start3A_163 : memref<128xi32, #tpu.memory_space<vmem>>) semaphore(%run_scoped3A_160 : memref<!tpu.dma_semaphore, #tpu.memory_space<semaphore_mem>>) {add = true}
        %dma_wait3A_167 = arith.constant 0 : i32
        %dma_wait3A_168 = tpu.memref_slice %arg8[%run_scoped3A, %dma_wait3A_167] : memref<8x128xi32, #tpu.memory_space<vmem>> -> memref<1x128xi32, #tpu.memory_space<vmem>>
        %dma_wait3A_169 = tpu.memref_squeeze %dma_wait3A_168 : memref<1x128xi32, #tpu.memory_space<vmem>> -> memref<128xi32, #tpu.memory_space<vmem>>
        %dma_wait3A_170 = arith.constant 0 : i32
        %dma_wait3A_171 = arith.constant 0 : i32
        %dma_wait3A_172 = tpu.memref_slice %arg6[%dma_wait3A_170, %dma_wait3A_171] : memref<10240x128xf32, #tpu.memory_space<vmem_shared>> -> memref<10240x128xf32, #tpu.memory_space<vmem_shared>>
        tpu.wait_indirect_dma semaphore(%run_scoped3A_160 : memref<!tpu.dma_semaphore, #tpu.memory_space<semaphore_mem>>) src(%arg9 : memref<128x128xf32, #tpu.memory_space<vmem>>) dst(%dma_wait3A_172 : memref<10240x128xf32, #tpu.memory_space<vmem_shared>>)
        tpu.yield
      }) : () -> ()
      %dma_start3A_62 = arith.constant 2 : i32
      %dma_start3A_63 = arith.constant 0 : i32
      %dma_start3A_64 = tpu.memref_slice %arg7[%dma_start3A_62, %dma_start3A_63] : memref<8x128xi32, #tpu.memory_space<vmem>> -> memref<1x128xi32, #tpu.memory_space<vmem>>
      %dma_start3A_65 = tpu.memref_squeeze %dma_start3A_64 : memref<1x128xi32, #tpu.memory_space<vmem>> -> memref<128xi32, #tpu.memory_space<vmem>>
      %dma_start3A_66 = arith.constant 0 : i32
      %dma_start3A_67 = arith.constant 0 : i32
      %dma_start3A_68 = tpu.memref_slice %arg4[%dma_start3A_66, %dma_start3A_67] : memref<10240x128xf32, #tpu.memory_space<hbm>> -> memref<10240x128xf32, #tpu.memory_space<hbm>>
      tpu.enqueue_indirect_dma source(%dma_start3A_68 : memref<10240x128xf32, #tpu.memory_space<hbm>>) target(%arg9 : memref<128x128xf32, #tpu.memory_space<vmem>>) offsets(%dma_start3A_65 : memref<128xi32, #tpu.memory_space<vmem>>) semaphore(%arg11 : memref<!tpu.dma_semaphore, #tpu.memory_space<semaphore_mem>>)
      %dma_wait3A_69 = arith.constant 1 : i32
      %dma_wait3A_70 = arith.constant 0 : i32
      %dma_wait3A_71 = tpu.memref_slice %arg7[%dma_wait3A_69, %dma_wait3A_70] : memref<8x128xi32, #tpu.memory_space<vmem>> -> memref<1x128xi32, #tpu.memory_space<vmem>>
      %dma_wait3A_72 = tpu.memref_squeeze %dma_wait3A_71 : memref<1x128xi32, #tpu.memory_space<vmem>> -> memref<128xi32, #tpu.memory_space<vmem>>
      %dma_wait3A_73 = arith.constant 0 : i32
      %dma_wait3A_74 = arith.constant 0 : i32
      %dma_wait3A_75 = tpu.memref_slice %arg4[%dma_wait3A_73, %dma_wait3A_74] : memref<10240x128xf32, #tpu.memory_space<hbm>> -> memref<10240x128xf32, #tpu.memory_space<hbm>>
      tpu.wait_indirect_dma semaphore(%arg12 : memref<!tpu.dma_semaphore, #tpu.memory_space<semaphore_mem>>) src(%dma_wait3A_75 : memref<10240x128xf32, #tpu.memory_space<hbm>>) dst(%arg10 : memref<128x128xf32, #tpu.memory_space<vmem>>)
      %run_scoped3A_76 = arith.constant 1 : i32
      "tpu.region"() ({
        %run_scoped3A_160 = tpu.sem_alloc : memref<!tpu.dma_semaphore, #tpu.memory_space<semaphore_mem>>
        %dma_start3A_161 = arith.constant 0 : i32
        %dma_start3A_162 = tpu.memref_slice %arg8[%run_scoped3A_76, %dma_start3A_161] : memref<8x128xi32, #tpu.memory_space<vmem>> -> memref<1x128xi32, #tpu.memory_space<vmem>>
        %dma_start3A_163 = tpu.memref_squeeze %dma_start3A_162 : memref<1x128xi32, #tpu.memory_space<vmem>> -> memref<128xi32, #tpu.memory_space<vmem>>
        %dma_start3A_164 = arith.constant 0 : i32
        %dma_start3A_165 = arith.constant 0 : i32
        %dma_start3A_166 = tpu.memref_slice %arg6[%dma_start3A_164, %dma_start3A_165] : memref<10240x128xf32, #tpu.memory_space<vmem_shared>> -> memref<10240x128xf32, #tpu.memory_space<vmem_shared>>
        tpu.enqueue_indirect_dma source(%arg10 : memref<128x128xf32, #tpu.memory_space<vmem>>) target(%dma_start3A_166 : memref<10240x128xf32, #tpu.memory_space<vmem_shared>>) offsets(%dma_start3A_163 : memref<128xi32, #tpu.memory_space<vmem>>) semaphore(%run_scoped3A_160 : memref<!tpu.dma_semaphore, #tpu.memory_space<semaphore_mem>>) {add = true}
        %dma_wait3A_167 = arith.constant 0 : i32
        %dma_wait3A_168 = tpu.memref_slice %arg8[%run_scoped3A_76, %dma_wait3A_167] : memref<8x128xi32, #tpu.memory_space<vmem>> -> memref<1x128xi32, #tpu.memory_space<vmem>>
        %dma_wait3A_169 = tpu.memref_squeeze %dma_wait3A_168 : memref<1x128xi32, #tpu.memory_space<vmem>> -> memref<128xi32, #tpu.memory_space<vmem>>
        %dma_wait3A_170 = arith.constant 0 : i32
        %dma_wait3A_171 = arith.constant 0 : i32
        %dma_wait3A_172 = tpu.memref_slice %arg6[%dma_wait3A_170, %dma_wait3A_171] : memref<10240x128xf32, #tpu.memory_space<vmem_shared>> -> memref<10240x128xf32, #tpu.memory_space<vmem_shared>>
        tpu.wait_indirect_dma semaphore(%run_scoped3A_160 : memref<!tpu.dma_semaphore, #tpu.memory_space<semaphore_mem>>) src(%arg10 : memref<128x128xf32, #tpu.memory_space<vmem>>) dst(%dma_wait3A_172 : memref<10240x128xf32, #tpu.memory_space<vmem_shared>>)
        tpu.yield
      }) : () -> ()
      %dma_start3A_77 = arith.constant 3 : i32
      %dma_start3A_78 = arith.constant 0 : i32
      %dma_start3A_79 = tpu.memref_slice %arg7[%dma_start3A_77, %dma_start3A_78] : memref<8x128xi32, #tpu.memory_space<vmem>> -> memref<1x128xi32, #tpu.memory_space<vmem>>
      %dma_start3A_80 = tpu.memref_squeeze %dma_start3A_79 : memref<1x128xi32, #tpu.memory_space<vmem>> -> memref<128xi32, #tpu.memory_space<vmem>>
      %dma_start3A_81 = arith.constant 0 : i32
      %dma_start3A_82 = arith.constant 0 : i32
      %dma_start3A_83 = tpu.memref_slice %arg4[%dma_start3A_81, %dma_start3A_82] : memref<10240x128xf32, #tpu.memory_space<hbm>> -> memref<10240x128xf32, #tpu.memory_space<hbm>>
      tpu.enqueue_indirect_dma source(%dma_start3A_83 : memref<10240x128xf32, #tpu.memory_space<hbm>>) target(%arg10 : memref<128x128xf32, #tpu.memory_space<vmem>>) offsets(%dma_start3A_80 : memref<128xi32, #tpu.memory_space<vmem>>) semaphore(%arg12 : memref<!tpu.dma_semaphore, #tpu.memory_space<semaphore_mem>>)
      %dma_wait3A_84 = arith.constant 2 : i32
      %dma_wait3A_85 = arith.constant 0 : i32
      %dma_wait3A_86 = tpu.memref_slice %arg7[%dma_wait3A_84, %dma_wait3A_85] : memref<8x128xi32, #tpu.memory_space<vmem>> -> memref<1x128xi32, #tpu.memory_space<vmem>>
      %dma_wait3A_87 = tpu.memref_squeeze %dma_wait3A_86 : memref<1x128xi32, #tpu.memory_space<vmem>> -> memref<128xi32, #tpu.memory_space<vmem>>
      %dma_wait3A_88 = arith.constant 0 : i32
      %dma_wait3A_89 = arith.constant 0 : i32
      %dma_wait3A_90 = tpu.memref_slice %arg4[%dma_wait3A_88, %dma_wait3A_89] : memref<10240x128xf32, #tpu.memory_space<hbm>> -> memref<10240x128xf32, #tpu.memory_space<hbm>>
      tpu.wait_indirect_dma semaphore(%arg11 : memref<!tpu.dma_semaphore, #tpu.memory_space<semaphore_mem>>) src(%dma_wait3A_90 : memref<10240x128xf32, #tpu.memory_space<hbm>>) dst(%arg9 : memref<128x128xf32, #tpu.memory_space<vmem>>)
      %run_scoped3A_91 = arith.constant 2 : i32
      "tpu.region"() ({
        %run_scoped3A_160 = tpu.sem_alloc : memref<!tpu.dma_semaphore, #tpu.memory_space<semaphore_mem>>
        %dma_start3A_161 = arith.constant 0 : i32
        %dma_start3A_162 = tpu.memref_slice %arg8[%run_scoped3A_91, %dma_start3A_161] : memref<8x128xi32, #tpu.memory_space<vmem>> -> memref<1x128xi32, #tpu.memory_space<vmem>>
        %dma_start3A_163 = tpu.memref_squeeze %dma_start3A_162 : memref<1x128xi32, #tpu.memory_space<vmem>> -> memref<128xi32, #tpu.memory_space<vmem>>
        %dma_start3A_164 = arith.constant 0 : i32
        %dma_start3A_165 = arith.constant 0 : i32
        %dma_start3A_166 = tpu.memref_slice %arg6[%dma_start3A_164, %dma_start3A_165] : memref<10240x128xf32, #tpu.memory_space<vmem_shared>> -> memref<10240x128xf32, #tpu.memory_space<vmem_shared>>
        tpu.enqueue_indirect_dma source(%arg9 : memref<128x128xf32, #tpu.memory_space<vmem>>) target(%dma_start3A_166 : memref<10240x128xf32, #tpu.memory_space<vmem_shared>>) offsets(%dma_start3A_163 : memref<128xi32, #tpu.memory_space<vmem>>) semaphore(%run_scoped3A_160 : memref<!tpu.dma_semaphore, #tpu.memory_space<semaphore_mem>>) {add = true}
        %dma_wait3A_167 = arith.constant 0 : i32
        %dma_wait3A_168 = tpu.memref_slice %arg8[%run_scoped3A_91, %dma_wait3A_167] : memref<8x128xi32, #tpu.memory_space<vmem>> -> memref<1x128xi32, #tpu.memory_space<vmem>>
        %dma_wait3A_169 = tpu.memref_squeeze %dma_wait3A_168 : memref<1x128xi32, #tpu.memory_space<vmem>> -> memref<128xi32, #tpu.memory_space<vmem>>
        %dma_wait3A_170 = arith.constant 0 : i32
        %dma_wait3A_171 = arith.constant 0 : i32
        %dma_wait3A_172 = tpu.memref_slice %arg6[%dma_wait3A_170, %dma_wait3A_171] : memref<10240x128xf32, #tpu.memory_space<vmem_shared>> -> memref<10240x128xf32, #tpu.memory_space<vmem_shared>>
        tpu.wait_indirect_dma semaphore(%run_scoped3A_160 : memref<!tpu.dma_semaphore, #tpu.memory_space<semaphore_mem>>) src(%arg9 : memref<128x128xf32, #tpu.memory_space<vmem>>) dst(%dma_wait3A_172 : memref<10240x128xf32, #tpu.memory_space<vmem_shared>>)
        tpu.yield
      }) : () -> ()
      %dma_start3A_92 = arith.constant 4 : i32
      %dma_start3A_93 = arith.constant 0 : i32
      %dma_start3A_94 = tpu.memref_slice %arg7[%dma_start3A_92, %dma_start3A_93] : memref<8x128xi32, #tpu.memory_space<vmem>> -> memref<1x128xi32, #tpu.memory_space<vmem>>
      %dma_start3A_95 = tpu.memref_squeeze %dma_start3A_94 : memref<1x128xi32, #tpu.memory_space<vmem>> -> memref<128xi32, #tpu.memory_space<vmem>>
      %dma_start3A_96 = arith.constant 0 : i32
      %dma_start3A_97 = arith.constant 0 : i32
      %dma_start3A_98 = tpu.memref_slice %arg4[%dma_start3A_96, %dma_start3A_97] : memref<10240x128xf32, #tpu.memory_space<hbm>> -> memref<10240x128xf32, #tpu.memory_space<hbm>>
      tpu.enqueue_indirect_dma source(%dma_start3A_98 : memref<10240x128xf32, #tpu.memory_space<hbm>>) target(%arg9 : memref<128x128xf32, #tpu.memory_space<vmem>>) offsets(%dma_start3A_95 : memref<128xi32, #tpu.memory_space<vmem>>) semaphore(%arg11 : memref<!tpu.dma_semaphore, #tpu.memory_space<semaphore_mem>>)
      %dma_wait3A_99 = arith.constant 3 : i32
      %dma_wait3A_100 = arith.constant 0 : i32
      %dma_wait3A_101 = tpu.memref_slice %arg7[%dma_wait3A_99, %dma_wait3A_100] : memref<8x128xi32, #tpu.memory_space<vmem>> -> memref<1x128xi32, #tpu.memory_space<vmem>>
      %dma_wait3A_102 = tpu.memref_squeeze %dma_wait3A_101 : memref<1x128xi32, #tpu.memory_space<vmem>> -> memref<128xi32, #tpu.memory_space<vmem>>
      %dma_wait3A_103 = arith.constant 0 : i32
      %dma_wait3A_104 = arith.constant 0 : i32
      %dma_wait3A_105 = tpu.memref_slice %arg4[%dma_wait3A_103, %dma_wait3A_104] : memref<10240x128xf32, #tpu.memory_space<hbm>> -> memref<10240x128xf32, #tpu.memory_space<hbm>>
      tpu.wait_indirect_dma semaphore(%arg12 : memref<!tpu.dma_semaphore, #tpu.memory_space<semaphore_mem>>) src(%dma_wait3A_105 : memref<10240x128xf32, #tpu.memory_space<hbm>>) dst(%arg10 : memref<128x128xf32, #tpu.memory_space<vmem>>)
      %run_scoped3A_106 = arith.constant 3 : i32
      "tpu.region"() ({
        %run_scoped3A_160 = tpu.sem_alloc : memref<!tpu.dma_semaphore, #tpu.memory_space<semaphore_mem>>
        %dma_start3A_161 = arith.constant 0 : i32
        %dma_start3A_162 = tpu.memref_slice %arg8[%run_scoped3A_106, %dma_start3A_161] : memref<8x128xi32, #tpu.memory_space<vmem>> -> memref<1x128xi32, #tpu.memory_space<vmem>>
        %dma_start3A_163 = tpu.memref_squeeze %dma_start3A_162 : memref<1x128xi32, #tpu.memory_space<vmem>> -> memref<128xi32, #tpu.memory_space<vmem>>
        %dma_start3A_164 = arith.constant 0 : i32
        %dma_start3A_165 = arith.constant 0 : i32
        %dma_start3A_166 = tpu.memref_slice %arg6[%dma_start3A_164, %dma_start3A_165] : memref<10240x128xf32, #tpu.memory_space<vmem_shared>> -> memref<10240x128xf32, #tpu.memory_space<vmem_shared>>
        tpu.enqueue_indirect_dma source(%arg10 : memref<128x128xf32, #tpu.memory_space<vmem>>) target(%dma_start3A_166 : memref<10240x128xf32, #tpu.memory_space<vmem_shared>>) offsets(%dma_start3A_163 : memref<128xi32, #tpu.memory_space<vmem>>) semaphore(%run_scoped3A_160 : memref<!tpu.dma_semaphore, #tpu.memory_space<semaphore_mem>>) {add = true}
        %dma_wait3A_167 = arith.constant 0 : i32
        %dma_wait3A_168 = tpu.memref_slice %arg8[%run_scoped3A_106, %dma_wait3A_167] : memref<8x128xi32, #tpu.memory_space<vmem>> -> memref<1x128xi32, #tpu.memory_space<vmem>>
        %dma_wait3A_169 = tpu.memref_squeeze %dma_wait3A_168 : memref<1x128xi32, #tpu.memory_space<vmem>> -> memref<128xi32, #tpu.memory_space<vmem>>
        %dma_wait3A_170 = arith.constant 0 : i32
        %dma_wait3A_171 = arith.constant 0 : i32
        %dma_wait3A_172 = tpu.memref_slice %arg6[%dma_wait3A_170, %dma_wait3A_171] : memref<10240x128xf32, #tpu.memory_space<vmem_shared>> -> memref<10240x128xf32, #tpu.memory_space<vmem_shared>>
        tpu.wait_indirect_dma semaphore(%run_scoped3A_160 : memref<!tpu.dma_semaphore, #tpu.memory_space<semaphore_mem>>) src(%arg10 : memref<128x128xf32, #tpu.memory_space<vmem>>) dst(%dma_wait3A_172 : memref<10240x128xf32, #tpu.memory_space<vmem_shared>>)
        tpu.yield
      }) : () -> ()
      %dma_start3A_107 = arith.constant 5 : i32
      %dma_start3A_108 = arith.constant 0 : i32
      %dma_start3A_109 = tpu.memref_slice %arg7[%dma_start3A_107, %dma_start3A_108] : memref<8x128xi32, #tpu.memory_space<vmem>> -> memref<1x128xi32, #tpu.memory_space<vmem>>
      %dma_start3A_110 = tpu.memref_squeeze %dma_start3A_109 : memref<1x128xi32, #tpu.memory_space<vmem>> -> memref<128xi32, #tpu.memory_space<vmem>>
      %dma_start3A_111 = arith.constant 0 : i32
      %dma_start3A_112 = arith.constant 0 : i32
      %dma_start3A_113 = tpu.memref_slice %arg4[%dma_start3A_111, %dma_start3A_112] : memref<10240x128xf32, #tpu.memory_space<hbm>> -> memref<10240x128xf32, #tpu.memory_space<hbm>>
      tpu.enqueue_indirect_dma source(%dma_start3A_113 : memref<10240x128xf32, #tpu.memory_space<hbm>>) target(%arg10 : memref<128x128xf32, #tpu.memory_space<vmem>>) offsets(%dma_start3A_110 : memref<128xi32, #tpu.memory_space<vmem>>) semaphore(%arg12 : memref<!tpu.dma_semaphore, #tpu.memory_space<semaphore_mem>>)
      %dma_wait3A_114 = arith.constant 4 : i32
      %dma_wait3A_115 = arith.constant 0 : i32
      %dma_wait3A_116 = tpu.memref_slice %arg7[%dma_wait3A_114, %dma_wait3A_115] : memref<8x128xi32, #tpu.memory_space<vmem>> -> memref<1x128xi32, #tpu.memory_space<vmem>>
      %dma_wait3A_117 = tpu.memref_squeeze %dma_wait3A_116 : memref<1x128xi32, #tpu.memory_space<vmem>> -> memref<128xi32, #tpu.memory_space<vmem>>
      %dma_wait3A_118 = arith.constant 0 : i32
      %dma_wait3A_119 = arith.constant 0 : i32
      %dma_wait3A_120 = tpu.memref_slice %arg4[%dma_wait3A_118, %dma_wait3A_119] : memref<10240x128xf32, #tpu.memory_space<hbm>> -> memref<10240x128xf32, #tpu.memory_space<hbm>>
      tpu.wait_indirect_dma semaphore(%arg11 : memref<!tpu.dma_semaphore, #tpu.memory_space<semaphore_mem>>) src(%dma_wait3A_120 : memref<10240x128xf32, #tpu.memory_space<hbm>>) dst(%arg9 : memref<128x128xf32, #tpu.memory_space<vmem>>)
      %run_scoped3A_121 = arith.constant 4 : i32
      "tpu.region"() ({
        %run_scoped3A_160 = tpu.sem_alloc : memref<!tpu.dma_semaphore, #tpu.memory_space<semaphore_mem>>
        %dma_start3A_161 = arith.constant 0 : i32
        %dma_start3A_162 = tpu.memref_slice %arg8[%run_scoped3A_121, %dma_start3A_161] : memref<8x128xi32, #tpu.memory_space<vmem>> -> memref<1x128xi32, #tpu.memory_space<vmem>>
        %dma_start3A_163 = tpu.memref_squeeze %dma_start3A_162 : memref<1x128xi32, #tpu.memory_space<vmem>> -> memref<128xi32, #tpu.memory_space<vmem>>
        %dma_start3A_164 = arith.constant 0 : i32
        %dma_start3A_165 = arith.constant 0 : i32
        %dma_start3A_166 = tpu.memref_slice %arg6[%dma_start3A_164, %dma_start3A_165] : memref<10240x128xf32, #tpu.memory_space<vmem_shared>> -> memref<10240x128xf32, #tpu.memory_space<vmem_shared>>
        tpu.enqueue_indirect_dma source(%arg9 : memref<128x128xf32, #tpu.memory_space<vmem>>) target(%dma_start3A_166 : memref<10240x128xf32, #tpu.memory_space<vmem_shared>>) offsets(%dma_start3A_163 : memref<128xi32, #tpu.memory_space<vmem>>) semaphore(%run_scoped3A_160 : memref<!tpu.dma_semaphore, #tpu.memory_space<semaphore_mem>>) {add = true}
        %dma_wait3A_167 = arith.constant 0 : i32
        %dma_wait3A_168 = tpu.memref_slice %arg8[%run_scoped3A_121, %dma_wait3A_167] : memref<8x128xi32, #tpu.memory_space<vmem>> -> memref<1x128xi32, #tpu.memory_space<vmem>>
        %dma_wait3A_169 = tpu.memref_squeeze %dma_wait3A_168 : memref<1x128xi32, #tpu.memory_space<vmem>> -> memref<128xi32, #tpu.memory_space<vmem>>
        %dma_wait3A_170 = arith.constant 0 : i32
        %dma_wait3A_171 = arith.constant 0 : i32
        %dma_wait3A_172 = tpu.memref_slice %arg6[%dma_wait3A_170, %dma_wait3A_171] : memref<10240x128xf32, #tpu.memory_space<vmem_shared>> -> memref<10240x128xf32, #tpu.memory_space<vmem_shared>>
        tpu.wait_indirect_dma semaphore(%run_scoped3A_160 : memref<!tpu.dma_semaphore, #tpu.memory_space<semaphore_mem>>) src(%arg9 : memref<128x128xf32, #tpu.memory_space<vmem>>) dst(%dma_wait3A_172 : memref<10240x128xf32, #tpu.memory_space<vmem_shared>>)
        tpu.yield
      }) : () -> ()
      %dma_start3A_122 = arith.constant 6 : i32
      %dma_start3A_123 = arith.constant 0 : i32
      %dma_start3A_124 = tpu.memref_slice %arg7[%dma_start3A_122, %dma_start3A_123] : memref<8x128xi32, #tpu.memory_space<vmem>> -> memref<1x128xi32, #tpu.memory_space<vmem>>
      %dma_start3A_125 = tpu.memref_squeeze %dma_start3A_124 : memref<1x128xi32, #tpu.memory_space<vmem>> -> memref<128xi32, #tpu.memory_space<vmem>>
      %dma_start3A_126 = arith.constant 0 : i32
      %dma_start3A_127 = arith.constant 0 : i32
      %dma_start3A_128 = tpu.memref_slice %arg4[%dma_start3A_126, %dma_start3A_127] : memref<10240x128xf32, #tpu.memory_space<hbm>> -> memref<10240x128xf32, #tpu.memory_space<hbm>>
      tpu.enqueue_indirect_dma source(%dma_start3A_128 : memref<10240x128xf32, #tpu.memory_space<hbm>>) target(%arg9 : memref<128x128xf32, #tpu.memory_space<vmem>>) offsets(%dma_start3A_125 : memref<128xi32, #tpu.memory_space<vmem>>) semaphore(%arg11 : memref<!tpu.dma_semaphore, #tpu.memory_space<semaphore_mem>>)
      %dma_wait3A_129 = arith.constant 5 : i32
      %dma_wait3A_130 = arith.constant 0 : i32
      %dma_wait3A_131 = tpu.memref_slice %arg7[%dma_wait3A_129, %dma_wait3A_130] : memref<8x128xi32, #tpu.memory_space<vmem>> -> memref<1x128xi32, #tpu.memory_space<vmem>>
      %dma_wait3A_132 = tpu.memref_squeeze %dma_wait3A_131 : memref<1x128xi32, #tpu.memory_space<vmem>> -> memref<128xi32, #tpu.memory_space<vmem>>
      %dma_wait3A_133 = arith.constant 0 : i32
      %dma_wait3A_134 = arith.constant 0 : i32
      %dma_wait3A_135 = tpu.memref_slice %arg4[%dma_wait3A_133, %dma_wait3A_134] : memref<10240x128xf32, #tpu.memory_space<hbm>> -> memref<10240x128xf32, #tpu.memory_space<hbm>>
      tpu.wait_indirect_dma semaphore(%arg12 : memref<!tpu.dma_semaphore, #tpu.memory_space<semaphore_mem>>) src(%dma_wait3A_135 : memref<10240x128xf32, #tpu.memory_space<hbm>>) dst(%arg10 : memref<128x128xf32, #tpu.memory_space<vmem>>)
      %run_scoped3A_136 = arith.constant 5 : i32
      "tpu.region"() ({
        %run_scoped3A_160 = tpu.sem_alloc : memref<!tpu.dma_semaphore, #tpu.memory_space<semaphore_mem>>
        %dma_start3A_161 = arith.constant 0 : i32
        %dma_start3A_162 = tpu.memref_slice %arg8[%run_scoped3A_136, %dma_start3A_161] : memref<8x128xi32, #tpu.memory_space<vmem>> -> memref<1x128xi32, #tpu.memory_space<vmem>>
        %dma_start3A_163 = tpu.memref_squeeze %dma_start3A_162 : memref<1x128xi32, #tpu.memory_space<vmem>> -> memref<128xi32, #tpu.memory_space<vmem>>
        %dma_start3A_164 = arith.constant 0 : i32
        %dma_start3A_165 = arith.constant 0 : i32
        %dma_start3A_166 = tpu.memref_slice %arg6[%dma_start3A_164, %dma_start3A_165] : memref<10240x128xf32, #tpu.memory_space<vmem_shared>> -> memref<10240x128xf32, #tpu.memory_space<vmem_shared>>
        tpu.enqueue_indirect_dma source(%arg10 : memref<128x128xf32, #tpu.memory_space<vmem>>) target(%dma_start3A_166 : memref<10240x128xf32, #tpu.memory_space<vmem_shared>>) offsets(%dma_start3A_163 : memref<128xi32, #tpu.memory_space<vmem>>) semaphore(%run_scoped3A_160 : memref<!tpu.dma_semaphore, #tpu.memory_space<semaphore_mem>>) {add = true}
        %dma_wait3A_167 = arith.constant 0 : i32
        %dma_wait3A_168 = tpu.memref_slice %arg8[%run_scoped3A_136, %dma_wait3A_167] : memref<8x128xi32, #tpu.memory_space<vmem>> -> memref<1x128xi32, #tpu.memory_space<vmem>>
        %dma_wait3A_169 = tpu.memref_squeeze %dma_wait3A_168 : memref<1x128xi32, #tpu.memory_space<vmem>> -> memref<128xi32, #tpu.memory_space<vmem>>
        %dma_wait3A_170 = arith.constant 0 : i32
        %dma_wait3A_171 = arith.constant 0 : i32
        %dma_wait3A_172 = tpu.memref_slice %arg6[%dma_wait3A_170, %dma_wait3A_171] : memref<10240x128xf32, #tpu.memory_space<vmem_shared>> -> memref<10240x128xf32, #tpu.memory_space<vmem_shared>>
        tpu.wait_indirect_dma semaphore(%run_scoped3A_160 : memref<!tpu.dma_semaphore, #tpu.memory_space<semaphore_mem>>) src(%arg10 : memref<128x128xf32, #tpu.memory_space<vmem>>) dst(%dma_wait3A_172 : memref<10240x128xf32, #tpu.memory_space<vmem_shared>>)
        tpu.yield
      }) : () -> ()
      %dma_start3A_137 = arith.constant 7 : i32
      %dma_start3A_138 = arith.constant 0 : i32
      %dma_start3A_139 = tpu.memref_slice %arg7[%dma_start3A_137, %dma_start3A_138] : memref<8x128xi32, #tpu.memory_space<vmem>> -> memref<1x128xi32, #tpu.memory_space<vmem>>
      %dma_start3A_140 = tpu.memref_squeeze %dma_start3A_139 : memref<1x128xi32, #tpu.memory_space<vmem>> -> memref<128xi32, #tpu.memory_space<vmem>>
      %dma_start3A_141 = arith.constant 0 : i32
      %dma_start3A_142 = arith.constant 0 : i32
      %dma_start3A_143 = tpu.memref_slice %arg4[%dma_start3A_141, %dma_start3A_142] : memref<10240x128xf32, #tpu.memory_space<hbm>> -> memref<10240x128xf32, #tpu.memory_space<hbm>>
      tpu.enqueue_indirect_dma source(%dma_start3A_143 : memref<10240x128xf32, #tpu.memory_space<hbm>>) target(%arg10 : memref<128x128xf32, #tpu.memory_space<vmem>>) offsets(%dma_start3A_140 : memref<128xi32, #tpu.memory_space<vmem>>) semaphore(%arg12 : memref<!tpu.dma_semaphore, #tpu.memory_space<semaphore_mem>>)
      %dma_wait3A_144 = arith.constant 6 : i32
      %dma_wait3A_145 = arith.constant 0 : i32
      %dma_wait3A_146 = tpu.memref_slice %arg7[%dma_wait3A_144, %dma_wait3A_145] : memref<8x128xi32, #tpu.memory_space<vmem>> -> memref<1x128xi32, #tpu.memory_space<vmem>>
      %dma_wait3A_147 = tpu.memref_squeeze %dma_wait3A_146 : memref<1x128xi32, #tpu.memory_space<vmem>> -> memref<128xi32, #tpu.memory_space<vmem>>
      %dma_wait3A_148 = arith.constant 0 : i32
      %dma_wait3A_149 = arith.constant 0 : i32
      %dma_wait3A_150 = tpu.memref_slice %arg4[%dma_wait3A_148, %dma_wait3A_149] : memref<10240x128xf32, #tpu.memory_space<hbm>> -> memref<10240x128xf32, #tpu.memory_space<hbm>>
      tpu.wait_indirect_dma semaphore(%arg11 : memref<!tpu.dma_semaphore, #tpu.memory_space<semaphore_mem>>) src(%dma_wait3A_150 : memref<10240x128xf32, #tpu.memory_space<hbm>>) dst(%arg9 : memref<128x128xf32, #tpu.memory_space<vmem>>)
      %run_scoped3A_151 = arith.constant 6 : i32
      "tpu.region"() ({
        %run_scoped3A_160 = tpu.sem_alloc : memref<!tpu.dma_semaphore, #tpu.memory_space<semaphore_mem>>
        %dma_start3A_161 = arith.constant 0 : i32
        %dma_start3A_162 = tpu.memref_slice %arg8[%run_scoped3A_151, %dma_start3A_161] : memref<8x128xi32, #tpu.memory_space<vmem>> -> memref<1x128xi32, #tpu.memory_space<vmem>>
        %dma_start3A_163 = tpu.memref_squeeze %dma_start3A_162 : memref<1x128xi32, #tpu.memory_space<vmem>> -> memref<128xi32, #tpu.memory_space<vmem>>
        %dma_start3A_164 = arith.constant 0 : i32
        %dma_start3A_165 = arith.constant 0 : i32
        %dma_start3A_166 = tpu.memref_slice %arg6[%dma_start3A_164, %dma_start3A_165] : memref<10240x128xf32, #tpu.memory_space<vmem_shared>> -> memref<10240x128xf32, #tpu.memory_space<vmem_shared>>
        tpu.enqueue_indirect_dma source(%arg9 : memref<128x128xf32, #tpu.memory_space<vmem>>) target(%dma_start3A_166 : memref<10240x128xf32, #tpu.memory_space<vmem_shared>>) offsets(%dma_start3A_163 : memref<128xi32, #tpu.memory_space<vmem>>) semaphore(%run_scoped3A_160 : memref<!tpu.dma_semaphore, #tpu.memory_space<semaphore_mem>>) {add = true}
        %dma_wait3A_167 = arith.constant 0 : i32
        %dma_wait3A_168 = tpu.memref_slice %arg8[%run_scoped3A_151, %dma_wait3A_167] : memref<8x128xi32, #tpu.memory_space<vmem>> -> memref<1x128xi32, #tpu.memory_space<vmem>>
        %dma_wait3A_169 = tpu.memref_squeeze %dma_wait3A_168 : memref<1x128xi32, #tpu.memory_space<vmem>> -> memref<128xi32, #tpu.memory_space<vmem>>
        %dma_wait3A_170 = arith.constant 0 : i32
        %dma_wait3A_171 = arith.constant 0 : i32
        %dma_wait3A_172 = tpu.memref_slice %arg6[%dma_wait3A_170, %dma_wait3A_171] : memref<10240x128xf32, #tpu.memory_space<vmem_shared>> -> memref<10240x128xf32, #tpu.memory_space<vmem_shared>>
        tpu.wait_indirect_dma semaphore(%run_scoped3A_160 : memref<!tpu.dma_semaphore, #tpu.memory_space<semaphore_mem>>) src(%arg9 : memref<128x128xf32, #tpu.memory_space<vmem>>) dst(%dma_wait3A_172 : memref<10240x128xf32, #tpu.memory_space<vmem_shared>>)
        tpu.yield
      }) : () -> ()
      %dma_wait3A_152 = arith.constant 7 : i32
      %dma_wait3A_153 = arith.constant 0 : i32
      %dma_wait3A_154 = tpu.memref_slice %arg7[%dma_wait3A_152, %dma_wait3A_153] : memref<8x128xi32, #tpu.memory_space<vmem>> -> memref<1x128xi32, #tpu.memory_space<vmem>>
      %dma_wait3A_155 = tpu.memref_squeeze %dma_wait3A_154 : memref<1x128xi32, #tpu.memory_space<vmem>> -> memref<128xi32, #tpu.memory_space<vmem>>
      %dma_wait3A_156 = arith.constant 0 : i32
      %dma_wait3A_157 = arith.constant 0 : i32
      %dma_wait3A_158 = tpu.memref_slice %arg4[%dma_wait3A_156, %dma_wait3A_157] : memref<10240x128xf32, #tpu.memory_space<hbm>> -> memref<10240x128xf32, #tpu.memory_space<hbm>>
      tpu.wait_indirect_dma semaphore(%arg12 : memref<!tpu.dma_semaphore, #tpu.memory_space<semaphore_mem>>) src(%dma_wait3A_158 : memref<10240x128xf32, #tpu.memory_space<hbm>>) dst(%arg10 : memref<128x128xf32, #tpu.memory_space<vmem>>)
      %run_scoped3A_159 = arith.constant 7 : i32
      "tpu.region"() ({
        %run_scoped3A_160 = tpu.sem_alloc : memref<!tpu.dma_semaphore, #tpu.memory_space<semaphore_mem>>
        %dma_start3A_161 = arith.constant 0 : i32
        %dma_start3A_162 = tpu.memref_slice %arg8[%run_scoped3A_159, %dma_start3A_161] : memref<8x128xi32, #tpu.memory_space<vmem>> -> memref<1x128xi32, #tpu.memory_space<vmem>>
        %dma_start3A_163 = tpu.memref_squeeze %dma_start3A_162 : memref<1x128xi32, #tpu.memory_space<vmem>> -> memref<128xi32, #tpu.memory_space<vmem>>
        %dma_start3A_164 = arith.constant 0 : i32
        %dma_start3A_165 = arith.constant 0 : i32
        %dma_start3A_166 = tpu.memref_slice %arg6[%dma_start3A_164, %dma_start3A_165] : memref<10240x128xf32, #tpu.memory_space<vmem_shared>> -> memref<10240x128xf32, #tpu.memory_space<vmem_shared>>
        tpu.enqueue_indirect_dma source(%arg10 : memref<128x128xf32, #tpu.memory_space<vmem>>) target(%dma_start3A_166 : memref<10240x128xf32, #tpu.memory_space<vmem_shared>>) offsets(%dma_start3A_163 : memref<128xi32, #tpu.memory_space<vmem>>) semaphore(%run_scoped3A_160 : memref<!tpu.dma_semaphore, #tpu.memory_space<semaphore_mem>>) {add = true}
        %dma_wait3A_167 = arith.constant 0 : i32
        %dma_wait3A_168 = tpu.memref_slice %arg8[%run_scoped3A_159, %dma_wait3A_167] : memref<8x128xi32, #tpu.memory_space<vmem>> -> memref<1x128xi32, #tpu.memory_space<vmem>>
        %dma_wait3A_169 = tpu.memref_squeeze %dma_wait3A_168 : memref<1x128xi32, #tpu.memory_space<vmem>> -> memref<128xi32, #tpu.memory_space<vmem>>
        %dma_wait3A_170 = arith.constant 0 : i32
        %dma_wait3A_171 = arith.constant 0 : i32
        %dma_wait3A_172 = tpu.memref_slice %arg6[%dma_wait3A_170, %dma_wait3A_171] : memref<10240x128xf32, #tpu.memory_space<vmem_shared>> -> memref<10240x128xf32, #tpu.memory_space<vmem_shared>>
        tpu.wait_indirect_dma semaphore(%run_scoped3A_160 : memref<!tpu.dma_semaphore, #tpu.memory_space<semaphore_mem>>) src(%arg10 : memref<128x128xf32, #tpu.memory_space<vmem>>) dst(%dma_wait3A_172 : memref<10240x128xf32, #tpu.memory_space<vmem_shared>>)
        tpu.yield
      }) : () -> ()
    }
    %scan3A_33 = arith.constant 10 : i32
    %barrier3A_34 = arith.constant 0 : index
    tpu.barrier barrier_id(%barrier3A_34)
    "tpu.region"() ({
      %run_scoped3A = tpu.sem_alloc : memref<!tpu.dma_semaphore, #tpu.memory_space<semaphore_mem>>
      %dma_start3A = arith.constant 0 : i32
      %dma_start3A_35 = tpu.memref_slice %arg5[%arg0, %mul3A_0, %dma_start3A] : memref<2x10240x128xf32, #tpu.memory_space<hbm>> -> memref<1x640x128xf32, #tpu.memory_space<hbm>>
      %dma_start3A_36 = tpu.memref_squeeze %dma_start3A_35 : memref<1x640x128xf32, #tpu.memory_space<hbm>> -> memref<640x128xf32, #tpu.memory_space<hbm>>
      %dma_start3A_37 = arith.constant 0 : i32
      %dma_start3A_38 = tpu.memref_slice %arg6[%mul3A_0, %dma_start3A_37] : memref<10240x128xf32, #tpu.memory_space<vmem_shared>> -> memref<640x128xf32, #tpu.memory_space<vmem_shared>>
      tpu.enqueue_dma source(%dma_start3A_38 : memref<640x128xf32, #tpu.memory_space<vmem_shared>>) target(%dma_start3A_36 : memref<640x128xf32, #tpu.memory_space<hbm>>) target_semaphore(%run_scoped3A : memref<!tpu.dma_semaphore, #tpu.memory_space<semaphore_mem>>)
      %dma_wait3A = arith.constant 0 : i32
      %dma_wait3A_39 = tpu.memref_slice %arg5[%arg0, %mul3A_0, %dma_wait3A] : memref<2x10240x128xf32, #tpu.memory_space<hbm>> -> memref<1x640x128xf32, #tpu.memory_space<hbm>>
      %dma_wait3A_40 = tpu.memref_squeeze %dma_wait3A_39 : memref<1x640x128xf32, #tpu.memory_space<hbm>> -> memref<640x128xf32, #tpu.memory_space<hbm>>
      %dma_wait3A_41 = arith.constant 0 : i32
      %dma_wait3A_42 = tpu.memref_slice %arg6[%mul3A_0, %dma_wait3A_41] : memref<10240x128xf32, #tpu.memory_space<vmem_shared>> -> memref<640x128xf32, #tpu.memory_space<vmem_shared>>
      tpu.wait_dma2 semaphore(%run_scoped3A : memref<!tpu.dma_semaphore, #tpu.memory_space<semaphore_mem>>) src(%dma_wait3A_42 : memref<640x128xf32, #tpu.memory_space<vmem_shared>>) dst(%dma_wait3A_40 : memref<640x128xf32, #tpu.memory_space<hbm>>)
      tpu.yield
    }) : () -> ()
    return
  }
}

#map = affine_map<(d0, d1) -> (0, 0)>
#map1 = affine_map<(d0, d1) -> (0, 0, 0)>
module attributes {stable_mosaic.version = 14 : i64} {
  func.func @_sc_agg(%arg0: i32, %arg1: i32, %arg2: memref<2560x128xi32, #tpu.memory_space<hbm>>, %arg3: memref<2560x128xi32, #tpu.memory_space<hbm>>, %arg4: memref<10240x128xf32, #tpu.memory_space<hbm>>, %arg5: memref<2x10240x128xf32, #tpu.memory_space<hbm>>, %arg6: memref<10240x128xf32, #tpu.memory_space<vmem_shared>>, %arg7: memref<8x128xi32, #tpu.memory_space<vmem>>, %arg8: memref<8x128xi32, #tpu.memory_space<vmem>>, %arg9: memref<128x128xf32, #tpu.memory_space<vmem>>, %arg10: memref<128x128xf32, #tpu.memory_space<vmem>>, %arg11: memref<!tpu.dma_semaphore, #tpu.memory_space<semaphore_mem>>, %arg12: memref<!tpu.dma_semaphore, #tpu.memory_space<semaphore_mem>>) attributes {dimension_semantics = [#tpu.dimension_semantics<core_parallel>, #tpu.dimension_semantics<subcore_parallel>], iteration_bounds = array<i64: 2, 16>, scalar_prefetch = 0 : i64, scratch_operands = 7 : i64, tpu.core_type = #tpu.core_type<sc_vector_subcore>, window_params = [{transform_indices = #map}, {transform_indices = #map}, {transform_indices = #map}, {transform_indices = #map1}]} {
    %mul3A = arith.constant 640 : i32
    %mul3A_0 = arith.muli %arg1, %mul3A : i32
    %scan3A = arith.constant 0 : i32
    %scan3A_1 = arith.constant 128 : i32
    %scan3A_2 = arith.addi %scan3A, %scan3A_1 : i32
    %scan3A_3 = arith.constant 1 : i32
    scf.for %scan3A_35 = %scan3A to %scan3A_2 step %scan3A_3  : i32 {
      %mul3A_36 = arith.constant 1 : i32
      %mul3A_37 = arith.muli %scan3A_35, %mul3A_36 : i32
      %add3A_38 = arith.constant 0 : i32
      %add3A_39 = arith.addi %add3A_38, %mul3A_37 : i32
      %scan3A_40 = arith.constant 0 : i32
      %scan3A_41 = arith.constant 8 : i32
      %scan3A_42 = arith.addi %scan3A_40, %scan3A_41 : i32
      %scan3A_43 = arith.constant 1 : i32
      scf.for %scan3A_45 = %scan3A_40 to %scan3A_42 step %scan3A_43  : i32 {
        %mul3A_46 = arith.constant 16 : i32
        %mul3A_47 = arith.muli %scan3A_45, %mul3A_46 : i32
        %add3A_48 = arith.constant 0 : i32
        %add3A_49 = arith.addi %add3A_48, %mul3A_47 : i32
        %broadcast_in_dim3A = arith.constant 0.000000e+00 : f32
        %broadcast_in_dim3A_50 = vector.broadcast %broadcast_in_dim3A : f32 to vector<16xf32>
        %swap3A = arith.index_cast %add3A_39 : i32 to index
        %swap3A_51 = arith.index_cast %add3A_49 : i32 to index
        %swap3A_52 = tpu.vector_load %arg9[%swap3A, %swap3A_51] {strides = array<i32>} : memref<128x128xf32, #tpu.memory_space<vmem>>, vector<16xf32>,
        tpu.vector_store %arg9[%swap3A, %swap3A_51], %broadcast_in_dim3A_50 {strides = array<i32>} : memref<128x128xf32, #tpu.memory_space<vmem>>, vector<16xf32>,
      }
      %scan3A_44 = arith.constant 8 : i32
    }
    %scan3A_4 = arith.constant 128 : i32
    %mul3A_5 = arith.constant 640 : i32
    %mul3A_6 = arith.muli %arg1, %mul3A_5 : i32
    %add3A = arith.constant 0 : i32
    %add3A_7 = arith.addi %mul3A_6, %add3A : i32
    "tpu.region"() ({
      %run_scoped3A = tpu.sem_alloc : memref<!tpu.dma_semaphore, #tpu.memory_space<semaphore_mem>>
      %dma_start3A = arith.constant 0 : i32
      %dma_start3A_35 = tpu.memref_slice %arg6[%add3A_7, %dma_start3A] : memref<10240x128xf32, #tpu.memory_space<vmem_shared>> -> memref<128x128xf32, #tpu.memory_space<vmem_shared>>
      %dma_start3A_36 = arith.constant 0 : i32
      %dma_start3A_37 = tpu.memref_slice %arg6[%add3A_7, %dma_start3A_36] : memref<10240x128xf32, #tpu.memory_space<vmem_shared>> -> memref<128x128xf32, #tpu.memory_space<vmem_shared>>
      tpu.enqueue_dma source(%arg9 : memref<128x128xf32, #tpu.memory_space<vmem>>) target(%dma_start3A_37 : memref<128x128xf32, #tpu.memory_space<vmem_shared>>) target_semaphore(%run_scoped3A : memref<!tpu.dma_semaphore, #tpu.memory_space<semaphore_mem>>)
      %dma_wait3A = arith.constant 0 : i32
      %dma_wait3A_38 = tpu.memref_slice %arg6[%add3A_7, %dma_wait3A] : memref<10240x128xf32, #tpu.memory_space<vmem_shared>> -> memref<128x128xf32, #tpu.memory_space<vmem_shared>>
      %dma_wait3A_39 = arith.constant 0 : i32
      %dma_wait3A_40 = tpu.memref_slice %arg6[%add3A_7, %dma_wait3A_39] : memref<10240x128xf32, #tpu.memory_space<vmem_shared>> -> memref<128x128xf32, #tpu.memory_space<vmem_shared>>
      tpu.wait_dma2 semaphore(%run_scoped3A : memref<!tpu.dma_semaphore, #tpu.memory_space<semaphore_mem>>) src(%arg9 : memref<128x128xf32, #tpu.memory_space<vmem>>) dst(%dma_wait3A_40 : memref<128x128xf32, #tpu.memory_space<vmem_shared>>)
      tpu.yield
    }) : () -> ()
    %mul3A_8 = arith.constant 640 : i32
    %mul3A_9 = arith.muli %arg1, %mul3A_8 : i32
    %add3A_10 = arith.constant 128 : i32
    %add3A_11 = arith.addi %mul3A_9, %add3A_10 : i32
    "tpu.region"() ({
      %run_scoped3A = tpu.sem_alloc : memref<!tpu.dma_semaphore, #tpu.memory_space<semaphore_mem>>
      %dma_start3A = arith.constant 0 : i32
      %dma_start3A_35 = tpu.memref_slice %arg6[%add3A_11, %dma_start3A] : memref<10240x128xf32, #tpu.memory_space<vmem_shared>> -> memref<128x128xf32, #tpu.memory_space<vmem_shared>>
      %dma_start3A_36 = arith.constant 0 : i32
      %dma_start3A_37 = tpu.memref_slice %arg6[%add3A_11, %dma_start3A_36] : memref<10240x128xf32, #tpu.memory_space<vmem_shared>> -> memref<128x128xf32, #tpu.memory_space<vmem_shared>>
      tpu.enqueue_dma source(%arg9 : memref<128x128xf32, #tpu.memory_space<vmem>>) target(%dma_start3A_37 : memref<128x128xf32, #tpu.memory_space<vmem_shared>>) target_semaphore(%run_scoped3A : memref<!tpu.dma_semaphore, #tpu.memory_space<semaphore_mem>>)
      %dma_wait3A = arith.constant 0 : i32
      %dma_wait3A_38 = tpu.memref_slice %arg6[%add3A_11, %dma_wait3A] : memref<10240x128xf32, #tpu.memory_space<vmem_shared>> -> memref<128x128xf32, #tpu.memory_space<vmem_shared>>
      %dma_wait3A_39 = arith.constant 0 : i32
      %dma_wait3A_40 = tpu.memref_slice %arg6[%add3A_11, %dma_wait3A_39] : memref<10240x128xf32, #tpu.memory_space<vmem_shared>> -> memref<128x128xf32, #tpu.memory_space<vmem_shared>>
      tpu.wait_dma2 semaphore(%run_scoped3A : memref<!tpu.dma_semaphore, #tpu.memory_space<semaphore_mem>>) src(%arg9 : memref<128x128xf32, #tpu.memory_space<vmem>>) dst(%dma_wait3A_40 : memref<128x128xf32, #tpu.memory_space<vmem_shared>>)
      tpu.yield
    }) : () -> ()
    %mul3A_12 = arith.constant 640 : i32
    %mul3A_13 = arith.muli %arg1, %mul3A_12 : i32
    %add3A_14 = arith.constant 256 : i32
    %add3A_15 = arith.addi %mul3A_13, %add3A_14 : i32
    "tpu.region"() ({
      %run_scoped3A = tpu.sem_alloc : memref<!tpu.dma_semaphore, #tpu.memory_space<semaphore_mem>>
      %dma_start3A = arith.constant 0 : i32
      %dma_start3A_35 = tpu.memref_slice %arg6[%add3A_15, %dma_start3A] : memref<10240x128xf32, #tpu.memory_space<vmem_shared>> -> memref<128x128xf32, #tpu.memory_space<vmem_shared>>
      %dma_start3A_36 = arith.constant 0 : i32
      %dma_start3A_37 = tpu.memref_slice %arg6[%add3A_15, %dma_start3A_36] : memref<10240x128xf32, #tpu.memory_space<vmem_shared>> -> memref<128x128xf32, #tpu.memory_space<vmem_shared>>
      tpu.enqueue_dma source(%arg9 : memref<128x128xf32, #tpu.memory_space<vmem>>) target(%dma_start3A_37 : memref<128x128xf32, #tpu.memory_space<vmem_shared>>) target_semaphore(%run_scoped3A : memref<!tpu.dma_semaphore, #tpu.memory_space<semaphore_mem>>)
      %dma_wait3A = arith.constant 0 : i32
      %dma_wait3A_38 = tpu.memref_slice %arg6[%add3A_15, %dma_wait3A] : memref<10240x128xf32, #tpu.memory_space<vmem_shared>> -> memref<128x128xf32, #tpu.memory_space<vmem_shared>>
      %dma_wait3A_39 = arith.constant 0 : i32
      %dma_wait3A_40 = tpu.memref_slice %arg6[%add3A_15, %dma_wait3A_39] : memref<10240x128xf32, #tpu.memory_space<vmem_shared>> -> memref<128x128xf32, #tpu.memory_space<vmem_shared>>
      tpu.wait_dma2 semaphore(%run_scoped3A : memref<!tpu.dma_semaphore, #tpu.memory_space<semaphore_mem>>) src(%arg9 : memref<128x128xf32, #tpu.memory_space<vmem>>) dst(%dma_wait3A_40 : memref<128x128xf32, #tpu.memory_space<vmem_shared>>)
      tpu.yield
    }) : () -> ()
    %mul3A_16 = arith.constant 640 : i32
    %mul3A_17 = arith.muli %arg1, %mul3A_16 : i32
    %add3A_18 = arith.constant 384 : i32
    %add3A_19 = arith.addi %mul3A_17, %add3A_18 : i32
    "tpu.region"() ({
      %run_scoped3A = tpu.sem_alloc : memref<!tpu.dma_semaphore, #tpu.memory_space<semaphore_mem>>
      %dma_start3A = arith.constant 0 : i32
      %dma_start3A_35 = tpu.memref_slice %arg6[%add3A_19, %dma_start3A] : memref<10240x128xf32, #tpu.memory_space<vmem_shared>> -> memref<128x128xf32, #tpu.memory_space<vmem_shared>>
      %dma_start3A_36 = arith.constant 0 : i32
      %dma_start3A_37 = tpu.memref_slice %arg6[%add3A_19, %dma_start3A_36] : memref<10240x128xf32, #tpu.memory_space<vmem_shared>> -> memref<128x128xf32, #tpu.memory_space<vmem_shared>>
      tpu.enqueue_dma source(%arg9 : memref<128x128xf32, #tpu.memory_space<vmem>>) target(%dma_start3A_37 : memref<128x128xf32, #tpu.memory_space<vmem_shared>>) target_semaphore(%run_scoped3A : memref<!tpu.dma_semaphore, #tpu.memory_space<semaphore_mem>>)
      %dma_wait3A = arith.constant 0 : i32
      %dma_wait3A_38 = tpu.memref_slice %arg6[%add3A_19, %dma_wait3A] : memref<10240x128xf32, #tpu.memory_space<vmem_shared>> -> memref<128x128xf32, #tpu.memory_space<vmem_shared>>
      %dma_wait3A_39 = arith.constant 0 : i32
      %dma_wait3A_40 = tpu.memref_slice %arg6[%add3A_19, %dma_wait3A_39] : memref<10240x128xf32, #tpu.memory_space<vmem_shared>> -> memref<128x128xf32, #tpu.memory_space<vmem_shared>>
      tpu.wait_dma2 semaphore(%run_scoped3A : memref<!tpu.dma_semaphore, #tpu.memory_space<semaphore_mem>>) src(%arg9 : memref<128x128xf32, #tpu.memory_space<vmem>>) dst(%dma_wait3A_40 : memref<128x128xf32, #tpu.memory_space<vmem_shared>>)
      tpu.yield
    }) : () -> ()
    %mul3A_20 = arith.constant 640 : i32
    %mul3A_21 = arith.muli %arg1, %mul3A_20 : i32
    %add3A_22 = arith.constant 512 : i32
    %add3A_23 = arith.addi %mul3A_21, %add3A_22 : i32
    "tpu.region"() ({
      %run_scoped3A = tpu.sem_alloc : memref<!tpu.dma_semaphore, #tpu.memory_space<semaphore_mem>>
      %dma_start3A = arith.constant 0 : i32
      %dma_start3A_35 = tpu.memref_slice %arg6[%add3A_23, %dma_start3A] : memref<10240x128xf32, #tpu.memory_space<vmem_shared>> -> memref<128x128xf32, #tpu.memory_space<vmem_shared>>
      %dma_start3A_36 = arith.constant 0 : i32
      %dma_start3A_37 = tpu.memref_slice %arg6[%add3A_23, %dma_start3A_36] : memref<10240x128xf32, #tpu.memory_space<vmem_shared>> -> memref<128x128xf32, #tpu.memory_space<vmem_shared>>
      tpu.enqueue_dma source(%arg9 : memref<128x128xf32, #tpu.memory_space<vmem>>) target(%dma_start3A_37 : memref<128x128xf32, #tpu.memory_space<vmem_shared>>) target_semaphore(%run_scoped3A : memref<!tpu.dma_semaphore, #tpu.memory_space<semaphore_mem>>)
      %dma_wait3A = arith.constant 0 : i32
      %dma_wait3A_38 = tpu.memref_slice %arg6[%add3A_23, %dma_wait3A] : memref<10240x128xf32, #tpu.memory_space<vmem_shared>> -> memref<128x128xf32, #tpu.memory_space<vmem_shared>>
      %dma_wait3A_39 = arith.constant 0 : i32
      %dma_wait3A_40 = tpu.memref_slice %arg6[%add3A_23, %dma_wait3A_39] : memref<10240x128xf32, #tpu.memory_space<vmem_shared>> -> memref<128x128xf32, #tpu.memory_space<vmem_shared>>
      tpu.wait_dma2 semaphore(%run_scoped3A : memref<!tpu.dma_semaphore, #tpu.memory_space<semaphore_mem>>) src(%arg9 : memref<128x128xf32, #tpu.memory_space<vmem>>) dst(%dma_wait3A_40 : memref<128x128xf32, #tpu.memory_space<vmem_shared>>)
      tpu.yield
    }) : () -> ()
    %barrier3A = arith.constant 0 : index
    tpu.barrier barrier_id(%barrier3A)
    %mul3A_24 = arith.constant 16 : i32
    %mul3A_25 = arith.muli %arg0, %mul3A_24 : i32
    %add3A_26 = arith.addi %mul3A_25, %arg1 : i32
    %mul3A_27 = arith.constant 80 : i32
    %mul3A_28 = arith.muli %add3A_26, %mul3A_27 : i32
    %scan3A_29 = arith.constant 0 : i32
    %scan3A_30 = arith.constant 10 : i32
    %scan3A_31 = arith.addi %scan3A_29, %scan3A_30 : i32
    %scan3A_32 = arith.constant 1 : i32
    scf.for %scan3A_35 = %scan3A_29 to %scan3A_31 step %scan3A_32  : i32 {
      %mul3A_36 = arith.constant 1 : i32
      %mul3A_37 = arith.muli %scan3A_35, %mul3A_36 : i32
      %add3A_38 = arith.constant 0 : i32
      %add3A_39 = arith.addi %add3A_38, %mul3A_37 : i32
      %mul3A_40 = arith.constant 8 : i32
      %mul3A_41 = arith.muli %add3A_39, %mul3A_40 : i32
      %add3A_42 = arith.addi %mul3A_28, %mul3A_41 : i32
      "tpu.region"() ({
        %run_scoped3A_160 = tpu.sem_alloc : memref<!tpu.dma_semaphore, #tpu.memory_space<semaphore_mem>>
        %dma_start3A_161 = arith.constant 0 : i32
        %dma_start3A_162 = tpu.memref_slice %arg2[%add3A_42, %dma_start3A_161] : memref<2560x128xi32, #tpu.memory_space<hbm>> -> memref<8x128xi32, #tpu.memory_space<hbm>>
        %dma_start3A_163 = arith.constant 0 : i32
        %dma_start3A_164 = tpu.memref_slice %arg2[%add3A_42, %dma_start3A_163] : memref<2560x128xi32, #tpu.memory_space<hbm>> -> memref<8x128xi32, #tpu.memory_space<hbm>>
        tpu.enqueue_dma source(%dma_start3A_164 : memref<8x128xi32, #tpu.memory_space<hbm>>) target(%arg7 : memref<8x128xi32, #tpu.memory_space<vmem>>) target_semaphore(%run_scoped3A_160 : memref<!tpu.dma_semaphore, #tpu.memory_space<semaphore_mem>>)
        %dma_wait3A_165 = arith.constant 0 : i32
        %dma_wait3A_166 = tpu.memref_slice %arg2[%add3A_42, %dma_wait3A_165] : memref<2560x128xi32, #tpu.memory_space<hbm>> -> memref<8x128xi32, #tpu.memory_space<hbm>>
        %dma_wait3A_167 = arith.constant 0 : i32
        %dma_wait3A_168 = tpu.memref_slice %arg2[%add3A_42, %dma_wait3A_167] : memref<2560x128xi32, #tpu.memory_space<hbm>> -> memref<8x128xi32, #tpu.memory_space<hbm>>
        tpu.wait_dma2 semaphore(%run_scoped3A_160 : memref<!tpu.dma_semaphore, #tpu.memory_space<semaphore_mem>>) src(%dma_wait3A_168 : memref<8x128xi32, #tpu.memory_space<hbm>>) dst(%arg7 : memref<8x128xi32, #tpu.memory_space<vmem>>)
        tpu.yield
      }) : () -> ()
      "tpu.region"() ({
        %run_scoped3A_160 = tpu.sem_alloc : memref<!tpu.dma_semaphore, #tpu.memory_space<semaphore_mem>>
        %dma_start3A_161 = arith.constant 0 : i32
        %dma_start3A_162 = tpu.memref_slice %arg3[%add3A_42, %dma_start3A_161] : memref<2560x128xi32, #tpu.memory_space<hbm>> -> memref<8x128xi32, #tpu.memory_space<hbm>>
        %dma_start3A_163 = arith.constant 0 : i32
        %dma_start3A_164 = tpu.memref_slice %arg3[%add3A_42, %dma_start3A_163] : memref<2560x128xi32, #tpu.memory_space<hbm>> -> memref<8x128xi32, #tpu.memory_space<hbm>>
        tpu.enqueue_dma source(%dma_start3A_164 : memref<8x128xi32, #tpu.memory_space<hbm>>) target(%arg8 : memref<8x128xi32, #tpu.memory_space<vmem>>) target_semaphore(%run_scoped3A_160 : memref<!tpu.dma_semaphore, #tpu.memory_space<semaphore_mem>>)
        %dma_wait3A_165 = arith.constant 0 : i32
        %dma_wait3A_166 = tpu.memref_slice %arg3[%add3A_42, %dma_wait3A_165] : memref<2560x128xi32, #tpu.memory_space<hbm>> -> memref<8x128xi32, #tpu.memory_space<hbm>>
        %dma_wait3A_167 = arith.constant 0 : i32
        %dma_wait3A_168 = tpu.memref_slice %arg3[%add3A_42, %dma_wait3A_167] : memref<2560x128xi32, #tpu.memory_space<hbm>> -> memref<8x128xi32, #tpu.memory_space<hbm>>
        tpu.wait_dma2 semaphore(%run_scoped3A_160 : memref<!tpu.dma_semaphore, #tpu.memory_space<semaphore_mem>>) src(%dma_wait3A_168 : memref<8x128xi32, #tpu.memory_space<hbm>>) dst(%arg8 : memref<8x128xi32, #tpu.memory_space<vmem>>)
        tpu.yield
      }) : () -> ()
      %dma_start3A = arith.constant 0 : i32
      %dma_start3A_43 = arith.constant 0 : i32
      %dma_start3A_44 = tpu.memref_slice %arg7[%dma_start3A, %dma_start3A_43] : memref<8x128xi32, #tpu.memory_space<vmem>> -> memref<1x128xi32, #tpu.memory_space<vmem>>
      %dma_start3A_45 = tpu.memref_squeeze %dma_start3A_44 : memref<1x128xi32, #tpu.memory_space<vmem>> -> memref<128xi32, #tpu.memory_space<vmem>>
      %dma_start3A_46 = arith.constant 0 : i32
      %dma_start3A_47 = arith.constant 0 : i32
      %dma_start3A_48 = tpu.memref_slice %arg4[%dma_start3A_46, %dma_start3A_47] : memref<10240x128xf32, #tpu.memory_space<hbm>> -> memref<10240x128xf32, #tpu.memory_space<hbm>>
      tpu.enqueue_indirect_dma source(%dma_start3A_48 : memref<10240x128xf32, #tpu.memory_space<hbm>>) target(%arg9 : memref<128x128xf32, #tpu.memory_space<vmem>>) offsets(%dma_start3A_45 : memref<128xi32, #tpu.memory_space<vmem>>) semaphore(%arg11 : memref<!tpu.dma_semaphore, #tpu.memory_space<semaphore_mem>>)
      %dma_start3A_49 = arith.constant 1 : i32
      %dma_start3A_50 = arith.constant 0 : i32
      %dma_start3A_51 = tpu.memref_slice %arg7[%dma_start3A_49, %dma_start3A_50] : memref<8x128xi32, #tpu.memory_space<vmem>> -> memref<1x128xi32, #tpu.memory_space<vmem>>
      %dma_start3A_52 = tpu.memref_squeeze %dma_start3A_51 : memref<1x128xi32, #tpu.memory_space<vmem>> -> memref<128xi32, #tpu.memory_space<vmem>>
      %dma_start3A_53 = arith.constant 0 : i32
      %dma_start3A_54 = arith.constant 0 : i32
      %dma_start3A_55 = tpu.memref_slice %arg4[%dma_start3A_53, %dma_start3A_54] : memref<10240x128xf32, #tpu.memory_space<hbm>> -> memref<10240x128xf32, #tpu.memory_space<hbm>>
      tpu.enqueue_indirect_dma source(%dma_start3A_55 : memref<10240x128xf32, #tpu.memory_space<hbm>>) target(%arg10 : memref<128x128xf32, #tpu.memory_space<vmem>>) offsets(%dma_start3A_52 : memref<128xi32, #tpu.memory_space<vmem>>) semaphore(%arg12 : memref<!tpu.dma_semaphore, #tpu.memory_space<semaphore_mem>>)
      %dma_wait3A = arith.constant 0 : i32
      %dma_wait3A_56 = arith.constant 0 : i32
      %dma_wait3A_57 = tpu.memref_slice %arg7[%dma_wait3A, %dma_wait3A_56] : memref<8x128xi32, #tpu.memory_space<vmem>> -> memref<1x128xi32, #tpu.memory_space<vmem>>
      %dma_wait3A_58 = tpu.memref_squeeze %dma_wait3A_57 : memref<1x128xi32, #tpu.memory_space<vmem>> -> memref<128xi32, #tpu.memory_space<vmem>>
      %dma_wait3A_59 = arith.constant 0 : i32
      %dma_wait3A_60 = arith.constant 0 : i32
      %dma_wait3A_61 = tpu.memref_slice %arg4[%dma_wait3A_59, %dma_wait3A_60] : memref<10240x128xf32, #tpu.memory_space<hbm>> -> memref<10240x128xf32, #tpu.memory_space<hbm>>
      tpu.wait_indirect_dma semaphore(%arg11 : memref<!tpu.dma_semaphore, #tpu.memory_space<semaphore_mem>>) src(%dma_wait3A_61 : memref<10240x128xf32, #tpu.memory_space<hbm>>) dst(%arg9 : memref<128x128xf32, #tpu.memory_space<vmem>>)
      %run_scoped3A = arith.constant 0 : i32
      "tpu.region"() ({
        %run_scoped3A_160 = tpu.sem_alloc : memref<!tpu.dma_semaphore, #tpu.memory_space<semaphore_mem>>
        %dma_start3A_161 = arith.constant 0 : i32
        %dma_start3A_162 = tpu.memref_slice %arg8[%run_scoped3A, %dma_start3A_161] : memref<8x128xi32, #tpu.memory_space<vmem>> -> memref<1x128xi32, #tpu.memory_space<vmem>>
        %dma_start3A_163 = tpu.memref_squeeze %dma_start3A_162 : memref<1x128xi32, #tpu.memory_space<vmem>> -> memref<128xi32, #tpu.memory_space<vmem>>
        %dma_start3A_164 = arith.constant 0 : i32
        %dma_start3A_165 = arith.constant 0 : i32
        %dma_start3A_166 = tpu.memref_slice %arg6[%dma_start3A_164, %dma_start3A_165] : memref<10240x128xf32, #tpu.memory_space<vmem_shared>> -> memref<10240x128xf32, #tpu.memory_space<vmem_shared>>
        tpu.enqueue_indirect_dma source(%arg9 : memref<128x128xf32, #tpu.memory_space<vmem>>) target(%dma_start3A_166 : memref<10240x128xf32, #tpu.memory_space<vmem_shared>>) offsets(%dma_start3A_163 : memref<128xi32, #tpu.memory_space<vmem>>) semaphore(%run_scoped3A_160 : memref<!tpu.dma_semaphore, #tpu.memory_space<semaphore_mem>>) {add = true}
        %dma_wait3A_167 = arith.constant 0 : i32
        %dma_wait3A_168 = tpu.memref_slice %arg8[%run_scoped3A, %dma_wait3A_167] : memref<8x128xi32, #tpu.memory_space<vmem>> -> memref<1x128xi32, #tpu.memory_space<vmem>>
        %dma_wait3A_169 = tpu.memref_squeeze %dma_wait3A_168 : memref<1x128xi32, #tpu.memory_space<vmem>> -> memref<128xi32, #tpu.memory_space<vmem>>
        %dma_wait3A_170 = arith.constant 0 : i32
        %dma_wait3A_171 = arith.constant 0 : i32
        %dma_wait3A_172 = tpu.memref_slice %arg6[%dma_wait3A_170, %dma_wait3A_171] : memref<10240x128xf32, #tpu.memory_space<vmem_shared>> -> memref<10240x128xf32, #tpu.memory_space<vmem_shared>>
        tpu.wait_indirect_dma semaphore(%run_scoped3A_160 : memref<!tpu.dma_semaphore, #tpu.memory_space<semaphore_mem>>) src(%arg9 : memref<128x128xf32, #tpu.memory_space<vmem>>) dst(%dma_wait3A_172 : memref<10240x128xf32, #tpu.memory_space<vmem_shared>>)
        tpu.yield
      }) : () -> ()
      %dma_start3A_62 = arith.constant 2 : i32
      %dma_start3A_63 = arith.constant 0 : i32
      %dma_start3A_64 = tpu.memref_slice %arg7[%dma_start3A_62, %dma_start3A_63] : memref<8x128xi32, #tpu.memory_space<vmem>> -> memref<1x128xi32, #tpu.memory_space<vmem>>
      %dma_start3A_65 = tpu.memref_squeeze %dma_start3A_64 : memref<1x128xi32, #tpu.memory_space<vmem>> -> memref<128xi32, #tpu.memory_space<vmem>>
      %dma_start3A_66 = arith.constant 0 : i32
      %dma_start3A_67 = arith.constant 0 : i32
      %dma_start3A_68 = tpu.memref_slice %arg4[%dma_start3A_66, %dma_start3A_67] : memref<10240x128xf32, #tpu.memory_space<hbm>> -> memref<10240x128xf32, #tpu.memory_space<hbm>>
      tpu.enqueue_indirect_dma source(%dma_start3A_68 : memref<10240x128xf32, #tpu.memory_space<hbm>>) target(%arg9 : memref<128x128xf32, #tpu.memory_space<vmem>>) offsets(%dma_start3A_65 : memref<128xi32, #tpu.memory_space<vmem>>) semaphore(%arg11 : memref<!tpu.dma_semaphore, #tpu.memory_space<semaphore_mem>>)
      %dma_wait3A_69 = arith.constant 1 : i32
      %dma_wait3A_70 = arith.constant 0 : i32
      %dma_wait3A_71 = tpu.memref_slice %arg7[%dma_wait3A_69, %dma_wait3A_70] : memref<8x128xi32, #tpu.memory_space<vmem>> -> memref<1x128xi32, #tpu.memory_space<vmem>>
      %dma_wait3A_72 = tpu.memref_squeeze %dma_wait3A_71 : memref<1x128xi32, #tpu.memory_space<vmem>> -> memref<128xi32, #tpu.memory_space<vmem>>
      %dma_wait3A_73 = arith.constant 0 : i32
      %dma_wait3A_74 = arith.constant 0 : i32
      %dma_wait3A_75 = tpu.memref_slice %arg4[%dma_wait3A_73, %dma_wait3A_74] : memref<10240x128xf32, #tpu.memory_space<hbm>> -> memref<10240x128xf32, #tpu.memory_space<hbm>>
      tpu.wait_indirect_dma semaphore(%arg12 : memref<!tpu.dma_semaphore, #tpu.memory_space<semaphore_mem>>) src(%dma_wait3A_75 : memref<10240x128xf32, #tpu.memory_space<hbm>>) dst(%arg10 : memref<128x128xf32, #tpu.memory_space<vmem>>)
      %run_scoped3A_76 = arith.constant 1 : i32
      "tpu.region"() ({
        %run_scoped3A_160 = tpu.sem_alloc : memref<!tpu.dma_semaphore, #tpu.memory_space<semaphore_mem>>
        %dma_start3A_161 = arith.constant 0 : i32
        %dma_start3A_162 = tpu.memref_slice %arg8[%run_scoped3A_76, %dma_start3A_161] : memref<8x128xi32, #tpu.memory_space<vmem>> -> memref<1x128xi32, #tpu.memory_space<vmem>>
        %dma_start3A_163 = tpu.memref_squeeze %dma_start3A_162 : memref<1x128xi32, #tpu.memory_space<vmem>> -> memref<128xi32, #tpu.memory_space<vmem>>
        %dma_start3A_164 = arith.constant 0 : i32
        %dma_start3A_165 = arith.constant 0 : i32
        %dma_start3A_166 = tpu.memref_slice %arg6[%dma_start3A_164, %dma_start3A_165] : memref<10240x128xf32, #tpu.memory_space<vmem_shared>> -> memref<10240x128xf32, #tpu.memory_space<vmem_shared>>
        tpu.enqueue_indirect_dma source(%arg10 : memref<128x128xf32, #tpu.memory_space<vmem>>) target(%dma_start3A_166 : memref<10240x128xf32, #tpu.memory_space<vmem_shared>>) offsets(%dma_start3A_163 : memref<128xi32, #tpu.memory_space<vmem>>) semaphore(%run_scoped3A_160 : memref<!tpu.dma_semaphore, #tpu.memory_space<semaphore_mem>>) {add = true}
        %dma_wait3A_167 = arith.constant 0 : i32
        %dma_wait3A_168 = tpu.memref_slice %arg8[%run_scoped3A_76, %dma_wait3A_167] : memref<8x128xi32, #tpu.memory_space<vmem>> -> memref<1x128xi32, #tpu.memory_space<vmem>>
        %dma_wait3A_169 = tpu.memref_squeeze %dma_wait3A_168 : memref<1x128xi32, #tpu.memory_space<vmem>> -> memref<128xi32, #tpu.memory_space<vmem>>
        %dma_wait3A_170 = arith.constant 0 : i32
        %dma_wait3A_171 = arith.constant 0 : i32
        %dma_wait3A_172 = tpu.memref_slice %arg6[%dma_wait3A_170, %dma_wait3A_171] : memref<10240x128xf32, #tpu.memory_space<vmem_shared>> -> memref<10240x128xf32, #tpu.memory_space<vmem_shared>>
        tpu.wait_indirect_dma semaphore(%run_scoped3A_160 : memref<!tpu.dma_semaphore, #tpu.memory_space<semaphore_mem>>) src(%arg10 : memref<128x128xf32, #tpu.memory_space<vmem>>) dst(%dma_wait3A_172 : memref<10240x128xf32, #tpu.memory_space<vmem_shared>>)
        tpu.yield
      }) : () -> ()
      %dma_start3A_77 = arith.constant 3 : i32
      %dma_start3A_78 = arith.constant 0 : i32
      %dma_start3A_79 = tpu.memref_slice %arg7[%dma_start3A_77, %dma_start3A_78] : memref<8x128xi32, #tpu.memory_space<vmem>> -> memref<1x128xi32, #tpu.memory_space<vmem>>
      %dma_start3A_80 = tpu.memref_squeeze %dma_start3A_79 : memref<1x128xi32, #tpu.memory_space<vmem>> -> memref<128xi32, #tpu.memory_space<vmem>>
      %dma_start3A_81 = arith.constant 0 : i32
      %dma_start3A_82 = arith.constant 0 : i32
      %dma_start3A_83 = tpu.memref_slice %arg4[%dma_start3A_81, %dma_start3A_82] : memref<10240x128xf32, #tpu.memory_space<hbm>> -> memref<10240x128xf32, #tpu.memory_space<hbm>>
      tpu.enqueue_indirect_dma source(%dma_start3A_83 : memref<10240x128xf32, #tpu.memory_space<hbm>>) target(%arg10 : memref<128x128xf32, #tpu.memory_space<vmem>>) offsets(%dma_start3A_80 : memref<128xi32, #tpu.memory_space<vmem>>) semaphore(%arg12 : memref<!tpu.dma_semaphore, #tpu.memory_space<semaphore_mem>>)
      %dma_wait3A_84 = arith.constant 2 : i32
      %dma_wait3A_85 = arith.constant 0 : i32
      %dma_wait3A_86 = tpu.memref_slice %arg7[%dma_wait3A_84, %dma_wait3A_85] : memref<8x128xi32, #tpu.memory_space<vmem>> -> memref<1x128xi32, #tpu.memory_space<vmem>>
      %dma_wait3A_87 = tpu.memref_squeeze %dma_wait3A_86 : memref<1x128xi32, #tpu.memory_space<vmem>> -> memref<128xi32, #tpu.memory_space<vmem>>
      %dma_wait3A_88 = arith.constant 0 : i32
      %dma_wait3A_89 = arith.constant 0 : i32
      %dma_wait3A_90 = tpu.memref_slice %arg4[%dma_wait3A_88, %dma_wait3A_89] : memref<10240x128xf32, #tpu.memory_space<hbm>> -> memref<10240x128xf32, #tpu.memory_space<hbm>>
      tpu.wait_indirect_dma semaphore(%arg11 : memref<!tpu.dma_semaphore, #tpu.memory_space<semaphore_mem>>) src(%dma_wait3A_90 : memref<10240x128xf32, #tpu.memory_space<hbm>>) dst(%arg9 : memref<128x128xf32, #tpu.memory_space<vmem>>)
      %run_scoped3A_91 = arith.constant 2 : i32
      "tpu.region"() ({
        %run_scoped3A_160 = tpu.sem_alloc : memref<!tpu.dma_semaphore, #tpu.memory_space<semaphore_mem>>
        %dma_start3A_161 = arith.constant 0 : i32
        %dma_start3A_162 = tpu.memref_slice %arg8[%run_scoped3A_91, %dma_start3A_161] : memref<8x128xi32, #tpu.memory_space<vmem>> -> memref<1x128xi32, #tpu.memory_space<vmem>>
        %dma_start3A_163 = tpu.memref_squeeze %dma_start3A_162 : memref<1x128xi32, #tpu.memory_space<vmem>> -> memref<128xi32, #tpu.memory_space<vmem>>
        %dma_start3A_164 = arith.constant 0 : i32
        %dma_start3A_165 = arith.constant 0 : i32
        %dma_start3A_166 = tpu.memref_slice %arg6[%dma_start3A_164, %dma_start3A_165] : memref<10240x128xf32, #tpu.memory_space<vmem_shared>> -> memref<10240x128xf32, #tpu.memory_space<vmem_shared>>
        tpu.enqueue_indirect_dma source(%arg9 : memref<128x128xf32, #tpu.memory_space<vmem>>) target(%dma_start3A_166 : memref<10240x128xf32, #tpu.memory_space<vmem_shared>>) offsets(%dma_start3A_163 : memref<128xi32, #tpu.memory_space<vmem>>) semaphore(%run_scoped3A_160 : memref<!tpu.dma_semaphore, #tpu.memory_space<semaphore_mem>>) {add = true}
        %dma_wait3A_167 = arith.constant 0 : i32
        %dma_wait3A_168 = tpu.memref_slice %arg8[%run_scoped3A_91, %dma_wait3A_167] : memref<8x128xi32, #tpu.memory_space<vmem>> -> memref<1x128xi32, #tpu.memory_space<vmem>>
        %dma_wait3A_169 = tpu.memref_squeeze %dma_wait3A_168 : memref<1x128xi32, #tpu.memory_space<vmem>> -> memref<128xi32, #tpu.memory_space<vmem>>
        %dma_wait3A_170 = arith.constant 0 : i32
        %dma_wait3A_171 = arith.constant 0 : i32
        %dma_wait3A_172 = tpu.memref_slice %arg6[%dma_wait3A_170, %dma_wait3A_171] : memref<10240x128xf32, #tpu.memory_space<vmem_shared>> -> memref<10240x128xf32, #tpu.memory_space<vmem_shared>>
        tpu.wait_indirect_dma semaphore(%run_scoped3A_160 : memref<!tpu.dma_semaphore, #tpu.memory_space<semaphore_mem>>) src(%arg9 : memref<128x128xf32, #tpu.memory_space<vmem>>) dst(%dma_wait3A_172 : memref<10240x128xf32, #tpu.memory_space<vmem_shared>>)
        tpu.yield
      }) : () -> ()
      %dma_start3A_92 = arith.constant 4 : i32
      %dma_start3A_93 = arith.constant 0 : i32
      %dma_start3A_94 = tpu.memref_slice %arg7[%dma_start3A_92, %dma_start3A_93] : memref<8x128xi32, #tpu.memory_space<vmem>> -> memref<1x128xi32, #tpu.memory_space<vmem>>
      %dma_start3A_95 = tpu.memref_squeeze %dma_start3A_94 : memref<1x128xi32, #tpu.memory_space<vmem>> -> memref<128xi32, #tpu.memory_space<vmem>>
      %dma_start3A_96 = arith.constant 0 : i32
      %dma_start3A_97 = arith.constant 0 : i32
      %dma_start3A_98 = tpu.memref_slice %arg4[%dma_start3A_96, %dma_start3A_97] : memref<10240x128xf32, #tpu.memory_space<hbm>> -> memref<10240x128xf32, #tpu.memory_space<hbm>>
      tpu.enqueue_indirect_dma source(%dma_start3A_98 : memref<10240x128xf32, #tpu.memory_space<hbm>>) target(%arg9 : memref<128x128xf32, #tpu.memory_space<vmem>>) offsets(%dma_start3A_95 : memref<128xi32, #tpu.memory_space<vmem>>) semaphore(%arg11 : memref<!tpu.dma_semaphore, #tpu.memory_space<semaphore_mem>>)
      %dma_wait3A_99 = arith.constant 3 : i32
      %dma_wait3A_100 = arith.constant 0 : i32
      %dma_wait3A_101 = tpu.memref_slice %arg7[%dma_wait3A_99, %dma_wait3A_100] : memref<8x128xi32, #tpu.memory_space<vmem>> -> memref<1x128xi32, #tpu.memory_space<vmem>>
      %dma_wait3A_102 = tpu.memref_squeeze %dma_wait3A_101 : memref<1x128xi32, #tpu.memory_space<vmem>> -> memref<128xi32, #tpu.memory_space<vmem>>
      %dma_wait3A_103 = arith.constant 0 : i32
      %dma_wait3A_104 = arith.constant 0 : i32
      %dma_wait3A_105 = tpu.memref_slice %arg4[%dma_wait3A_103, %dma_wait3A_104] : memref<10240x128xf32, #tpu.memory_space<hbm>> -> memref<10240x128xf32, #tpu.memory_space<hbm>>
      tpu.wait_indirect_dma semaphore(%arg12 : memref<!tpu.dma_semaphore, #tpu.memory_space<semaphore_mem>>) src(%dma_wait3A_105 : memref<10240x128xf32, #tpu.memory_space<hbm>>) dst(%arg10 : memref<128x128xf32, #tpu.memory_space<vmem>>)
      %run_scoped3A_106 = arith.constant 3 : i32
      "tpu.region"() ({
        %run_scoped3A_160 = tpu.sem_alloc : memref<!tpu.dma_semaphore, #tpu.memory_space<semaphore_mem>>
        %dma_start3A_161 = arith.constant 0 : i32
        %dma_start3A_162 = tpu.memref_slice %arg8[%run_scoped3A_106, %dma_start3A_161] : memref<8x128xi32, #tpu.memory_space<vmem>> -> memref<1x128xi32, #tpu.memory_space<vmem>>
        %dma_start3A_163 = tpu.memref_squeeze %dma_start3A_162 : memref<1x128xi32, #tpu.memory_space<vmem>> -> memref<128xi32, #tpu.memory_space<vmem>>
        %dma_start3A_164 = arith.constant 0 : i32
        %dma_start3A_165 = arith.constant 0 : i32
        %dma_start3A_166 = tpu.memref_slice %arg6[%dma_start3A_164, %dma_start3A_165] : memref<10240x128xf32, #tpu.memory_space<vmem_shared>> -> memref<10240x128xf32, #tpu.memory_space<vmem_shared>>
        tpu.enqueue_indirect_dma source(%arg10 : memref<128x128xf32, #tpu.memory_space<vmem>>) target(%dma_start3A_166 : memref<10240x128xf32, #tpu.memory_space<vmem_shared>>) offsets(%dma_start3A_163 : memref<128xi32, #tpu.memory_space<vmem>>) semaphore(%run_scoped3A_160 : memref<!tpu.dma_semaphore, #tpu.memory_space<semaphore_mem>>) {add = true}
        %dma_wait3A_167 = arith.constant 0 : i32
        %dma_wait3A_168 = tpu.memref_slice %arg8[%run_scoped3A_106, %dma_wait3A_167] : memref<8x128xi32, #tpu.memory_space<vmem>> -> memref<1x128xi32, #tpu.memory_space<vmem>>
        %dma_wait3A_169 = tpu.memref_squeeze %dma_wait3A_168 : memref<1x128xi32, #tpu.memory_space<vmem>> -> memref<128xi32, #tpu.memory_space<vmem>>
        %dma_wait3A_170 = arith.constant 0 : i32
        %dma_wait3A_171 = arith.constant 0 : i32
        %dma_wait3A_172 = tpu.memref_slice %arg6[%dma_wait3A_170, %dma_wait3A_171] : memref<10240x128xf32, #tpu.memory_space<vmem_shared>> -> memref<10240x128xf32, #tpu.memory_space<vmem_shared>>
        tpu.wait_indirect_dma semaphore(%run_scoped3A_160 : memref<!tpu.dma_semaphore, #tpu.memory_space<semaphore_mem>>) src(%arg10 : memref<128x128xf32, #tpu.memory_space<vmem>>) dst(%dma_wait3A_172 : memref<10240x128xf32, #tpu.memory_space<vmem_shared>>)
        tpu.yield
      }) : () -> ()
      %dma_start3A_107 = arith.constant 5 : i32
      %dma_start3A_108 = arith.constant 0 : i32
      %dma_start3A_109 = tpu.memref_slice %arg7[%dma_start3A_107, %dma_start3A_108] : memref<8x128xi32, #tpu.memory_space<vmem>> -> memref<1x128xi32, #tpu.memory_space<vmem>>
      %dma_start3A_110 = tpu.memref_squeeze %dma_start3A_109 : memref<1x128xi32, #tpu.memory_space<vmem>> -> memref<128xi32, #tpu.memory_space<vmem>>
      %dma_start3A_111 = arith.constant 0 : i32
      %dma_start3A_112 = arith.constant 0 : i32
      %dma_start3A_113 = tpu.memref_slice %arg4[%dma_start3A_111, %dma_start3A_112] : memref<10240x128xf32, #tpu.memory_space<hbm>> -> memref<10240x128xf32, #tpu.memory_space<hbm>>
      tpu.enqueue_indirect_dma source(%dma_start3A_113 : memref<10240x128xf32, #tpu.memory_space<hbm>>) target(%arg10 : memref<128x128xf32, #tpu.memory_space<vmem>>) offsets(%dma_start3A_110 : memref<128xi32, #tpu.memory_space<vmem>>) semaphore(%arg12 : memref<!tpu.dma_semaphore, #tpu.memory_space<semaphore_mem>>)
      %dma_wait3A_114 = arith.constant 4 : i32
      %dma_wait3A_115 = arith.constant 0 : i32
      %dma_wait3A_116 = tpu.memref_slice %arg7[%dma_wait3A_114, %dma_wait3A_115] : memref<8x128xi32, #tpu.memory_space<vmem>> -> memref<1x128xi32, #tpu.memory_space<vmem>>
      %dma_wait3A_117 = tpu.memref_squeeze %dma_wait3A_116 : memref<1x128xi32, #tpu.memory_space<vmem>> -> memref<128xi32, #tpu.memory_space<vmem>>
      %dma_wait3A_118 = arith.constant 0 : i32
      %dma_wait3A_119 = arith.constant 0 : i32
      %dma_wait3A_120 = tpu.memref_slice %arg4[%dma_wait3A_118, %dma_wait3A_119] : memref<10240x128xf32, #tpu.memory_space<hbm>> -> memref<10240x128xf32, #tpu.memory_space<hbm>>
      tpu.wait_indirect_dma semaphore(%arg11 : memref<!tpu.dma_semaphore, #tpu.memory_space<semaphore_mem>>) src(%dma_wait3A_120 : memref<10240x128xf32, #tpu.memory_space<hbm>>) dst(%arg9 : memref<128x128xf32, #tpu.memory_space<vmem>>)
      %run_scoped3A_121 = arith.constant 4 : i32
      "tpu.region"() ({
        %run_scoped3A_160 = tpu.sem_alloc : memref<!tpu.dma_semaphore, #tpu.memory_space<semaphore_mem>>
        %dma_start3A_161 = arith.constant 0 : i32
        %dma_start3A_162 = tpu.memref_slice %arg8[%run_scoped3A_121, %dma_start3A_161] : memref<8x128xi32, #tpu.memory_space<vmem>> -> memref<1x128xi32, #tpu.memory_space<vmem>>
        %dma_start3A_163 = tpu.memref_squeeze %dma_start3A_162 : memref<1x128xi32, #tpu.memory_space<vmem>> -> memref<128xi32, #tpu.memory_space<vmem>>
        %dma_start3A_164 = arith.constant 0 : i32
        %dma_start3A_165 = arith.constant 0 : i32
        %dma_start3A_166 = tpu.memref_slice %arg6[%dma_start3A_164, %dma_start3A_165] : memref<10240x128xf32, #tpu.memory_space<vmem_shared>> -> memref<10240x128xf32, #tpu.memory_space<vmem_shared>>
        tpu.enqueue_indirect_dma source(%arg9 : memref<128x128xf32, #tpu.memory_space<vmem>>) target(%dma_start3A_166 : memref<10240x128xf32, #tpu.memory_space<vmem_shared>>) offsets(%dma_start3A_163 : memref<128xi32, #tpu.memory_space<vmem>>) semaphore(%run_scoped3A_160 : memref<!tpu.dma_semaphore, #tpu.memory_space<semaphore_mem>>) {add = true}
        %dma_wait3A_167 = arith.constant 0 : i32
        %dma_wait3A_168 = tpu.memref_slice %arg8[%run_scoped3A_121, %dma_wait3A_167] : memref<8x128xi32, #tpu.memory_space<vmem>> -> memref<1x128xi32, #tpu.memory_space<vmem>>
        %dma_wait3A_169 = tpu.memref_squeeze %dma_wait3A_168 : memref<1x128xi32, #tpu.memory_space<vmem>> -> memref<128xi32, #tpu.memory_space<vmem>>
        %dma_wait3A_170 = arith.constant 0 : i32
        %dma_wait3A_171 = arith.constant 0 : i32
        %dma_wait3A_172 = tpu.memref_slice %arg6[%dma_wait3A_170, %dma_wait3A_171] : memref<10240x128xf32, #tpu.memory_space<vmem_shared>> -> memref<10240x128xf32, #tpu.memory_space<vmem_shared>>
        tpu.wait_indirect_dma semaphore(%run_scoped3A_160 : memref<!tpu.dma_semaphore, #tpu.memory_space<semaphore_mem>>) src(%arg9 : memref<128x128xf32, #tpu.memory_space<vmem>>) dst(%dma_wait3A_172 : memref<10240x128xf32, #tpu.memory_space<vmem_shared>>)
        tpu.yield
      }) : () -> ()
      %dma_start3A_122 = arith.constant 6 : i32
      %dma_start3A_123 = arith.constant 0 : i32
      %dma_start3A_124 = tpu.memref_slice %arg7[%dma_start3A_122, %dma_start3A_123] : memref<8x128xi32, #tpu.memory_space<vmem>> -> memref<1x128xi32, #tpu.memory_space<vmem>>
      %dma_start3A_125 = tpu.memref_squeeze %dma_start3A_124 : memref<1x128xi32, #tpu.memory_space<vmem>> -> memref<128xi32, #tpu.memory_space<vmem>>
      %dma_start3A_126 = arith.constant 0 : i32
      %dma_start3A_127 = arith.constant 0 : i32
      %dma_start3A_128 = tpu.memref_slice %arg4[%dma_start3A_126, %dma_start3A_127] : memref<10240x128xf32, #tpu.memory_space<hbm>> -> memref<10240x128xf32, #tpu.memory_space<hbm>>
      tpu.enqueue_indirect_dma source(%dma_start3A_128 : memref<10240x128xf32, #tpu.memory_space<hbm>>) target(%arg9 : memref<128x128xf32, #tpu.memory_space<vmem>>) offsets(%dma_start3A_125 : memref<128xi32, #tpu.memory_space<vmem>>) semaphore(%arg11 : memref<!tpu.dma_semaphore, #tpu.memory_space<semaphore_mem>>)
      %dma_wait3A_129 = arith.constant 5 : i32
      %dma_wait3A_130 = arith.constant 0 : i32
      %dma_wait3A_131 = tpu.memref_slice %arg7[%dma_wait3A_129, %dma_wait3A_130] : memref<8x128xi32, #tpu.memory_space<vmem>> -> memref<1x128xi32, #tpu.memory_space<vmem>>
      %dma_wait3A_132 = tpu.memref_squeeze %dma_wait3A_131 : memref<1x128xi32, #tpu.memory_space<vmem>> -> memref<128xi32, #tpu.memory_space<vmem>>
      %dma_wait3A_133 = arith.constant 0 : i32
      %dma_wait3A_134 = arith.constant 0 : i32
      %dma_wait3A_135 = tpu.memref_slice %arg4[%dma_wait3A_133, %dma_wait3A_134] : memref<10240x128xf32, #tpu.memory_space<hbm>> -> memref<10240x128xf32, #tpu.memory_space<hbm>>
      tpu.wait_indirect_dma semaphore(%arg12 : memref<!tpu.dma_semaphore, #tpu.memory_space<semaphore_mem>>) src(%dma_wait3A_135 : memref<10240x128xf32, #tpu.memory_space<hbm>>) dst(%arg10 : memref<128x128xf32, #tpu.memory_space<vmem>>)
      %run_scoped3A_136 = arith.constant 5 : i32
      "tpu.region"() ({
        %run_scoped3A_160 = tpu.sem_alloc : memref<!tpu.dma_semaphore, #tpu.memory_space<semaphore_mem>>
        %dma_start3A_161 = arith.constant 0 : i32
        %dma_start3A_162 = tpu.memref_slice %arg8[%run_scoped3A_136, %dma_start3A_161] : memref<8x128xi32, #tpu.memory_space<vmem>> -> memref<1x128xi32, #tpu.memory_space<vmem>>
        %dma_start3A_163 = tpu.memref_squeeze %dma_start3A_162 : memref<1x128xi32, #tpu.memory_space<vmem>> -> memref<128xi32, #tpu.memory_space<vmem>>
        %dma_start3A_164 = arith.constant 0 : i32
        %dma_start3A_165 = arith.constant 0 : i32
        %dma_start3A_166 = tpu.memref_slice %arg6[%dma_start3A_164, %dma_start3A_165] : memref<10240x128xf32, #tpu.memory_space<vmem_shared>> -> memref<10240x128xf32, #tpu.memory_space<vmem_shared>>
        tpu.enqueue_indirect_dma source(%arg10 : memref<128x128xf32, #tpu.memory_space<vmem>>) target(%dma_start3A_166 : memref<10240x128xf32, #tpu.memory_space<vmem_shared>>) offsets(%dma_start3A_163 : memref<128xi32, #tpu.memory_space<vmem>>) semaphore(%run_scoped3A_160 : memref<!tpu.dma_semaphore, #tpu.memory_space<semaphore_mem>>) {add = true}
        %dma_wait3A_167 = arith.constant 0 : i32
        %dma_wait3A_168 = tpu.memref_slice %arg8[%run_scoped3A_136, %dma_wait3A_167] : memref<8x128xi32, #tpu.memory_space<vmem>> -> memref<1x128xi32, #tpu.memory_space<vmem>>
        %dma_wait3A_169 = tpu.memref_squeeze %dma_wait3A_168 : memref<1x128xi32, #tpu.memory_space<vmem>> -> memref<128xi32, #tpu.memory_space<vmem>>
        %dma_wait3A_170 = arith.constant 0 : i32
        %dma_wait3A_171 = arith.constant 0 : i32
        %dma_wait3A_172 = tpu.memref_slice %arg6[%dma_wait3A_170, %dma_wait3A_171] : memref<10240x128xf32, #tpu.memory_space<vmem_shared>> -> memref<10240x128xf32, #tpu.memory_space<vmem_shared>>
        tpu.wait_indirect_dma semaphore(%run_scoped3A_160 : memref<!tpu.dma_semaphore, #tpu.memory_space<semaphore_mem>>) src(%arg10 : memref<128x128xf32, #tpu.memory_space<vmem>>) dst(%dma_wait3A_172 : memref<10240x128xf32, #tpu.memory_space<vmem_shared>>)
        tpu.yield
      }) : () -> ()
      %dma_start3A_137 = arith.constant 7 : i32
      %dma_start3A_138 = arith.constant 0 : i32
      %dma_start3A_139 = tpu.memref_slice %arg7[%dma_start3A_137, %dma_start3A_138] : memref<8x128xi32, #tpu.memory_space<vmem>> -> memref<1x128xi32, #tpu.memory_space<vmem>>
      %dma_start3A_140 = tpu.memref_squeeze %dma_start3A_139 : memref<1x128xi32, #tpu.memory_space<vmem>> -> memref<128xi32, #tpu.memory_space<vmem>>
      %dma_start3A_141 = arith.constant 0 : i32
      %dma_start3A_142 = arith.constant 0 : i32
      %dma_start3A_143 = tpu.memref_slice %arg4[%dma_start3A_141, %dma_start3A_142] : memref<10240x128xf32, #tpu.memory_space<hbm>> -> memref<10240x128xf32, #tpu.memory_space<hbm>>
      tpu.enqueue_indirect_dma source(%dma_start3A_143 : memref<10240x128xf32, #tpu.memory_space<hbm>>) target(%arg10 : memref<128x128xf32, #tpu.memory_space<vmem>>) offsets(%dma_start3A_140 : memref<128xi32, #tpu.memory_space<vmem>>) semaphore(%arg12 : memref<!tpu.dma_semaphore, #tpu.memory_space<semaphore_mem>>)
      %dma_wait3A_144 = arith.constant 6 : i32
      %dma_wait3A_145 = arith.constant 0 : i32
      %dma_wait3A_146 = tpu.memref_slice %arg7[%dma_wait3A_144, %dma_wait3A_145] : memref<8x128xi32, #tpu.memory_space<vmem>> -> memref<1x128xi32, #tpu.memory_space<vmem>>
      %dma_wait3A_147 = tpu.memref_squeeze %dma_wait3A_146 : memref<1x128xi32, #tpu.memory_space<vmem>> -> memref<128xi32, #tpu.memory_space<vmem>>
      %dma_wait3A_148 = arith.constant 0 : i32
      %dma_wait3A_149 = arith.constant 0 : i32
      %dma_wait3A_150 = tpu.memref_slice %arg4[%dma_wait3A_148, %dma_wait3A_149] : memref<10240x128xf32, #tpu.memory_space<hbm>> -> memref<10240x128xf32, #tpu.memory_space<hbm>>
      tpu.wait_indirect_dma semaphore(%arg11 : memref<!tpu.dma_semaphore, #tpu.memory_space<semaphore_mem>>) src(%dma_wait3A_150 : memref<10240x128xf32, #tpu.memory_space<hbm>>) dst(%arg9 : memref<128x128xf32, #tpu.memory_space<vmem>>)
      %run_scoped3A_151 = arith.constant 6 : i32
      "tpu.region"() ({
        %run_scoped3A_160 = tpu.sem_alloc : memref<!tpu.dma_semaphore, #tpu.memory_space<semaphore_mem>>
        %dma_start3A_161 = arith.constant 0 : i32
        %dma_start3A_162 = tpu.memref_slice %arg8[%run_scoped3A_151, %dma_start3A_161] : memref<8x128xi32, #tpu.memory_space<vmem>> -> memref<1x128xi32, #tpu.memory_space<vmem>>
        %dma_start3A_163 = tpu.memref_squeeze %dma_start3A_162 : memref<1x128xi32, #tpu.memory_space<vmem>> -> memref<128xi32, #tpu.memory_space<vmem>>
        %dma_start3A_164 = arith.constant 0 : i32
        %dma_start3A_165 = arith.constant 0 : i32
        %dma_start3A_166 = tpu.memref_slice %arg6[%dma_start3A_164, %dma_start3A_165] : memref<10240x128xf32, #tpu.memory_space<vmem_shared>> -> memref<10240x128xf32, #tpu.memory_space<vmem_shared>>
        tpu.enqueue_indirect_dma source(%arg9 : memref<128x128xf32, #tpu.memory_space<vmem>>) target(%dma_start3A_166 : memref<10240x128xf32, #tpu.memory_space<vmem_shared>>) offsets(%dma_start3A_163 : memref<128xi32, #tpu.memory_space<vmem>>) semaphore(%run_scoped3A_160 : memref<!tpu.dma_semaphore, #tpu.memory_space<semaphore_mem>>) {add = true}
        %dma_wait3A_167 = arith.constant 0 : i32
        %dma_wait3A_168 = tpu.memref_slice %arg8[%run_scoped3A_151, %dma_wait3A_167] : memref<8x128xi32, #tpu.memory_space<vmem>> -> memref<1x128xi32, #tpu.memory_space<vmem>>
        %dma_wait3A_169 = tpu.memref_squeeze %dma_wait3A_168 : memref<1x128xi32, #tpu.memory_space<vmem>> -> memref<128xi32, #tpu.memory_space<vmem>>
        %dma_wait3A_170 = arith.constant 0 : i32
        %dma_wait3A_171 = arith.constant 0 : i32
        %dma_wait3A_172 = tpu.memref_slice %arg6[%dma_wait3A_170, %dma_wait3A_171] : memref<10240x128xf32, #tpu.memory_space<vmem_shared>> -> memref<10240x128xf32, #tpu.memory_space<vmem_shared>>
        tpu.wait_indirect_dma semaphore(%run_scoped3A_160 : memref<!tpu.dma_semaphore, #tpu.memory_space<semaphore_mem>>) src(%arg9 : memref<128x128xf32, #tpu.memory_space<vmem>>) dst(%dma_wait3A_172 : memref<10240x128xf32, #tpu.memory_space<vmem_shared>>)
        tpu.yield
      }) : () -> ()
      %dma_wait3A_152 = arith.constant 7 : i32
      %dma_wait3A_153 = arith.constant 0 : i32
      %dma_wait3A_154 = tpu.memref_slice %arg7[%dma_wait3A_152, %dma_wait3A_153] : memref<8x128xi32, #tpu.memory_space<vmem>> -> memref<1x128xi32, #tpu.memory_space<vmem>>
      %dma_wait3A_155 = tpu.memref_squeeze %dma_wait3A_154 : memref<1x128xi32, #tpu.memory_space<vmem>> -> memref<128xi32, #tpu.memory_space<vmem>>
      %dma_wait3A_156 = arith.constant 0 : i32
      %dma_wait3A_157 = arith.constant 0 : i32
      %dma_wait3A_158 = tpu.memref_slice %arg4[%dma_wait3A_156, %dma_wait3A_157] : memref<10240x128xf32, #tpu.memory_space<hbm>> -> memref<10240x128xf32, #tpu.memory_space<hbm>>
      tpu.wait_indirect_dma semaphore(%arg12 : memref<!tpu.dma_semaphore, #tpu.memory_space<semaphore_mem>>) src(%dma_wait3A_158 : memref<10240x128xf32, #tpu.memory_space<hbm>>) dst(%arg10 : memref<128x128xf32, #tpu.memory_space<vmem>>)
      %run_scoped3A_159 = arith.constant 7 : i32
      "tpu.region"() ({
        %run_scoped3A_160 = tpu.sem_alloc : memref<!tpu.dma_semaphore, #tpu.memory_space<semaphore_mem>>
        %dma_start3A_161 = arith.constant 0 : i32
        %dma_start3A_162 = tpu.memref_slice %arg8[%run_scoped3A_159, %dma_start3A_161] : memref<8x128xi32, #tpu.memory_space<vmem>> -> memref<1x128xi32, #tpu.memory_space<vmem>>
        %dma_start3A_163 = tpu.memref_squeeze %dma_start3A_162 : memref<1x128xi32, #tpu.memory_space<vmem>> -> memref<128xi32, #tpu.memory_space<vmem>>
        %dma_start3A_164 = arith.constant 0 : i32
        %dma_start3A_165 = arith.constant 0 : i32
        %dma_start3A_166 = tpu.memref_slice %arg6[%dma_start3A_164, %dma_start3A_165] : memref<10240x128xf32, #tpu.memory_space<vmem_shared>> -> memref<10240x128xf32, #tpu.memory_space<vmem_shared>>
        tpu.enqueue_indirect_dma source(%arg10 : memref<128x128xf32, #tpu.memory_space<vmem>>) target(%dma_start3A_166 : memref<10240x128xf32, #tpu.memory_space<vmem_shared>>) offsets(%dma_start3A_163 : memref<128xi32, #tpu.memory_space<vmem>>) semaphore(%run_scoped3A_160 : memref<!tpu.dma_semaphore, #tpu.memory_space<semaphore_mem>>) {add = true}
        %dma_wait3A_167 = arith.constant 0 : i32
        %dma_wait3A_168 = tpu.memref_slice %arg8[%run_scoped3A_159, %dma_wait3A_167] : memref<8x128xi32, #tpu.memory_space<vmem>> -> memref<1x128xi32, #tpu.memory_space<vmem>>
        %dma_wait3A_169 = tpu.memref_squeeze %dma_wait3A_168 : memref<1x128xi32, #tpu.memory_space<vmem>> -> memref<128xi32, #tpu.memory_space<vmem>>
        %dma_wait3A_170 = arith.constant 0 : i32
        %dma_wait3A_171 = arith.constant 0 : i32
        %dma_wait3A_172 = tpu.memref_slice %arg6[%dma_wait3A_170, %dma_wait3A_171] : memref<10240x128xf32, #tpu.memory_space<vmem_shared>> -> memref<10240x128xf32, #tpu.memory_space<vmem_shared>>
        tpu.wait_indirect_dma semaphore(%run_scoped3A_160 : memref<!tpu.dma_semaphore, #tpu.memory_space<semaphore_mem>>) src(%arg10 : memref<128x128xf32, #tpu.memory_space<vmem>>) dst(%dma_wait3A_172 : memref<10240x128xf32, #tpu.memory_space<vmem_shared>>)
        tpu.yield
      }) : () -> ()
    }
    %scan3A_33 = arith.constant 10 : i32
    %barrier3A_34 = arith.constant 0 : index
    tpu.barrier barrier_id(%barrier3A_34)
    "tpu.region"() ({
      %run_scoped3A = tpu.sem_alloc : memref<!tpu.dma_semaphore, #tpu.memory_space<semaphore_mem>>
      %dma_start3A = arith.constant 0 : i32
      %dma_start3A_35 = tpu.memref_slice %arg5[%arg0, %mul3A_0, %dma_start3A] : memref<2x10240x128xf32, #tpu.memory_space<hbm>> -> memref<1x640x128xf32, #tpu.memory_space<hbm>>
      %dma_start3A_36 = tpu.memref_squeeze %dma_start3A_35 : memref<1x640x128xf32, #tpu.memory_space<hbm>> -> memref<640x128xf32, #tpu.memory_space<hbm>>
      %dma_start3A_37 = arith.constant 0 : i32
      %dma_start3A_38 = tpu.memref_slice %arg6[%mul3A_0, %dma_start3A_37] : memref<10240x128xf32, #tpu.memory_space<vmem_shared>> -> memref<640x128xf32, #tpu.memory_space<vmem_shared>>
      tpu.enqueue_dma source(%dma_start3A_38 : memref<640x128xf32, #tpu.memory_space<vmem_shared>>) target(%dma_start3A_36 : memref<640x128xf32, #tpu.memory_space<hbm>>) target_semaphore(%run_scoped3A : memref<!tpu.dma_semaphore, #tpu.memory_space<semaphore_mem>>)
      %dma_wait3A = arith.constant 0 : i32
      %dma_wait3A_39 = tpu.memref_slice %arg5[%arg0, %mul3A_0, %dma_wait3A] : memref<2x10240x128xf32, #tpu.memory_space<hbm>> -> memref<1x640x128xf32, #tpu.memory_space<hbm>>
      %dma_wait3A_40 = tpu.memref_squeeze %dma_wait3A_39 : memref<1x640x128xf32, #tpu.memory_space<hbm>> -> memref<640x128xf32, #tpu.memory_space<hbm>>
      %dma_wait3A_41 = arith.constant 0 : i32
      %dma_wait3A_42 = tpu.memref_slice %arg6[%mul3A_0, %dma_wait3A_41] : memref<10240x128xf32, #tpu.memory_space<vmem_shared>> -> memref<640x128xf32, #tpu.memory_space<vmem_shared>>
      tpu.wait_dma2 semaphore(%run_scoped3A : memref<!tpu.dma_semaphore, #tpu.memory_space<semaphore_mem>>) src(%dma_wait3A_42 : memref<640x128xf32, #tpu.memory_space<vmem_shared>>) dst(%dma_wait3A_40 : memref<640x128xf32, #tpu.memory_space<hbm>>)
      tpu.yield
    }) : () -> ()
    return
  }
}

module attributes {stable_mosaic.version = 14 : i64} {
  func.func @_stage_a_body(%arg0: i32, %arg1: memref<512x128xf32, #tpu.memory_space<vmem>>, %arg2: memref<32x512xf32, #tpu.memory_space<vmem>>, %arg3: memref<128x64xf32, #tpu.memory_space<vmem>>, %arg4: memref<64x64xf32, #tpu.memory_space<vmem>>, %arg5: memref<8x64xf32, #tpu.memory_space<vmem>>, %arg6: memref<512x128xf32, #tpu.memory_space<vmem>>, %arg7: memref<512x64xf32, #tpu.memory_space<vmem>>) attributes {dimension_semantics = [#tpu.dimension_semantics<arbitrary>], iteration_bounds = array<i64: 20>, scalar_prefetch = 0 : i64, scratch_operands = 0 : i64, tpu.core_type = #tpu.core_type<tc>, window_params = [{transform_indices = @transform_0, window_bounds = array<i64: 512, 128>}, {transform_indices = @transform_1, window_bounds = array<i64: 32, 512>}, {pipeline_mode = #tpu.pipeline_mode<synchronous>, transform_indices = @transform_2, window_bounds = array<i64: 128, 64>}, {pipeline_mode = #tpu.pipeline_mode<synchronous>, transform_indices = @transform_3, window_bounds = array<i64: 64, 64>}, {pipeline_mode = #tpu.pipeline_mode<synchronous>, transform_indices = @transform_4, window_bounds = array<i64: 8, 64>}, {transform_indices = @transform_5, window_bounds = array<i64: 512, 128>}, {transform_indices = @transform_6, window_bounds = array<i64: 512, 64>}]} {
    %get3A = arith.constant 0 : index
    %get3A_0 = arith.constant 0 : index
    %get3A_1 = vector.load %arg2[%get3A, %get3A_0] : memref<32x512xf32, #tpu.memory_space<vmem>>, vector<32x512xf32>
    %reduce_sum3A = arith.constant dense<0.000000e+00> : vector<512xf32>
    %reduce_sum3A_2 = vector.multi_reduction <add>, %get3A_1, %reduce_sum3A [0] : vector<32x512xf32> to vector<512xf32>
    %add3A = arith.constant 1.000000e+00 : f32
    %add3A_3 = vector.broadcast %add3A : f32 to vector<512xf32>
    %add3A_4 = arith.addf %reduce_sum3A_2, %add3A_3 : vector<512xf32>
    %rsqrt3A = math.rsqrt %add3A_4 : vector<512xf32>
    %broadcast_in_dim3A = vector.shape_cast %rsqrt3A : vector<512xf32> to vector<512x1xf32>
    %broadcast_in_dim3A_5 = vector.shape_cast %broadcast_in_dim3A : vector<512x1xf32> to vector<512x1xf32>
    %broadcast_in_dim3A_6 = vector.broadcast %broadcast_in_dim3A_5 : vector<512x1xf32> to vector<512x64xf32>
    %get3A_7 = arith.constant 0 : index
    %get3A_8 = arith.constant 0 : index
    %get3A_9 = vector.load %arg1[%get3A_7, %get3A_8] : memref<512x128xf32, #tpu.memory_space<vmem>>, vector<512x128xf32>
    %get3A_10 = arith.constant 0 : index
    %get3A_11 = arith.constant 0 : index
    %get3A_12 = vector.load %arg3[%get3A_10, %get3A_11] : memref<128x64xf32, #tpu.memory_space<vmem>>, vector<128x64xf32>
    %dot_general3A = arith.constant dense<0.000000e+00> : vector<512x64xf32>
    %dot_general3A_13 = tpu.matmul %get3A_9, %get3A_12, %dot_general3A {dimension_numbers = #tpu.dot_dimension_numbers<[1], [0], [0], [1], [0, 0, 1, 1], [], []>, transpose_lhs_hint = false} : vector<512x128xf32>, vector<128x64xf32>, vector<512x64xf32> -> vector<512x64xf32>
    %get3A_14 = arith.constant 0 : index
    %get3A_15 = arith.constant 0 : index
    %get3A_16 = vector.load %arg5[%get3A_14, %get3A_15] : memref<8x64xf32, #tpu.memory_space<vmem>>, vector<1x64xf32>
    %get3A_17 = vector.shape_cast %get3A_16 : vector<1x64xf32> to vector<64xf32>
    %broadcast_in_dim3A_18 = vector.shape_cast %get3A_17 : vector<64xf32> to vector<1x64xf32>
    %add3A_19 = vector.broadcast %broadcast_in_dim3A_18 : vector<1x64xf32> to vector<512x64xf32>
    %add3A_20 = arith.addf %dot_general3A_13, %add3A_19 : vector<512x64xf32>
    %max3A = arith.constant 0.000000e+00 : f32
    %max3A_21 = vector.broadcast %max3A : f32 to vector<512x64xf32>
    %max3A_22 = arith.maximumf %add3A_20, %max3A_21 : vector<512x64xf32>
    %get3A_23 = arith.constant 0 : index
    %get3A_24 = arith.constant 0 : index
    %get3A_25 = vector.load %arg4[%get3A_23, %get3A_24] : memref<64x64xf32, #tpu.memory_space<vmem>>, vector<64x64xf32>
    %dot_general3A_26 = arith.constant dense<0.000000e+00> : vector<512x64xf32>
    %dot_general3A_27 = tpu.matmul %max3A_22, %get3A_25, %dot_general3A_26 {dimension_numbers = #tpu.dot_dimension_numbers<[1], [0], [0], [1], [0, 0, 1, 1], [], []>, transpose_lhs_hint = false} : vector<512x64xf32>, vector<64x64xf32>, vector<512x64xf32> -> vector<512x64xf32>
    %mul3A = arith.mulf %dot_general3A_27, %broadcast_in_dim3A_6 : vector<512x64xf32>
    %mul3A_28 = arith.constant 512 : i32
    %mul3A_29 = arith.muli %arg0, %mul3A_28 : i32
    %iota3A = tpu.iota {dimensions = array<i32: 0>} : vector<512x1xi32>
    %add3A_30 = vector.broadcast %mul3A_29 : i32 to vector<512x1xi32>
    %add3A_31 = arith.addi %add3A_30, %iota3A : vector<512x1xi32>
    %lt3A = arith.constant 10000 : i32
    %lt3A_32 = vector.broadcast %lt3A : i32 to vector<512x1xi32>
    %lt3A_33 = arith.cmpi slt, %add3A_31, %lt3A_32 : vector<512x1xi32>
    %convert_element_type3A = arith.extui %lt3A_33 : vector<512x1xi1> to vector<512x1xi32>
    %convert_element_type3A_34 = arith.sitofp %convert_element_type3A : vector<512x1xi32> to vector<512x1xf32>
    %mul3A_35 = vector.broadcast %convert_element_type3A_34 : vector<512x1xf32> to vector<512x64xf32>
    %mul3A_36 = arith.mulf %mul3A, %mul3A_35 : vector<512x64xf32>
    %broadcast_in_dim3A_37 = arith.constant 0.000000e+00 : f32
    %broadcast_in_dim3A_38 = vector.broadcast %broadcast_in_dim3A_37 : f32 to vector<512x64xf32>
    %concatenate3A = tpu.concatenate %mul3A_36, %broadcast_in_dim3A_38 in 1 : vector<512x64xf32>, vector<512x64xf32> -> vector<512x128xf32>
    %swap3A = arith.constant 0 : index
    %swap3A_39 = arith.constant 0 : index
    %swap3A_40 = vector.load %arg6[%swap3A, %swap3A_39] : memref<512x128xf32, #tpu.memory_space<vmem>>, vector<512x128xf32>
    tpu.vector_store %arg6[%swap3A, %swap3A_39], %concatenate3A {strides = array<i32>} : memref<512x128xf32, #tpu.memory_space<vmem>>, vector<512x128xf32>,
    %swap3A_41 = arith.constant 0 : index
    %swap3A_42 = arith.constant 0 : index
    %swap3A_43 = vector.load %arg7[%swap3A_41, %swap3A_42] : memref<512x64xf32, #tpu.memory_space<vmem>>, vector<512x64xf32>
    tpu.vector_store %arg7[%swap3A_41, %swap3A_42], %broadcast_in_dim3A_6 {strides = array<i32>} : memref<512x64xf32, #tpu.memory_space<vmem>>, vector<512x64xf32>,
    return
  }
  func.func @transform_0(%arg0: i32) -> (i32, i32) {
    %c0_i32 = arith.constant 0 : i32
    %c0_i32_0 = arith.constant 0 : i32
    return %arg0, %c0_i32 : i32, i32
  }
  func.func @transform_1(%arg0: i32) -> (i32, i32) {
    %c0_i32 = arith.constant 0 : i32
    %c0_i32_0 = arith.constant 0 : i32
    return %c0_i32, %arg0 : i32, i32
  }
  func.func @transform_2(%arg0: i32) -> (i32, i32) {
    %c0_i32 = arith.constant 0 : i32
    %c0_i32_0 = arith.constant 0 : i32
    %c0_i32_1 = arith.constant 0 : i32
    return %c0_i32, %c0_i32_0 : i32, i32
  }
  func.func @transform_3(%arg0: i32) -> (i32, i32) {
    %c0_i32 = arith.constant 0 : i32
    %c0_i32_0 = arith.constant 0 : i32
    %c0_i32_1 = arith.constant 0 : i32
    return %c0_i32, %c0_i32_0 : i32, i32
  }
  func.func @transform_4(%arg0: i32) -> (i32, i32) {
    %c0_i32 = arith.constant 0 : i32
    %c0_i32_0 = arith.constant 0 : i32
    %c0_i32_1 = arith.constant 0 : i32
    return %c0_i32, %c0_i32_0 : i32, i32
  }
  func.func @transform_5(%arg0: i32) -> (i32, i32) {
    %c0_i32 = arith.constant 0 : i32
    %c0_i32_0 = arith.constant 0 : i32
    return %arg0, %c0_i32 : i32, i32
  }
  func.func @transform_6(%arg0: i32) -> (i32, i32) {
    %c0_i32 = arith.constant 0 : i32
    %c0_i32_0 = arith.constant 0 : i32
    return %arg0, %c0_i32 : i32, i32
  }
}

module attributes {stable_mosaic.version = 14 : i64} {
  func.func @_stage_b_body(%arg0: i32, %arg1: memref<2x512x128xf32, #tpu.memory_space<vmem>>, %arg2: memref<512x128xf32, #tpu.memory_space<vmem>>, %arg3: memref<512x64xf32, #tpu.memory_space<vmem>>, %arg4: memref<64x64xf32, #tpu.memory_space<vmem>>, %arg5: memref<8x64xf32, #tpu.memory_space<vmem>>, %arg6: memref<512x128xf32, #tpu.memory_space<vmem>>) attributes {dimension_semantics = [#tpu.dimension_semantics<arbitrary>], iteration_bounds = array<i64: 20>, scalar_prefetch = 0 : i64, scratch_operands = 0 : i64, tpu.core_type = #tpu.core_type<tc>, window_params = [{transform_indices = @transform_0, window_bounds = array<i64: 2, 512, 128>}, {transform_indices = @transform_1, window_bounds = array<i64: 512, 128>}, {transform_indices = @transform_2, window_bounds = array<i64: 512, 64>}, {pipeline_mode = #tpu.pipeline_mode<synchronous>, transform_indices = @transform_3, window_bounds = array<i64: 64, 64>}, {pipeline_mode = #tpu.pipeline_mode<synchronous>, transform_indices = @transform_4, window_bounds = array<i64: 8, 64>}, {transform_indices = @transform_5, window_bounds = array<i64: 512, 128>}]} {
    %get3A = arith.constant 0 : index
    %get3A_0 = arith.constant 0 : index
    %get3A_1 = vector.load %arg3[%get3A, %get3A_0] : memref<512x64xf32, #tpu.memory_space<vmem>>, vector<512x64xf32>
    %get3A_2 = arith.constant 0 : index
    %get3A_3 = arith.constant 0 : index
    %get3A_4 = arith.constant 0 : index
    %get3A_5 = vector.load %arg1[%get3A_2, %get3A_3, %get3A_4] : memref<2x512x128xf32, #tpu.memory_space<vmem>>, vector<1x512x64xf32>
    %get3A_6 = vector.shape_cast %get3A_5 : vector<1x512x64xf32> to vector<512x64xf32>
    %get3A_7 = arith.constant 1 : index
    %get3A_8 = arith.constant 0 : index
    %get3A_9 = arith.constant 0 : index
    %get3A_10 = vector.load %arg1[%get3A_7, %get3A_8, %get3A_9] : memref<2x512x128xf32, #tpu.memory_space<vmem>>, vector<1x512x64xf32>
    %get3A_11 = vector.shape_cast %get3A_10 : vector<1x512x64xf32> to vector<512x64xf32>
    %add3A = arith.addf %get3A_6, %get3A_11 : vector<512x64xf32>
    %get3A_12 = arith.constant 0 : index
    %get3A_13 = arith.constant 0 : index
    %get3A_14 = vector.load %arg2[%get3A_12, %get3A_13] : memref<512x128xf32, #tpu.memory_space<vmem>>, vector<512x64xf32>
    %add3A_15 = arith.addf %add3A, %get3A_14 : vector<512x64xf32>
    %mul3A = arith.mulf %get3A_1, %add3A_15 : vector<512x64xf32>
    %get3A_16 = arith.constant 0 : index
    %get3A_17 = arith.constant 0 : index
    %get3A_18 = vector.load %arg5[%get3A_16, %get3A_17] : memref<8x64xf32, #tpu.memory_space<vmem>>, vector<1x64xf32>
    %get3A_19 = vector.shape_cast %get3A_18 : vector<1x64xf32> to vector<64xf32>
    %broadcast_in_dim3A = vector.shape_cast %get3A_19 : vector<64xf32> to vector<1x64xf32>
    %add3A_20 = vector.broadcast %broadcast_in_dim3A : vector<1x64xf32> to vector<512x64xf32>
    %add3A_21 = arith.addf %mul3A, %add3A_20 : vector<512x64xf32>
    %max3A = arith.constant 0.000000e+00 : f32
    %max3A_22 = vector.broadcast %max3A : f32 to vector<512x64xf32>
    %max3A_23 = arith.maximumf %add3A_21, %max3A_22 : vector<512x64xf32>
    %get3A_24 = arith.constant 0 : index
    %get3A_25 = arith.constant 0 : index
    %get3A_26 = vector.load %arg4[%get3A_24, %get3A_25] : memref<64x64xf32, #tpu.memory_space<vmem>>, vector<64x64xf32>
    %dot_general3A = arith.constant dense<0.000000e+00> : vector<512x64xf32>
    %dot_general3A_27 = tpu.matmul %max3A_23, %get3A_26, %dot_general3A {dimension_numbers = #tpu.dot_dimension_numbers<[1], [0], [0], [1], [0, 0, 1, 1], [], []>, transpose_lhs_hint = false} : vector<512x64xf32>, vector<64x64xf32>, vector<512x64xf32> -> vector<512x64xf32>
    %mul3A_28 = arith.mulf %dot_general3A_27, %get3A_1 : vector<512x64xf32>
    %mul3A_29 = arith.constant 512 : i32
    %mul3A_30 = arith.muli %arg0, %mul3A_29 : i32
    %iota3A = tpu.iota {dimensions = array<i32: 0>} : vector<512x1xi32>
    %add3A_31 = vector.broadcast %mul3A_30 : i32 to vector<512x1xi32>
    %add3A_32 = arith.addi %add3A_31, %iota3A : vector<512x1xi32>
    %lt3A = arith.constant 10000 : i32
    %lt3A_33 = vector.broadcast %lt3A : i32 to vector<512x1xi32>
    %lt3A_34 = arith.cmpi slt, %add3A_32, %lt3A_33 : vector<512x1xi32>
    %convert_element_type3A = arith.extui %lt3A_34 : vector<512x1xi1> to vector<512x1xi32>
    %convert_element_type3A_35 = arith.sitofp %convert_element_type3A : vector<512x1xi32> to vector<512x1xf32>
    %mul3A_36 = vector.broadcast %convert_element_type3A_35 : vector<512x1xf32> to vector<512x64xf32>
    %mul3A_37 = arith.mulf %mul3A_28, %mul3A_36 : vector<512x64xf32>
    %broadcast_in_dim3A_38 = arith.constant 0.000000e+00 : f32
    %broadcast_in_dim3A_39 = vector.broadcast %broadcast_in_dim3A_38 : f32 to vector<512x64xf32>
    %concatenate3A = tpu.concatenate %mul3A_37, %broadcast_in_dim3A_39 in 1 : vector<512x64xf32>, vector<512x64xf32> -> vector<512x128xf32>
    %swap3A = arith.constant 0 : index
    %swap3A_40 = arith.constant 0 : index
    %swap3A_41 = vector.load %arg6[%swap3A, %swap3A_40] : memref<512x128xf32, #tpu.memory_space<vmem>>, vector<512x128xf32>
    tpu.vector_store %arg6[%swap3A, %swap3A_40], %concatenate3A {strides = array<i32>} : memref<512x128xf32, #tpu.memory_space<vmem>>, vector<512x128xf32>,
    return
  }
  func.func @transform_0(%arg0: i32) -> (i32, i32, i32) {
    %c0_i32 = arith.constant 0 : i32
    %c0_i32_0 = arith.constant 0 : i32
    %c0_i32_1 = arith.constant 0 : i32
    return %c0_i32, %arg0, %c0_i32_0 : i32, i32, i32
  }
  func.func @transform_1(%arg0: i32) -> (i32, i32) {
    %c0_i32 = arith.constant 0 : i32
    %c0_i32_0 = arith.constant 0 : i32
    return %arg0, %c0_i32 : i32, i32
  }
  func.func @transform_2(%arg0: i32) -> (i32, i32) {
    %c0_i32 = arith.constant 0 : i32
    %c0_i32_0 = arith.constant 0 : i32
    return %arg0, %c0_i32 : i32, i32
  }
  func.func @transform_3(%arg0: i32) -> (i32, i32) {
    %c0_i32 = arith.constant 0 : i32
    %c0_i32_0 = arith.constant 0 : i32
    %c0_i32_1 = arith.constant 0 : i32
    return %c0_i32, %c0_i32_0 : i32, i32
  }
  func.func @transform_4(%arg0: i32) -> (i32, i32) {
    %c0_i32 = arith.constant 0 : i32
    %c0_i32_0 = arith.constant 0 : i32
    %c0_i32_1 = arith.constant 0 : i32
    return %c0_i32, %c0_i32_0 : i32, i32
  }
  func.func @transform_5(%arg0: i32) -> (i32, i32) {
    %c0_i32 = arith.constant 0 : i32
    %c0_i32_0 = arith.constant 0 : i32
    return %arg0, %c0_i32 : i32, i32
  }
}

module attributes {stable_mosaic.version = 14 : i64} {
  func.func @_stage_c_body(%arg0: i32, %arg1: memref<2x512x128xf32, #tpu.memory_space<vmem>>, %arg2: memref<512x128xf32, #tpu.memory_space<vmem>>, %arg3: memref<512x64xf32, #tpu.memory_space<vmem>>, %arg4: memref<8x64xf32, #tpu.memory_space<vmem>>, %arg5: memref<1x1x512xi32, #tpu.memory_space<vmem>>, %arg6: memref<64x64xf32, #tpu.memory_space<vmem>>, %arg7: memref<8x64xf32, #tpu.memory_space<vmem>>, %arg8: memref<64x128xf32, #tpu.memory_space<vmem>>, %arg9: memref<8x128xf32, #tpu.memory_space<vmem>>, %arg10: memref<16x128xf32, #tpu.memory_space<vmem>>, %arg11: memref<16x64xf32, #tpu.memory_space<vmem>>, %arg12: memref<16x64xf32, #tpu.memory_space<vmem>>) attributes {dimension_semantics = [#tpu.dimension_semantics<arbitrary>], iteration_bounds = array<i64: 20>, scalar_prefetch = 0 : i64, scratch_operands = 2 : i64, tpu.core_type = #tpu.core_type<tc>, window_params = [{transform_indices = @transform_0, window_bounds = array<i64: 2, 512, 128>}, {transform_indices = @transform_1, window_bounds = array<i64: 512, 128>}, {transform_indices = @transform_2, window_bounds = array<i64: 512, 64>}, {pipeline_mode = #tpu.pipeline_mode<synchronous>, transform_indices = @transform_3, window_bounds = array<i64: 8, 64>}, {transform_indices = @transform_4, window_bounds = array<i64: 1, 1, 512>}, {pipeline_mode = #tpu.pipeline_mode<synchronous>, transform_indices = @transform_5, window_bounds = array<i64: 64, 64>}, {pipeline_mode = #tpu.pipeline_mode<synchronous>, transform_indices = @transform_6, window_bounds = array<i64: 8, 64>}, {pipeline_mode = #tpu.pipeline_mode<synchronous>, transform_indices = @transform_7, window_bounds = array<i64: 64, 128>}, {pipeline_mode = #tpu.pipeline_mode<synchronous>, transform_indices = @transform_8, window_bounds = array<i64: 8, 128>}, {pipeline_mode = #tpu.pipeline_mode<synchronous>, transform_indices = @transform_9, window_bounds = array<i64: 16, 128>}]} {
    %eq3A = arith.constant 0 : i32
    %eq3A_0 = arith.cmpi eq, %arg0, %eq3A : i32
    %convert_element_type3A = arith.extui %eq3A_0 : i1 to i32
    %cond3A = arith.constant 0 : i32
    %cond3A_1 = arith.cmpi ne, %convert_element_type3A, %cond3A : i32
    scf.if %cond3A_1 {
      %broadcast_in_dim3A_57 = arith.constant 0.000000e+00 : f32
      %broadcast_in_dim3A_58 = vector.broadcast %broadcast_in_dim3A_57 : f32 to vector<16x64xf32>
      %swap3A_59 = arith.constant 0 : index
      %swap3A_60 = arith.constant 0 : index
      %swap3A_61 = vector.load %arg11[%swap3A_59, %swap3A_60] : memref<16x64xf32, #tpu.memory_space<vmem>>, vector<16x64xf32>
      tpu.vector_store %arg11[%swap3A_59, %swap3A_60], %broadcast_in_dim3A_58 {strides = array<i32>} : memref<16x64xf32, #tpu.memory_space<vmem>>, vector<16x64xf32>,
      %broadcast_in_dim3A_62 = arith.constant 0.000000e+00 : f32
      %broadcast_in_dim3A_63 = vector.broadcast %broadcast_in_dim3A_62 : f32 to vector<16x64xf32>
      %swap3A_64 = arith.constant 0 : index
      %swap3A_65 = arith.constant 0 : index
      %swap3A_66 = vector.load %arg12[%swap3A_64, %swap3A_65] : memref<16x64xf32, #tpu.memory_space<vmem>>, vector<16x64xf32>
      tpu.vector_store %arg12[%swap3A_64, %swap3A_65], %broadcast_in_dim3A_63 {strides = array<i32>} : memref<16x64xf32, #tpu.memory_space<vmem>>, vector<16x64xf32>,
    } else {
    }
    %get3A = arith.constant 0 : index
    %get3A_2 = arith.constant 0 : index
    %get3A_3 = arith.constant 0 : index
    %get3A_4 = vector.load %arg1[%get3A, %get3A_2, %get3A_3] : memref<2x512x128xf32, #tpu.memory_space<vmem>>, vector<1x512x64xf32>
    %get3A_5 = vector.shape_cast %get3A_4 : vector<1x512x64xf32> to vector<512x64xf32>
    %get3A_6 = arith.constant 1 : index
    %get3A_7 = arith.constant 0 : index
    %get3A_8 = arith.constant 0 : index
    %get3A_9 = vector.load %arg1[%get3A_6, %get3A_7, %get3A_8] : memref<2x512x128xf32, #tpu.memory_space<vmem>>, vector<1x512x64xf32>
    %get3A_10 = vector.shape_cast %get3A_9 : vector<1x512x64xf32> to vector<512x64xf32>
    %add3A = arith.addf %get3A_5, %get3A_10 : vector<512x64xf32>
    %get3A_11 = arith.constant 0 : index
    %get3A_12 = arith.constant 0 : index
    %get3A_13 = vector.load %arg2[%get3A_11, %get3A_12] : memref<512x128xf32, #tpu.memory_space<vmem>>, vector<512x64xf32>
    %add3A_14 = arith.addf %add3A, %get3A_13 : vector<512x64xf32>
    %get3A_15 = arith.constant 0 : index
    %get3A_16 = arith.constant 0 : index
    %get3A_17 = vector.load %arg3[%get3A_15, %get3A_16] : memref<512x64xf32, #tpu.memory_space<vmem>>, vector<512x64xf32>
    %mul3A = arith.mulf %get3A_17, %add3A_14 : vector<512x64xf32>
    %get3A_18 = arith.constant 0 : index
    %get3A_19 = arith.constant 0 : index
    %get3A_20 = vector.load %arg4[%get3A_18, %get3A_19] : memref<8x64xf32, #tpu.memory_space<vmem>>, vector<1x64xf32>
    %get3A_21 = vector.shape_cast %get3A_20 : vector<1x64xf32> to vector<64xf32>
    %broadcast_in_dim3A = vector.shape_cast %get3A_21 : vector<64xf32> to vector<1x64xf32>
    %add3A_22 = vector.broadcast %broadcast_in_dim3A : vector<1x64xf32> to vector<512x64xf32>
    %add3A_23 = arith.addf %mul3A, %add3A_22 : vector<512x64xf32>
    %get3A_24 = arith.constant 0 : index
    %get3A_25 = arith.constant 0 : index
    %get3A_26 = arith.constant 0 : index
    %get3A_27 = vector.load %arg5[%get3A_24, %get3A_25, %get3A_26] : memref<1x1x512xi32, #tpu.memory_space<vmem>>, vector<1x1x512xi32>
    %get3A_28 = vector.shape_cast %get3A_27 : vector<1x1x512xi32> to vector<512xi32>
    %iota3A = tpu.iota {dimensions = array<i32: 1>} : vector<512x16xi32>
    %broadcast_in_dim3A_29 = vector.shape_cast %get3A_28 : vector<512xi32> to vector<512x1xi32>
    %eq3A_30 = vector.broadcast %broadcast_in_dim3A_29 : vector<512x1xi32> to vector<512x16xi32>
    %eq3A_31 = arith.cmpi eq, %eq3A_30, %iota3A : vector<512x16xi32>
    %convert_element_type3A_32 = arith.extui %eq3A_31 : vector<512x16xi1> to vector<512x16xi32>
    %convert_element_type3A_33 = arith.sitofp %convert_element_type3A_32 : vector<512x16xi32> to vector<512x16xf32>
    %get3A_34 = arith.constant 0 : index
    %get3A_35 = arith.constant 0 : index
    %get3A_36 = vector.load %arg11[%get3A_34, %get3A_35] : memref<16x64xf32, #tpu.memory_space<vmem>>, vector<16x64xf32>
    %dot_general3A = arith.constant dense<0.000000e+00> : vector<16x64xf32>
    %dot_general3A_37 = tpu.matmul %convert_element_type3A_33, %add3A_23, %dot_general3A {dimension_numbers = #tpu.dot_dimension_numbers<[0], [0], [1], [1], [0, 1, 1, 1], [], []>, transpose_lhs_hint = false} : vector<512x16xf32>, vector<512x64xf32>, vector<16x64xf32> -> vector<16x64xf32>
    %add3A_38 = arith.addf %get3A_36, %dot_general3A_37 : vector<16x64xf32>
    %swap3A = arith.constant 0 : index
    %swap3A_39 = arith.constant 0 : index
    %swap3A_40 = vector.load %arg11[%swap3A, %swap3A_39] : memref<16x64xf32, #tpu.memory_space<vmem>>, vector<16x64xf32>
    tpu.vector_store %arg11[%swap3A, %swap3A_39], %add3A_38 {strides = array<i32>} : memref<16x64xf32, #tpu.memory_space<vmem>>, vector<16x64xf32>,
    %get3A_41 = arith.constant 0 : index
    %get3A_42 = arith.constant 0 : index
    %get3A_43 = vector.load %arg12[%get3A_41, %get3A_42] : memref<16x64xf32, #tpu.memory_space<vmem>>, vector<16x64xf32>
    %reduce_sum3A = arith.constant dense<0.000000e+00> : vector<16xf32>
    %reduce_sum3A_44 = vector.multi_reduction <add>, %convert_element_type3A_33, %reduce_sum3A [0] : vector<512x16xf32> to vector<16xf32>
    %broadcast_in_dim3A_45 = vector.shape_cast %reduce_sum3A_44 : vector<16xf32> to vector<16x1xf32>
    %broadcast_in_dim3A_46 = vector.shape_cast %broadcast_in_dim3A_45 : vector<16x1xf32> to vector<16x1xf32>
    %broadcast_in_dim3A_47 = vector.broadcast %broadcast_in_dim3A_46 : vector<16x1xf32> to vector<16x64xf32>
    %add3A_48 = arith.addf %get3A_43, %broadcast_in_dim3A_47 : vector<16x64xf32>
    %swap3A_49 = arith.constant 0 : index
    %swap3A_50 = arith.constant 0 : index
    %swap3A_51 = vector.load %arg12[%swap3A_49, %swap3A_50] : memref<16x64xf32, #tpu.memory_space<vmem>>, vector<16x64xf32>
    tpu.vector_store %arg12[%swap3A_49, %swap3A_50], %add3A_48 {strides = array<i32>} : memref<16x64xf32, #tpu.memory_space<vmem>>, vector<16x64xf32>,
    %eq3A_52 = arith.constant 19 : i32
    %eq3A_53 = arith.cmpi eq, %arg0, %eq3A_52 : i32
    %convert_element_type3A_54 = arith.extui %eq3A_53 : i1 to i32
    %cond3A_55 = arith.constant 0 : i32
    %cond3A_56 = arith.cmpi ne, %convert_element_type3A_54, %cond3A_55 : i32
    scf.if %cond3A_56 {
      %get3A_57 = arith.constant 0 : index
      %get3A_58 = arith.constant 0 : index
      %get3A_59 = vector.load %arg11[%get3A_57, %get3A_58] : memref<16x64xf32, #tpu.memory_space<vmem>>, vector<16x64xf32>
      %get3A_60 = arith.constant 0 : index
      %get3A_61 = arith.constant 0 : index
      %get3A_62 = vector.load %arg12[%get3A_60, %get3A_61] : memref<16x64xf32, #tpu.memory_space<vmem>>, vector<16x64xf32>
      %max3A = arith.constant 1.000000e+00 : f32
      %max3A_63 = vector.broadcast %max3A : f32 to vector<16x64xf32>
      %max3A_64 = arith.maximumf %get3A_62, %max3A_63 : vector<16x64xf32>
      %div3A = arith.divf %get3A_59, %max3A_64 : vector<16x64xf32>
      %get3A_65 = arith.constant 0 : index
      %get3A_66 = arith.constant 0 : index
      %get3A_67 = vector.load %arg6[%get3A_65, %get3A_66] : memref<64x64xf32, #tpu.memory_space<vmem>>, vector<64x64xf32>
      %dot_general3A_68 = arith.constant dense<0.000000e+00> : vector<16x64xf32>
      %dot_general3A_69 = tpu.matmul %div3A, %get3A_67, %dot_general3A_68 {dimension_numbers = #tpu.dot_dimension_numbers<[1], [0], [0], [1], [0, 0, 1, 1], [], []>, transpose_lhs_hint = false} : vector<16x64xf32>, vector<64x64xf32>, vector<16x64xf32> -> vector<16x64xf32>
      %get3A_70 = arith.constant 0 : index
      %get3A_71 = arith.constant 0 : index
      %get3A_72 = vector.load %arg7[%get3A_70, %get3A_71] : memref<8x64xf32, #tpu.memory_space<vmem>>, vector<1x64xf32>
      %get3A_73 = vector.shape_cast %get3A_72 : vector<1x64xf32> to vector<64xf32>
      %broadcast_in_dim3A_74 = vector.shape_cast %get3A_73 : vector<64xf32> to vector<1x64xf32>
      %add3A_75 = vector.broadcast %broadcast_in_dim3A_74 : vector<1x64xf32> to vector<16x64xf32>
      %add3A_76 = arith.addf %dot_general3A_69, %add3A_75 : vector<16x64xf32>
      %max3A_77 = arith.constant 0.000000e+00 : f32
      %max3A_78 = vector.broadcast %max3A_77 : f32 to vector<16x64xf32>
      %max3A_79 = arith.maximumf %add3A_76, %max3A_78 : vector<16x64xf32>
      %get3A_80 = arith.constant 0 : index
      %get3A_81 = arith.constant 0 : index
      %get3A_82 = vector.load %arg8[%get3A_80, %get3A_81] : memref<64x128xf32, #tpu.memory_space<vmem>>, vector<64x128xf32>
      %dot_general3A_83 = arith.constant dense<0.000000e+00> : vector<16x128xf32>
      %dot_general3A_84 = tpu.matmul %max3A_79, %get3A_82, %dot_general3A_83 {dimension_numbers = #tpu.dot_dimension_numbers<[1], [0], [0], [1], [0, 0, 1, 1], [], []>, transpose_lhs_hint = false} : vector<16x64xf32>, vector<64x128xf32>, vector<16x128xf32> -> vector<16x128xf32>
      %get3A_85 = arith.constant 0 : index
      %get3A_86 = arith.constant 0 : index
      %get3A_87 = vector.load %arg9[%get3A_85, %get3A_86] : memref<8x128xf32, #tpu.memory_space<vmem>>, vector<1x128xf32>
      %get3A_88 = vector.shape_cast %get3A_87 : vector<1x128xf32> to vector<128xf32>
      %broadcast_in_dim3A_89 = vector.shape_cast %get3A_88 : vector<128xf32> to vector<1x128xf32>
      %add3A_90 = vector.broadcast %broadcast_in_dim3A_89 : vector<1x128xf32> to vector<16x128xf32>
      %add3A_91 = arith.addf %dot_general3A_84, %add3A_90 : vector<16x128xf32>
      %swap3A_92 = arith.constant 0 : index
      %swap3A_93 = arith.constant 0 : index
      %swap3A_94 = vector.load %arg10[%swap3A_92, %swap3A_93] : memref<16x128xf32, #tpu.memory_space<vmem>>, vector<16x128xf32>
      tpu.vector_store %arg10[%swap3A_92, %swap3A_93], %add3A_91 {strides = array<i32>} : memref<16x128xf32, #tpu.memory_space<vmem>>, vector<16x128xf32>,
    } else {
    }
    return
  }
  func.func @transform_0(%arg0: i32) -> (i32, i32, i32) {
    %c0_i32 = arith.constant 0 : i32
    %c0_i32_0 = arith.constant 0 : i32
    %c0_i32_1 = arith.constant 0 : i32
    return %c0_i32, %arg0, %c0_i32_0 : i32, i32, i32
  }
  func.func @transform_1(%arg0: i32) -> (i32, i32) {
    %c0_i32 = arith.constant 0 : i32
    %c0_i32_0 = arith.constant 0 : i32
    return %arg0, %c0_i32 : i32, i32
  }
  func.func @transform_2(%arg0: i32) -> (i32, i32) {
    %c0_i32 = arith.constant 0 : i32
    %c0_i32_0 = arith.constant 0 : i32
    return %arg0, %c0_i32 : i32, i32
  }
  func.func @transform_3(%arg0: i32) -> (i32, i32) {
    %c0_i32 = arith.constant 0 : i32
    %c0_i32_0 = arith.constant 0 : i32
    %c0_i32_1 = arith.constant 0 : i32
    return %c0_i32, %c0_i32_0 : i32, i32
  }
  func.func @transform_4(%arg0: i32) -> (i32, i32, i32) {
    %c0_i32 = arith.constant 0 : i32
    %c0_i32_0 = arith.constant 0 : i32
    %c0_i32_1 = arith.constant 0 : i32
    return %arg0, %c0_i32, %c0_i32_0 : i32, i32, i32
  }
  func.func @transform_5(%arg0: i32) -> (i32, i32) {
    %c0_i32 = arith.constant 0 : i32
    %c0_i32_0 = arith.constant 0 : i32
    %c0_i32_1 = arith.constant 0 : i32
    return %c0_i32, %c0_i32_0 : i32, i32
  }
  func.func @transform_6(%arg0: i32) -> (i32, i32) {
    %c0_i32 = arith.constant 0 : i32
    %c0_i32_0 = arith.constant 0 : i32
    %c0_i32_1 = arith.constant 0 : i32
    return %c0_i32, %c0_i32_0 : i32, i32
  }
  func.func @transform_7(%arg0: i32) -> (i32, i32) {
    %c0_i32 = arith.constant 0 : i32
    %c0_i32_0 = arith.constant 0 : i32
    %c0_i32_1 = arith.constant 0 : i32
    return %c0_i32, %c0_i32_0 : i32, i32
  }
  func.func @transform_8(%arg0: i32) -> (i32, i32) {
    %c0_i32 = arith.constant 0 : i32
    %c0_i32_0 = arith.constant 0 : i32
    %c0_i32_1 = arith.constant 0 : i32
    return %c0_i32, %c0_i32_0 : i32, i32
  }
  func.func @transform_9(%arg0: i32) -> (i32, i32) {
    %c0_i32 = arith.constant 0 : i32
    %c0_i32_0 = arith.constant 0 : i32
    %c0_i32_1 = arith.constant 0 : i32
    return %c0_i32, %c0_i32_0 : i32, i32
  }
}

</mosaic_0001>

<sc_bundles>
// kernel: kernel.10.cloned.1.call-start
scs
__scs_entry_jumppad:
0x0: {  	(pc) =	sbr.rel $0x88, $3  }
0x1: {  	(tag) =	ssettag $0x0;
	lr =	simm.s32 $0x1  }
0x2: {  	[smem:$0x3F92] =	sst lr;
	_ =	strace $0xD0000000  }
0x3: {  	_ = 	snop  }
0x4: {  	_ = 	snop  }
0x5: {  	_ = 	snop  }
0x6: {  	_ = 	snop  }
0x7: {  	_ = 	snop  }
__scs_overlays_trampoline_lowered:
0x8: {  	[smem:$0x3FA1] =	sst s0  }
0x9: {  	[smem:$0x3FA2] =	sst s1  }
0xa: {  	[smem:$0x3FA3] =	sst s2  }
0xb: {  	[smem:$0x3FA4] =	sst s3  }
0xc: {  	[smem:$0x3FA5] =	sst s4  }
0xd: {  	[smem:$0x3FA6] =	sst s5  }
0xe: {  	[smem:$0x3FA7] =	sst s6  }
0xf: {  	[smem:$0x3FA8] =	sst s7  }
0x10: {  	[smem:$0x3FA9] =	sst s8  }
0x11: {  	[smem:$0x3FAA] =	sst s9;
	s0 =	simm.s32 @!p0 $0x0  }
0x12: {  	s1 =	sld [smem:$0x3F90];
	s0 =	simm.s32 @p0 $0x1  }
0x13: {  	[smem:$0x3FAB] =	sst s0;
	s0 =	simm.s32 @!p1 $0x0  }
0x14: {  	s2 =	sld [smem:$0x3F8F];
	s0 =	simm.s32 @p1 $0x1  }
0x15: {  	[smem:$0x3FAC] =	sst s0;
	s0 =	simm.s32 @!p2 $0x0  }
0x16: {  	s3 =	sld [smem:$0x3FDB];
	s0 =	simm.s32 @p2 $0x1  }
0x17: {  	s4 =	simm.s32 $0x1BF5;
	[smem:$0x3FAE] =	sst s0  }
0x18: {  	s0 =	sld [smem:$0x3F91];
	_ =	swait.ge [sflag:s4], $0x0  }
0x19: {  	s7 =	sld [smem:$0x3F92]  }
0x1a: {  	s8 =	sadd.s32 $0xFFFFE003, lr  }
0x1b: {  	s9 =	sadd.s32 $0xFFFFFEF7, lr;
	s5 =	simm.s32 $0xFFFFFFFF;
	p2 =	slt.u32 s8, $0xFFFFF086  }
0x1c: {  	p1 =	slt.u32 s9, $0xF7A;
	s5 =	simm.s32 @!p2 $0x0  }
0x1d: {  	s5 =	simm.s32 @p1 $0x1;
	p0 =	seq.s32 s7, s2  }
0x1e: {  	s7 =	smul.u32 @!p0 $0xF7A, s2;
	p2 =	seq.s32 @!p0 s5, $0x0  }
0x1f: {  	s9 =	smul.u32 $0xF7A, s1;
	s8 =	simm.s32 @!p0 $0x1BF5;
	p2 =	por !p2, p0  }
0x20: {  	[sflag:s8] =	ssyncset.s32 @!p0 $0xFFFFF086;
	s6 =	sadd.s32 @!p0 s3, s7;
	s7 =	simm.s32 @!p0 $0x108  }
0x21: {  	s3 =	sadd.s32 s3, s9;
	s6 =	sadd.s32 @!p0 $0x88, s6;
	s7 =	simm.s32 @p2 $0x1082  }
0x22: {  	[simem:s7], [sflag:s8] =	dma.local @!p0 [hbm:s6], $0xF7A  }
0x23: {  	s9 =	sor.u32 $0xD0000000, s2;
	s6 =	simm.s32 $0x108;
	_ =	swait.ge @!p0 [sflag:s8], $0x0  }
0x24: {  	s3 =	sadd.s32 $0x88, s3;
	s6 =	simm.s32 @!p1 $0x1082;
	[sflag:s4] =	ssyncset.s32 $0xFFFFF086  }
0x25: {  	[simem:s6], [sflag:s4] =	dma.local [hbm:s3], $0xF7A  }
0x26: {  	[smem:$0x3F92] =	sst s1;
	(tag) =	ssettag s2;
	_ =	strace s9  }
0x27: {  	s1 =	sld [smem:$0x3FA2]  }
0x28: {  	s2 =	sld [smem:$0x3FA3]  }
0x29: {  	s4 =	sld [smem:$0x3FA5]  }
0x2a: {  	p0 =	seq.s32 s5, $0x0;
	s5 =	sld [smem:$0x3FA6]  }
0x2b: {  	s6 =	sld [smem:$0x3FA7]  }
0x2c: {  	s7 =	sld [smem:$0x3FA8]  }
0x2d: {  	s3 =	simm.s32 $0x108;
	s8 =	sld [smem:$0x3FA9]  }
0x2e: {  	s3 =	simm.s32 @!p0 $0x1082;
	s9 =	sld [smem:$0x3FAA]  }
0x2f: {  	lr =	sadd.s32 s0, s3;
	s0 =	sld [smem:$0x3FA1]  }
0x30: {  	s3 =	sld [smem:$0x3FA4]  }
0x31: {  	[smem:$0x3FAD] =	sst s10  }
0x32: {  	s10 =	sld [smem:$0x3FAB];
	_ =	sdelay $0x3  }
0x33: {  	p0 =	seq.s32 s10, $0x1;
	s10 =	sld [smem:$0x3FAD];
	_ =	sdelay $0x3  }
0x34: {  	[smem:$0x3FAD] =	sst s10  }
0x35: {  	s10 =	sld [smem:$0x3FAC];
	_ =	sdelay $0x3  }
0x36: {  	p1 =	seq.s32 s10, $0x1;
	s10 =	sld [smem:$0x3FAD];
	_ =	sdelay $0x3  }
0x37: {  	[smem:$0x3FAD] =	sst s10  }
0x38: {  	s10 =	sld [smem:$0x3FAE]  }
0x39: {  	_ = 	snop;
	(pc) =	sbr.ind lr, $3  }
0x3a: {  	_ = 	snop  }
0x3b: {  	_ = 	snop  }
0x3c: {  	p2 =	seq.s32 s10, $0x1;
	s10 =	sld [smem:$0x3FAD]  }
0x3d: {  	_ =	shalt  }
0x3e: {  	_ =	shalt  }
0x3f: {  	_ =	shalt  }
0x40: {  	_ =	shalt  }
0x41: {  	_ =	shalt  }
0x42: {  	_ =	shalt  }
0x43: {  	_ =	shalt  }
0x44: {  	_ =	shalt  }
0x45: {  	_ =	shalt  }
0x46: {  	_ =	shalt  }
0x47: {  	_ =	shalt  }
0x48: {  	_ =	shalt  }
0x49: {  	_ =	shalt  }
0x4a: {  	_ =	shalt  }
0x4b: {  	_ =	shalt  }
0x4c: {  	_ =	shalt  }
0x4d: {  	_ =	shalt  }
0x4e: {  	_ =	shalt  }
0x4f: {  	_ =	shalt  }
0x50: {  	_ =	shalt  }
0x51: {  	_ =	shalt  }
0x52: {  	_ =	shalt  }
0x53: {  	_ =	shalt  }
0x54: {  	_ =	shalt  }
0x55: {  	_ =	shalt  }
0x56: {  	_ =	shalt  }
0x57: {  	_ =	shalt  }
0x58: {  	_ =	shalt  }
0x59: {  	_ =	shalt  }
0x5a: {  	_ =	shalt  }
0x5b: {  	_ =	shalt  }
0x5c: {  	_ =	shalt  }
0x5d: {  	_ =	shalt  }
0x5e: {  	_ =	shalt  }
0x5f: {  	_ =	shalt  }
0x60: {  	_ =	shalt  }
0x61: {  	_ =	shalt  }
0x62: {  	_ =	shalt  }
0x63: {  	_ =	shalt  }
0x64: {  	_ =	shalt  }
0x65: {  	_ =	shalt  }
0x66: {  	_ =	shalt  }
0x67: {  	_ =	shalt  }
0x68: {  	_ =	shalt  }
0x69: {  	_ =	shalt  }
0x6a: {  	_ =	shalt  }
0x6b: {  	_ =	shalt  }
0x6c: {  	_ =	shalt  }
0x6d: {  	_ =	shalt  }
0x6e: {  	_ =	shalt  }
0x6f: {  	_ =	shalt  }
0x70: {  	_ =	shalt  }
0x71: {  	_ =	shalt  }
0x72: {  	_ =	shalt  }
0x73: {  	_ =	shalt  }
0x74: {  	_ =	shalt  }
0x75: {  	_ =	shalt  }
0x76: {  	_ =	shalt  }
0x77: {  	_ =	shalt  }
0x78: {  	_ =	shalt  }
0x79: {  	_ =	shalt  }
0x7a: {  	_ =	shalt  }
0x7b: {  	_ =	shalt  }
0x7c: {  	_ =	shalt  }
0x7d: {  	_ =	shalt  }
0x7e: {  	_ =	shalt  }
0x7f: {  	_ =	shalt  }
0x80: {  	_ =	shalt  }
0x81: {  	_ =	shalt  }
0x82: {  	_ =	shalt  }
0x83: {  	_ =	shalt  }
0x84: {  	_ =	shalt  }
0x85: {  	_ =	shalt  }
0x86: {  	_ =	shalt  }
0x87: {  	_ =	shalt  }
.Lfunc_end0:
.L_simem_size_0:
called_computation_lowered:
.L_overlay_start_0:
0x88: {  	s2 =	sld [smem:$0x3FD9]  }
0x89: {  	s3 =	sld [smem:$0x3FFE];
	_ =	sdelay $0x1  }
0x8a: {  	s1 =	srdreg.scid  }
0x8b: {  	s0 =	sand.u32 $0x1, s1  }
0x8c: {  	s16 =	sshll.u32 s0, $0xA;
	s2 =	sadd.s32 s3, s2  }
0x8d: {  	s2 =	sadd.s32 s2, s16  }
0x8e: {  	[smem:$0x3FB9] =	sst s2  }
0x8f: {  	_ = 	snop  }
0x90: {  	(tm) =	ssettm $0x1  }
0x91: {  	s17 =	sld [smem:$0x3FFB];
	_ =	sdelay $0x3  }
0x92: {  	_ =	strace s17  }
0x93: {  	s2 =	sld [smem:$0x3FFC];
	_ =	sdelay $0x3  }
0x94: {  	_ =	strace s2  }
0x95: {  	s2 =	sld [smem:$0x3FFD];
	_ =	sdelay $0x3  }
0x96: {  	_ =	strace s2  }
0x97: {  	_ =	strace $0x8FFFFFFF  }
0x98: {  	s18 =	sld [smem:$0x3FDB];
	_ =	sdelay $0x1  }
0x99: {  	s19 =	simm.s32 $_scs_section_size  }
0x9a: {  	s4 =	simm.s32 $_size__tile_overlayer_lowered;
	s5 =	simm.s32 $_tile_overlayer_lowered  }
0x9b: {  	s22 =	simm.s32 $0x1BFF;
	s21 =	sshll.u32 s5, $0x1;
	s2 =	sadd.s32 s19, s18  }
0x9c: {  	s6 =	simm.s32 $0x0;
	s20 =	sshll.u32 s4, $0x1;
	s4 =	sadd.s32 s21, s2  }
0x9d: {  	[timem:s6], [sflag:s22] =	dma.local [hbm:s4], s20  }
0x9e: {  	_ =	swait.ge [sflag:s22], s20  }
0x9f: {  	s3 =	ssub.s32 $0x0, s20;
	[sflag:s22] =	ssyncset.done $0x0  }
0xa0: {  	[sflag:s22] =	ssyncadd.s32 s3;
	_ =	sdelay $0x1  }
0xa1: {  	s23 =	simm.s32 $0x1B8B  }
0xa2: {  	_ =	swait.ge [sflag:s23], $0x1  }
0xa3: {  	[sflag:s23] =	ssyncset.done $0x0  }
0xa4: {  	s25 =	simm.s32 $0x1B8E;
	s24 =	sld [smem:$0x3FFE];
	[sflag:s23] =	ssyncadd.s32 $0xFFFFFFFF  }
0xa5: {  	s26 =	simm.s32 $execute0_lowered;
	[smem:$0x3FD2] =	sst s25  }
0xa6: {  	s4 =	sshll.u32 s26, $0x1;
	_ =	strace $0x80000046;
	[dreg:$0x1] =	wrdreg $0xFFFFFFFF  }
0xa7: {  	s28 =	simm.s32 $_size_execute0_lowered;
	s2 =	sadd.s32 s2, s4;
	[dreg:$0x0] =	wrdreg $0x0  }
0xa8: {  	s4 =	sshll.u32 s28, $0x1;
	[dreg:$0x2] =	wrdreg s2  }
0xa9: {  	[dreg:$0x3] =	wrdreg s4  }
0xaa: {  	[dreg:$0x4] =	wrdreg $0xC0  }
0xab: {  	_ =	task [dreg:s6], $0x5FFFF  }
0xac: {  	[dreg:$0x1] =	wrdreg $0xFFFFFFFF  }
0xad: {  	[dreg:$0x0] =	wrdreg $0x60  }
0xae: {  	[dreg:$0x2] =	wrdreg s24  }
0xaf: {  	[dreg:$0x3] =	wrdreg $0x9  }
0xb0: {  	_ =	task.clear_ibuf [dreg:s6], $0x4FFFF;
	_ =	strace $0x90000046  }
0xb1: {  	s29 =	simm.s32 $0x9;
	_ =	strace $0x80000048  }
0xb2: {  	_ =	swait.ge [sflag:s29], $0x1  }
0xb3: {  	[sflag:s29] =	ssyncadd.s32 $0xFFFFFFFF  }
0xb4: {  	_ =	strace $0x90000048  }
0xb5: {  	_ =	sfence  }
0xb6: {  	s30 =	sld [smem:$0x0];
	_ =	sdelay $0x2  }
0xb7: {  	s31 =	sshll.u32 s1, $0xD;
	s1 =	sshrl.u32 s1, $0x2  }
0xb8: {  	s3 =	sand.u32 $0x4000, s31;
	s1 =	sadd.s32 s1, s30  }
0xb9: {  	s0 =	sor.u32 s3, s0;
	s1 =	sshll.u32 s1, $0x11  }
0xba: {  	s0 =	sor.u32 s1, s0  }
0xbb: {  	s0 =	sadd.s32 $0x8F2B, s0  }
0xbc: {  	[sflag:s0] =	ssyncadd.remote.s32 $0x1  }
0xbd: {  	_ =	sfence.sel $0xFFFF  }
0xbe: {  	[dreg:$0x0] =	wrdreg $0xFFFFFFFF;
	(pc) =	sbr.abs _section_cstart, $3  }
0xbf: {  	[dreg:$0x1] =	wrdreg $0xFFFFFFFF  }
0xc0: {  	_ =	task.clear_ibuf [dreg:s6], $0x2FFFF;
	_ =	strace $0x9FFFFFFF  }
0xc1: {  	(tm) =	ssettm $0x7FFFFFFF  }
tec
execute0_lowered:
.L_overlay_start_1:
0x0: {  	(tag) =	ssettag $0x1  }
0x1: {  	s3 =	rddreg [dreg:$0x0]  }
0x2: {  	s0 =	rddreg [dreg:$0x1]  }
0x3: {  	s4 =	srdreg.scid;
	s2 =	simm.s32 $0x0;
	s1 =	stileid.u32  }
0x4: {  	s10 =	simm.s32 $0x0;
	s4 =	sand.u32 $0x1, s4;
	s5 =	sshrl.u32 s1, $0x2  }
0x5: {  	s6 =	sshll.u32 s1, $0x8;
	[smem:$0x7FF] =	sst s2;
	s28 =	smul.u32 $0xA00, s1  }
0x6: {  	s7 =	sshll.u32 s4, $0x7;
	s5 =	smul.u32 $0x14000, s5;
	_ =	strace $0x80000047  }
0x7: {  	s29 =	ssub.s32 $0x2, s4;
	s9 =	smul.u32 $0x500, s4;
	s6 =	sor.u32 s7, s6  }
0x8: {  	s8 =	sshrl.u32 s29, $0x1;
	s7 =	sadd.s32 s28, s3;
	s6 =	sand.u32 $0x380, s6  }
0x9: {  	s30 =	ssub.s32 s29, s8;
	s31 =	sadd.s32 s9, s7;
	s5 =	sor.u32 s5, s6  }
0xa: {  	s7 =	simm.s32 $0x1;
	s8 =	simm.s32 $0x80;
	s5 =	sshrl.u32 s5, $0x3  }
0xb: {  	s9 =	simm.s32 $0x400;
	s4 =	smax.u32 s30, $0x1;
	s3 =	sadd.s32 s5, s3  }
0xc: {  	v0 =	vimm.f32 $0.0e+00;
	v1 =	vimm.f32 $1.000000000e+00;
	s6 =	simm.s32 $0x2800;
	s5 =	sadd.s32 $0x3C00, s31;
	s3 =	sadd.s32 $0x21C00, s3  }
.LBB2_1:
0xd: {  	s11 =	simm.s32 $0x0  }
.LBB2_2:
0xe: {  	p0 =	sne.s32 s11, $0x9FC0  }
.Ltmp0:
0xf: {  	_ = 	snop;
	(pc) =	sbr.rel @p0 .LBB2_2-.Ltmp0, $3  }
0x10: {  	_ =	sdelay $0x1  }
0x11: {  	s12 =	sshra.s32 s11, $0x2  }
0x12: {  	s11 =	sadd.s32 $0x40, s11;
	[tilespmem:s12+$0x0] =	vst v0  }
0x13: {  	s11 =	simm.s32 $0x0  }
.LBB2_4:
0x14: {  	s12 =	sadd.s32 s11, s5  }
0x15: {  	[tilespmem:s6], [sflag:$0x1] =	stream.linear.gather [hbm4b:s12+s2], $0x400, $0x38;
	[tilespmem:$0x2C00] =	vst v63  }
0x16: {  	_ =	swait.ge [sflag:s7], $0x400  }
0x17: {  	[sflag:s7] =	ssyncset.done $0x0  }
0x18: {  	[sflag:s7] =	ssyncadd.s32 $0xFFFFFC00  }
0x19: {  	v2 =	vld [tilespmem:$0x2800];
	_ =	sdelay $0x7  }
0x1a: {  	[tilespmem:v2+s2+$0x0] =	vst.idx.add.f32.msk $0xffff, v1  }
0x1b: {  	v2 =	vld [tilespmem:$0x2810];
	_ =	sdelay $0x7  }
0x1c: {  	[tilespmem:v2+s2+$0x0] =	vst.idx.add.f32.msk $0xffff, v1  }
0x1d: {  	v2 =	vld [tilespmem:$0x2820];
	_ =	sdelay $0x7  }
0x1e: {  	[tilespmem:v2+s2+$0x0] =	vst.idx.add.f32.msk $0xffff, v1  }
0x1f: {  	v2 =	vld [tilespmem:$0x2830];
	_ =	sdelay $0x7  }
0x20: {  	[tilespmem:v2+s2+$0x0] =	vst.idx.add.f32.msk $0xffff, v1  }
0x21: {  	v2 =	vld [tilespmem:$0x2840];
	_ =	sdelay $0x7  }
0x22: {  	[tilespmem:v2+s2+$0x0] =	vst.idx.add.f32.msk $0xffff, v1  }
0x23: {  	v2 =	vld [tilespmem:$0x2850];
	_ =	sdelay $0x7  }
0x24: {  	[tilespmem:v2+s2+$0x0] =	vst.idx.add.f32.msk $0xffff, v1  }
0x25: {  	v2 =	vld [tilespmem:$0x2860];
	_ =	sdelay $0x7  }
0x26: {  	[tilespmem:v2+s2+$0x0] =	vst.idx.add.f32.msk $0xffff, v1  }
0x27: {  	v2 =	vld [tilespmem:$0x2870];
	_ =	sdelay $0x7  }
0x28: {  	[tilespmem:v2+s2+$0x0] =	vst.idx.add.f32.msk $0xffff, v1  }
0x29: {  	v2 =	vld [tilespmem:$0x2880];
	_ =	sdelay $0x7  }
0x2a: {  	[tilespmem:v2+s2+$0x0] =	vst.idx.add.f32.msk $0xffff, v1  }
0x2b: {  	v2 =	vld [tilespmem:$0x2890];
	_ =	sdelay $0x7  }
0x2c: {  	[tilespmem:v2+s2+$0x0] =	vst.idx.add.f32.msk $0xffff, v1  }
0x2d: {  	v2 =	vld [tilespmem:$0x28A0];
	_ =	sdelay $0x7  }
0x2e: {  	[tilespmem:v2+s2+$0x0] =	vst.idx.add.f32.msk $0xffff, v1  }
0x2f: {  	v2 =	vld [tilespmem:$0x28B0];
	_ =	sdelay $0x7  }
0x30: {  	[tilespmem:v2+s2+$0x0] =	vst.idx.add.f32.msk $0xffff, v1  }
0x31: {  	v2 =	vld [tilespmem:$0x28C0];
	_ =	sdelay $0x7  }
0x32: {  	[tilespmem:v2+s2+$0x0] =	vst.idx.add.f32.msk $0xffff, v1  }
0x33: {  	v2 =	vld [tilespmem:$0x28D0];
	_ =	sdelay $0x7  }
0x34: {  	[tilespmem:v2+s2+$0x0] =	vst.idx.add.f32.msk $0xffff, v1  }
0x35: {  	v2 =	vld [tilespmem:$0x28E0];
	_ =	sdelay $0x7  }
0x36: {  	[tilespmem:v2+s2+$0x0] =	vst.idx.add.f32.msk $0xffff, v1  }
0x37: {  	v2 =	vld [tilespmem:$0x28F0];
	_ =	sdelay $0x7  }
0x38: {  	[tilespmem:v2+s2+$0x0] =	vst.idx.add.f32.msk $0xffff, v1  }
0x39: {  	v2 =	vld [tilespmem:$0x2900];
	_ =	sdelay $0x7  }
0x3a: {  	[tilespmem:v2+s2+$0x0] =	vst.idx.add.f32.msk $0xffff, v1  }
0x3b: {  	v2 =	vld [tilespmem:$0x2910];
	_ =	sdelay $0x7  }
0x3c: {  	[tilespmem:v2+s2+$0x0] =	vst.idx.add.f32.msk $0xffff, v1  }
0x3d: {  	v2 =	vld [tilespmem:$0x2920];
	_ =	sdelay $0x7  }
0x3e: {  	[tilespmem:v2+s2+$0x0] =	vst.idx.add.f32.msk $0xffff, v1  }
0x3f: {  	v2 =	vld [tilespmem:$0x2930];
	_ =	sdelay $0x7  }
0x40: {  	[tilespmem:v2+s2+$0x0] =	vst.idx.add.f32.msk $0xffff, v1  }
0x41: {  	v2 =	vld [tilespmem:$0x2940];
	_ =	sdelay $0x7  }
0x42: {  	[tilespmem:v2+s2+$0x0] =	vst.idx.add.f32.msk $0xffff, v1  }
0x43: {  	v2 =	vld [tilespmem:$0x2950];
	_ =	sdelay $0x7  }
0x44: {  	[tilespmem:v2+s2+$0x0] =	vst.idx.add.f32.msk $0xffff, v1  }
0x45: {  	v2 =	vld [tilespmem:$0x2960];
	_ =	sdelay $0x7  }
0x46: {  	[tilespmem:v2+s2+$0x0] =	vst.idx.add.f32.msk $0xffff, v1  }
0x47: {  	v2 =	vld [tilespmem:$0x2970];
	_ =	sdelay $0x7  }
0x48: {  	[tilespmem:v2+s2+$0x0] =	vst.idx.add.f32.msk $0xffff, v1  }
0x49: {  	v2 =	vld [tilespmem:$0x2980];
	_ =	sdelay $0x7  }
0x4a: {  	[tilespmem:v2+s2+$0x0] =	vst.idx.add.f32.msk $0xffff, v1  }
0x4b: {  	v2 =	vld [tilespmem:$0x2990];
	_ =	sdelay $0x7  }
0x4c: {  	[tilespmem:v2+s2+$0x0] =	vst.idx.add.f32.msk $0xffff, v1  }
0x4d: {  	v2 =	vld [tilespmem:$0x29A0];
	_ =	sdelay $0x7  }
0x4e: {  	[tilespmem:v2+s2+$0x0] =	vst.idx.add.f32.msk $0xffff, v1  }
0x4f: {  	v2 =	vld [tilespmem:$0x29B0];
	_ =	sdelay $0x7  }
0x50: {  	[tilespmem:v2+s2+$0x0] =	vst.idx.add.f32.msk $0xffff, v1  }
0x51: {  	v2 =	vld [tilespmem:$0x29C0];
	_ =	sdelay $0x7  }
0x52: {  	[tilespmem:v2+s2+$0x0] =	vst.idx.add.f32.msk $0xffff, v1  }
0x53: {  	v2 =	vld [tilespmem:$0x29D0];
	_ =	sdelay $0x7  }
0x54: {  	[tilespmem:v2+s2+$0x0] =	vst.idx.add.f32.msk $0xffff, v1  }
0x55: {  	v2 =	vld [tilespmem:$0x29E0];
	_ =	sdelay $0x7  }
0x56: {  	[tilespmem:v2+s2+$0x0] =	vst.idx.add.f32.msk $0xffff, v1  }
0x57: {  	v2 =	vld [tilespmem:$0x29F0];
	_ =	sdelay $0x7  }
0x58: {  	[tilespmem:v2+s2+$0x0] =	vst.idx.add.f32.msk $0xffff, v1  }
0x59: {  	v2 =	vld [tilespmem:$0x2A00];
	_ =	sdelay $0x7  }
0x5a: {  	[tilespmem:v2+s2+$0x0] =	vst.idx.add.f32.msk $0xffff, v1  }
0x5b: {  	v2 =	vld [tilespmem:$0x2A10];
	_ =	sdelay $0x7  }
0x5c: {  	[tilespmem:v2+s2+$0x0] =	vst.idx.add.f32.msk $0xffff, v1  }
0x5d: {  	v2 =	vld [tilespmem:$0x2A20];
	_ =	sdelay $0x7  }
0x5e: {  	[tilespmem:v2+s2+$0x0] =	vst.idx.add.f32.msk $0xffff, v1  }
0x5f: {  	v2 =	vld [tilespmem:$0x2A30];
	_ =	sdelay $0x7  }
0x60: {  	[tilespmem:v2+s2+$0x0] =	vst.idx.add.f32.msk $0xffff, v1  }
0x61: {  	v2 =	vld [tilespmem:$0x2A40];
	_ =	sdelay $0x7  }
0x62: {  	[tilespmem:v2+s2+$0x0] =	vst.idx.add.f32.msk $0xffff, v1  }
0x63: {  	v2 =	vld [tilespmem:$0x2A50];
	_ =	sdelay $0x7  }
0x64: {  	[tilespmem:v2+s2+$0x0] =	vst.idx.add.f32.msk $0xffff, v1  }
0x65: {  	v2 =	vld [tilespmem:$0x2A60];
	_ =	sdelay $0x7  }
0x66: {  	[tilespmem:v2+s2+$0x0] =	vst.idx.add.f32.msk $0xffff, v1  }
0x67: {  	v2 =	vld [tilespmem:$0x2A70];
	_ =	sdelay $0x7  }
0x68: {  	[tilespmem:v2+s2+$0x0] =	vst.idx.add.f32.msk $0xffff, v1  }
0x69: {  	v2 =	vld [tilespmem:$0x2A80];
	_ =	sdelay $0x7  }
0x6a: {  	[tilespmem:v2+s2+$0x0] =	vst.idx.add.f32.msk $0xffff, v1  }
0x6b: {  	v2 =	vld [tilespmem:$0x2A90];
	_ =	sdelay $0x7  }
0x6c: {  	[tilespmem:v2+s2+$0x0] =	vst.idx.add.f32.msk $0xffff, v1  }
0x6d: {  	v2 =	vld [tilespmem:$0x2AA0];
	_ =	sdelay $0x7  }
0x6e: {  	[tilespmem:v2+s2+$0x0] =	vst.idx.add.f32.msk $0xffff, v1  }
0x6f: {  	v2 =	vld [tilespmem:$0x2AB0];
	_ =	sdelay $0x7  }
0x70: {  	[tilespmem:v2+s2+$0x0] =	vst.idx.add.f32.msk $0xffff, v1  }
0x71: {  	v2 =	vld [tilespmem:$0x2AC0];
	_ =	sdelay $0x7  }
0x72: {  	[tilespmem:v2+s2+$0x0] =	vst.idx.add.f32.msk $0xffff, v1  }
0x73: {  	v2 =	vld [tilespmem:$0x2AD0];
	_ =	sdelay $0x7  }
0x74: {  	[tilespmem:v2+s2+$0x0] =	vst.idx.add.f32.msk $0xffff, v1  }
0x75: {  	v2 =	vld [tilespmem:$0x2AE0];
	_ =	sdelay $0x7  }
0x76: {  	[tilespmem:v2+s2+$0x0] =	vst.idx.add.f32.msk $0xffff, v1  }
0x77: {  	v2 =	vld [tilespmem:$0x2AF0];
	_ =	sdelay $0x7  }
0x78: {  	[tilespmem:v2+s2+$0x0] =	vst.idx.add.f32.msk $0xffff, v1  }
0x79: {  	v2 =	vld [tilespmem:$0x2B00];
	_ =	sdelay $0x7  }
0x7a: {  	[tilespmem:v2+s2+$0x0] =	vst.idx.add.f32.msk $0xffff, v1  }
0x7b: {  	v2 =	vld [tilespmem:$0x2B10];
	_ =	sdelay $0x7  }
0x7c: {  	[tilespmem:v2+s2+$0x0] =	vst.idx.add.f32.msk $0xffff, v1  }
0x7d: {  	v2 =	vld [tilespmem:$0x2B20];
	_ =	sdelay $0x7  }
0x7e: {  	[tilespmem:v2+s2+$0x0] =	vst.idx.add.f32.msk $0xffff, v1  }
0x7f: {  	v2 =	vld [tilespmem:$0x2B30];
	_ =	sdelay $0x7  }
0x80: {  	[tilespmem:v2+s2+$0x0] =	vst.idx.add.f32.msk $0xffff, v1  }
0x81: {  	v2 =	vld [tilespmem:$0x2B40];
	_ =	sdelay $0x7  }
0x82: {  	[tilespmem:v2+s2+$0x0] =	vst.idx.add.f32.msk $0xffff, v1  }
0x83: {  	v2 =	vld [tilespmem:$0x2B50];
	_ =	sdelay $0x7  }
0x84: {  	[tilespmem:v2+s2+$0x0] =	vst.idx.add.f32.msk $0xffff, v1  }
0x85: {  	v2 =	vld [tilespmem:$0x2B60];
	_ =	sdelay $0x7  }
0x86: {  	[tilespmem:v2+s2+$0x0] =	vst.idx.add.f32.msk $0xffff, v1  }
0x87: {  	v2 =	vld [tilespmem:$0x2B70];
	_ =	sdelay $0x7  }
0x88: {  	[tilespmem:v2+s2+$0x0] =	vst.idx.add.f32.msk $0xffff, v1  }
0x89: {  	v2 =	vld [tilespmem:$0x2B80];
	_ =	sdelay $0x7  }
0x8a: {  	[tilespmem:v2+s2+$0x0] =	vst.idx.add.f32.msk $0xffff, v1  }
0x8b: {  	v2 =	vld [tilespmem:$0x2B90];
	_ =	sdelay $0x7  }
0x8c: {  	[tilespmem:v2+s2+$0x0] =	vst.idx.add.f32.msk $0xffff, v1  }
0x8d: {  	v2 =	vld [tilespmem:$0x2BA0];
	_ =	sdelay $0x7  }
0x8e: {  	[tilespmem:v2+s2+$0x0] =	vst.idx.add.f32.msk $0xffff, v1  }
0x8f: {  	v2 =	vld [tilespmem:$0x2BB0];
	_ =	sdelay $0x7  }
0x90: {  	[tilespmem:v2+s2+$0x0] =	vst.idx.add.f32.msk $0xffff, v1  }
0x91: {  	v2 =	vld [tilespmem:$0x2BC0];
	_ =	sdelay $0x7  }
0x92: {  	[tilespmem:v2+s2+$0x0] =	vst.idx.add.f32.msk $0xffff, v1  }
0x93: {  	v2 =	vld [tilespmem:$0x2BD0];
	_ =	sdelay $0x7  }
0x94: {  	[tilespmem:v2+s2+$0x0] =	vst.idx.add.f32.msk $0xffff, v1  }
0x95: {  	v2 =	vld [tilespmem:$0x2BE0];
	_ =	sdelay $0x7  }
0x96: {  	[tilespmem:v2+s2+$0x0] =	vst.idx.add.f32.msk $0xffff, v1  }
0x97: {  	v2 =	vld [tilespmem:$0x2BF0];
	_ =	sdelay $0x2  }
0x98: {  	p0 =	sne.s32 s11, $0x480  }
.Ltmp1:
0x99: {  	_ = 	snop;
	(pc) =	sbr.rel @p0 .LBB2_4-.Ltmp1, $2  }
0x9a: {  	_ =	sdelay $0x2  }
0x9b: {  	s11 =	sadd.s32 $0x80, s11;
	[tilespmem:v2+s2+$0x0] =	vst.idx.add.f32.msk $0xffff, v1  }
0x9c: {  	s10 =	sadd.s32 $0x1, s10  }
0x9d: {  	p0 =	sne.s32 s10, s4  }
.Ltmp2:
0x9e: {  	_ = 	snop;
	(pc) =	sbr.rel @p0 .LBB2_1-.Ltmp2, $4  }
0x9f: {  	[hbm4b:s3+s8] =	stream.strided.scatter [tilespmem:s2], [sflag:$0x1], $0x2800, s9, s8, $0x38;
	[tilespmem:$0x2C00] =	vst v63  }
0xa0: {  	_ =	swait.ge [sflag:s7], $0x2800  }
0xa1: {  	[sflag:s7] =	ssyncset.done $0x0  }
0xa2: {  	[sflag:s7] =	ssyncadd.s32 $0xFFFFD800  }
0xa3: {  	_ =	sfence.sel $0x180000  }
0xa4: {  	[bflag:$0x0] =	sbarrier.arrive $0xFFFF  }
0xa5: {  	p0 =	sne.s32 s1, $0x0;
	_ =	strace $0x90000047  }
0xa6: {  	s0 =	sadd.s32 @!p0 $0x100000, s0;
	[bflag:$0x2] =	sbarrier.arrive $0xFFFF  }
0xa7: {  	[sflag:s0] =	ssyncadd.tile.s32 @!p0 $0x1;
	_ =	shalt  }
.Lfunc_end2:
_tile_overlayer_lowered:
.L_overlay_start_2:
0xa8: {  	(tag) =	ssettag $0x2  }
0xa9: {  	s0 =	rddreg [dreg:$0x0];
	s2 =	stileid.u32  }
0xaa: {  	s1 =	rddreg [dreg:$0x1];
	p0 =	sne.s32 s2, $0x0  }
0xab: {  	s3 =	rddreg [dreg:$0x2];
	[bflag:$0x3] =	sbarrier.arrive $0xFFFF;
	s2 =	simm.s32 @!p0 $0x1C01  }
0xac: {  	[timem:s3], [sflag:s2] =	dma.local @!p0 [hbm:s0], s1  }
0xad: {  	s0 =	simm.s32 @!p0 $0x1  }
0xae: {  	_ =	swait.ge @!p0 [sflag:s0], s1  }
0xaf: {  	s1 =	ssub.s32 @!p0 $0x0, s1;
	[sflag:s0] =	ssyncset.done @!p0 $0x0  }
0xb0: {  	[sflag:s0] =	ssyncadd.s32 @!p0 s1  }
0xb1: {  	[bflag:$0x3] =	sbarrier.arrive $0xFFFF  }
0xb2: {  	_ =	shalt  }

// kernel: kernel.13.cloned.1.call-start
scs
__scs_entry_jumppad:
0x0: {  	(pc) =	sbr.rel $0x88, $3  }
0x1: {  	(tag) =	ssettag $0x0;
	lr =	simm.s32 $0x1  }
0x2: {  	[smem:$0x3F92] =	sst lr;
	_ =	strace $0xD0000000  }
0x3: {  	_ = 	snop  }
0x4: {  	_ = 	snop  }
0x5: {  	_ = 	snop  }
0x6: {  	_ = 	snop  }
0x7: {  	_ = 	snop  }
__scs_overlays_trampoline_lowered:
0x8: {  	[smem:$0x3FA1] =	sst s0  }
0x9: {  	[smem:$0x3FA2] =	sst s1  }
0xa: {  	[smem:$0x3FA3] =	sst s2  }
0xb: {  	[smem:$0x3FA4] =	sst s3  }
0xc: {  	[smem:$0x3FA5] =	sst s4  }
0xd: {  	[smem:$0x3FA6] =	sst s5  }
0xe: {  	[smem:$0x3FA7] =	sst s6  }
0xf: {  	[smem:$0x3FA8] =	sst s7  }
0x10: {  	[smem:$0x3FA9] =	sst s8  }
0x11: {  	[smem:$0x3FAA] =	sst s9;
	s0 =	simm.s32 @!p0 $0x0  }
0x12: {  	s1 =	sld [smem:$0x3F90];
	s0 =	simm.s32 @p0 $0x1  }
0x13: {  	[smem:$0x3FAB] =	sst s0;
	s0 =	simm.s32 @!p1 $0x0  }
0x14: {  	s2 =	sld [smem:$0x3F8F];
	s0 =	simm.s32 @p1 $0x1  }
0x15: {  	[smem:$0x3FAC] =	sst s0;
	s0 =	simm.s32 @!p2 $0x0  }
0x16: {  	s3 =	sld [smem:$0x3FDB];
	s0 =	simm.s32 @p2 $0x1  }
0x17: {  	s4 =	simm.s32 $0x1BF5;
	[smem:$0x3FAE] =	sst s0  }
0x18: {  	s0 =	sld [smem:$0x3F91];
	_ =	swait.ge [sflag:s4], $0x0  }
0x19: {  	s7 =	sld [smem:$0x3F92]  }
0x1a: {  	s8 =	sadd.s32 $0xFFFFE003, lr  }
0x1b: {  	s9 =	sadd.s32 $0xFFFFFEF7, lr;
	s5 =	simm.s32 $0xFFFFFFFF;
	p2 =	slt.u32 s8, $0xFFFFF086  }
0x1c: {  	p1 =	slt.u32 s9, $0xF7A;
	s5 =	simm.s32 @!p2 $0x0  }
0x1d: {  	s5 =	simm.s32 @p1 $0x1;
	p0 =	seq.s32 s7, s2  }
0x1e: {  	s7 =	smul.u32 @!p0 $0xF7A, s2;
	p2 =	seq.s32 @!p0 s5, $0x0  }
0x1f: {  	s9 =	smul.u32 $0xF7A, s1;
	s8 =	simm.s32 @!p0 $0x1BF5;
	p2 =	por !p2, p0  }
0x20: {  	[sflag:s8] =	ssyncset.s32 @!p0 $0xFFFFF086;
	s6 =	sadd.s32 @!p0 s3, s7;
	s7 =	simm.s32 @!p0 $0x108  }
0x21: {  	s3 =	sadd.s32 s3, s9;
	s6 =	sadd.s32 @!p0 $0x88, s6;
	s7 =	simm.s32 @p2 $0x1082  }
0x22: {  	[simem:s7], [sflag:s8] =	dma.local @!p0 [hbm:s6], $0xF7A  }
0x23: {  	s9 =	sor.u32 $0xD0000000, s2;
	s6 =	simm.s32 $0x108;
	_ =	swait.ge @!p0 [sflag:s8], $0x0  }
0x24: {  	s3 =	sadd.s32 $0x88, s3;
	s6 =	simm.s32 @!p1 $0x1082;
	[sflag:s4] =	ssyncset.s32 $0xFFFFF086  }
0x25: {  	[simem:s6], [sflag:s4] =	dma.local [hbm:s3], $0xF7A  }
0x26: {  	[smem:$0x3F92] =	sst s1;
	(tag) =	ssettag s2;
	_ =	strace s9  }
0x27: {  	s1 =	sld [smem:$0x3FA2]  }
0x28: {  	s2 =	sld [smem:$0x3FA3]  }
0x29: {  	s4 =	sld [smem:$0x3FA5]  }
0x2a: {  	p0 =	seq.s32 s5, $0x0;
	s5 =	sld [smem:$0x3FA6]  }
0x2b: {  	s6 =	sld [smem:$0x3FA7]  }
0x2c: {  	s7 =	sld [smem:$0x3FA8]  }
0x2d: {  	s3 =	simm.s32 $0x108;
	s8 =	sld [smem:$0x3FA9]  }
0x2e: {  	s3 =	simm.s32 @!p0 $0x1082;
	s9 =	sld [smem:$0x3FAA]  }
0x2f: {  	lr =	sadd.s32 s0, s3;
	s0 =	sld [smem:$0x3FA1]  }
0x30: {  	s3 =	sld [smem:$0x3FA4]  }
0x31: {  	[smem:$0x3FAD] =	sst s10  }
0x32: {  	s10 =	sld [smem:$0x3FAB];
	_ =	sdelay $0x3  }
0x33: {  	p0 =	seq.s32 s10, $0x1;
	s10 =	sld [smem:$0x3FAD];
	_ =	sdelay $0x3  }
0x34: {  	[smem:$0x3FAD] =	sst s10  }
0x35: {  	s10 =	sld [smem:$0x3FAC];
	_ =	sdelay $0x3  }
0x36: {  	p1 =	seq.s32 s10, $0x1;
	s10 =	sld [smem:$0x3FAD];
	_ =	sdelay $0x3  }
0x37: {  	[smem:$0x3FAD] =	sst s10  }
0x38: {  	s10 =	sld [smem:$0x3FAE]  }
0x39: {  	_ = 	snop;
	(pc) =	sbr.ind lr, $3  }
0x3a: {  	_ = 	snop  }
0x3b: {  	_ = 	snop  }
0x3c: {  	p2 =	seq.s32 s10, $0x1;
	s10 =	sld [smem:$0x3FAD]  }
0x3d: {  	_ =	shalt  }
0x3e: {  	_ =	shalt  }
0x3f: {  	_ =	shalt  }
0x40: {  	_ =	shalt  }
0x41: {  	_ =	shalt  }
0x42: {  	_ =	shalt  }
0x43: {  	_ =	shalt  }
0x44: {  	_ =	shalt  }
0x45: {  	_ =	shalt  }
0x46: {  	_ =	shalt  }
0x47: {  	_ =	shalt  }
0x48: {  	_ =	shalt  }
0x49: {  	_ =	shalt  }
0x4a: {  	_ =	shalt  }
0x4b: {  	_ =	shalt  }
0x4c: {  	_ =	shalt  }
0x4d: {  	_ =	shalt  }
0x4e: {  	_ =	shalt  }
0x4f: {  	_ =	shalt  }
0x50: {  	_ =	shalt  }
0x51: {  	_ =	shalt  }
0x52: {  	_ =	shalt  }
0x53: {  	_ =	shalt  }
0x54: {  	_ =	shalt  }
0x55: {  	_ =	shalt  }
0x56: {  	_ =	shalt  }
0x57: {  	_ =	shalt  }
0x58: {  	_ =	shalt  }
0x59: {  	_ =	shalt  }
0x5a: {  	_ =	shalt  }
0x5b: {  	_ =	shalt  }
0x5c: {  	_ =	shalt  }
0x5d: {  	_ =	shalt  }
0x5e: {  	_ =	shalt  }
0x5f: {  	_ =	shalt  }
0x60: {  	_ =	shalt  }
0x61: {  	_ =	shalt  }
0x62: {  	_ =	shalt  }
0x63: {  	_ =	shalt  }
0x64: {  	_ =	shalt  }
0x65: {  	_ =	shalt  }
0x66: {  	_ =	shalt  }
0x67: {  	_ =	shalt  }
0x68: {  	_ =	shalt  }
0x69: {  	_ =	shalt  }
0x6a: {  	_ =	shalt  }
0x6b: {  	_ =	shalt  }
0x6c: {  	_ =	shalt  }
0x6d: {  	_ =	shalt  }
0x6e: {  	_ =	shalt  }
0x6f: {  	_ =	shalt  }
0x70: {  	_ =	shalt  }
0x71: {  	_ =	shalt  }
0x72: {  	_ =	shalt  }
0x73: {  	_ =	shalt  }
0x74: {  	_ =	shalt  }
0x75: {  	_ =	shalt  }
0x76: {  	_ =	shalt  }
0x77: {  	_ =	shalt  }
0x78: {  	_ =	shalt  }
0x79: {  	_ =	shalt  }
0x7a: {  	_ =	shalt  }
0x7b: {  	_ =	shalt  }
0x7c: {  	_ =	shalt  }
0x7d: {  	_ =	shalt  }
0x7e: {  	_ =	shalt  }
0x7f: {  	_ =	shalt  }
0x80: {  	_ =	shalt  }
0x81: {  	_ =	shalt  }
0x82: {  	_ =	shalt  }
0x83: {  	_ =	shalt  }
0x84: {  	_ =	shalt  }
0x85: {  	_ =	shalt  }
0x86: {  	_ =	shalt  }
0x87: {  	_ =	shalt  }
.Lfunc_end0:
.L_simem_size_0:
called_computation.1_lowered:
.L_overlay_start_0:
0x88: {  	s2 =	sld [smem:$0x3FD9]  }
0x89: {  	s3 =	sld [smem:$0x3FFE];
	_ =	sdelay $0x1  }
0x8a: {  	s1 =	srdreg.scid  }
0x8b: {  	s0 =	sand.u32 $0x1, s1  }
0x8c: {  	s16 =	sshll.u32 s0, $0xA;
	s2 =	sadd.s32 s3, s2  }
0x8d: {  	s2 =	sadd.s32 s2, s16  }
0x8e: {  	[smem:$0x3FB9] =	sst s2  }
0x8f: {  	_ = 	snop  }
0x90: {  	(tm) =	ssettm $0x1  }
0x91: {  	s17 =	sld [smem:$0x3FFB];
	_ =	sdelay $0x3  }
0x92: {  	_ =	strace s17  }
0x93: {  	s2 =	sld [smem:$0x3FFC];
	_ =	sdelay $0x3  }
0x94: {  	_ =	strace s2  }
0x95: {  	s2 =	sld [smem:$0x3FFD];
	_ =	sdelay $0x3  }
0x96: {  	_ =	strace s2  }
0x97: {  	_ =	strace $0x8FFFFFFF  }
0x98: {  	s18 =	sld [smem:$0x3FDB];
	_ =	sdelay $0x1  }
0x99: {  	s19 =	simm.s32 $_scs_section_size  }
0x9a: {  	s4 =	simm.s32 $_size__tile_overlayer_lowered;
	s5 =	simm.s32 $_tile_overlayer_lowered  }
0x9b: {  	s22 =	simm.s32 $0x1BFF;
	s21 =	sshll.u32 s5, $0x1;
	s2 =	sadd.s32 s19, s18  }
0x9c: {  	s6 =	simm.s32 $0x0;
	s20 =	sshll.u32 s4, $0x1;
	s4 =	sadd.s32 s21, s2  }
0x9d: {  	[timem:s6], [sflag:s22] =	dma.local [hbm:s4], s20  }
0x9e: {  	_ =	swait.ge [sflag:s22], s20  }
0x9f: {  	s3 =	ssub.s32 $0x0, s20;
	[sflag:s22] =	ssyncset.done $0x0  }
0xa0: {  	[sflag:s22] =	ssyncadd.s32 s3;
	_ =	sdelay $0x1  }
0xa1: {  	s23 =	simm.s32 $0x1B8B  }
0xa2: {  	_ =	swait.ge [sflag:s23], $0x1  }
0xa3: {  	[sflag:s23] =	ssyncset.done $0x0  }
0xa4: {  	s25 =	simm.s32 $0x1B8E;
	s24 =	sld [smem:$0x3FFE];
	[sflag:s23] =	ssyncadd.s32 $0xFFFFFFFF  }
0xa5: {  	s26 =	simm.s32 $execute0_lowered;
	[smem:$0x3FD2] =	sst s25  }
0xa6: {  	s4 =	sshll.u32 s26, $0x1;
	_ =	strace $0x80000049;
	[dreg:$0x1] =	wrdreg $0xFFFFFFFF  }
0xa7: {  	s28 =	simm.s32 $_size_execute0_lowered;
	s2 =	sadd.s32 s2, s4;
	[dreg:$0x0] =	wrdreg $0x0  }
0xa8: {  	s4 =	sshll.u32 s28, $0x1;
	[dreg:$0x2] =	wrdreg s2  }
0xa9: {  	[dreg:$0x3] =	wrdreg s4  }
0xaa: {  	[dreg:$0x4] =	wrdreg $0xC0  }
0xab: {  	_ =	task [dreg:s6], $0x5FFFF  }
0xac: {  	[dreg:$0x1] =	wrdreg $0xFFFFFFFF  }
0xad: {  	[dreg:$0x0] =	wrdreg $0x60  }
0xae: {  	[dreg:$0x2] =	wrdreg s24  }
0xaf: {  	[dreg:$0x3] =	wrdreg $0x0  }
0xb0: {  	[dreg:$0x4] =	wrdreg $0x9  }
0xb1: {  	_ =	task.clear_ibuf [dreg:s6], $0x5FFFF;
	_ =	strace $0x90000049  }
0xb2: {  	s29 =	simm.s32 $0x9;
	_ =	strace $0x8000004B  }
0xb3: {  	_ =	swait.ge [sflag:s29], $0x1  }
0xb4: {  	[sflag:s29] =	ssyncadd.s32 $0xFFFFFFFF  }
0xb5: {  	_ =	strace $0x9000004B  }
0xb6: {  	_ =	sfence  }
0xb7: {  	s30 =	sld [smem:$0x0];
	_ =	sdelay $0x2  }
0xb8: {  	s31 =	sshll.u32 s1, $0xD;
	s1 =	sshrl.u32 s1, $0x2  }
0xb9: {  	s3 =	sand.u32 $0x4000, s31;
	s1 =	sadd.s32 s1, s30  }
0xba: {  	s0 =	sor.u32 s3, s0;
	s1 =	sshll.u32 s1, $0x11  }
0xbb: {  	s0 =	sor.u32 s1, s0  }
0xbc: {  	s0 =	sadd.s32 $0x8F2B, s0  }
0xbd: {  	[sflag:s0] =	ssyncadd.remote.s32 $0x1  }
0xbe: {  	_ =	sfence.sel $0xFFFF  }
0xbf: {  	[dreg:$0x0] =	wrdreg $0xFFFFFFFF;
	(pc) =	sbr.abs _section_cstart, $3  }
0xc0: {  	[dreg:$0x1] =	wrdreg $0xFFFFFFFF  }
0xc1: {  	_ =	task.clear_ibuf [dreg:s6], $0x2FFFF;
	_ =	strace $0x9FFFFFFF  }
0xc2: {  	(tm) =	ssettm $0x7FFFFFFF  }
0xc3: {  	_ =	shalt  }
tec
execute0_lowered:
.L_overlay_start_1:
0x0: {  	(tag) =	ssettag $0x1  }
0x1: {  	s0 =	rddreg [dreg:$0x0]  }
0x2: {  	s2 =	srdreg.scid;
	s1 =	rddreg [dreg:$0x1]  }
0x3: {  	s3 =	simm.s32 $0x0;
	s9 =	stileid.u32;
	s13 =	simm.s32 $0x14800  }
0x4: {  	s14 =	simm.s32 $0x3;
	s15 =	simm.s32 $0x14000;
	s16 =	simm.s32 $0x14400  }
0x5: {  	s17 =	simm.s32 $0x80;
	s18 =	simm.s32 $0x14080;
	s6 =	smul.u32 $0x14000, s9  }
0x6: {  	s19 =	simm.s32 $0x18800;
	s28 =	simm.s32 $0x14580;
	s20 =	smul.u32 $0x50000, s9  }
0x7: {  	s29 =	simm.s32 $0x14280;
	s2 =	sand.u32 $0x1, s2;
	s9 =	smul.u32 $0x500, s9  }
0x8: {  	s30 =	simm.s32 $0x14600;
	s31 =	simm.s32 $0x14300;
	s4 =	smul.u32 $0x5000, s2  }
0x9: {  	[smem:$0x7FF] =	sst s3;
	s5 =	smul.u32 $0x140000, s2;
	s2 =	ssub.s32 $0x2, s2  }
0xa: {  	_ =	strace $0x8000004A;
	s8 =	sshrl.u32 s2, $0x1;
	s7 =	sadd.s32 s4, s0  }
0xb: {  	s5 =	sadd.s32 s6, s5;
	s4 =	sadd.s32 $0x21C00, s0;
	s6 =	sshrl.u32 s20, $0x2  }
0xc: {  	s2 =	ssub.s32 s2, s8;
	s20 =	simm.s32 $0x1;
	s8 =	simm.s32 $0x0  }
0xd: {  	s5 =	sshrl.u32 s5, $0x3;
	s11 =	sadd.s32 s6, s1;
	s26 =	smax.u32 s2, $0x1  }
0xe: {  	s23 =	sadd.s32 s9, s7;
	s2 =	simm.s32 $0x14380;
	[dreg:$0xa] =	wrdreg s26  }
0xf: {  	s6 =	simm.s32 $0x14700;
	s21 =	sadd.s32 $0x4000, s11;
	[dreg:$0x4] =	wrdreg s11  }
0x10: {  	s0 =	sadd.s32 s5, s0;
	s22 =	sadd.s32 $0x8000, s11;
	[dreg:$0x5] =	wrdreg s21  }
0x11: {  	s24 =	sadd.s32 $0xC000, s11;
	s25 =	sadd.s32 $0x10000, s11;
	[dreg:$0x6] =	wrdreg s22  }
0x12: {  	s7 =	sadd.s32 $0xDC00, s23;
	s12 =	sadd.s32 $0x17C00, s23;
	[dreg:$0x7] =	wrdreg s24  }
0x13: {  	s23 =	simm.s32 $0x14480;
	s26 =	simm.s32 $0x14200;
	[dreg:$0x8] =	wrdreg s25  }
0x14: {  	s0 =	sadd.s32 $0x49C00, s0;
	[dreg:$0x3] =	wrdreg s7;
	s21 =	simm.s32 $0x14100  }
0x15: {  	s22 =	simm.s32 $0x2;
	s24 =	simm.s32 $0x14180;
	s25 =	simm.s32 $0x14500  }
0x16: {  	v0 =	vimm.f32 $0.0e+00;
	s7 =	simm.s32 $0x14780;
	[dreg:$0x9] =	wrdreg s0;
	s0 =	simm.s32 $0x14680  }
.LBB2_1:
0x17: {  	s9 =	simm.s32 $0x0;
	s10 =	simm.s32 $0x200  }
.LBB2_2:
0x18: {  	p0 =	sne.s32 s10, $0xFE00;
	[tilespmem:s9+$0x14870] =	vst v0  }
0x19: {  	[tilespmem:s9+$0x14800] =	vst v0  }
0x1a: {  	[tilespmem:s9+$0x14810] =	vst v0  }
.Ltmp0:
0x1b: {  	[tilespmem:s9+$0x14820] =	vst v0;
	(pc) =	sbr.rel @p0 .LBB2_2-.Ltmp0, $4  }
0x1c: {  	[tilespmem:s9+$0x14830] =	vst v0  }
0x1d: {  	[tilespmem:s9+$0x14840] =	vst v0  }
0x1e: {  	[tilespmem:s9+$0x14850] =	vst v0  }
0x1f: {  	[tilespmem:s9+$0x14860] =	vst v0;
	s9 =	sshra.s32 s10, $0x2;
	s10 =	sadd.s32 $0x200, s10  }
0x20: {  	[tilespmem:s9+$0x14870] =	vst v0  }
0x21: {  	[tilespmem:s9+$0x14800] =	vst v0  }
0x22: {  	[tilespmem:s9+$0x14810] =	vst v0  }
0x23: {  	[tilespmem:s9+$0x14820] =	vst v0  }
0x24: {  	[tilespmem:s9+$0x14830] =	vst v0  }
0x25: {  	[tilespmem:s9+$0x14840] =	vst v0  }
0x26: {  	[tilespmem:s9+$0x14850] =	vst v0  }
0x27: {  	[dreg:$0xb] =	wrdreg s8;
	[tilespmem:s9+$0x14860] =	vst v0  }
0x28: {  	[spmem:s11] =	stream.linear.scatter [tilespmem:s13], [sflag:$0x3], $0x4000, $0x38;
	[tilespmem:$0x1C800] =	vst v63  }
0x29: {  	_ =	swait.ge [sflag:s14], $0x4000  }
0x2a: {  	[sflag:s14] =	ssyncset.done $0x0  }
0x2b: {  	s5 =	rddreg [dreg:$0x5];
	[sflag:s14] =	ssyncadd.s32 $0xFFFFC000  }
0x2c: {  	[spmem:s5] =	stream.linear.scatter [tilespmem:s13], [sflag:$0x3], $0x4000, $0x38;
	[tilespmem:$0x1C800] =	vst v63  }
0x2d: {  	_ =	swait.ge [sflag:s14], $0x4000  }
0x2e: {  	[sflag:s14] =	ssyncset.done $0x0  }
0x2f: {  	s11 =	rddreg [dreg:$0x6];
	[sflag:s14] =	ssyncadd.s32 $0xFFFFC000  }
0x30: {  	[spmem:s11] =	stream.linear.scatter [tilespmem:s13], [sflag:$0x3], $0x4000, $0x38;
	[tilespmem:$0x1C800] =	vst v63  }
0x31: {  	_ =	swait.ge [sflag:s14], $0x4000  }
0x32: {  	[sflag:s14] =	ssyncset.done $0x0  }
0x33: {  	s8 =	rddreg [dreg:$0x7];
	[sflag:s14] =	ssyncadd.s32 $0xFFFFC000  }
0x34: {  	[spmem:s8] =	stream.linear.scatter [tilespmem:s13], [sflag:$0x3], $0x4000, $0x38;
	[tilespmem:$0x1C800] =	vst v63  }
0x35: {  	_ =	swait.ge [sflag:s14], $0x4000  }
0x36: {  	[sflag:s14] =	ssyncset.done $0x0  }
0x37: {  	s9 =	rddreg [dreg:$0x8];
	[sflag:s14] =	ssyncadd.s32 $0xFFFFC000  }
0x38: {  	[spmem:s9] =	stream.linear.scatter [tilespmem:s13], [sflag:$0x3], $0x4000, $0x38;
	[tilespmem:$0x1C800] =	vst v63  }
0x39: {  	_ =	swait.ge [sflag:s14], $0x4000  }
0x3a: {  	[sflag:s14] =	ssyncset.done $0x0  }
0x3b: {  	[sflag:s14] =	ssyncadd.s32 $0xFFFFC000  }
0x3c: {  	s10 =	sadd.s32 $0x0, s12;
	[bflag:$0x0] =	sbarrier.arrive $0xFFFF  }
0x3d: {  	[tilespmem:s15], [sflag:$0x3] =	stream.linear.gather [hbm4b:s10+s3], $0x400, $0x38;
	[tilespmem:$0x1C800] =	vst v63  }
0x3e: {  	_ =	swait.ge [sflag:s14], $0x400  }
0x3f: {  	s11 =	rddreg [dreg:$0x3];
	[sflag:s14] =	ssyncset.done $0x0  }
0x40: {  	[sflag:s14] =	ssyncadd.s32 $0xFFFFFC00;
	s9 =	sadd.s32 $0x0, s11  }
0x41: {  	[tilespmem:s16], [sflag:$0x3] =	stream.linear.gather [hbm4b:s9+s3], $0x400, $0x38;
	[tilespmem:$0x1C800] =	vst v63  }
0x42: {  	_ =	swait.ge [sflag:s14], $0x400  }
0x43: {  	[sflag:s14] =	ssyncset.done $0x0  }
0x44: {  	[sflag:s14] =	ssyncadd.s32 $0xFFFFFC00  }
0x45: {  	[tilespmem:s13], [sflag:$0x1] =	stream.indirect.gather [hbm4b:s4+s17], $0x80, s15, s17, $0xb8;
	[tilespmem:$0x1C800] =	vst v63  }
0x46: {  	_ = 	snop  }
0x47: {  	[tilespmem:s19], [sflag:$0x2] =	stream.indirect.gather [hbm4b:s4+s17], $0x80, s18, s17, $0xb8;
	[tilespmem:$0x1C800] =	vst v63  }
0x48: {  	_ =	swait.ge [sflag:s20], $0x4000  }
0x49: {  	[sflag:s20] =	ssyncset.done $0x0  }
0x4a: {  	[sflag:s20] =	ssyncadd.s32 $0xFFFFC000  }
0x4b: {  	[spmem:s1] =	stream.indirect.scatter.add.f32 [tilespmem:s13], [sflag:$0x3], $0x80, s16, s17, $0xb8;
	[tilespmem:$0x1C800] =	vst v63  }
0x4c: {  	_ =	swait.ge [sflag:s14], $0x4000  }
0x4d: {  	[sflag:s14] =	ssyncset.done $0x0  }
0x4e: {  	[sflag:s14] =	ssyncadd.s32 $0xFFFFC000  }
0x4f: {  	[tilespmem:s13], [sflag:$0x1] =	stream.indirect.gather [hbm4b:s4+s17], $0x80, s21, s17, $0xb8;
	[tilespmem:$0x1C800] =	vst v63  }
0x50: {  	_ =	swait.ge [sflag:s22], $0x4000  }
0x51: {  	[sflag:s22] =	ssyncset.done $0x0  }
0x52: {  	[sflag:s22] =	ssyncadd.s32 $0xFFFFC000  }
0x53: {  	[spmem:s1] =	stream.indirect.scatter.add.f32 [tilespmem:s19], [sflag:$0x3], $0x80, s23, s17, $0xb8;
	[tilespmem:$0x1C800] =	vst v63  }
0x54: {  	_ =	swait.ge [sflag:s14], $0x4000  }
0x55: {  	[sflag:s14] =	ssyncset.done $0x0  }
0x56: {  	[sflag:s14] =	ssyncadd.s32 $0xFFFFC000  }
0x57: {  	[tilespmem:s19], [sflag:$0x2] =	stream.indirect.gather [hbm4b:s4+s17], $0x80, s24, s17, $0xb8;
	[tilespmem:$0x1C800] =	vst v63  }
0x58: {  	_ =	swait.ge [sflag:s20], $0x4000  }
0x59: {  	[sflag:s20] =	ssyncset.done $0x0  }
0x5a: {  	[sflag:s20] =	ssyncadd.s32 $0xFFFFC000  }
0x5b: {  	[spmem:s1] =	stream.indirect.scatter.add.f32 [tilespmem:s13], [sflag:$0x3], $0x80, s25, s17, $0xb8;
	[tilespmem:$0x1C800] =	vst v63  }
0x5c: {  	_ =	swait.ge [sflag:s14], $0x4000  }
0x5d: {  	[sflag:s14] =	ssyncset.done $0x0  }
0x5e: {  	[sflag:s14] =	ssyncadd.s32 $0xFFFFC000  }
0x5f: {  	[tilespmem:s13], [sflag:$0x1] =	stream.indirect.gather [hbm4b:s4+s17], $0x80, s26, s17, $0xb8;
	[tilespmem:$0x1C800] =	vst v63  }
0x60: {  	_ =	swait.ge [sflag:s22], $0x4000  }
0x61: {  	[sflag:s22] =	ssyncset.done $0x0  }
0x62: {  	[sflag:s22] =	ssyncadd.s32 $0xFFFFC000  }
0x63: {  	[spmem:s1] =	stream.indirect.scatter.add.f32 [tilespmem:s19], [sflag:$0x3], $0x80, s28, s17, $0xb8;
	[tilespmem:$0x1C800] =	vst v63  }
0x64: {  	_ =	swait.ge [sflag:s14], $0x4000  }
0x65: {  	[sflag:s14] =	ssyncset.done $0x0  }
0x66: {  	[sflag:s14] =	ssyncadd.s32 $0xFFFFC000  }
0x67: {  	[tilespmem:s19], [sflag:$0x2] =	stream.indirect.gather [hbm4b:s4+s17], $0x80, s29, s17, $0xb8;
	[tilespmem:$0x1C800] =	vst v63  }
0x68: {  	_ =	swait.ge [sflag:s20], $0x4000  }
0x69: {  	[sflag:s20] =	ssyncset.done $0x0  }
0x6a: {  	[sflag:s20] =	ssyncadd.s32 $0xFFFFC000  }
0x6b: {  	[spmem:s1] =	stream.indirect.scatter.add.f32 [tilespmem:s13], [sflag:$0x3], $0x80, s30, s17, $0xb8;
	[tilespmem:$0x1C800] =	vst v63  }
0x6c: {  	_ =	swait.ge [sflag:s14], $0x4000  }
0x6d: {  	[sflag:s14] =	ssyncset.done $0x0  }
0x6e: {  	[sflag:s14] =	ssyncadd.s32 $0xFFFFC000  }
0x6f: {  	[tilespmem:s13], [sflag:$0x1] =	stream.indirect.gather [hbm4b:s4+s17], $0x80, s31, s17, $0xb8;
	[tilespmem:$0x1C800] =	vst v63  }
0x70: {  	_ =	swait.ge [sflag:s22], $0x4000  }
0x71: {  	[sflag:s22] =	ssyncset.done $0x0  }
0x72: {  	[sflag:s22] =	ssyncadd.s32 $0xFFFFC000  }
0x73: {  	[spmem:s1] =	stream.indirect.scatter.add.f32 [tilespmem:s19], [sflag:$0x3], $0x80, s0, s17, $0xb8;
	[tilespmem:$0x1C800] =	vst v63  }
0x74: {  	_ =	swait.ge [sflag:s14], $0x4000  }
0x75: {  	[sflag:s14] =	ssyncset.done $0x0  }
0x76: {  	[sflag:s14] =	ssyncadd.s32 $0xFFFFC000  }
0x77: {  	[tilespmem:s19], [sflag:$0x2] =	stream.indirect.gather [hbm4b:s4+s17], $0x80, s2, s17, $0xb8;
	[tilespmem:$0x1C800] =	vst v63  }
0x78: {  	_ =	swait.ge [sflag:s20], $0x4000  }
0x79: {  	[sflag:s20] =	ssyncset.done $0x0  }
0x7a: {  	[sflag:s20] =	ssyncadd.s32 $0xFFFFC000  }
0x7b: {  	[spmem:s1] =	stream.indirect.scatter.add.f32 [tilespmem:s13], [sflag:$0x3], $0x80, s6, s17, $0xb8;
	[tilespmem:$0x1C800] =	vst v63  }
0x7c: {  	_ =	swait.ge [sflag:s14], $0x4000  }
0x7d: {  	[sflag:s14] =	ssyncset.done $0x0  }
0x7e: {  	[sflag:s14] =	ssyncadd.s32 $0xFFFFC000  }
0x7f: {  	_ =	swait.ge [sflag:s22], $0x4000  }
0x80: {  	[sflag:s22] =	ssyncset.done $0x0  }
0x81: {  	[sflag:s22] =	ssyncadd.s32 $0xFFFFC000  }
0x82: {  	[spmem:s1] =	stream.indirect.scatter.add.f32 [tilespmem:s19], [sflag:$0x3], $0x80, s7, s17, $0xb8;
	[tilespmem:$0x1C800] =	vst v63  }
0x83: {  	_ =	swait.ge [sflag:s14], $0x4000  }
0x84: {  	s10 =	simm.s32 $0x100;
	s9 =	simm.s32 $0x80;
	[sflag:s14] =	ssyncset.done $0x0  }
.LBB2_4:
0x85: {  	s5 =	sadd.s32 s9, s12;
	[sflag:s14] =	ssyncadd.s32 $0xFFFFC000  }
0x86: {  	[tilespmem:s15], [sflag:$0x3] =	stream.linear.gather [hbm4b:s5+s3], $0x400, $0x38;
	[tilespmem:$0x1C800] =	vst v63  }
0x87: {  	s8 =	smov.u32 s10;
	s11 =	sadd.s32 $0x80, s10;
	_ =	swait.ge [sflag:s14], $0x400  }
0x88: {  	p0 =	sne.s32 s10, $0x480;
	s10 =	rddreg [dreg:$0x3];
	[sflag:s14] =	ssyncset.done $0x0  }
0x89: {  	[sflag:s14] =	ssyncadd.s32 $0xFFFFFC00;
	s5 =	sadd.s32 s9, s10  }
0x8a: {  	[tilespmem:s16], [sflag:$0x3] =	stream.linear.gather [hbm4b:s5+s3], $0x400, $0x38;
	[tilespmem:$0x1C800] =	vst v63  }
0x8b: {  	_ =	swait.ge [sflag:s14], $0x400  }
0x8c: {  	[sflag:s14] =	ssyncset.done $0x0  }
0x8d: {  	[sflag:s14] =	ssyncadd.s32 $0xFFFFFC00  }
0x8e: {  	[tilespmem:s13], [sflag:$0x1] =	stream.indirect.gather [hbm4b:s4+s17], $0x80, s15, s17, $0xb8;
	[tilespmem:$0x1C800] =	vst v63  }
0x8f: {  	_ = 	snop  }
0x90: {  	[tilespmem:s19], [sflag:$0x2] =	stream.indirect.gather [hbm4b:s4+s17], $0x80, s18, s17, $0xb8;
	[tilespmem:$0x1C800] =	vst v63  }
0x91: {  	_ =	swait.ge [sflag:s20], $0x4000  }
0x92: {  	[sflag:s20] =	ssyncset.done $0x0  }
0x93: {  	[sflag:s20] =	ssyncadd.s32 $0xFFFFC000  }
0x94: {  	[spmem:s1] =	stream.indirect.scatter.add.f32 [tilespmem:s13], [sflag:$0x3], $0x80, s16, s17, $0xb8;
	[tilespmem:$0x1C800] =	vst v63  }
0x95: {  	_ =	swait.ge [sflag:s14], $0x4000  }
0x96: {  	[sflag:s14] =	ssyncset.done $0x0  }
0x97: {  	[sflag:s14] =	ssyncadd.s32 $0xFFFFC000  }
0x98: {  	[tilespmem:s13], [sflag:$0x1] =	stream.indirect.gather [hbm4b:s4+s17], $0x80, s21, s17, $0xb8;
	[tilespmem:$0x1C800] =	vst v63  }
0x99: {  	_ =	swait.ge [sflag:s22], $0x4000  }
0x9a: {  	[sflag:s22] =	ssyncset.done $0x0  }
0x9b: {  	[sflag:s22] =	ssyncadd.s32 $0xFFFFC000  }
0x9c: {  	[spmem:s1] =	stream.indirect.scatter.add.f32 [tilespmem:s19], [sflag:$0x3], $0x80, s23, s17, $0xb8;
	[tilespmem:$0x1C800] =	vst v63  }
0x9d: {  	_ =	swait.ge [sflag:s14], $0x4000  }
0x9e: {  	[sflag:s14] =	ssyncset.done $0x0  }
0x9f: {  	[sflag:s14] =	ssyncadd.s32 $0xFFFFC000  }
0xa0: {  	[tilespmem:s19], [sflag:$0x2] =	stream.indirect.gather [hbm4b:s4+s17], $0x80, s24, s17, $0xb8;
	[tilespmem:$0x1C800] =	vst v63  }
0xa1: {  	_ =	swait.ge [sflag:s20], $0x4000  }
0xa2: {  	[sflag:s20] =	ssyncset.done $0x0  }
0xa3: {  	[sflag:s20] =	ssyncadd.s32 $0xFFFFC000  }
0xa4: {  	[spmem:s1] =	stream.indirect.scatter.add.f32 [tilespmem:s13], [sflag:$0x3], $0x80, s25, s17, $0xb8;
	[tilespmem:$0x1C800] =	vst v63  }
0xa5: {  	_ =	swait.ge [sflag:s14], $0x4000  }
0xa6: {  	[sflag:s14] =	ssyncset.done $0x0  }
0xa7: {  	[sflag:s14] =	ssyncadd.s32 $0xFFFFC000  }
0xa8: {  	[tilespmem:s13], [sflag:$0x1] =	stream.indirect.gather [hbm4b:s4+s17], $0x80, s26, s17, $0xb8;
	[tilespmem:$0x1C800] =	vst v63  }
0xa9: {  	_ =	swait.ge [sflag:s22], $0x4000  }
0xaa: {  	[sflag:s22] =	ssyncset.done $0x0  }
0xab: {  	[sflag:s22] =	ssyncadd.s32 $0xFFFFC000  }
0xac: {  	[spmem:s1] =	stream.indirect.scatter.add.f32 [tilespmem:s19], [sflag:$0x3], $0x80, s28, s17, $0xb8;
	[tilespmem:$0x1C800] =	vst v63  }
0xad: {  	_ =	swait.ge [sflag:s14], $0x4000  }
0xae: {  	[sflag:s14] =	ssyncset.done $0x0  }
0xaf: {  	[sflag:s14] =	ssyncadd.s32 $0xFFFFC000  }
0xb0: {  	[tilespmem:s19], [sflag:$0x2] =	stream.indirect.gather [hbm4b:s4+s17], $0x80, s29, s17, $0xb8;
	[tilespmem:$0x1C800] =	vst v63  }
0xb1: {  	_ =	swait.ge [sflag:s20], $0x4000  }
0xb2: {  	[sflag:s20] =	ssyncset.done $0x0  }
0xb3: {  	[sflag:s20] =	ssyncadd.s32 $0xFFFFC000  }
0xb4: {  	[spmem:s1] =	stream.indirect.scatter.add.f32 [tilespmem:s13], [sflag:$0x3], $0x80, s30, s17, $0xb8;
	[tilespmem:$0x1C800] =	vst v63  }
0xb5: {  	_ =	swait.ge [sflag:s14], $0x4000  }
0xb6: {  	[sflag:s14] =	ssyncset.done $0x0  }
0xb7: {  	[sflag:s14] =	ssyncadd.s32 $0xFFFFC000  }
0xb8: {  	[tilespmem:s13], [sflag:$0x1] =	stream.indirect.gather [hbm4b:s4+s17], $0x80, s31, s17, $0xb8;
	[tilespmem:$0x1C800] =	vst v63  }
0xb9: {  	_ =	swait.ge [sflag:s22], $0x4000  }
0xba: {  	[sflag:s22] =	ssyncset.done $0x0  }
0xbb: {  	[sflag:s22] =	ssyncadd.s32 $0xFFFFC000  }
0xbc: {  	[spmem:s1] =	stream.indirect.scatter.add.f32 [tilespmem:s19], [sflag:$0x3], $0x80, s0, s17, $0xb8;
	[tilespmem:$0x1C800] =	vst v63  }
0xbd: {  	_ =	swait.ge [sflag:s14], $0x4000  }
0xbe: {  	[sflag:s14] =	ssyncset.done $0x0  }
0xbf: {  	[sflag:s14] =	ssyncadd.s32 $0xFFFFC000  }
0xc0: {  	[tilespmem:s19], [sflag:$0x2] =	stream.indirect.gather [hbm4b:s4+s17], $0x80, s2, s17, $0xb8;
	[tilespmem:$0x1C800] =	vst v63  }
0xc1: {  	_ =	swait.ge [sflag:s20], $0x4000  }
0xc2: {  	[sflag:s20] =	ssyncset.done $0x0  }
0xc3: {  	[sflag:s20] =	ssyncadd.s32 $0xFFFFC000  }
0xc4: {  	[spmem:s1] =	stream.indirect.scatter.add.f32 [tilespmem:s13], [sflag:$0x3], $0x80, s6, s17, $0xb8;
	[tilespmem:$0x1C800] =	vst v63  }
0xc5: {  	_ =	swait.ge [sflag:s14], $0x4000  }
0xc6: {  	[sflag:s14] =	ssyncset.done $0x0  }
0xc7: {  	[sflag:s14] =	ssyncadd.s32 $0xFFFFC000  }
0xc8: {  	_ =	swait.ge [sflag:s22], $0x4000  }
.Ltmp1:
0xc9: {  	[sflag:s22] =	ssyncset.done $0x0;
	(pc) =	sbr.rel @p0 .LBB2_4-.Ltmp1, $4  }
0xca: {  	[sflag:s22] =	ssyncadd.s32 $0xFFFFC000  }
0xcb: {  	[spmem:s1] =	stream.indirect.scatter.add.f32 [tilespmem:s19], [sflag:$0x3], $0x80, s7, s17, $0xb8;
	[tilespmem:$0x1C800] =	vst v63  }
0xcc: {  	_ =	swait.ge [sflag:s14], $0x4000  }
0xcd: {  	s9 =	smov.u32 s8;
	s10 =	smov.u32 s11;
	[sflag:s14] =	ssyncset.done $0x0  }
0xce: {  	s5 =	sadd.s32 s9, s12;
	[sflag:s14] =	ssyncadd.s32 $0xFFFFC000  }
0xcf: {  	[tilespmem:s15], [sflag:$0x3] =	stream.linear.gather [hbm4b:s5+s3], $0x400, $0x38;
	[tilespmem:$0x1C800] =	vst v63  }
0xd0: {  	_ =	swait.ge [sflag:s14], $0x400  }
0xd1: {  	s8 =	rddreg [dreg:$0x3];
	[sflag:s14] =	ssyncset.done $0x0  }
0xd2: {  	[sflag:s14] =	ssyncadd.s32 $0xFFFFFC00;
	s5 =	sadd.s32 s9, s8  }
0xd3: {  	[tilespmem:s16], [sflag:$0x3] =	stream.linear.gather [hbm4b:s5+s3], $0x400, $0x38;
	[tilespmem:$0x1C800] =	vst v63  }
0xd4: {  	_ =	swait.ge [sflag:s14], $0x400  }
0xd5: {  	[sflag:s14] =	ssyncset.done $0x0  }
0xd6: {  	[sflag:s14] =	ssyncadd.s32 $0xFFFFFC00  }
0xd7: {  	[tilespmem:s13], [sflag:$0x1] =	stream.indirect.gather [hbm4b:s4+s17], $0x80, s15, s17, $0xb8;
	[tilespmem:$0x1C800] =	vst v63  }
0xd8: {  	_ = 	snop  }
0xd9: {  	[tilespmem:s19], [sflag:$0x2] =	stream.indirect.gather [hbm4b:s4+s17], $0x80, s18, s17, $0xb8;
	[tilespmem:$0x1C800] =	vst v63  }
0xda: {  	_ =	swait.ge [sflag:s20], $0x4000  }
0xdb: {  	[sflag:s20] =	ssyncset.done $0x0  }
0xdc: {  	[sflag:s20] =	ssyncadd.s32 $0xFFFFC000  }
0xdd: {  	[spmem:s1] =	stream.indirect.scatter.add.f32 [tilespmem:s13], [sflag:$0x3], $0x80, s16, s17, $0xb8;
	[tilespmem:$0x1C800] =	vst v63  }
0xde: {  	_ =	swait.ge [sflag:s14], $0x4000  }
0xdf: {  	[sflag:s14] =	ssyncset.done $0x0  }
0xe0: {  	[sflag:s14] =	ssyncadd.s32 $0xFFFFC000  }
0xe1: {  	[tilespmem:s13], [sflag:$0x1] =	stream.indirect.gather [hbm4b:s4+s17], $0x80, s21, s17, $0xb8;
	[tilespmem:$0x1C800] =	vst v63  }
0xe2: {  	_ =	swait.ge [sflag:s22], $0x4000  }
0xe3: {  	[sflag:s22] =	ssyncset.done $0x0  }
0xe4: {  	[sflag:s22] =	ssyncadd.s32 $0xFFFFC000  }
0xe5: {  	[spmem:s1] =	stream.indirect.scatter.add.f32 [tilespmem:s19], [sflag:$0x3], $0x80, s23, s17, $0xb8;
	[tilespmem:$0x1C800] =	vst v63  }
0xe6: {  	_ =	swait.ge [sflag:s14], $0x4000  }
0xe7: {  	[sflag:s14] =	ssyncset.done $0x0  }
0xe8: {  	[sflag:s14] =	ssyncadd.s32 $0xFFFFC000  }
0xe9: {  	[tilespmem:s19], [sflag:$0x2] =	stream.indirect.gather [hbm4b:s4+s17], $0x80, s24, s17, $0xb8;
	[tilespmem:$0x1C800] =	vst v63  }
0xea: {  	_ =	swait.ge [sflag:s20], $0x4000  }
0xeb: {  	[sflag:s20] =	ssyncset.done $0x0  }
0xec: {  	[sflag:s20] =	ssyncadd.s32 $0xFFFFC000  }
0xed: {  	[spmem:s1] =	stream.indirect.scatter.add.f32 [tilespmem:s13], [sflag:$0x3], $0x80, s25, s17, $0xb8;
	[tilespmem:$0x1C800] =	vst v63  }
0xee: {  	_ =	swait.ge [sflag:s14], $0x4000  }
0xef: {  	[sflag:s14] =	ssyncset.done $0x0  }
0xf0: {  	[sflag:s14] =	ssyncadd.s32 $0xFFFFC000  }
0xf1: {  	[tilespmem:s13], [sflag:$0x1] =	stream.indirect.gather [hbm4b:s4+s17], $0x80, s26, s17, $0xb8;
	[tilespmem:$0x1C800] =	vst v63  }
0xf2: {  	_ =	swait.ge [sflag:s22], $0x4000  }
0xf3: {  	[sflag:s22] =	ssyncset.done $0x0  }
0xf4: {  	[sflag:s22] =	ssyncadd.s32 $0xFFFFC000  }
0xf5: {  	[spmem:s1] =	stream.indirect.scatter.add.f32 [tilespmem:s19], [sflag:$0x3], $0x80, s28, s17, $0xb8;
	[tilespmem:$0x1C800] =	vst v63  }
0xf6: {  	_ =	swait.ge [sflag:s14], $0x4000  }
0xf7: {  	[sflag:s14] =	ssyncset.done $0x0  }
0xf8: {  	[sflag:s14] =	ssyncadd.s32 $0xFFFFC000  }
0xf9: {  	[tilespmem:s19], [sflag:$0x2] =	stream.indirect.gather [hbm4b:s4+s17], $0x80, s29, s17, $0xb8;
	[tilespmem:$0x1C800] =	vst v63  }
0xfa: {  	_ =	swait.ge [sflag:s20], $0x4000  }
0xfb: {  	[sflag:s20] =	ssyncset.done $0x0  }
0xfc: {  	[sflag:s20] =	ssyncadd.s32 $0xFFFFC000  }
0xfd: {  	[spmem:s1] =	stream.indirect.scatter.add.f32 [tilespmem:s13], [sflag:$0x3], $0x80, s30, s17, $0xb8;
	[tilespmem:$0x1C800] =	vst v63  }
0xfe: {  	_ =	swait.ge [sflag:s14], $0x4000  }
0xff: {  	[sflag:s14] =	ssyncset.done $0x0  }
0x100: {  	[sflag:s14] =	ssyncadd.s32 $0xFFFFC000  }
0x101: {  	[tilespmem:s13], [sflag:$0x1] =	stream.indirect.gather [hbm4b:s4+s17], $0x80, s31, s17, $0xb8;
	[tilespmem:$0x1C800] =	vst v63  }
0x102: {  	_ =	swait.ge [sflag:s22], $0x4000  }
0x103: {  	[sflag:s22] =	ssyncset.done $0x0  }
0x104: {  	[sflag:s22] =	ssyncadd.s32 $0xFFFFC000  }
0x105: {  	[spmem:s1] =	stream.indirect.scatter.add.f32 [tilespmem:s19], [sflag:$0x3], $0x80, s0, s17, $0xb8;
	[tilespmem:$0x1C800] =	vst v63  }
0x106: {  	_ =	swait.ge [sflag:s14], $0x4000  }
0x107: {  	[sflag:s14] =	ssyncset.done $0x0  }
0x108: {  	[sflag:s14] =	ssyncadd.s32 $0xFFFFC000  }
0x109: {  	[tilespmem:s19], [sflag:$0x2] =	stream.indirect.gather [hbm4b:s4+s17], $0x80, s2, s17, $0xb8;
	[tilespmem:$0x1C800] =	vst v63  }
0x10a: {  	_ =	swait.ge [sflag:s20], $0x4000  }
0x10b: {  	[sflag:s20] =	ssyncset.done $0x0  }
0x10c: {  	[sflag:s20] =	ssyncadd.s32 $0xFFFFC000  }
0x10d: {  	[spmem:s1] =	stream.indirect.scatter.add.f32 [tilespmem:s13], [sflag:$0x3], $0x80, s6, s17, $0xb8;
	[tilespmem:$0x1C800] =	vst v63  }
0x10e: {  	_ =	swait.ge [sflag:s14], $0x4000  }
0x10f: {  	[sflag:s14] =	ssyncset.done $0x0  }
0x110: {  	[sflag:s14] =	ssyncadd.s32 $0xFFFFC000  }
0x111: {  	_ =	swait.ge [sflag:s22], $0x4000  }
0x112: {  	[sflag:s22] =	ssyncset.done $0x0  }
0x113: {  	[sflag:s22] =	ssyncadd.s32 $0xFFFFC000  }
0x114: {  	[spmem:s1] =	stream.indirect.scatter.add.f32 [tilespmem:s19], [sflag:$0x3], $0x80, s7, s17, $0xb8;
	[tilespmem:$0x1C800] =	vst v63  }
0x115: {  	_ =	swait.ge [sflag:s14], $0x4000  }
0x116: {  	[sflag:s14] =	ssyncset.done $0x0  }
0x117: {  	[sflag:s14] =	ssyncadd.s32 $0xFFFFC000  }
0x118: {  	s9 =	stileid.u32;
	[bflag:$0x0] =	sbarrier.arrive $0xFFFF  }
0x119: {  	s5 =	sshll.u32 s9, $0x6;
	s11 =	rddreg [dreg:$0x4]  }
0x11a: {  	s5 =	sor.u32 $0x1C03, s5;
	s10 =	rddreg [dreg:$0x9];
	s8 =	sshrl.u32 s11, $0x3  }
0x11b: {  	[hbm:s10], [sflag:s5] =	dma.local [spmem:s8], $0x2800  }
0x11c: {  	_ =	swait.ge [sflag:s14], $0x2800  }
0x11d: {  	s9 =	rddreg [dreg:$0xb]  }
0x11e: {  	s10 =	rddreg [dreg:$0xa];
	s8 =	sadd.s32 $0x1, s9  }
0x11f: {  	p0 =	sne.s32 s8, s10  }
.Ltmp2:
0x120: {  	_ = 	snop;
	(pc) =	sbr.rel @p0 .LBB2_1-.Ltmp2, $3  }
0x121: {  	_ =	sdelay $0x1  }
0x122: {  	[sflag:s14] =	ssyncset.done $0x0  }
0x123: {  	[sflag:s14] =	ssyncadd.s32 $0xFFFFD800  }
0x124: {  	_ =	sfence.sel $0x180000  }
0x125: {  	[bflag:$0x0] =	sbarrier.arrive $0xFFFF  }
0x126: {  	_ =	strace $0x9000004A  }
0x127: {  	s0 =	stileid.u32;
	[bflag:$0x2] =	sbarrier.arrive $0xFFFF  }
0x128: {  	p0 =	sne.s32 s0, $0x0;
	s0 =	rddreg [dreg:$0x2]  }
0x129: {  	s0 =	sadd.s32 @!p0 $0x100000, s0  }
0x12a: {  	[sflag:s0] =	ssyncadd.tile.s32 @!p0 $0x1;
	_ =	shalt  }
.Lfunc_end2:
_tile_overlayer_lowered:
.L_overlay_start_2:
0x12b: {  	(tag) =	ssettag $0x2  }
0x12c: {  	s0 =	rddreg [dreg:$0x0];
	s2 =	stileid.u32  }
0x12d: {  	s1 =	rddreg [dreg:$0x1];
	p0 =	sne.s32 s2, $0x0  }
0x12e: {  	s3 =	rddreg [dreg:$0x2];
	[bflag:$0x3] =	sbarrier.arrive $0xFFFF;
	s2 =	simm.s32 @!p0 $0x1C03  }
0x12f: {  	[timem:s3], [sflag:s2] =	dma.local @!p0 [hbm:s0], s1  }
0x130: {  	s0 =	simm.s32 @!p0 $0x3  }
0x131: {  	_ =	swait.ge @!p0 [sflag:s0], s1  }
0x132: {  	s1 =	ssub.s32 @!p0 $0x0, s1;
	[sflag:s0] =	ssyncset.done @!p0 $0x0  }
0x133: {  	[sflag:s0] =	ssyncadd.s32 @!p0 s1  }
0x134: {  	[bflag:$0x3] =	sbarrier.arrive $0xFFFF  }
0x135: {  	_ =	shalt  }

// kernel: kernel.16.cloned.1.call-start
scs
__scs_entry_jumppad:
0x0: {  	(pc) =	sbr.rel $0x88, $3  }
0x1: {  	(tag) =	ssettag $0x0;
	lr =	simm.s32 $0x1  }
0x2: {  	[smem:$0x3F92] =	sst lr;
	_ =	strace $0xD0000000  }
0x3: {  	_ = 	snop  }
0x4: {  	_ = 	snop  }
0x5: {  	_ = 	snop  }
0x6: {  	_ = 	snop  }
0x7: {  	_ = 	snop  }
__scs_overlays_trampoline_lowered:
0x8: {  	[smem:$0x3FA1] =	sst s0  }
0x9: {  	[smem:$0x3FA2] =	sst s1  }
0xa: {  	[smem:$0x3FA3] =	sst s2  }
0xb: {  	[smem:$0x3FA4] =	sst s3  }
0xc: {  	[smem:$0x3FA5] =	sst s4  }
0xd: {  	[smem:$0x3FA6] =	sst s5  }
0xe: {  	[smem:$0x3FA7] =	sst s6  }
0xf: {  	[smem:$0x3FA8] =	sst s7  }
0x10: {  	[smem:$0x3FA9] =	sst s8  }
0x11: {  	[smem:$0x3FAA] =	sst s9;
	s0 =	simm.s32 @!p0 $0x0  }
0x12: {  	s1 =	sld [smem:$0x3F90];
	s0 =	simm.s32 @p0 $0x1  }
0x13: {  	[smem:$0x3FAB] =	sst s0;
	s0 =	simm.s32 @!p1 $0x0  }
0x14: {  	s2 =	sld [smem:$0x3F8F];
	s0 =	simm.s32 @p1 $0x1  }
0x15: {  	[smem:$0x3FAC] =	sst s0;
	s0 =	simm.s32 @!p2 $0x0  }
0x16: {  	s3 =	sld [smem:$0x3FDB];
	s0 =	simm.s32 @p2 $0x1  }
0x17: {  	s4 =	simm.s32 $0x1BF5;
	[smem:$0x3FAE] =	sst s0  }
0x18: {  	s0 =	sld [smem:$0x3F91];
	_ =	swait.ge [sflag:s4], $0x0  }
0x19: {  	s7 =	sld [smem:$0x3F92]  }
0x1a: {  	s8 =	sadd.s32 $0xFFFFE003, lr  }
0x1b: {  	s9 =	sadd.s32 $0xFFFFFEF7, lr;
	s5 =	simm.s32 $0xFFFFFFFF;
	p2 =	slt.u32 s8, $0xFFFFF086  }
0x1c: {  	p1 =	slt.u32 s9, $0xF7A;
	s5 =	simm.s32 @!p2 $0x0  }
0x1d: {  	s5 =	simm.s32 @p1 $0x1;
	p0 =	seq.s32 s7, s2  }
0x1e: {  	s7 =	smul.u32 @!p0 $0xF7A, s2;
	p2 =	seq.s32 @!p0 s5, $0x0  }
0x1f: {  	s9 =	smul.u32 $0xF7A, s1;
	s8 =	simm.s32 @!p0 $0x1BF5;
	p2 =	por !p2, p0  }
0x20: {  	[sflag:s8] =	ssyncset.s32 @!p0 $0xFFFFF086;
	s6 =	sadd.s32 @!p0 s3, s7;
	s7 =	simm.s32 @!p0 $0x108  }
0x21: {  	s3 =	sadd.s32 s3, s9;
	s6 =	sadd.s32 @!p0 $0x88, s6;
	s7 =	simm.s32 @p2 $0x1082  }
0x22: {  	[simem:s7], [sflag:s8] =	dma.local @!p0 [hbm:s6], $0xF7A  }
0x23: {  	s9 =	sor.u32 $0xD0000000, s2;
	s6 =	simm.s32 $0x108;
	_ =	swait.ge @!p0 [sflag:s8], $0x0  }
0x24: {  	s3 =	sadd.s32 $0x88, s3;
	s6 =	simm.s32 @!p1 $0x1082;
	[sflag:s4] =	ssyncset.s32 $0xFFFFF086  }
0x25: {  	[simem:s6], [sflag:s4] =	dma.local [hbm:s3], $0xF7A  }
0x26: {  	[smem:$0x3F92] =	sst s1;
	(tag) =	ssettag s2;
	_ =	strace s9  }
0x27: {  	s1 =	sld [smem:$0x3FA2]  }
0x28: {  	s2 =	sld [smem:$0x3FA3]  }
0x29: {  	s4 =	sld [smem:$0x3FA5]  }
0x2a: {  	p0 =	seq.s32 s5, $0x0;
	s5 =	sld [smem:$0x3FA6]  }
0x2b: {  	s6 =	sld [smem:$0x3FA7]  }
0x2c: {  	s7 =	sld [smem:$0x3FA8]  }
0x2d: {  	s3 =	simm.s32 $0x108;
	s8 =	sld [smem:$0x3FA9]  }
0x2e: {  	s3 =	simm.s32 @!p0 $0x1082;
	s9 =	sld [smem:$0x3FAA]  }
0x2f: {  	lr =	sadd.s32 s0, s3;
	s0 =	sld [smem:$0x3FA1]  }
0x30: {  	s3 =	sld [smem:$0x3FA4]  }
0x31: {  	[smem:$0x3FAD] =	sst s10  }
0x32: {  	s10 =	sld [smem:$0x3FAB];
	_ =	sdelay $0x3  }
0x33: {  	p0 =	seq.s32 s10, $0x1;
	s10 =	sld [smem:$0x3FAD];
	_ =	sdelay $0x3  }
0x34: {  	[smem:$0x3FAD] =	sst s10  }
0x35: {  	s10 =	sld [smem:$0x3FAC];
	_ =	sdelay $0x3  }
0x36: {  	p1 =	seq.s32 s10, $0x1;
	s10 =	sld [smem:$0x3FAD];
	_ =	sdelay $0x3  }
0x37: {  	[smem:$0x3FAD] =	sst s10  }
0x38: {  	s10 =	sld [smem:$0x3FAE]  }
0x39: {  	_ = 	snop;
	(pc) =	sbr.ind lr, $3  }
0x3a: {  	_ = 	snop  }
0x3b: {  	_ = 	snop  }
0x3c: {  	p2 =	seq.s32 s10, $0x1;
	s10 =	sld [smem:$0x3FAD]  }
0x3d: {  	_ =	shalt  }
0x3e: {  	_ =	shalt  }
0x3f: {  	_ =	shalt  }
0x40: {  	_ =	shalt  }
0x41: {  	_ =	shalt  }
0x42: {  	_ =	shalt  }
0x43: {  	_ =	shalt  }
0x44: {  	_ =	shalt  }
0x45: {  	_ =	shalt  }
0x46: {  	_ =	shalt  }
0x47: {  	_ =	shalt  }
0x48: {  	_ =	shalt  }
0x49: {  	_ =	shalt  }
0x4a: {  	_ =	shalt  }
0x4b: {  	_ =	shalt  }
0x4c: {  	_ =	shalt  }
0x4d: {  	_ =	shalt  }
0x4e: {  	_ =	shalt  }
0x4f: {  	_ =	shalt  }
0x50: {  	_ =	shalt  }
0x51: {  	_ =	shalt  }
0x52: {  	_ =	shalt  }
0x53: {  	_ =	shalt  }
0x54: {  	_ =	shalt  }
0x55: {  	_ =	shalt  }
0x56: {  	_ =	shalt  }
0x57: {  	_ =	shalt  }
0x58: {  	_ =	shalt  }
0x59: {  	_ =	shalt  }
0x5a: {  	_ =	shalt  }
0x5b: {  	_ =	shalt  }
0x5c: {  	_ =	shalt  }
0x5d: {  	_ =	shalt  }
0x5e: {  	_ =	shalt  }
0x5f: {  	_ =	shalt  }
0x60: {  	_ =	shalt  }
0x61: {  	_ =	shalt  }
0x62: {  	_ =	shalt  }
0x63: {  	_ =	shalt  }
0x64: {  	_ =	shalt  }
0x65: {  	_ =	shalt  }
0x66: {  	_ =	shalt  }
0x67: {  	_ =	shalt  }
0x68: {  	_ =	shalt  }
0x69: {  	_ =	shalt  }
0x6a: {  	_ =	shalt  }
0x6b: {  	_ =	shalt  }
0x6c: {  	_ =	shalt  }
0x6d: {  	_ =	shalt  }
0x6e: {  	_ =	shalt  }
0x6f: {  	_ =	shalt  }
0x70: {  	_ =	shalt  }
0x71: {  	_ =	shalt  }
0x72: {  	_ =	shalt  }
0x73: {  	_ =	shalt  }
0x74: {  	_ =	shalt  }
0x75: {  	_ =	shalt  }
0x76: {  	_ =	shalt  }
0x77: {  	_ =	shalt  }
0x78: {  	_ =	shalt  }
0x79: {  	_ =	shalt  }
0x7a: {  	_ =	shalt  }
0x7b: {  	_ =	shalt  }
0x7c: {  	_ =	shalt  }
0x7d: {  	_ =	shalt  }
0x7e: {  	_ =	shalt  }
0x7f: {  	_ =	shalt  }
0x80: {  	_ =	shalt  }
0x81: {  	_ =	shalt  }
0x82: {  	_ =	shalt  }
0x83: {  	_ =	shalt  }
0x84: {  	_ =	shalt  }
0x85: {  	_ =	shalt  }
0x86: {  	_ =	shalt  }
0x87: {  	_ =	shalt  }
.Lfunc_end0:
.L_simem_size_0:
called_computation.2_lowered:
.L_overlay_start_0:
0x88: {  	s2 =	sld [smem:$0x3FD9]  }
0x89: {  	s3 =	sld [smem:$0x3FFE];
	_ =	sdelay $0x1  }
0x8a: {  	s1 =	srdreg.scid  }
0x8b: {  	s0 =	sand.u32 $0x1, s1  }
0x8c: {  	s16 =	sshll.u32 s0, $0xA;
	s2 =	sadd.s32 s3, s2  }
0x8d: {  	s2 =	sadd.s32 s2, s16  }
0x8e: {  	[smem:$0x3FB9] =	sst s2  }
0x8f: {  	_ = 	snop  }
0x90: {  	(tm) =	ssettm $0x1  }
0x91: {  	s17 =	sld [smem:$0x3FFB];
	_ =	sdelay $0x3  }
0x92: {  	_ =	strace s17  }
0x93: {  	s2 =	sld [smem:$0x3FFC];
	_ =	sdelay $0x3  }
0x94: {  	_ =	strace s2  }
0x95: {  	s2 =	sld [smem:$0x3FFD];
	_ =	sdelay $0x3  }
0x96: {  	_ =	strace s2  }
0x97: {  	_ =	strace $0x8FFFFFFF  }
0x98: {  	s18 =	sld [smem:$0x3FDB];
	_ =	sdelay $0x1  }
0x99: {  	s19 =	simm.s32 $_scs_section_size  }
0x9a: {  	s4 =	simm.s32 $_size__tile_overlayer_lowered;
	s5 =	simm.s32 $_tile_overlayer_lowered  }
0x9b: {  	s22 =	simm.s32 $0x1BFF;
	s21 =	sshll.u32 s5, $0x1;
	s2 =	sadd.s32 s19, s18  }
0x9c: {  	s6 =	simm.s32 $0x0;
	s20 =	sshll.u32 s4, $0x1;
	s4 =	sadd.s32 s21, s2  }
0x9d: {  	[timem:s6], [sflag:s22] =	dma.local [hbm:s4], s20  }
0x9e: {  	_ =	swait.ge [sflag:s22], s20  }
0x9f: {  	s3 =	ssub.s32 $0x0, s20;
	[sflag:s22] =	ssyncset.done $0x0  }
0xa0: {  	[sflag:s22] =	ssyncadd.s32 s3;
	_ =	sdelay $0x1  }
0xa1: {  	s23 =	simm.s32 $0x1B8B  }
0xa2: {  	_ =	swait.ge [sflag:s23], $0x1  }
0xa3: {  	[sflag:s23] =	ssyncset.done $0x0  }
0xa4: {  	s25 =	simm.s32 $0x1B8E;
	s24 =	sld [smem:$0x3FFE];
	[sflag:s23] =	ssyncadd.s32 $0xFFFFFFFF  }
0xa5: {  	s26 =	simm.s32 $execute0_lowered;
	[smem:$0x3FD2] =	sst s25  }
0xa6: {  	s4 =	sshll.u32 s26, $0x1;
	_ =	strace $0x8000004C;
	[dreg:$0x1] =	wrdreg $0xFFFFFFFF  }
0xa7: {  	s28 =	simm.s32 $_size_execute0_lowered;
	s2 =	sadd.s32 s2, s4;
	[dreg:$0x0] =	wrdreg $0x0  }
0xa8: {  	s4 =	sshll.u32 s28, $0x1;
	[dreg:$0x2] =	wrdreg s2  }
0xa9: {  	[dreg:$0x3] =	wrdreg s4  }
0xaa: {  	[dreg:$0x4] =	wrdreg $0xC0  }
0xab: {  	_ =	task [dreg:s6], $0x5FFFF  }
0xac: {  	[dreg:$0x1] =	wrdreg $0xFFFFFFFF  }
0xad: {  	[dreg:$0x0] =	wrdreg $0x60  }
0xae: {  	[dreg:$0x2] =	wrdreg s24  }
0xaf: {  	[dreg:$0x3] =	wrdreg $0x0  }
0xb0: {  	[dreg:$0x4] =	wrdreg $0x9  }
0xb1: {  	_ =	task.clear_ibuf [dreg:s6], $0x5FFFF;
	_ =	strace $0x9000004C  }
0xb2: {  	s29 =	simm.s32 $0x9;
	_ =	strace $0x8000004E  }
0xb3: {  	_ =	swait.ge [sflag:s29], $0x1  }
0xb4: {  	[sflag:s29] =	ssyncadd.s32 $0xFFFFFFFF  }
0xb5: {  	_ =	strace $0x9000004E  }
0xb6: {  	_ =	sfence  }
0xb7: {  	s30 =	sld [smem:$0x0];
	_ =	sdelay $0x2  }
0xb8: {  	s31 =	sshll.u32 s1, $0xD;
	s1 =	sshrl.u32 s1, $0x2  }
0xb9: {  	s3 =	sand.u32 $0x4000, s31;
	s1 =	sadd.s32 s1, s30  }
0xba: {  	s0 =	sor.u32 s3, s0;
	s1 =	sshll.u32 s1, $0x11  }
0xbb: {  	s0 =	sor.u32 s1, s0  }
0xbc: {  	s0 =	sadd.s32 $0x8F2B, s0  }
0xbd: {  	[sflag:s0] =	ssyncadd.remote.s32 $0x1  }
0xbe: {  	_ =	sfence.sel $0xFFFF  }
0xbf: {  	[dreg:$0x0] =	wrdreg $0xFFFFFFFF;
	(pc) =	sbr.abs _section_cstart, $3  }
0xc0: {  	[dreg:$0x1] =	wrdreg $0xFFFFFFFF  }
0xc1: {  	_ =	task.clear_ibuf [dreg:s6], $0x2FFFF;
	_ =	strace $0x9FFFFFFF  }
0xc2: {  	(tm) =	ssettm $0x7FFFFFFF  }
0xc3: {  	_ =	shalt  }
tec
execute0_lowered:
.L_overlay_start_1:
0x0: {  	(tag) =	ssettag $0x1  }
0x1: {  	s0 =	rddreg [dreg:$0x0]  }
0x2: {  	s2 =	srdreg.scid;
	s1 =	rddreg [dreg:$0x1]  }
0x3: {  	s3 =	simm.s32 $0x0;
	s9 =	stileid.u32;
	s13 =	simm.s32 $0x14800  }
0x4: {  	s14 =	simm.s32 $0x3;
	s15 =	simm.s32 $0x14000;
	s16 =	simm.s32 $0x14400  }
0x5: {  	s17 =	simm.s32 $0x80;
	s18 =	simm.s32 $0x14080;
	s6 =	smul.u32 $0x14000, s9  }
0x6: {  	s19 =	simm.s32 $0x18800;
	s28 =	simm.s32 $0x14580;
	s20 =	smul.u32 $0x50000, s9  }
0x7: {  	s29 =	simm.s32 $0x14280;
	s2 =	sand.u32 $0x1, s2;
	s9 =	smul.u32 $0x500, s9  }
0x8: {  	s30 =	simm.s32 $0x14600;
	s31 =	simm.s32 $0x14300;
	s4 =	smul.u32 $0x5000, s2  }
0x9: {  	[smem:$0x7FF] =	sst s3;
	s5 =	smul.u32 $0x140000, s2;
	s2 =	ssub.s32 $0x2, s2  }
0xa: {  	_ =	strace $0x8000004D;
	s8 =	sshrl.u32 s2, $0x1;
	s7 =	sadd.s32 s4, s0  }
0xb: {  	s5 =	sadd.s32 s6, s5;
	s4 =	sadd.s32 $0x21C00, s0;
	s6 =	sshrl.u32 s20, $0x2  }
0xc: {  	s2 =	ssub.s32 s2, s8;
	s20 =	simm.s32 $0x1;
	s8 =	simm.s32 $0x0  }
0xd: {  	s5 =	sshrl.u32 s5, $0x3;
	s11 =	sadd.s32 s6, s1;
	s26 =	smax.u32 s2, $0x1  }
0xe: {  	s23 =	sadd.s32 s9, s7;
	s2 =	simm.s32 $0x14380;
	[dreg:$0xa] =	wrdreg s26  }
0xf: {  	s6 =	simm.s32 $0x14700;
	s21 =	sadd.s32 $0x4000, s11;
	[dreg:$0x4] =	wrdreg s11  }
0x10: {  	s0 =	sadd.s32 s5, s0;
	s22 =	sadd.s32 $0x8000, s11;
	[dreg:$0x5] =	wrdreg s21  }
0x11: {  	s24 =	sadd.s32 $0xC000, s11;
	s25 =	sadd.s32 $0x10000, s11;
	[dreg:$0x6] =	wrdreg s22  }
0x12: {  	s7 =	sadd.s32 $0xDC00, s23;
	s12 =	sadd.s32 $0x17C00, s23;
	[dreg:$0x7] =	wrdreg s24  }
0x13: {  	s23 =	simm.s32 $0x14480;
	s26 =	simm.s32 $0x14200;
	[dreg:$0x8] =	wrdreg s25  }
0x14: {  	s0 =	sadd.s32 $0x49C00, s0;
	[dreg:$0x3] =	wrdreg s7;
	s21 =	simm.s32 $0x14100  }
0x15: {  	s22 =	simm.s32 $0x2;
	s24 =	simm.s32 $0x14180;
	s25 =	simm.s32 $0x14500  }
0x16: {  	v0 =	vimm.f32 $0.0e+00;
	s7 =	simm.s32 $0x14780;
	[dreg:$0x9] =	wrdreg s0;
	s0 =	simm.s32 $0x14680  }
.LBB2_1:
0x17: {  	s9 =	simm.s32 $0x0;
	s10 =	simm.s32 $0x200  }
.LBB2_2:
0x18: {  	p0 =	sne.s32 s10, $0xFE00;
	[tilespmem:s9+$0x14870] =	vst v0  }
0x19: {  	[tilespmem:s9+$0x14800] =	vst v0  }
0x1a: {  	[tilespmem:s9+$0x14810] =	vst v0  }
.Ltmp0:
0x1b: {  	[tilespmem:s9+$0x14820] =	vst v0;
	(pc) =	sbr.rel @p0 .LBB2_2-.Ltmp0, $4  }
0x1c: {  	[tilespmem:s9+$0x14830] =	vst v0  }
0x1d: {  	[tilespmem:s9+$0x14840] =	vst v0  }
0x1e: {  	[tilespmem:s9+$0x14850] =	vst v0  }
0x1f: {  	[tilespmem:s9+$0x14860] =	vst v0;
	s9 =	sshra.s32 s10, $0x2;
	s10 =	sadd.s32 $0x200, s10  }
0x20: {  	[tilespmem:s9+$0x14870] =	vst v0  }
0x21: {  	[tilespmem:s9+$0x14800] =	vst v0  }
0x22: {  	[tilespmem:s9+$0x14810] =	vst v0  }
0x23: {  	[tilespmem:s9+$0x14820] =	vst v0  }
0x24: {  	[tilespmem:s9+$0x14830] =	vst v0  }
0x25: {  	[tilespmem:s9+$0x14840] =	vst v0  }
0x26: {  	[tilespmem:s9+$0x14850] =	vst v0  }
0x27: {  	[dreg:$0xb] =	wrdreg s8;
	[tilespmem:s9+$0x14860] =	vst v0  }
0x28: {  	[spmem:s11] =	stream.linear.scatter [tilespmem:s13], [sflag:$0x3], $0x4000, $0x38;
	[tilespmem:$0x1C800] =	vst v63  }
0x29: {  	_ =	swait.ge [sflag:s14], $0x4000  }
0x2a: {  	[sflag:s14] =	ssyncset.done $0x0  }
0x2b: {  	s5 =	rddreg [dreg:$0x5];
	[sflag:s14] =	ssyncadd.s32 $0xFFFFC000  }
0x2c: {  	[spmem:s5] =	stream.linear.scatter [tilespmem:s13], [sflag:$0x3], $0x4000, $0x38;
	[tilespmem:$0x1C800] =	vst v63  }
0x2d: {  	_ =	swait.ge [sflag:s14], $0x4000  }
0x2e: {  	[sflag:s14] =	ssyncset.done $0x0  }
0x2f: {  	s11 =	rddreg [dreg:$0x6];
	[sflag:s14] =	ssyncadd.s32 $0xFFFFC000  }
0x30: {  	[spmem:s11] =	stream.linear.scatter [tilespmem:s13], [sflag:$0x3], $0x4000, $0x38;
	[tilespmem:$0x1C800] =	vst v63  }
0x31: {  	_ =	swait.ge [sflag:s14], $0x4000  }
0x32: {  	[sflag:s14] =	ssyncset.done $0x0  }
0x33: {  	s8 =	rddreg [dreg:$0x7];
	[sflag:s14] =	ssyncadd.s32 $0xFFFFC000  }
0x34: {  	[spmem:s8] =	stream.linear.scatter [tilespmem:s13], [sflag:$0x3], $0x4000, $0x38;
	[tilespmem:$0x1C800] =	vst v63  }
0x35: {  	_ =	swait.ge [sflag:s14], $0x4000  }
0x36: {  	[sflag:s14] =	ssyncset.done $0x0  }
0x37: {  	s9 =	rddreg [dreg:$0x8];
	[sflag:s14] =	ssyncadd.s32 $0xFFFFC000  }
0x38: {  	[spmem:s9] =	stream.linear.scatter [tilespmem:s13], [sflag:$0x3], $0x4000, $0x38;
	[tilespmem:$0x1C800] =	vst v63  }
0x39: {  	_ =	swait.ge [sflag:s14], $0x4000  }
0x3a: {  	[sflag:s14] =	ssyncset.done $0x0  }
0x3b: {  	[sflag:s14] =	ssyncadd.s32 $0xFFFFC000  }
0x3c: {  	s10 =	sadd.s32 $0x0, s12;
	[bflag:$0x0] =	sbarrier.arrive $0xFFFF  }
0x3d: {  	[tilespmem:s15], [sflag:$0x3] =	stream.linear.gather [hbm4b:s10+s3], $0x400, $0x38;
	[tilespmem:$0x1C800] =	vst v63  }
0x3e: {  	_ =	swait.ge [sflag:s14], $0x400  }
0x3f: {  	s11 =	rddreg [dreg:$0x3];
	[sflag:s14] =	ssyncset.done $0x0  }
0x40: {  	[sflag:s14] =	ssyncadd.s32 $0xFFFFFC00;
	s9 =	sadd.s32 $0x0, s11  }
0x41: {  	[tilespmem:s16], [sflag:$0x3] =	stream.linear.gather [hbm4b:s9+s3], $0x400, $0x38;
	[tilespmem:$0x1C800] =	vst v63  }
0x42: {  	_ =	swait.ge [sflag:s14], $0x400  }
0x43: {  	[sflag:s14] =	ssyncset.done $0x0  }
0x44: {  	[sflag:s14] =	ssyncadd.s32 $0xFFFFFC00  }
0x45: {  	[tilespmem:s13], [sflag:$0x1] =	stream.indirect.gather [hbm4b:s4+s17], $0x80, s15, s17, $0xb8;
	[tilespmem:$0x1C800] =	vst v63  }
0x46: {  	_ = 	snop  }
0x47: {  	[tilespmem:s19], [sflag:$0x2] =	stream.indirect.gather [hbm4b:s4+s17], $0x80, s18, s17, $0xb8;
	[tilespmem:$0x1C800] =	vst v63  }
0x48: {  	_ =	swait.ge [sflag:s20], $0x4000  }
0x49: {  	[sflag:s20] =	ssyncset.done $0x0  }
0x4a: {  	[sflag:s20] =	ssyncadd.s32 $0xFFFFC000  }
0x4b: {  	[spmem:s1] =	stream.indirect.scatter.add.f32 [tilespmem:s13], [sflag:$0x3], $0x80, s16, s17, $0xb8;
	[tilespmem:$0x1C800] =	vst v63  }
0x4c: {  	_ =	swait.ge [sflag:s14], $0x4000  }
0x4d: {  	[sflag:s14] =	ssyncset.done $0x0  }
0x4e: {  	[sflag:s14] =	ssyncadd.s32 $0xFFFFC000  }
0x4f: {  	[tilespmem:s13], [sflag:$0x1] =	stream.indirect.gather [hbm4b:s4+s17], $0x80, s21, s17, $0xb8;
	[tilespmem:$0x1C800] =	vst v63  }
0x50: {  	_ =	swait.ge [sflag:s22], $0x4000  }
0x51: {  	[sflag:s22] =	ssyncset.done $0x0  }
0x52: {  	[sflag:s22] =	ssyncadd.s32 $0xFFFFC000  }
0x53: {  	[spmem:s1] =	stream.indirect.scatter.add.f32 [tilespmem:s19], [sflag:$0x3], $0x80, s23, s17, $0xb8;
	[tilespmem:$0x1C800] =	vst v63  }
0x54: {  	_ =	swait.ge [sflag:s14], $0x4000  }
0x55: {  	[sflag:s14] =	ssyncset.done $0x0  }
0x56: {  	[sflag:s14] =	ssyncadd.s32 $0xFFFFC000  }
0x57: {  	[tilespmem:s19], [sflag:$0x2] =	stream.indirect.gather [hbm4b:s4+s17], $0x80, s24, s17, $0xb8;
	[tilespmem:$0x1C800] =	vst v63  }
0x58: {  	_ =	swait.ge [sflag:s20], $0x4000  }
0x59: {  	[sflag:s20] =	ssyncset.done $0x0  }
0x5a: {  	[sflag:s20] =	ssyncadd.s32 $0xFFFFC000  }
0x5b: {  	[spmem:s1] =	stream.indirect.scatter.add.f32 [tilespmem:s13], [sflag:$0x3], $0x80, s25, s17, $0xb8;
	[tilespmem:$0x1C800] =	vst v63  }
0x5c: {  	_ =	swait.ge [sflag:s14], $0x4000  }
0x5d: {  	[sflag:s14] =	ssyncset.done $0x0  }
0x5e: {  	[sflag:s14] =	ssyncadd.s32 $0xFFFFC000  }
0x5f: {  	[tilespmem:s13], [sflag:$0x1] =	stream.indirect.gather [hbm4b:s4+s17], $0x80, s26, s17, $0xb8;
	[tilespmem:$0x1C800] =	vst v63  }
0x60: {  	_ =	swait.ge [sflag:s22], $0x4000  }
0x61: {  	[sflag:s22] =	ssyncset.done $0x0  }
0x62: {  	[sflag:s22] =	ssyncadd.s32 $0xFFFFC000  }
0x63: {  	[spmem:s1] =	stream.indirect.scatter.add.f32 [tilespmem:s19], [sflag:$0x3], $0x80, s28, s17, $0xb8;
	[tilespmem:$0x1C800] =	vst v63  }
0x64: {  	_ =	swait.ge [sflag:s14], $0x4000  }
0x65: {  	[sflag:s14] =	ssyncset.done $0x0  }
0x66: {  	[sflag:s14] =	ssyncadd.s32 $0xFFFFC000  }
0x67: {  	[tilespmem:s19], [sflag:$0x2] =	stream.indirect.gather [hbm4b:s4+s17], $0x80, s29, s17, $0xb8;
	[tilespmem:$0x1C800] =	vst v63  }
0x68: {  	_ =	swait.ge [sflag:s20], $0x4000  }
0x69: {  	[sflag:s20] =	ssyncset.done $0x0  }
0x6a: {  	[sflag:s20] =	ssyncadd.s32 $0xFFFFC000  }
0x6b: {  	[spmem:s1] =	stream.indirect.scatter.add.f32 [tilespmem:s13], [sflag:$0x3], $0x80, s30, s17, $0xb8;
	[tilespmem:$0x1C800] =	vst v63  }
0x6c: {  	_ =	swait.ge [sflag:s14], $0x4000  }
0x6d: {  	[sflag:s14] =	ssyncset.done $0x0  }
0x6e: {  	[sflag:s14] =	ssyncadd.s32 $0xFFFFC000  }
0x6f: {  	[tilespmem:s13], [sflag:$0x1] =	stream.indirect.gather [hbm4b:s4+s17], $0x80, s31, s17, $0xb8;
	[tilespmem:$0x1C800] =	vst v63  }
0x70: {  	_ =	swait.ge [sflag:s22], $0x4000  }
0x71: {  	[sflag:s22] =	ssyncset.done $0x0  }
0x72: {  	[sflag:s22] =	ssyncadd.s32 $0xFFFFC000  }
0x73: {  	[spmem:s1] =	stream.indirect.scatter.add.f32 [tilespmem:s19], [sflag:$0x3], $0x80, s0, s17, $0xb8;
	[tilespmem:$0x1C800] =	vst v63  }
0x74: {  	_ =	swait.ge [sflag:s14], $0x4000  }
0x75: {  	[sflag:s14] =	ssyncset.done $0x0  }
0x76: {  	[sflag:s14] =	ssyncadd.s32 $0xFFFFC000  }
0x77: {  	[tilespmem:s19], [sflag:$0x2] =	stream.indirect.gather [hbm4b:s4+s17], $0x80, s2, s17, $0xb8;
	[tilespmem:$0x1C800] =	vst v63  }
0x78: {  	_ =	swait.ge [sflag:s20], $0x4000  }
0x79: {  	[sflag:s20] =	ssyncset.done $0x0  }
0x7a: {  	[sflag:s20] =	ssyncadd.s32 $0xFFFFC000  }
0x7b: {  	[spmem:s1] =	stream.indirect.scatter.add.f32 [tilespmem:s13], [sflag:$0x3], $0x80, s6, s17, $0xb8;
	[tilespmem:$0x1C800] =	vst v63  }
0x7c: {  	_ =	swait.ge [sflag:s14], $0x4000  }
0x7d: {  	[sflag:s14] =	ssyncset.done $0x0  }
0x7e: {  	[sflag:s14] =	ssyncadd.s32 $0xFFFFC000  }
0x7f: {  	_ =	swait.ge [sflag:s22], $0x4000  }
0x80: {  	[sflag:s22] =	ssyncset.done $0x0  }
0x81: {  	[sflag:s22] =	ssyncadd.s32 $0xFFFFC000  }
0x82: {  	[spmem:s1] =	stream.indirect.scatter.add.f32 [tilespmem:s19], [sflag:$0x3], $0x80, s7, s17, $0xb8;
	[tilespmem:$0x1C800] =	vst v63  }
0x83: {  	_ =	swait.ge [sflag:s14], $0x4000  }
0x84: {  	s10 =	simm.s32 $0x100;
	s9 =	simm.s32 $0x80;
	[sflag:s14] =	ssyncset.done $0x0  }
.LBB2_4:
0x85: {  	s5 =	sadd.s32 s9, s12;
	[sflag:s14] =	ssyncadd.s32 $0xFFFFC000  }
0x86: {  	[tilespmem:s15], [sflag:$0x3] =	stream.linear.gather [hbm4b:s5+s3], $0x400, $0x38;
	[tilespmem:$0x1C800] =	vst v63  }
0x87: {  	s8 =	smov.u32 s10;
	s11 =	sadd.s32 $0x80, s10;
	_ =	swait.ge [sflag:s14], $0x400  }
0x88: {  	p0 =	sne.s32 s10, $0x480;
	s10 =	rddreg [dreg:$0x3];
	[sflag:s14] =	ssyncset.done $0x0  }
0x89: {  	[sflag:s14] =	ssyncadd.s32 $0xFFFFFC00;
	s5 =	sadd.s32 s9, s10  }
0x8a: {  	[tilespmem:s16], [sflag:$0x3] =	stream.linear.gather [hbm4b:s5+s3], $0x400, $0x38;
	[tilespmem:$0x1C800] =	vst v63  }
0x8b: {  	_ =	swait.ge [sflag:s14], $0x400  }
0x8c: {  	[sflag:s14] =	ssyncset.done $0x0  }
0x8d: {  	[sflag:s14] =	ssyncadd.s32 $0xFFFFFC00  }
0x8e: {  	[tilespmem:s13], [sflag:$0x1] =	stream.indirect.gather [hbm4b:s4+s17], $0x80, s15, s17, $0xb8;
	[tilespmem:$0x1C800] =	vst v63  }
0x8f: {  	_ = 	snop  }
0x90: {  	[tilespmem:s19], [sflag:$0x2] =	stream.indirect.gather [hbm4b:s4+s17], $0x80, s18, s17, $0xb8;
	[tilespmem:$0x1C800] =	vst v63  }
0x91: {  	_ =	swait.ge [sflag:s20], $0x4000  }
0x92: {  	[sflag:s20] =	ssyncset.done $0x0  }
0x93: {  	[sflag:s20] =	ssyncadd.s32 $0xFFFFC000  }
0x94: {  	[spmem:s1] =	stream.indirect.scatter.add.f32 [tilespmem:s13], [sflag:$0x3], $0x80, s16, s17, $0xb8;
	[tilespmem:$0x1C800] =	vst v63  }
0x95: {  	_ =	swait.ge [sflag:s14], $0x4000  }
0x96: {  	[sflag:s14] =	ssyncset.done $0x0  }
0x97: {  	[sflag:s14] =	ssyncadd.s32 $0xFFFFC000  }
0x98: {  	[tilespmem:s13], [sflag:$0x1] =	stream.indirect.gather [hbm4b:s4+s17], $0x80, s21, s17, $0xb8;
	[tilespmem:$0x1C800] =	vst v63  }
0x99: {  	_ =	swait.ge [sflag:s22], $0x4000  }
0x9a: {  	[sflag:s22] =	ssyncset.done $0x0  }
0x9b: {  	[sflag:s22] =	ssyncadd.s32 $0xFFFFC000  }
0x9c: {  	[spmem:s1] =	stream.indirect.scatter.add.f32 [tilespmem:s19], [sflag:$0x3], $0x80, s23, s17, $0xb8;
	[tilespmem:$0x1C800] =	vst v63  }
0x9d: {  	_ =	swait.ge [sflag:s14], $0x4000  }
0x9e: {  	[sflag:s14] =	ssyncset.done $0x0  }
0x9f: {  	[sflag:s14] =	ssyncadd.s32 $0xFFFFC000  }
0xa0: {  	[tilespmem:s19], [sflag:$0x2] =	stream.indirect.gather [hbm4b:s4+s17], $0x80, s24, s17, $0xb8;
	[tilespmem:$0x1C800] =	vst v63  }
0xa1: {  	_ =	swait.ge [sflag:s20], $0x4000  }
0xa2: {  	[sflag:s20] =	ssyncset.done $0x0  }
0xa3: {  	[sflag:s20] =	ssyncadd.s32 $0xFFFFC000  }
0xa4: {  	[spmem:s1] =	stream.indirect.scatter.add.f32 [tilespmem:s13], [sflag:$0x3], $0x80, s25, s17, $0xb8;
	[tilespmem:$0x1C800] =	vst v63  }
0xa5: {  	_ =	swait.ge [sflag:s14], $0x4000  }
0xa6: {  	[sflag:s14] =	ssyncset.done $0x0  }
0xa7: {  	[sflag:s14] =	ssyncadd.s32 $0xFFFFC000  }
0xa8: {  	[tilespmem:s13], [sflag:$0x1] =	stream.indirect.gather [hbm4b:s4+s17], $0x80, s26, s17, $0xb8;
	[tilespmem:$0x1C800] =	vst v63  }
0xa9: {  	_ =	swait.ge [sflag:s22], $0x4000  }
0xaa: {  	[sflag:s22] =	ssyncset.done $0x0  }
0xab: {  	[sflag:s22] =	ssyncadd.s32 $0xFFFFC000  }
0xac: {  	[spmem:s1] =	stream.indirect.scatter.add.f32 [tilespmem:s19], [sflag:$0x3], $0x80, s28, s17, $0xb8;
	[tilespmem:$0x1C800] =	vst v63  }
0xad: {  	_ =	swait.ge [sflag:s14], $0x4000  }
0xae: {  	[sflag:s14] =	ssyncset.done $0x0  }
0xaf: {  	[sflag:s14] =	ssyncadd.s32 $0xFFFFC000  }
0xb0: {  	[tilespmem:s19], [sflag:$0x2] =	stream.indirect.gather [hbm4b:s4+s17], $0x80, s29, s17, $0xb8;
	[tilespmem:$0x1C800] =	vst v63  }
0xb1: {  	_ =	swait.ge [sflag:s20], $0x4000  }
0xb2: {  	[sflag:s20] =	ssyncset.done $0x0  }
0xb3: {  	[sflag:s20] =	ssyncadd.s32 $0xFFFFC000  }
0xb4: {  	[spmem:s1] =	stream.indirect.scatter.add.f32 [tilespmem:s13], [sflag:$0x3], $0x80, s30, s17, $0xb8;
	[tilespmem:$0x1C800] =	vst v63  }
0xb5: {  	_ =	swait.ge [sflag:s14], $0x4000  }
0xb6: {  	[sflag:s14] =	ssyncset.done $0x0  }
0xb7: {  	[sflag:s14] =	ssyncadd.s32 $0xFFFFC000  }
0xb8: {  	[tilespmem:s13], [sflag:$0x1] =	stream.indirect.gather [hbm4b:s4+s17], $0x80, s31, s17, $0xb8;
	[tilespmem:$0x1C800] =	vst v63  }
0xb9: {  	_ =	swait.ge [sflag:s22], $0x4000  }
0xba: {  	[sflag:s22] =	ssyncset.done $0x0  }
0xbb: {  	[sflag:s22] =	ssyncadd.s32 $0xFFFFC000  }
0xbc: {  	[spmem:s1] =	stream.indirect.scatter.add.f32 [tilespmem:s19], [sflag:$0x3], $0x80, s0, s17, $0xb8;
	[tilespmem:$0x1C800] =	vst v63  }
0xbd: {  	_ =	swait.ge [sflag:s14], $0x4000  }
0xbe: {  	[sflag:s14] =	ssyncset.done $0x0  }
0xbf: {  	[sflag:s14] =	ssyncadd.s32 $0xFFFFC000  }
0xc0: {  	[tilespmem:s19], [sflag:$0x2] =	stream.indirect.gather [hbm4b:s4+s17], $0x80, s2, s17, $0xb8;
	[tilespmem:$0x1C800] =	vst v63  }
0xc1: {  	_ =	swait.ge [sflag:s20], $0x4000  }
0xc2: {  	[sflag:s20] =	ssyncset.done $0x0  }
0xc3: {  	[sflag:s20] =	ssyncadd.s32 $0xFFFFC000  }
0xc4: {  	[spmem:s1] =	stream.indirect.scatter.add.f32 [tilespmem:s13], [sflag:$0x3], $0x80, s6, s17, $0xb8;
	[tilespmem:$0x1C800] =	vst v63  }
0xc5: {  	_ =	swait.ge [sflag:s14], $0x4000  }
0xc6: {  	[sflag:s14] =	ssyncset.done $0x0  }
0xc7: {  	[sflag:s14] =	ssyncadd.s32 $0xFFFFC000  }
0xc8: {  	_ =	swait.ge [sflag:s22], $0x4000  }
.Ltmp1:
0xc9: {  	[sflag:s22] =	ssyncset.done $0x0;
	(pc) =	sbr.rel @p0 .LBB2_4-.Ltmp1, $4  }
0xca: {  	[sflag:s22] =	ssyncadd.s32 $0xFFFFC000  }
0xcb: {  	[spmem:s1] =	stream.indirect.scatter.add.f32 [tilespmem:s19], [sflag:$0x3], $0x80, s7, s17, $0xb8;
	[tilespmem:$0x1C800] =	vst v63  }
0xcc: {  	_ =	swait.ge [sflag:s14], $0x4000  }
0xcd: {  	s9 =	smov.u32 s8;
	s10 =	smov.u32 s11;
	[sflag:s14] =	ssyncset.done $0x0  }
0xce: {  	s5 =	sadd.s32 s9, s12;
	[sflag:s14] =	ssyncadd.s32 $0xFFFFC000  }
0xcf: {  	[tilespmem:s15], [sflag:$0x3] =	stream.linear.gather [hbm4b:s5+s3], $0x400, $0x38;
	[tilespmem:$0x1C800] =	vst v63  }
0xd0: {  	_ =	swait.ge [sflag:s14], $0x400  }
0xd1: {  	s8 =	rddreg [dreg:$0x3];
	[sflag:s14] =	ssyncset.done $0x0  }
0xd2: {  	[sflag:s14] =	ssyncadd.s32 $0xFFFFFC00;
	s5 =	sadd.s32 s9, s8  }
0xd3: {  	[tilespmem:s16], [sflag:$0x3] =	stream.linear.gather [hbm4b:s5+s3], $0x400, $0x38;
	[tilespmem:$0x1C800] =	vst v63  }
0xd4: {  	_ =	swait.ge [sflag:s14], $0x400  }
0xd5: {  	[sflag:s14] =	ssyncset.done $0x0  }
0xd6: {  	[sflag:s14] =	ssyncadd.s32 $0xFFFFFC00  }
0xd7: {  	[tilespmem:s13], [sflag:$0x1] =	stream.indirect.gather [hbm4b:s4+s17], $0x80, s15, s17, $0xb8;
	[tilespmem:$0x1C800] =	vst v63  }
0xd8: {  	_ = 	snop  }
0xd9: {  	[tilespmem:s19], [sflag:$0x2] =	stream.indirect.gather [hbm4b:s4+s17], $0x80, s18, s17, $0xb8;
	[tilespmem:$0x1C800] =	vst v63  }
0xda: {  	_ =	swait.ge [sflag:s20], $0x4000  }
0xdb: {  	[sflag:s20] =	ssyncset.done $0x0  }
0xdc: {  	[sflag:s20] =	ssyncadd.s32 $0xFFFFC000  }
0xdd: {  	[spmem:s1] =	stream.indirect.scatter.add.f32 [tilespmem:s13], [sflag:$0x3], $0x80, s16, s17, $0xb8;
	[tilespmem:$0x1C800] =	vst v63  }
0xde: {  	_ =	swait.ge [sflag:s14], $0x4000  }
0xdf: {  	[sflag:s14] =	ssyncset.done $0x0  }
0xe0: {  	[sflag:s14] =	ssyncadd.s32 $0xFFFFC000  }
0xe1: {  	[tilespmem:s13], [sflag:$0x1] =	stream.indirect.gather [hbm4b:s4+s17], $0x80, s21, s17, $0xb8;
	[tilespmem:$0x1C800] =	vst v63  }
0xe2: {  	_ =	swait.ge [sflag:s22], $0x4000  }
0xe3: {  	[sflag:s22] =	ssyncset.done $0x0  }
0xe4: {  	[sflag:s22] =	ssyncadd.s32 $0xFFFFC000  }
0xe5: {  	[spmem:s1] =	stream.indirect.scatter.add.f32 [tilespmem:s19], [sflag:$0x3], $0x80, s23, s17, $0xb8;
	[tilespmem:$0x1C800] =	vst v63  }
0xe6: {  	_ =	swait.ge [sflag:s14], $0x4000  }
0xe7: {  	[sflag:s14] =	ssyncset.done $0x0  }
0xe8: {  	[sflag:s14] =	ssyncadd.s32 $0xFFFFC000  }
0xe9: {  	[tilespmem:s19], [sflag:$0x2] =	stream.indirect.gather [hbm4b:s4+s17], $0x80, s24, s17, $0xb8;
	[tilespmem:$0x1C800] =	vst v63  }
0xea: {  	_ =	swait.ge [sflag:s20], $0x4000  }
0xeb: {  	[sflag:s20] =	ssyncset.done $0x0  }
0xec: {  	[sflag:s20] =	ssyncadd.s32 $0xFFFFC000  }
0xed: {  	[spmem:s1] =	stream.indirect.scatter.add.f32 [tilespmem:s13], [sflag:$0x3], $0x80, s25, s17, $0xb8;
	[tilespmem:$0x1C800] =	vst v63  }
0xee: {  	_ =	swait.ge [sflag:s14], $0x4000  }
0xef: {  	[sflag:s14] =	ssyncset.done $0x0  }
0xf0: {  	[sflag:s14] =	ssyncadd.s32 $0xFFFFC000  }
0xf1: {  	[tilespmem:s13], [sflag:$0x1] =	stream.indirect.gather [hbm4b:s4+s17], $0x80, s26, s17, $0xb8;
	[tilespmem:$0x1C800] =	vst v63  }
0xf2: {  	_ =	swait.ge [sflag:s22], $0x4000  }
0xf3: {  	[sflag:s22] =	ssyncset.done $0x0  }
0xf4: {  	[sflag:s22] =	ssyncadd.s32 $0xFFFFC000  }
0xf5: {  	[spmem:s1] =	stream.indirect.scatter.add.f32 [tilespmem:s19], [sflag:$0x3], $0x80, s28, s17, $0xb8;
	[tilespmem:$0x1C800] =	vst v63  }
0xf6: {  	_ =	swait.ge [sflag:s14], $0x4000  }
0xf7: {  	[sflag:s14] =	ssyncset.done $0x0  }
0xf8: {  	[sflag:s14] =	ssyncadd.s32 $0xFFFFC000  }
0xf9: {  	[tilespmem:s19], [sflag:$0x2] =	stream.indirect.gather [hbm4b:s4+s17], $0x80, s29, s17, $0xb8;
	[tilespmem:$0x1C800] =	vst v63  }
0xfa: {  	_ =	swait.ge [sflag:s20], $0x4000  }
0xfb: {  	[sflag:s20] =	ssyncset.done $0x0  }
0xfc: {  	[sflag:s20] =	ssyncadd.s32 $0xFFFFC000  }
0xfd: {  	[spmem:s1] =	stream.indirect.scatter.add.f32 [tilespmem:s13], [sflag:$0x3], $0x80, s30, s17, $0xb8;
	[tilespmem:$0x1C800] =	vst v63  }
0xfe: {  	_ =	swait.ge [sflag:s14], $0x4000  }
0xff: {  	[sflag:s14] =	ssyncset.done $0x0  }
0x100: {  	[sflag:s14] =	ssyncadd.s32 $0xFFFFC000  }
0x101: {  	[tilespmem:s13], [sflag:$0x1] =	stream.indirect.gather [hbm4b:s4+s17], $0x80, s31, s17, $0xb8;
	[tilespmem:$0x1C800] =	vst v63  }
0x102: {  	_ =	swait.ge [sflag:s22], $0x4000  }
0x103: {  	[sflag:s22] =	ssyncset.done $0x0  }
0x104: {  	[sflag:s22] =	ssyncadd.s32 $0xFFFFC000  }
0x105: {  	[spmem:s1] =	stream.indirect.scatter.add.f32 [tilespmem:s19], [sflag:$0x3], $0x80, s0, s17, $0xb8;
	[tilespmem:$0x1C800] =	vst v63  }
0x106: {  	_ =	swait.ge [sflag:s14], $0x4000  }
0x107: {  	[sflag:s14] =	ssyncset.done $0x0  }
0x108: {  	[sflag:s14] =	ssyncadd.s32 $0xFFFFC000  }
0x109: {  	[tilespmem:s19], [sflag:$0x2] =	stream.indirect.gather [hbm4b:s4+s17], $0x80, s2, s17, $0xb8;
	[tilespmem:$0x1C800] =	vst v63  }
0x10a: {  	_ =	swait.ge [sflag:s20], $0x4000  }
0x10b: {  	[sflag:s20] =	ssyncset.done $0x0  }
0x10c: {  	[sflag:s20] =	ssyncadd.s32 $0xFFFFC000  }
0x10d: {  	[spmem:s1] =	stream.indirect.scatter.add.f32 [tilespmem:s13], [sflag:$0x3], $0x80, s6, s17, $0xb8;
	[tilespmem:$0x1C800] =	vst v63  }
0x10e: {  	_ =	swait.ge [sflag:s14], $0x4000  }
0x10f: {  	[sflag:s14] =	ssyncset.done $0x0  }
0x110: {  	[sflag:s14] =	ssyncadd.s32 $0xFFFFC000  }
0x111: {  	_ =	swait.ge [sflag:s22], $0x4000  }
0x112: {  	[sflag:s22] =	ssyncset.done $0x0  }
0x113: {  	[sflag:s22] =	ssyncadd.s32 $0xFFFFC000  }
0x114: {  	[spmem:s1] =	stream.indirect.scatter.add.f32 [tilespmem:s19], [sflag:$0x3], $0x80, s7, s17, $0xb8;
	[tilespmem:$0x1C800] =	vst v63  }
0x115: {  	_ =	swait.ge [sflag:s14], $0x4000  }
0x116: {  	[sflag:s14] =	ssyncset.done $0x0  }
0x117: {  	[sflag:s14] =	ssyncadd.s32 $0xFFFFC000  }
0x118: {  	s9 =	stileid.u32;
	[bflag:$0x0] =	sbarrier.arrive $0xFFFF  }
0x119: {  	s5 =	sshll.u32 s9, $0x6;
	s11 =	rddreg [dreg:$0x4]  }
0x11a: {  	s5 =	sor.u32 $0x1C03, s5;
	s10 =	rddreg [dreg:$0x9];
	s8 =	sshrl.u32 s11, $0x3  }
0x11b: {  	[hbm:s10], [sflag:s5] =	dma.local [spmem:s8], $0x2800  }
0x11c: {  	_ =	swait.ge [sflag:s14], $0x2800  }
0x11d: {  	s9 =	rddreg [dreg:$0xb]  }
0x11e: {  	s10 =	rddreg [dreg:$0xa];
	s8 =	sadd.s32 $0x1, s9  }
0x11f: {  	p0 =	sne.s32 s8, s10  }
.Ltmp2:
0x120: {  	_ = 	snop;
	(pc) =	sbr.rel @p0 .LBB2_1-.Ltmp2, $3  }
0x121: {  	_ =	sdelay $0x1  }
0x122: {  	[sflag:s14] =	ssyncset.done $0x0  }
0x123: {  	[sflag:s14] =	ssyncadd.s32 $0xFFFFD800  }
0x124: {  	_ =	sfence.sel $0x180000  }
0x125: {  	[bflag:$0x0] =	sbarrier.arrive $0xFFFF  }
0x126: {  	_ =	strace $0x9000004D  }
0x127: {  	s0 =	stileid.u32;
	[bflag:$0x2] =	sbarrier.arrive $0xFFFF  }
0x128: {  	p0 =	sne.s32 s0, $0x0;
	s0 =	rddreg [dreg:$0x2]  }
0x129: {  	s0 =	sadd.s32 @!p0 $0x100000, s0  }
0x12a: {  	[sflag:s0] =	ssyncadd.tile.s32 @!p0 $0x1;
	_ =	shalt  }
.Lfunc_end2:
_tile_overlayer_lowered:
.L_overlay_start_2:
0x12b: {  	(tag) =	ssettag $0x2  }
0x12c: {  	s0 =	rddreg [dreg:$0x0];
	s2 =	stileid.u32  }
0x12d: {  	s1 =	rddreg [dreg:$0x1];
	p0 =	sne.s32 s2, $0x0  }
0x12e: {  	s3 =	rddreg [dreg:$0x2];
	[bflag:$0x3] =	sbarrier.arrive $0xFFFF;
	s2 =	simm.s32 @!p0 $0x1C03  }
0x12f: {  	[timem:s3], [sflag:s2] =	dma.local @!p0 [hbm:s0], s1  }
0x130: {  	s0 =	simm.s32 @!p0 $0x3  }
0x131: {  	_ =	swait.ge @!p0 [sflag:s0], s1  }
0x132: {  	s1 =	ssub.s32 @!p0 $0x0, s1;
	[sflag:s0] =	ssyncset.done @!p0 $0x0  }
0x133: {  	[sflag:s0] =	ssyncadd.s32 @!p0 s1  }
0x134: {  	[bflag:$0x3] =	sbarrier.arrive $0xFFFF  }
0x135: {  	_ =	shalt  }

// kernel: kernel.19.cloned.1.call-start
scs
__scs_entry_jumppad:
0x0: {  	(pc) =	sbr.rel $0x88, $3  }
0x1: {  	(tag) =	ssettag $0x0;
	lr =	simm.s32 $0x1  }
0x2: {  	[smem:$0x3F92] =	sst lr;
	_ =	strace $0xD0000000  }
0x3: {  	_ = 	snop  }
0x4: {  	_ = 	snop  }
0x5: {  	_ = 	snop  }
0x6: {  	_ = 	snop  }
0x7: {  	_ = 	snop  }
__scs_overlays_trampoline_lowered:
0x8: {  	[smem:$0x3FA1] =	sst s0  }
0x9: {  	[smem:$0x3FA2] =	sst s1  }
0xa: {  	[smem:$0x3FA3] =	sst s2  }
0xb: {  	[smem:$0x3FA4] =	sst s3  }
0xc: {  	[smem:$0x3FA5] =	sst s4  }
0xd: {  	[smem:$0x3FA6] =	sst s5  }
0xe: {  	[smem:$0x3FA7] =	sst s6  }
0xf: {  	[smem:$0x3FA8] =	sst s7  }
0x10: {  	[smem:$0x3FA9] =	sst s8  }
0x11: {  	[smem:$0x3FAA] =	sst s9;
	s0 =	simm.s32 @!p0 $0x0  }
0x12: {  	s1 =	sld [smem:$0x3F90];
	s0 =	simm.s32 @p0 $0x1  }
0x13: {  	[smem:$0x3FAB] =	sst s0;
	s0 =	simm.s32 @!p1 $0x0  }
0x14: {  	s2 =	sld [smem:$0x3F8F];
	s0 =	simm.s32 @p1 $0x1  }
0x15: {  	[smem:$0x3FAC] =	sst s0;
	s0 =	simm.s32 @!p2 $0x0  }
0x16: {  	s3 =	sld [smem:$0x3FDB];
	s0 =	simm.s32 @p2 $0x1  }
0x17: {  	s4 =	simm.s32 $0x1BF5;
	[smem:$0x3FAE] =	sst s0  }
0x18: {  	s0 =	sld [smem:$0x3F91];
	_ =	swait.ge [sflag:s4], $0x0  }
0x19: {  	s7 =	sld [smem:$0x3F92]  }
0x1a: {  	s8 =	sadd.s32 $0xFFFFE003, lr  }
0x1b: {  	s9 =	sadd.s32 $0xFFFFFEF7, lr;
	s5 =	simm.s32 $0xFFFFFFFF;
	p2 =	slt.u32 s8, $0xFFFFF086  }
0x1c: {  	p1 =	slt.u32 s9, $0xF7A;
	s5 =	simm.s32 @!p2 $0x0  }
0x1d: {  	s5 =	simm.s32 @p1 $0x1;
	p0 =	seq.s32 s7, s2  }
0x1e: {  	s7 =	smul.u32 @!p0 $0xF7A, s2;
	p2 =	seq.s32 @!p0 s5, $0x0  }
0x1f: {  	s9 =	smul.u32 $0xF7A, s1;
	s8 =	simm.s32 @!p0 $0x1BF5;
	p2 =	por !p2, p0  }
0x20: {  	[sflag:s8] =	ssyncset.s32 @!p0 $0xFFFFF086;
	s6 =	sadd.s32 @!p0 s3, s7;
	s7 =	simm.s32 @!p0 $0x108  }
0x21: {  	s3 =	sadd.s32 s3, s9;
	s6 =	sadd.s32 @!p0 $0x88, s6;
	s7 =	simm.s32 @p2 $0x1082  }
0x22: {  	[simem:s7], [sflag:s8] =	dma.local @!p0 [hbm:s6], $0xF7A  }
0x23: {  	s9 =	sor.u32 $0xD0000000, s2;
	s6 =	simm.s32 $0x108;
	_ =	swait.ge @!p0 [sflag:s8], $0x0  }
0x24: {  	s3 =	sadd.s32 $0x88, s3;
	s6 =	simm.s32 @!p1 $0x1082;
	[sflag:s4] =	ssyncset.s32 $0xFFFFF086  }
0x25: {  	[simem:s6], [sflag:s4] =	dma.local [hbm:s3], $0xF7A  }
0x26: {  	[smem:$0x3F92] =	sst s1;
	(tag) =	ssettag s2;
	_ =	strace s9  }
0x27: {  	s1 =	sld [smem:$0x3FA2]  }
0x28: {  	s2 =	sld [smem:$0x3FA3]  }
0x29: {  	s4 =	sld [smem:$0x3FA5]  }
0x2a: {  	p0 =	seq.s32 s5, $0x0;
	s5 =	sld [smem:$0x3FA6]  }
0x2b: {  	s6 =	sld [smem:$0x3FA7]  }
0x2c: {  	s7 =	sld [smem:$0x3FA8]  }
0x2d: {  	s3 =	simm.s32 $0x108;
	s8 =	sld [smem:$0x3FA9]  }
0x2e: {  	s3 =	simm.s32 @!p0 $0x1082;
	s9 =	sld [smem:$0x3FAA]  }
0x2f: {  	lr =	sadd.s32 s0, s3;
	s0 =	sld [smem:$0x3FA1]  }
0x30: {  	s3 =	sld [smem:$0x3FA4]  }
0x31: {  	[smem:$0x3FAD] =	sst s10  }
0x32: {  	s10 =	sld [smem:$0x3FAB];
	_ =	sdelay $0x3  }
0x33: {  	p0 =	seq.s32 s10, $0x1;
	s10 =	sld [smem:$0x3FAD];
	_ =	sdelay $0x3  }
0x34: {  	[smem:$0x3FAD] =	sst s10  }
0x35: {  	s10 =	sld [smem:$0x3FAC];
	_ =	sdelay $0x3  }
0x36: {  	p1 =	seq.s32 s10, $0x1;
	s10 =	sld [smem:$0x3FAD];
	_ =	sdelay $0x3  }
0x37: {  	[smem:$0x3FAD] =	sst s10  }
0x38: {  	s10 =	sld [smem:$0x3FAE]  }
0x39: {  	_ = 	snop;
	(pc) =	sbr.ind lr, $3  }
0x3a: {  	_ = 	snop  }
0x3b: {  	_ = 	snop  }
0x3c: {  	p2 =	seq.s32 s10, $0x1;
	s10 =	sld [smem:$0x3FAD]  }
0x3d: {  	_ =	shalt  }
0x3e: {  	_ =	shalt  }
0x3f: {  	_ =	shalt  }
0x40: {  	_ =	shalt  }
0x41: {  	_ =	shalt  }
0x42: {  	_ =	shalt  }
0x43: {  	_ =	shalt  }
0x44: {  	_ =	shalt  }
0x45: {  	_ =	shalt  }
0x46: {  	_ =	shalt  }
0x47: {  	_ =	shalt  }
0x48: {  	_ =	shalt  }
0x49: {  	_ =	shalt  }
0x4a: {  	_ =	shalt  }
0x4b: {  	_ =	shalt  }
0x4c: {  	_ =	shalt  }
0x4d: {  	_ =	shalt  }
0x4e: {  	_ =	shalt  }
0x4f: {  	_ =	shalt  }
0x50: {  	_ =	shalt  }
0x51: {  	_ =	shalt  }
0x52: {  	_ =	shalt  }
0x53: {  	_ =	shalt  }
0x54: {  	_ =	shalt  }
0x55: {  	_ =	shalt  }
0x56: {  	_ =	shalt  }
0x57: {  	_ =	shalt  }
0x58: {  	_ =	shalt  }
0x59: {  	_ =	shalt  }
0x5a: {  	_ =	shalt  }
0x5b: {  	_ =	shalt  }
0x5c: {  	_ =	shalt  }
0x5d: {  	_ =	shalt  }
0x5e: {  	_ =	shalt  }
0x5f: {  	_ =	shalt  }
0x60: {  	_ =	shalt  }
0x61: {  	_ =	shalt  }
0x62: {  	_ =	shalt  }
0x63: {  	_ =	shalt  }
0x64: {  	_ =	shalt  }
0x65: {  	_ =	shalt  }
0x66: {  	_ =	shalt  }
0x67: {  	_ =	shalt  }
0x68: {  	_ =	shalt  }
0x69: {  	_ =	shalt  }
0x6a: {  	_ =	shalt  }
0x6b: {  	_ =	shalt  }
0x6c: {  	_ =	shalt  }
0x6d: {  	_ =	shalt  }
0x6e: {  	_ =	shalt  }
0x6f: {  	_ =	shalt  }
0x70: {  	_ =	shalt  }
0x71: {  	_ =	shalt  }
0x72: {  	_ =	shalt  }
0x73: {  	_ =	shalt  }
0x74: {  	_ =	shalt  }
0x75: {  	_ =	shalt  }
0x76: {  	_ =	shalt  }
0x77: {  	_ =	shalt  }
0x78: {  	_ =	shalt  }
0x79: {  	_ =	shalt  }
0x7a: {  	_ =	shalt  }
0x7b: {  	_ =	shalt  }
0x7c: {  	_ =	shalt  }
0x7d: {  	_ =	shalt  }
0x7e: {  	_ =	shalt  }
0x7f: {  	_ =	shalt  }
0x80: {  	_ =	shalt  }
0x81: {  	_ =	shalt  }
0x82: {  	_ =	shalt  }
0x83: {  	_ =	shalt  }
0x84: {  	_ =	shalt  }
0x85: {  	_ =	shalt  }
0x86: {  	_ =	shalt  }
0x87: {  	_ =	shalt  }
.Lfunc_end0:
.L_simem_size_0:
called_computation.3_lowered:
.L_overlay_start_0:
0x88: {  	s2 =	sld [smem:$0x3FD9]  }
0x89: {  	s3 =	sld [smem:$0x3FFE];
	_ =	sdelay $0x1  }
0x8a: {  	s1 =	srdreg.scid  }
0x8b: {  	s0 =	sand.u32 $0x1, s1  }
0x8c: {  	s16 =	sshll.u32 s0, $0xA;
	s2 =	sadd.s32 s3, s2  }
0x8d: {  	s2 =	sadd.s32 s2, s16  }
0x8e: {  	[smem:$0x3FB9] =	sst s2  }
0x8f: {  	_ = 	snop  }
0x90: {  	(tm) =	ssettm $0x1  }
0x91: {  	s17 =	sld [smem:$0x3FFB];
	_ =	sdelay $0x3  }
0x92: {  	_ =	strace s17  }
0x93: {  	s2 =	sld [smem:$0x3FFC];
	_ =	sdelay $0x3  }
0x94: {  	_ =	strace s2  }
0x95: {  	s2 =	sld [smem:$0x3FFD];
	_ =	sdelay $0x3  }
0x96: {  	_ =	strace s2  }
0x97: {  	_ =	strace $0x8FFFFFFF  }
0x98: {  	s18 =	sld [smem:$0x3FDB];
	_ =	sdelay $0x1  }
0x99: {  	s19 =	simm.s32 $_scs_section_size  }
0x9a: {  	s4 =	simm.s32 $_size__tile_overlayer_lowered;
	s5 =	simm.s32 $_tile_overlayer_lowered  }
0x9b: {  	s22 =	simm.s32 $0x1BFF;
	s21 =	sshll.u32 s5, $0x1;
	s2 =	sadd.s32 s19, s18  }
0x9c: {  	s6 =	simm.s32 $0x0;
	s20 =	sshll.u32 s4, $0x1;
	s4 =	sadd.s32 s21, s2  }
0x9d: {  	[timem:s6], [sflag:s22] =	dma.local [hbm:s4], s20  }
0x9e: {  	_ =	swait.ge [sflag:s22], s20  }
0x9f: {  	s3 =	ssub.s32 $0x0, s20;
	[sflag:s22] =	ssyncset.done $0x0  }
0xa0: {  	[sflag:s22] =	ssyncadd.s32 s3;
	_ =	sdelay $0x1  }
0xa1: {  	s23 =	simm.s32 $0x1B8B  }
0xa2: {  	_ =	swait.ge [sflag:s23], $0x1  }
0xa3: {  	[sflag:s23] =	ssyncset.done $0x0  }
0xa4: {  	s25 =	simm.s32 $0x1B8E;
	s24 =	sld [smem:$0x3FFE];
	[sflag:s23] =	ssyncadd.s32 $0xFFFFFFFF  }
0xa5: {  	s26 =	simm.s32 $execute0_lowered;
	[smem:$0x3FD2] =	sst s25  }
0xa6: {  	s4 =	sshll.u32 s26, $0x1;
	_ =	strace $0x8000004F;
	[dreg:$0x1] =	wrdreg $0xFFFFFFFF  }
0xa7: {  	s28 =	simm.s32 $_size_execute0_lowered;
	s2 =	sadd.s32 s2, s4;
	[dreg:$0x0] =	wrdreg $0x0  }
0xa8: {  	s4 =	sshll.u32 s28, $0x1;
	[dreg:$0x2] =	wrdreg s2  }
0xa9: {  	[dreg:$0x3] =	wrdreg s4  }
0xaa: {  	[dreg:$0x4] =	wrdreg $0xC0  }
0xab: {  	_ =	task [dreg:s6], $0x5FFFF  }
0xac: {  	[dreg:$0x1] =	wrdreg $0xFFFFFFFF  }
0xad: {  	[dreg:$0x0] =	wrdreg $0x60  }
0xae: {  	[dreg:$0x2] =	wrdreg s24  }
0xaf: {  	[dreg:$0x3] =	wrdreg $0x0  }
0xb0: {  	[dreg:$0x4] =	wrdreg $0x9  }
0xb1: {  	_ =	task.clear_ibuf [dreg:s6], $0x5FFFF;
	_ =	strace $0x9000004F  }
0xb2: {  	s29 =	simm.s32 $0x9;
	_ =	strace $0x80000051  }
0xb3: {  	_ =	swait.ge [sflag:s29], $0x1  }
0xb4: {  	[sflag:s29] =	ssyncadd.s32 $0xFFFFFFFF  }
0xb5: {  	_ =	strace $0x90000051  }
0xb6: {  	_ =	sfence  }
0xb7: {  	s30 =	sld [smem:$0x0];
	_ =	sdelay $0x2  }
0xb8: {  	s31 =	sshll.u32 s1, $0xD;
	s1 =	sshrl.u32 s1, $0x2  }
0xb9: {  	s3 =	sand.u32 $0x4000, s31;
	s1 =	sadd.s32 s1, s30  }
0xba: {  	s0 =	sor.u32 s3, s0;
	s1 =	sshll.u32 s1, $0x11  }
0xbb: {  	s0 =	sor.u32 s1, s0  }
0xbc: {  	s0 =	sadd.s32 $0x8F2B, s0  }
0xbd: {  	[sflag:s0] =	ssyncadd.remote.s32 $0x1  }
0xbe: {  	_ =	sfence.sel $0xFFFF  }
0xbf: {  	[dreg:$0x0] =	wrdreg $0xFFFFFFFF;
	(pc) =	sbr.abs _section_cstart, $3  }
0xc0: {  	[dreg:$0x1] =	wrdreg $0xFFFFFFFF  }
0xc1: {  	_ =	task.clear_ibuf [dreg:s6], $0x2FFFF;
	_ =	strace $0x9FFFFFFF  }
0xc2: {  	(tm) =	ssettm $0x7FFFFFFF  }
0xc3: {  	_ =	shalt  }
tec
execute0_lowered:
.L_overlay_start_1:
0x0: {  	(tag) =	ssettag $0x1  }
0x1: {  	s0 =	rddreg [dreg:$0x0]  }
0x2: {  	s2 =	srdreg.scid;
	s1 =	rddreg [dreg:$0x1]  }
0x3: {  	s3 =	simm.s32 $0x0;
	s9 =	stileid.u32;
	s13 =	simm.s32 $0x14800  }
0x4: {  	s14 =	simm.s32 $0x3;
	s15 =	simm.s32 $0x14000;
	s16 =	simm.s32 $0x14400  }
0x5: {  	s17 =	simm.s32 $0x80;
	s18 =	simm.s32 $0x14080;
	s6 =	smul.u32 $0x14000, s9  }
0x6: {  	s19 =	simm.s32 $0x18800;
	s28 =	simm.s32 $0x14580;
	s20 =	smul.u32 $0x50000, s9  }
0x7: {  	s29 =	simm.s32 $0x14280;
	s2 =	sand.u32 $0x1, s2;
	s9 =	smul.u32 $0x500, s9  }
0x8: {  	s30 =	simm.s32 $0x14600;
	s31 =	simm.s32 $0x14300;
	s4 =	smul.u32 $0x5000, s2  }
0x9: {  	[smem:$0x7FF] =	sst s3;
	s5 =	smul.u32 $0x140000, s2;
	s2 =	ssub.s32 $0x2, s2  }
0xa: {  	_ =	strace $0x80000050;
	s8 =	sshrl.u32 s2, $0x1;
	s7 =	sadd.s32 s4, s0  }
0xb: {  	s5 =	sadd.s32 s6, s5;
	s4 =	sadd.s32 $0x21C00, s0;
	s6 =	sshrl.u32 s20, $0x2  }
0xc: {  	s2 =	ssub.s32 s2, s8;
	s20 =	simm.s32 $0x1;
	s8 =	simm.s32 $0x0  }
0xd: {  	s5 =	sshrl.u32 s5, $0x3;
	s11 =	sadd.s32 s6, s1;
	s26 =	smax.u32 s2, $0x1  }
0xe: {  	s23 =	sadd.s32 s9, s7;
	s2 =	simm.s32 $0x14380;
	[dreg:$0xa] =	wrdreg s26  }
0xf: {  	s6 =	simm.s32 $0x14700;
	s21 =	sadd.s32 $0x4000, s11;
	[dreg:$0x4] =	wrdreg s11  }
0x10: {  	s0 =	sadd.s32 s5, s0;
	s22 =	sadd.s32 $0x8000, s11;
	[dreg:$0x5] =	wrdreg s21  }
0x11: {  	s24 =	sadd.s32 $0xC000, s11;
	s25 =	sadd.s32 $0x10000, s11;
	[dreg:$0x6] =	wrdreg s22  }
0x12: {  	s7 =	sadd.s32 $0xDC00, s23;
	s12 =	sadd.s32 $0x17C00, s23;
	[dreg:$0x7] =	wrdreg s24  }
0x13: {  	s23 =	simm.s32 $0x14480;
	s26 =	simm.s32 $0x14200;
	[dreg:$0x8] =	wrdreg s25  }
0x14: {  	s0 =	sadd.s32 $0x49C00, s0;
	[dreg:$0x3] =	wrdreg s7;
	s21 =	simm.s32 $0x14100  }
0x15: {  	s22 =	simm.s32 $0x2;
	s24 =	simm.s32 $0x14180;
	s25 =	simm.s32 $0x14500  }
0x16: {  	v0 =	vimm.f32 $0.0e+00;
	s7 =	simm.s32 $0x14780;
	[dreg:$0x9] =	wrdreg s0;
	s0 =	simm.s32 $0x14680  }
.LBB2_1:
0x17: {  	s9 =	simm.s32 $0x0;
	s10 =	simm.s32 $0x200  }
.LBB2_2:
0x18: {  	p0 =	sne.s32 s10, $0xFE00;
	[tilespmem:s9+$0x14870] =	vst v0  }
0x19: {  	[tilespmem:s9+$0x14800] =	vst v0  }
0x1a: {  	[tilespmem:s9+$0x14810] =	vst v0  }
.Ltmp0:
0x1b: {  	[tilespmem:s9+$0x14820] =	vst v0;
	(pc) =	sbr.rel @p0 .LBB2_2-.Ltmp0, $4  }
0x1c: {  	[tilespmem:s9+$0x14830] =	vst v0  }
0x1d: {  	[tilespmem:s9+$0x14840] =	vst v0  }
0x1e: {  	[tilespmem:s9+$0x14850] =	vst v0  }
0x1f: {  	[tilespmem:s9+$0x14860] =	vst v0;
	s9 =	sshra.s32 s10, $0x2;
	s10 =	sadd.s32 $0x200, s10  }
0x20: {  	[tilespmem:s9+$0x14870] =	vst v0  }
0x21: {  	[tilespmem:s9+$0x14800] =	vst v0  }
0x22: {  	[tilespmem:s9+$0x14810] =	vst v0  }
0x23: {  	[tilespmem:s9+$0x14820] =	vst v0  }
0x24: {  	[tilespmem:s9+$0x14830] =	vst v0  }
0x25: {  	[tilespmem:s9+$0x14840] =	vst v0  }
0x26: {  	[tilespmem:s9+$0x14850] =	vst v0  }
0x27: {  	[dreg:$0xb] =	wrdreg s8;
	[tilespmem:s9+$0x14860] =	vst v0  }
0x28: {  	[spmem:s11] =	stream.linear.scatter [tilespmem:s13], [sflag:$0x3], $0x4000, $0x38;
	[tilespmem:$0x1C800] =	vst v63  }
0x29: {  	_ =	swait.ge [sflag:s14], $0x4000  }
0x2a: {  	[sflag:s14] =	ssyncset.done $0x0  }
0x2b: {  	s5 =	rddreg [dreg:$0x5];
	[sflag:s14] =	ssyncadd.s32 $0xFFFFC000  }
0x2c: {  	[spmem:s5] =	stream.linear.scatter [tilespmem:s13], [sflag:$0x3], $0x4000, $0x38;
	[tilespmem:$0x1C800] =	vst v63  }
0x2d: {  	_ =	swait.ge [sflag:s14], $0x4000  }
0x2e: {  	[sflag:s14] =	ssyncset.done $0x0  }
0x2f: {  	s11 =	rddreg [dreg:$0x6];
	[sflag:s14] =	ssyncadd.s32 $0xFFFFC000  }
0x30: {  	[spmem:s11] =	stream.linear.scatter [tilespmem:s13], [sflag:$0x3], $0x4000, $0x38;
	[tilespmem:$0x1C800] =	vst v63  }
0x31: {  	_ =	swait.ge [sflag:s14], $0x4000  }
0x32: {  	[sflag:s14] =	ssyncset.done $0x0  }
0x33: {  	s8 =	rddreg [dreg:$0x7];
	[sflag:s14] =	ssyncadd.s32 $0xFFFFC000  }
0x34: {  	[spmem:s8] =	stream.linear.scatter [tilespmem:s13], [sflag:$0x3], $0x4000, $0x38;
	[tilespmem:$0x1C800] =	vst v63  }
0x35: {  	_ =	swait.ge [sflag:s14], $0x4000  }
0x36: {  	[sflag:s14] =	ssyncset.done $0x0  }
0x37: {  	s9 =	rddreg [dreg:$0x8];
	[sflag:s14] =	ssyncadd.s32 $0xFFFFC000  }
0x38: {  	[spmem:s9] =	stream.linear.scatter [tilespmem:s13], [sflag:$0x3], $0x4000, $0x38;
	[tilespmem:$0x1C800] =	vst v63  }
0x39: {  	_ =	swait.ge [sflag:s14], $0x4000  }
0x3a: {  	[sflag:s14] =	ssyncset.done $0x0  }
0x3b: {  	[sflag:s14] =	ssyncadd.s32 $0xFFFFC000  }
0x3c: {  	s10 =	sadd.s32 $0x0, s12;
	[bflag:$0x0] =	sbarrier.arrive $0xFFFF  }
0x3d: {  	[tilespmem:s15], [sflag:$0x3] =	stream.linear.gather [hbm4b:s10+s3], $0x400, $0x38;
	[tilespmem:$0x1C800] =	vst v63  }
0x3e: {  	_ =	swait.ge [sflag:s14], $0x400  }
0x3f: {  	s11 =	rddreg [dreg:$0x3];
	[sflag:s14] =	ssyncset.done $0x0  }
0x40: {  	[sflag:s14] =	ssyncadd.s32 $0xFFFFFC00;
	s9 =	sadd.s32 $0x0, s11  }
0x41: {  	[tilespmem:s16], [sflag:$0x3] =	stream.linear.gather [hbm4b:s9+s3], $0x400, $0x38;
	[tilespmem:$0x1C800] =	vst v63  }
0x42: {  	_ =	swait.ge [sflag:s14], $0x400  }
0x43: {  	[sflag:s14] =	ssyncset.done $0x0  }
0x44: {  	[sflag:s14] =	ssyncadd.s32 $0xFFFFFC00  }
0x45: {  	[tilespmem:s13], [sflag:$0x1] =	stream.indirect.gather [hbm4b:s4+s17], $0x80, s15, s17, $0xb8;
	[tilespmem:$0x1C800] =	vst v63  }
0x46: {  	_ = 	snop  }
0x47: {  	[tilespmem:s19], [sflag:$0x2] =	stream.indirect.gather [hbm4b:s4+s17], $0x80, s18, s17, $0xb8;
	[tilespmem:$0x1C800] =	vst v63  }
0x48: {  	_ =	swait.ge [sflag:s20], $0x4000  }
0x49: {  	[sflag:s20] =	ssyncset.done $0x0  }
0x4a: {  	[sflag:s20] =	ssyncadd.s32 $0xFFFFC000  }
0x4b: {  	[spmem:s1] =	stream.indirect.scatter.add.f32 [tilespmem:s13], [sflag:$0x3], $0x80, s16, s17, $0xb8;
	[tilespmem:$0x1C800] =	vst v63  }
0x4c: {  	_ =	swait.ge [sflag:s14], $0x4000  }
0x4d: {  	[sflag:s14] =	ssyncset.done $0x0  }
0x4e: {  	[sflag:s14] =	ssyncadd.s32 $0xFFFFC000  }
0x4f: {  	[tilespmem:s13], [sflag:$0x1] =	stream.indirect.gather [hbm4b:s4+s17], $0x80, s21, s17, $0xb8;
	[tilespmem:$0x1C800] =	vst v63  }
0x50: {  	_ =	swait.ge [sflag:s22], $0x4000  }
0x51: {  	[sflag:s22] =	ssyncset.done $0x0  }
0x52: {  	[sflag:s22] =	ssyncadd.s32 $0xFFFFC000  }
0x53: {  	[spmem:s1] =	stream.indirect.scatter.add.f32 [tilespmem:s19], [sflag:$0x3], $0x80, s23, s17, $0xb8;
	[tilespmem:$0x1C800] =	vst v63  }
0x54: {  	_ =	swait.ge [sflag:s14], $0x4000  }
0x55: {  	[sflag:s14] =	ssyncset.done $0x0  }
0x56: {  	[sflag:s14] =	ssyncadd.s32 $0xFFFFC000  }
0x57: {  	[tilespmem:s19], [sflag:$0x2] =	stream.indirect.gather [hbm4b:s4+s17], $0x80, s24, s17, $0xb8;
	[tilespmem:$0x1C800] =	vst v63  }
0x58: {  	_ =	swait.ge [sflag:s20], $0x4000  }
0x59: {  	[sflag:s20] =	ssyncset.done $0x0  }
0x5a: {  	[sflag:s20] =	ssyncadd.s32 $0xFFFFC000  }
0x5b: {  	[spmem:s1] =	stream.indirect.scatter.add.f32 [tilespmem:s13], [sflag:$0x3], $0x80, s25, s17, $0xb8;
	[tilespmem:$0x1C800] =	vst v63  }
0x5c: {  	_ =	swait.ge [sflag:s14], $0x4000  }
0x5d: {  	[sflag:s14] =	ssyncset.done $0x0  }
0x5e: {  	[sflag:s14] =	ssyncadd.s32 $0xFFFFC000  }
0x5f: {  	[tilespmem:s13], [sflag:$0x1] =	stream.indirect.gather [hbm4b:s4+s17], $0x80, s26, s17, $0xb8;
	[tilespmem:$0x1C800] =	vst v63  }
0x60: {  	_ =	swait.ge [sflag:s22], $0x4000  }
0x61: {  	[sflag:s22] =	ssyncset.done $0x0  }
0x62: {  	[sflag:s22] =	ssyncadd.s32 $0xFFFFC000  }
0x63: {  	[spmem:s1] =	stream.indirect.scatter.add.f32 [tilespmem:s19], [sflag:$0x3], $0x80, s28, s17, $0xb8;
	[tilespmem:$0x1C800] =	vst v63  }
0x64: {  	_ =	swait.ge [sflag:s14], $0x4000  }
0x65: {  	[sflag:s14] =	ssyncset.done $0x0  }
0x66: {  	[sflag:s14] =	ssyncadd.s32 $0xFFFFC000  }
0x67: {  	[tilespmem:s19], [sflag:$0x2] =	stream.indirect.gather [hbm4b:s4+s17], $0x80, s29, s17, $0xb8;
	[tilespmem:$0x1C800] =	vst v63  }
0x68: {  	_ =	swait.ge [sflag:s20], $0x4000  }
0x69: {  	[sflag:s20] =	ssyncset.done $0x0  }
0x6a: {  	[sflag:s20] =	ssyncadd.s32 $0xFFFFC000  }
0x6b: {  	[spmem:s1] =	stream.indirect.scatter.add.f32 [tilespmem:s13], [sflag:$0x3], $0x80, s30, s17, $0xb8;
	[tilespmem:$0x1C800] =	vst v63  }
0x6c: {  	_ =	swait.ge [sflag:s14], $0x4000  }
0x6d: {  	[sflag:s14] =	ssyncset.done $0x0  }
0x6e: {  	[sflag:s14] =	ssyncadd.s32 $0xFFFFC000  }
0x6f: {  	[tilespmem:s13], [sflag:$0x1] =	stream.indirect.gather [hbm4b:s4+s17], $0x80, s31, s17, $0xb8;
	[tilespmem:$0x1C800] =	vst v63  }
0x70: {  	_ =	swait.ge [sflag:s22], $0x4000  }
0x71: {  	[sflag:s22] =	ssyncset.done $0x0  }
0x72: {  	[sflag:s22] =	ssyncadd.s32 $0xFFFFC000  }
0x73: {  	[spmem:s1] =	stream.indirect.scatter.add.f32 [tilespmem:s19], [sflag:$0x3], $0x80, s0, s17, $0xb8;
	[tilespmem:$0x1C800] =	vst v63  }
0x74: {  	_ =	swait.ge [sflag:s14], $0x4000  }
0x75: {  	[sflag:s14] =	ssyncset.done $0x0  }
0x76: {  	[sflag:s14] =	ssyncadd.s32 $0xFFFFC000  }
0x77: {  	[tilespmem:s19], [sflag:$0x2] =	stream.indirect.gather [hbm4b:s4+s17], $0x80, s2, s17, $0xb8;
	[tilespmem:$0x1C800] =	vst v63  }
0x78: {  	_ =	swait.ge [sflag:s20], $0x4000  }
0x79: {  	[sflag:s20] =	ssyncset.done $0x0  }
0x7a: {  	[sflag:s20] =	ssyncadd.s32 $0xFFFFC000  }
0x7b: {  	[spmem:s1] =	stream.indirect.scatter.add.f32 [tilespmem:s13], [sflag:$0x3], $0x80, s6, s17, $0xb8;
	[tilespmem:$0x1C800] =	vst v63  }
0x7c: {  	_ =	swait.ge [sflag:s14], $0x4000  }
0x7d: {  	[sflag:s14] =	ssyncset.done $0x0  }
0x7e: {  	[sflag:s14] =	ssyncadd.s32 $0xFFFFC000  }
0x7f: {  	_ =	swait.ge [sflag:s22], $0x4000  }
0x80: {  	[sflag:s22] =	ssyncset.done $0x0  }
0x81: {  	[sflag:s22] =	ssyncadd.s32 $0xFFFFC000  }
0x82: {  	[spmem:s1] =	stream.indirect.scatter.add.f32 [tilespmem:s19], [sflag:$0x3], $0x80, s7, s17, $0xb8;
	[tilespmem:$0x1C800] =	vst v63  }
0x83: {  	_ =	swait.ge [sflag:s14], $0x4000  }
0x84: {  	s10 =	simm.s32 $0x100;
	s9 =	simm.s32 $0x80;
	[sflag:s14] =	ssyncset.done $0x0  }
.LBB2_4:
0x85: {  	s5 =	sadd.s32 s9, s12;
	[sflag:s14] =	ssyncadd.s32 $0xFFFFC000  }
0x86: {  	[tilespmem:s15], [sflag:$0x3] =	stream.linear.gather [hbm4b:s5+s3], $0x400, $0x38;
	[tilespmem:$0x1C800] =	vst v63  }
0x87: {  	s8 =	smov.u32 s10;
	s11 =	sadd.s32 $0x80, s10;
	_ =	swait.ge [sflag:s14], $0x400  }
0x88: {  	p0 =	sne.s32 s10, $0x480;
	s10 =	rddreg [dreg:$0x3];
	[sflag:s14] =	ssyncset.done $0x0  }
0x89: {  	[sflag:s14] =	ssyncadd.s32 $0xFFFFFC00;
	s5 =	sadd.s32 s9, s10  }
0x8a: {  	[tilespmem:s16], [sflag:$0x3] =	stream.linear.gather [hbm4b:s5+s3], $0x400, $0x38;
	[tilespmem:$0x1C800] =	vst v63  }
0x8b: {  	_ =	swait.ge [sflag:s14], $0x400  }
0x8c: {  	[sflag:s14] =	ssyncset.done $0x0  }
0x8d: {  	[sflag:s14] =	ssyncadd.s32 $0xFFFFFC00  }
0x8e: {  	[tilespmem:s13], [sflag:$0x1] =	stream.indirect.gather [hbm4b:s4+s17], $0x80, s15, s17, $0xb8;
	[tilespmem:$0x1C800] =	vst v63  }
0x8f: {  	_ = 	snop  }
0x90: {  	[tilespmem:s19], [sflag:$0x2] =	stream.indirect.gather [hbm4b:s4+s17], $0x80, s18, s17, $0xb8;
	[tilespmem:$0x1C800] =	vst v63  }
0x91: {  	_ =	swait.ge [sflag:s20], $0x4000  }
0x92: {  	[sflag:s20] =	ssyncset.done $0x0  }
0x93: {  	[sflag:s20] =	ssyncadd.s32 $0xFFFFC000  }
0x94: {  	[spmem:s1] =	stream.indirect.scatter.add.f32 [tilespmem:s13], [sflag:$0x3], $0x80, s16, s17, $0xb8;
	[tilespmem:$0x1C800] =	vst v63  }
0x95: {  	_ =	swait.ge [sflag:s14], $0x4000  }
0x96: {  	[sflag:s14] =	ssyncset.done $0x0  }
0x97: {  	[sflag:s14] =	ssyncadd.s32 $0xFFFFC000  }
0x98: {  	[tilespmem:s13], [sflag:$0x1] =	stream.indirect.gather [hbm4b:s4+s17], $0x80, s21, s17, $0xb8;
	[tilespmem:$0x1C800] =	vst v63  }
0x99: {  	_ =	swait.ge [sflag:s22], $0x4000  }
0x9a: {  	[sflag:s22] =	ssyncset.done $0x0  }
0x9b: {  	[sflag:s22] =	ssyncadd.s32 $0xFFFFC000  }
0x9c: {  	[spmem:s1] =	stream.indirect.scatter.add.f32 [tilespmem:s19], [sflag:$0x3], $0x80, s23, s17, $0xb8;
	[tilespmem:$0x1C800] =	vst v63  }
0x9d: {  	_ =	swait.ge [sflag:s14], $0x4000  }
0x9e: {  	[sflag:s14] =	ssyncset.done $0x0  }
0x9f: {  	[sflag:s14] =	ssyncadd.s32 $0xFFFFC000  }
0xa0: {  	[tilespmem:s19], [sflag:$0x2] =	stream.indirect.gather [hbm4b:s4+s17], $0x80, s24, s17, $0xb8;
	[tilespmem:$0x1C800] =	vst v63  }
0xa1: {  	_ =	swait.ge [sflag:s20], $0x4000  }
0xa2: {  	[sflag:s20] =	ssyncset.done $0x0  }
0xa3: {  	[sflag:s20] =	ssyncadd.s32 $0xFFFFC000  }
0xa4: {  	[spmem:s1] =	stream.indirect.scatter.add.f32 [tilespmem:s13], [sflag:$0x3], $0x80, s25, s17, $0xb8;
	[tilespmem:$0x1C800] =	vst v63  }
0xa5: {  	_ =	swait.ge [sflag:s14], $0x4000  }
0xa6: {  	[sflag:s14] =	ssyncset.done $0x0  }
0xa7: {  	[sflag:s14] =	ssyncadd.s32 $0xFFFFC000  }
0xa8: {  	[tilespmem:s13], [sflag:$0x1] =	stream.indirect.gather [hbm4b:s4+s17], $0x80, s26, s17, $0xb8;
	[tilespmem:$0x1C800] =	vst v63  }
0xa9: {  	_ =	swait.ge [sflag:s22], $0x4000  }
0xaa: {  	[sflag:s22] =	ssyncset.done $0x0  }
0xab: {  	[sflag:s22] =	ssyncadd.s32 $0xFFFFC000  }
0xac: {  	[spmem:s1] =	stream.indirect.scatter.add.f32 [tilespmem:s19], [sflag:$0x3], $0x80, s28, s17, $0xb8;
	[tilespmem:$0x1C800] =	vst v63  }
0xad: {  	_ =	swait.ge [sflag:s14], $0x4000  }
0xae: {  	[sflag:s14] =	ssyncset.done $0x0  }
0xaf: {  	[sflag:s14] =	ssyncadd.s32 $0xFFFFC000  }
0xb0: {  	[tilespmem:s19], [sflag:$0x2] =	stream.indirect.gather [hbm4b:s4+s17], $0x80, s29, s17, $0xb8;
	[tilespmem:$0x1C800] =	vst v63  }
0xb1: {  	_ =	swait.ge [sflag:s20], $0x4000  }
0xb2: {  	[sflag:s20] =	ssyncset.done $0x0  }
0xb3: {  	[sflag:s20] =	ssyncadd.s32 $0xFFFFC000  }
0xb4: {  	[spmem:s1] =	stream.indirect.scatter.add.f32 [tilespmem:s13], [sflag:$0x3], $0x80, s30, s17, $0xb8;
	[tilespmem:$0x1C800] =	vst v63  }
0xb5: {  	_ =	swait.ge [sflag:s14], $0x4000  }
0xb6: {  	[sflag:s14] =	ssyncset.done $0x0  }
0xb7: {  	[sflag:s14] =	ssyncadd.s32 $0xFFFFC000  }
0xb8: {  	[tilespmem:s13], [sflag:$0x1] =	stream.indirect.gather [hbm4b:s4+s17], $0x80, s31, s17, $0xb8;
	[tilespmem:$0x1C800] =	vst v63  }
0xb9: {  	_ =	swait.ge [sflag:s22], $0x4000  }
0xba: {  	[sflag:s22] =	ssyncset.done $0x0  }
0xbb: {  	[sflag:s22] =	ssyncadd.s32 $0xFFFFC000  }
0xbc: {  	[spmem:s1] =	stream.indirect.scatter.add.f32 [tilespmem:s19], [sflag:$0x3], $0x80, s0, s17, $0xb8;
	[tilespmem:$0x1C800] =	vst v63  }
0xbd: {  	_ =	swait.ge [sflag:s14], $0x4000  }
0xbe: {  	[sflag:s14] =	ssyncset.done $0x0  }
0xbf: {  	[sflag:s14] =	ssyncadd.s32 $0xFFFFC000  }
0xc0: {  	[tilespmem:s19], [sflag:$0x2] =	stream.indirect.gather [hbm4b:s4+s17], $0x80, s2, s17, $0xb8;
	[tilespmem:$0x1C800] =	vst v63  }
0xc1: {  	_ =	swait.ge [sflag:s20], $0x4000  }
0xc2: {  	[sflag:s20] =	ssyncset.done $0x0  }
0xc3: {  	[sflag:s20] =	ssyncadd.s32 $0xFFFFC000  }
0xc4: {  	[spmem:s1] =	stream.indirect.scatter.add.f32 [tilespmem:s13], [sflag:$0x3], $0x80, s6, s17, $0xb8;
	[tilespmem:$0x1C800] =	vst v63  }
0xc5: {  	_ =	swait.ge [sflag:s14], $0x4000  }
0xc6: {  	[sflag:s14] =	ssyncset.done $0x0  }
0xc7: {  	[sflag:s14] =	ssyncadd.s32 $0xFFFFC000  }
0xc8: {  	_ =	swait.ge [sflag:s22], $0x4000  }
.Ltmp1:
0xc9: {  	[sflag:s22] =	ssyncset.done $0x0;
	(pc) =	sbr.rel @p0 .LBB2_4-.Ltmp1, $4  }
0xca: {  	[sflag:s22] =	ssyncadd.s32 $0xFFFFC000  }
0xcb: {  	[spmem:s1] =	stream.indirect.scatter.add.f32 [tilespmem:s19], [sflag:$0x3], $0x80, s7, s17, $0xb8;
	[tilespmem:$0x1C800] =	vst v63  }
0xcc: {  	_ =	swait.ge [sflag:s14], $0x4000  }
0xcd: {  	s9 =	smov.u32 s8;
	s10 =	smov.u32 s11;
	[sflag:s14] =	ssyncset.done $0x0  }
0xce: {  	s5 =	sadd.s32 s9, s12;
	[sflag:s14] =	ssyncadd.s32 $0xFFFFC000  }
0xcf: {  	[tilespmem:s15], [sflag:$0x3] =	stream.linear.gather [hbm4b:s5+s3], $0x400, $0x38;
	[tilespmem:$0x1C800] =	vst v63  }
0xd0: {  	_ =	swait.ge [sflag:s14], $0x400  }
0xd1: {  	s8 =	rddreg [dreg:$0x3];
	[sflag:s14] =	ssyncset.done $0x0  }
0xd2: {  	[sflag:s14] =	ssyncadd.s32 $0xFFFFFC00;
	s5 =	sadd.s32 s9, s8  }
0xd3: {  	[tilespmem:s16], [sflag:$0x3] =	stream.linear.gather [hbm4b:s5+s3], $0x400, $0x38;
	[tilespmem:$0x1C800] =	vst v63  }
0xd4: {  	_ =	swait.ge [sflag:s14], $0x400  }
0xd5: {  	[sflag:s14] =	ssyncset.done $0x0  }
0xd6: {  	[sflag:s14] =	ssyncadd.s32 $0xFFFFFC00  }
0xd7: {  	[tilespmem:s13], [sflag:$0x1] =	stream.indirect.gather [hbm4b:s4+s17], $0x80, s15, s17, $0xb8;
	[tilespmem:$0x1C800] =	vst v63  }
0xd8: {  	_ = 	snop  }
0xd9: {  	[tilespmem:s19], [sflag:$0x2] =	stream.indirect.gather [hbm4b:s4+s17], $0x80, s18, s17, $0xb8;
	[tilespmem:$0x1C800] =	vst v63  }
0xda: {  	_ =	swait.ge [sflag:s20], $0x4000  }
0xdb: {  	[sflag:s20] =	ssyncset.done $0x0  }
0xdc: {  	[sflag:s20] =	ssyncadd.s32 $0xFFFFC000  }
0xdd: {  	[spmem:s1] =	stream.indirect.scatter.add.f32 [tilespmem:s13], [sflag:$0x3], $0x80, s16, s17, $0xb8;
	[tilespmem:$0x1C800] =	vst v63  }
0xde: {  	_ =	swait.ge [sflag:s14], $0x4000  }
0xdf: {  	[sflag:s14] =	ssyncset.done $0x0  }
0xe0: {  	[sflag:s14] =	ssyncadd.s32 $0xFFFFC000  }
0xe1: {  	[tilespmem:s13], [sflag:$0x1] =	stream.indirect.gather [hbm4b:s4+s17], $0x80, s21, s17, $0xb8;
	[tilespmem:$0x1C800] =	vst v63  }
0xe2: {  	_ =	swait.ge [sflag:s22], $0x4000  }
0xe3: {  	[sflag:s22] =	ssyncset.done $0x0  }
0xe4: {  	[sflag:s22] =	ssyncadd.s32 $0xFFFFC000  }
0xe5: {  	[spmem:s1] =	stream.indirect.scatter.add.f32 [tilespmem:s19], [sflag:$0x3], $0x80, s23, s17, $0xb8;
	[tilespmem:$0x1C800] =	vst v63  }
0xe6: {  	_ =	swait.ge [sflag:s14], $0x4000  }
0xe7: {  	[sflag:s14] =	ssyncset.done $0x0  }
0xe8: {  	[sflag:s14] =	ssyncadd.s32 $0xFFFFC000  }
0xe9: {  	[tilespmem:s19], [sflag:$0x2] =	stream.indirect.gather [hbm4b:s4+s17], $0x80, s24, s17, $0xb8;
	[tilespmem:$0x1C800] =	vst v63  }
0xea: {  	_ =	swait.ge [sflag:s20], $0x4000  }
0xeb: {  	[sflag:s20] =	ssyncset.done $0x0  }
0xec: {  	[sflag:s20] =	ssyncadd.s32 $0xFFFFC000  }
0xed: {  	[spmem:s1] =	stream.indirect.scatter.add.f32 [tilespmem:s13], [sflag:$0x3], $0x80, s25, s17, $0xb8;
	[tilespmem:$0x1C800] =	vst v63  }
0xee: {  	_ =	swait.ge [sflag:s14], $0x4000  }
0xef: {  	[sflag:s14] =	ssyncset.done $0x0  }
0xf0: {  	[sflag:s14] =	ssyncadd.s32 $0xFFFFC000  }
0xf1: {  	[tilespmem:s13], [sflag:$0x1] =	stream.indirect.gather [hbm4b:s4+s17], $0x80, s26, s17, $0xb8;
	[tilespmem:$0x1C800] =	vst v63  }
0xf2: {  	_ =	swait.ge [sflag:s22], $0x4000  }
0xf3: {  	[sflag:s22] =	ssyncset.done $0x0  }
0xf4: {  	[sflag:s22] =	ssyncadd.s32 $0xFFFFC000  }
0xf5: {  	[spmem:s1] =	stream.indirect.scatter.add.f32 [tilespmem:s19], [sflag:$0x3], $0x80, s28, s17, $0xb8;
	[tilespmem:$0x1C800] =	vst v63  }
0xf6: {  	_ =	swait.ge [sflag:s14], $0x4000  }
0xf7: {  	[sflag:s14] =	ssyncset.done $0x0  }
0xf8: {  	[sflag:s14] =	ssyncadd.s32 $0xFFFFC000  }
0xf9: {  	[tilespmem:s19], [sflag:$0x2] =	stream.indirect.gather [hbm4b:s4+s17], $0x80, s29, s17, $0xb8;
	[tilespmem:$0x1C800] =	vst v63  }
0xfa: {  	_ =	swait.ge [sflag:s20], $0x4000  }
0xfb: {  	[sflag:s20] =	ssyncset.done $0x0  }
0xfc: {  	[sflag:s20] =	ssyncadd.s32 $0xFFFFC000  }
0xfd: {  	[spmem:s1] =	stream.indirect.scatter.add.f32 [tilespmem:s13], [sflag:$0x3], $0x80, s30, s17, $0xb8;
	[tilespmem:$0x1C800] =	vst v63  }
0xfe: {  	_ =	swait.ge [sflag:s14], $0x4000  }
0xff: {  	[sflag:s14] =	ssyncset.done $0x0  }
0x100: {  	[sflag:s14] =	ssyncadd.s32 $0xFFFFC000  }
0x101: {  	[tilespmem:s13], [sflag:$0x1] =	stream.indirect.gather [hbm4b:s4+s17], $0x80, s31, s17, $0xb8;
	[tilespmem:$0x1C800] =	vst v63  }
0x102: {  	_ =	swait.ge [sflag:s22], $0x4000  }
0x103: {  	[sflag:s22] =	ssyncset.done $0x0  }
0x104: {  	[sflag:s22] =	ssyncadd.s32 $0xFFFFC000  }
0x105: {  	[spmem:s1] =	stream.indirect.scatter.add.f32 [tilespmem:s19], [sflag:$0x3], $0x80, s0, s17, $0xb8;
	[tilespmem:$0x1C800] =	vst v63  }
0x106: {  	_ =	swait.ge [sflag:s14], $0x4000  }
0x107: {  	[sflag:s14] =	ssyncset.done $0x0  }
0x108: {  	[sflag:s14] =	ssyncadd.s32 $0xFFFFC000  }
0x109: {  	[tilespmem:s19], [sflag:$0x2] =	stream.indirect.gather [hbm4b:s4+s17], $0x80, s2, s17, $0xb8;
	[tilespmem:$0x1C800] =	vst v63  }
0x10a: {  	_ =	swait.ge [sflag:s20], $0x4000  }
0x10b: {  	[sflag:s20] =	ssyncset.done $0x0  }
0x10c: {  	[sflag:s20] =	ssyncadd.s32 $0xFFFFC000  }
0x10d: {  	[spmem:s1] =	stream.indirect.scatter.add.f32 [tilespmem:s13], [sflag:$0x3], $0x80, s6, s17, $0xb8;
	[tilespmem:$0x1C800] =	vst v63  }
0x10e: {  	_ =	swait.ge [sflag:s14], $0x4000  }
0x10f: {  	[sflag:s14] =	ssyncset.done $0x0  }
0x110: {  	[sflag:s14] =	ssyncadd.s32 $0xFFFFC000  }
0x111: {  	_ =	swait.ge [sflag:s22], $0x4000  }
0x112: {  	[sflag:s22] =	ssyncset.done $0x0  }
0x113: {  	[sflag:s22] =	ssyncadd.s32 $0xFFFFC000  }
0x114: {  	[spmem:s1] =	stream.indirect.scatter.add.f32 [tilespmem:s19], [sflag:$0x3], $0x80, s7, s17, $0xb8;
	[tilespmem:$0x1C800] =	vst v63  }
0x115: {  	_ =	swait.ge [sflag:s14], $0x4000  }
0x116: {  	[sflag:s14] =	ssyncset.done $0x0  }
0x117: {  	[sflag:s14] =	ssyncadd.s32 $0xFFFFC000  }
0x118: {  	s9 =	stileid.u32;
	[bflag:$0x0] =	sbarrier.arrive $0xFFFF  }
0x119: {  	s5 =	sshll.u32 s9, $0x6;
	s11 =	rddreg [dreg:$0x4]  }
0x11a: {  	s5 =	sor.u32 $0x1C03, s5;
	s10 =	rddreg [dreg:$0x9];
	s8 =	sshrl.u32 s11, $0x3  }
0x11b: {  	[hbm:s10], [sflag:s5] =	dma.local [spmem:s8], $0x2800  }
0x11c: {  	_ =	swait.ge [sflag:s14], $0x2800  }
0x11d: {  	s9 =	rddreg [dreg:$0xb]  }
0x11e: {  	s10 =	rddreg [dreg:$0xa];
	s8 =	sadd.s32 $0x1, s9  }
0x11f: {  	p0 =	sne.s32 s8, s10  }
.Ltmp2:
0x120: {  	_ = 	snop;
	(pc) =	sbr.rel @p0 .LBB2_1-.Ltmp2, $3  }
0x121: {  	_ =	sdelay $0x1  }
0x122: {  	[sflag:s14] =	ssyncset.done $0x0  }
0x123: {  	[sflag:s14] =	ssyncadd.s32 $0xFFFFD800  }
0x124: {  	_ =	sfence.sel $0x180000  }
0x125: {  	[bflag:$0x0] =	sbarrier.arrive $0xFFFF  }
0x126: {  	_ =	strace $0x90000050  }
0x127: {  	s0 =	stileid.u32;
	[bflag:$0x2] =	sbarrier.arrive $0xFFFF  }
0x128: {  	p0 =	sne.s32 s0, $0x0;
	s0 =	rddreg [dreg:$0x2]  }
0x129: {  	s0 =	sadd.s32 @!p0 $0x100000, s0  }
0x12a: {  	[sflag:s0] =	ssyncadd.tile.s32 @!p0 $0x1;
	_ =	shalt  }
.Lfunc_end2:
_tile_overlayer_lowered:
.L_overlay_start_2:
0x12b: {  	(tag) =	ssettag $0x2  }
0x12c: {  	s0 =	rddreg [dreg:$0x0];
	s2 =	stileid.u32  }
0x12d: {  	s1 =	rddreg [dreg:$0x1];
	p0 =	sne.s32 s2, $0x0  }
0x12e: {  	s3 =	rddreg [dreg:$0x2];
	[bflag:$0x3] =	sbarrier.arrive $0xFFFF;
	s2 =	simm.s32 @!p0 $0x1C03  }
0x12f: {  	[timem:s3], [sflag:s2] =	dma.local @!p0 [hbm:s0], s1  }
0x130: {  	s0 =	simm.s32 @!p0 $0x3  }
0x131: {  	_ =	swait.ge @!p0 [sflag:s0], s1  }
0x132: {  	s1 =	ssub.s32 @!p0 $0x0, s1;
	[sflag:s0] =	ssyncset.done @!p0 $0x0  }
0x133: {  	[sflag:s0] =	ssyncadd.s32 @!p0 s1  }
0x134: {  	[bflag:$0x3] =	sbarrier.arrive $0xFFFF  }
0x135: {  	_ =	shalt  }

</sc_bundles>
